<compile_context>
chip_gen: v7x
topology: tpu7x:2x2x1
jax: 0.10.2.dev20260603
libtpu: 0.0.44.dev20260713+nightly
codegen_flags: <defaults>
</compile_context>

<pallas_src>
import functools

import jax
import jax.numpy as jnp
from jax import lax
from jax.experimental import pallas as pl
from jax.experimental.pallas import tpu as pltpu
from jax.experimental.pallas import tpu_sc as plsc

N_ENT = 10000
N_USERS = 4096
EMB = 128
N_EDGES = 320000
N_REL = 24
N_INT = 5

NC = 2
NS = 16
NW = NC * NS
CHUNK = 80
ROWS_PER_TILE = N_EDGES // NW // CHUNK
ENT_PER_TILE = 624
CNTW = 16


NBLK = 5
ROWS_PER_BLK = ROWS_PER_TILE // NBLK
EDGES_PER_BLK = ROWS_PER_BLK * CHUNK


def _seg_body(head_hbm, tail_hbm, et_hbm, ent_hbm, rel_hbm, psums, pcnts,
              head_v, tail_v, et_v, rows_a, rows_b, rel_a, rel_b, ones_v, zb_v,
              gsem_a, gsem_b, rsem_a, rsem_b, ssem_a, ssem_b,
              sums_sh, cnt_sh, rtab_sh):
    c = lax.axis_index("c")
    s = lax.axis_index("s")
    wid = s * NC + c

    @pl.when(s == 0)
    def _stage_rtab():
        pltpu.sync_copy(rel_hbm, rtab_sh)

    z16 = jnp.zeros((16,), jnp.float32)
    o16 = jnp.ones((16,), jnp.float32)

    def _zero_rows(e, _):
        for j in range(EMB // 16):
            rows_a[e, pl.ds(j * 16, 16)] = z16
        return _
    lax.fori_loop(0, CHUNK, _zero_rows, None)

    def _init_ones(i, _):
        ones_v[pl.ds(i * 16, 16)] = o16
        return _
    lax.fori_loop(0, CHUNK // 16, _init_ones, None)

    def _init_zb(i, _):
        zb_v[pl.ds(i * 16, 16)] = z16
        return _
    lax.fori_loop(0, ENT_PER_TILE // 16, _init_zb, None)

    r0 = s * ENT_PER_TILE
    for k in range(ENT_PER_TILE // CHUNK):
        pltpu.sync_copy(rows_a, sums_sh.at[pl.ds(r0 + k * CHUNK, CHUNK)])
    rem = ENT_PER_TILE - (ENT_PER_TILE // CHUNK) * CHUNK
    pltpu.sync_copy(rows_a.at[pl.ds(0, rem)],
                    sums_sh.at[pl.ds(r0 + (ENT_PER_TILE // CHUNK) * CHUNK, rem)])
    pltpu.sync_copy(zb_v, cnt_sh.at[pl.ds(r0, ENT_PER_TILE)])

    @pl.when(s == NS - 1)
    def _zero_tail():
        pltpu.sync_copy(rows_a.at[pl.ds(0, 16)], sums_sh.at[pl.ds(N_ENT - 16, 16)])
        pltpu.sync_copy(zb_v.at[pl.ds(0, 16)], cnt_sh.at[pl.ds(N_ENT - 16, 16)])

    plsc.subcore_barrier()

    def _block(b, _):
        blk = wid * NBLK + b
        off = pl.multiple_of(blk * EDGES_PER_BLK, 8)
        pltpu.sync_copy(head_hbm.at[blk], head_v)
        pltpu.sync_copy(tail_hbm.at[pl.ds(off, EDGES_PER_BLK)], tail_v)
        pltpu.sync_copy(et_hbm.at[pl.ds(off, EDGES_PER_BLK)], et_v)

        def _start(ci, buf, sem):
            pltpu.async_copy(
                ent_hbm.at[tail_v.at[pl.ds(ci * CHUNK, CHUNK)]], buf, sem)

        def _wait(buf, sem):
            pltpu.make_async_copy(
                ent_hbm.at[tail_v.at[pl.ds(0, CHUNK)]], buf, sem).wait()

        def _start_rel(ci, rbuf, rsem):
            pltpu.async_copy(
                rtab_sh.at[et_v.at[pl.ds(ci * CHUNK, CHUNK)]], rbuf, rsem)

        def _wait_rel(rbuf, rsem):
            pltpu.make_async_copy(
                rtab_sh.at[et_v.at[pl.ds(0, CHUNK)]], rbuf, rsem).wait()

        def _fire_scatter(ci, rows_v, ssem):
            pltpu.async_copy(rows_v, sums_sh.at[head_v.at[ci]], ssem, add=True)
            pltpu.sync_copy(ones_v, cnt_sh.at[head_v.at[ci]], add=True)

        def _wait_scatter(rows_v, ssem):
            pltpu.make_async_copy(
                rows_v, sums_sh.at[head_v.at[0]], ssem).wait()

        def _mul(rows_v, rel_v):
            def _m(g, __):
                for u in range(4):
                    e = g * 4 + u
                    for j in range(EMB // 16):
                        sl = pl.ds(j * 16, 16)
                        rows_v[e, sl] = rows_v[e, sl] * rel_v[e, sl]
                return __
            lax.fori_loop(0, CHUNK // 4, _m, None)

        _start(0, rows_a, gsem_a)
        _start_rel(0, rel_a, rsem_a)

        def _pair(d, __):
            a_ci = 2 * d

            @pl.when(d > 0)
            def _free_b():
                _wait_scatter(rows_b, ssem_b)
            _start(a_ci + 1, rows_b, gsem_b)
            _start_rel(a_ci + 1, rel_b, rsem_b)
            _wait(rows_a, gsem_a)
            _wait_rel(rel_a, rsem_a)
            _mul(rows_a, rel_a)
            _fire_scatter(a_ci, rows_a, ssem_a)

            _wait(rows_b, gsem_b)
            _wait_rel(rel_b, rsem_b)
            _mul(rows_b, rel_b)
            _fire_scatter(a_ci + 1, rows_b, ssem_b)

            _wait_scatter(rows_a, ssem_a)
            _start(a_ci + 2, rows_a, gsem_a)
            _start_rel(a_ci + 2, rel_a, rsem_a)
            return __
        lax.fori_loop(0, (ROWS_PER_BLK - 1) // 2, _pair, None)

        _wait(rows_a, gsem_a)
        _wait_rel(rel_a, rsem_a)
        _mul(rows_a, rel_a)
        _fire_scatter(ROWS_PER_BLK - 1, rows_a, ssem_a)
        _wait_scatter(rows_a, ssem_a)
        _wait_scatter(rows_b, ssem_b)
        return _
    lax.fori_loop(0, NBLK, _block, None)

    plsc.subcore_barrier()

    for k in range(ENT_PER_TILE // CHUNK):
        pltpu.sync_copy(sums_sh.at[pl.ds(r0 + k * CHUNK, CHUNK)], rows_a)
        pltpu.sync_copy(rows_a, psums.at[c, pl.ds(r0 + k * CHUNK, CHUNK)])
    pltpu.sync_copy(sums_sh.at[pl.ds(r0 + 560, rem)], rows_a.at[pl.ds(0, rem)])
    pltpu.sync_copy(rows_a.at[pl.ds(0, rem)], psums.at[c, pl.ds(r0 + 560, rem)])
    pltpu.sync_copy(cnt_sh.at[pl.ds(r0, ENT_PER_TILE)], zb_v)
    pltpu.sync_copy(zb_v, pcnts.at[pl.ds(c * N_ENT + r0, ENT_PER_TILE)])

    @pl.when(s == NS - 1)
    def _out_tail():
        pltpu.sync_copy(sums_sh.at[pl.ds(N_ENT - 16, 16)], rows_a.at[pl.ds(0, 16)])
        pltpu.sync_copy(rows_a.at[pl.ds(0, 16)], psums.at[c, pl.ds(N_ENT - 16, 16)])
        pltpu.sync_copy(cnt_sh.at[pl.ds(N_ENT - 16, 16)], zb_v.at[pl.ds(0, 16)])
        pltpu.sync_copy(zb_v.at[pl.ds(0, 16)], pcnts.at[pl.ds(c * N_ENT + N_ENT - 16, 16)])


_seg_kernel = functools.partial(
    pl.kernel,
    out_type=[
        jax.ShapeDtypeStruct((NC, N_ENT, EMB), jnp.float32),
        jax.ShapeDtypeStruct((NC * N_ENT,), jnp.float32),
    ],
    mesh=plsc.VectorSubcoreMesh(core_axis_name="c", subcore_axis_name="s"),
    scratch_types=[
        pltpu.VMEM((ROWS_PER_BLK, CHUNK), jnp.int32),
        pltpu.VMEM((EDGES_PER_BLK,), jnp.int32),
        pltpu.VMEM((EDGES_PER_BLK,), jnp.int32),
        pltpu.VMEM((CHUNK, EMB), jnp.float32),
        pltpu.VMEM((CHUNK, EMB), jnp.float32),
        pltpu.VMEM((CHUNK, EMB), jnp.float32),
        pltpu.VMEM((CHUNK, EMB), jnp.float32),
        pltpu.VMEM((CHUNK,), jnp.float32),
        pltpu.VMEM((ENT_PER_TILE,), jnp.float32),
        pltpu.SemaphoreType.DMA,
        pltpu.SemaphoreType.DMA,
        pltpu.SemaphoreType.DMA,
        pltpu.SemaphoreType.DMA,
        pltpu.SemaphoreType.DMA,
        pltpu.SemaphoreType.DMA,
        pltpu.VMEM_SHARED((N_ENT, EMB), jnp.float32),
        pltpu.VMEM_SHARED((N_ENT,), jnp.float32),
        pltpu.VMEM_SHARED((N_REL, EMB), jnp.float32),
    ],
)(_seg_body)


BU = 512
BK = 1024
NKB = -(-N_ENT // BK)


def _user_body(ipad_ref, r_ref, u_ref, im_ref, ent_ref, out_ref):
    k = pl.program_id(1)

    @pl.when(k == 0)
    def _init():
        out_ref[...] = jnp.zeros_like(out_ref)

    lim = jnp.where(k == NKB - 1, N_ENT - (NKB - 1) * BK, BK)
    im = im_ref[...]
    ent = ent_ref[...]
    colv = lax.broadcasted_iota(jnp.int32, (BU, BK), 1)
    rowv = lax.broadcasted_iota(jnp.int32, (BK, EMB), 0)
    im = jnp.where(colv < lim, im, 0.0)
    ent = jnp.where(rowv < lim, ent, 0.0)
    out_ref[...] += jnp.dot(im, ent, preferred_element_type=jnp.float32)

    @pl.when(k == NKB - 1)
    def _finish():
        iemb = ipad_ref[0:N_INT, :]
        remb = r_ref[...]
        logits = lax.dot_general(iemb, remb, (((1,), (1,)), ((), ())))
        row = lax.broadcasted_iota(jnp.int32, (N_INT, N_REL), 0)
        col = lax.broadcasted_iota(jnp.int32, (N_INT, N_REL), 1)
        lo = (row - 1) * 6
        mask = (row == 0) | ((col >= lo) & (col < lo + 6))
        neg = jnp.where(mask, logits, -1e30)
        m = jnp.max(neg, axis=1, keepdims=True)
        p = jnp.exp(neg - m)
        p = jnp.where(mask, p, 0.0)
        att = p / jnp.sum(p, axis=1, keepdims=True)
        intents = lax.dot_general(att, remb, (((1,), (0,)), ((), ())))
        rvec = lax.broadcasted_iota(jnp.int32, (N_INT, 1), 0)
        scale = jnp.where(rvec == 0, 1.0 / N_REL, 1.0 / 6.0)
        intent_new = (intents * scale + iemb) * 0.5

        sco = lax.dot_general(u_ref[...], intent_new, (((1,), (1,)), ((), ())))
        sm = jnp.max(sco, axis=1, keepdims=True)
        ex = jnp.exp(sco - sm)
        score = ex / jnp.sum(ex, axis=1, keepdims=True)
        w = 1.0 + lax.dot_general(score, intent_new, (((1,), (0,)), ((), ())))
        out_ref[...] = out_ref[...] * w


_user_call = pl.pallas_call(
    _user_body,
    grid=(N_USERS // BU, NKB),
    in_specs=[
        pl.BlockSpec((8, EMB), lambda i, k: (0, 0)),
        pl.BlockSpec((N_REL, EMB), lambda i, k: (0, 0)),
        pl.BlockSpec((BU, EMB), lambda i, k: (i, 0)),
        pl.BlockSpec((BU, BK), lambda i, k: (i, k)),
        pl.BlockSpec((BK, EMB), lambda i, k: (k, 0)),
    ],
    out_specs=pl.BlockSpec((BU, EMB), lambda i, k: (i, 0)),
    out_shape=jax.ShapeDtypeStruct((N_USERS, EMB), jnp.float32),
    compiler_params=pltpu.CompilerParams(
        dimension_semantics=("parallel", "arbitrary"),
    ),
)


BE = 2000


def _combine_body(s0_ref, s1_ref, c0_ref, c1_ref, out_ref):
    cnt = jnp.maximum(c0_ref[...] + c1_ref[...], 1.0)
    out_ref[...] = (s0_ref[...] + s1_ref[...]) / cnt


_combine_call = pl.pallas_call(
    _combine_body,
    grid=(N_ENT // BE,),
    in_specs=[
        pl.BlockSpec((BE, EMB), lambda i: (i, 0)),
        pl.BlockSpec((BE, EMB), lambda i: (i, 0)),
        pl.BlockSpec((BE, 1), lambda i: (i, 0)),
        pl.BlockSpec((BE, 1), lambda i: (i, 0)),
    ],
    out_specs=pl.BlockSpec((BE, EMB), lambda i: (i, 0)),
    out_shape=jax.ShapeDtypeStruct((N_ENT, EMB), jnp.float32),
    compiler_params=pltpu.CompilerParams(
        dimension_semantics=("arbitrary",),
    ),
)


def kernel(entity_emb, user_emb, intent_emb, edge_index, edge_type, interact_mat, r_emb):
    head = edge_index[0].astype(jnp.int32).reshape(NW * NBLK, ROWS_PER_BLK, CHUNK)
    tail = edge_index[1].astype(jnp.int32)
    etm1 = edge_type.astype(jnp.int32) - 1

    psums, pcnts = _seg_kernel(head, tail, etm1, entity_emb, r_emb)

    ipad = jnp.concatenate(
        [intent_emb, jnp.zeros((8 - N_INT, EMB), jnp.float32)], axis=0)
    user_agg = _user_call(ipad, r_emb, user_emb, interact_mat, entity_emb)

    entity_agg = _combine_call(psums[0], psums[1],
                               pcnts[:N_ENT].reshape(N_ENT, 1),
                               pcnts[N_ENT:].reshape(N_ENT, 1))
    return (entity_agg, user_agg)

# --- scband reference (transcript-rebuilt; emitter-appended) ---
"""Pipeline reference for scband-aggregator-72799695667426 (READ-ONLY COPY).

The authoritative reference and input builder live on the scoring server;
editing this copy changes nothing except your own understanding.
"""

import jax, jax.numpy as jnp
import numpy as np

N_ENT = 10000
N_USERS = 4096
EMB = 128
N_EDGES = 320000
N_REL = 24
N_INT = 5
C_INDEX = np.arange(0, 6)
V_INDEX = np.arange(6, 12)
K_INDEX = np.arange(12, 18)
OTHER_INDEX = np.arange(18, 24)


def setup_inputs(seed: int = 0):
    key = jax.random.key(seed)
    ks = jax.random.split(key, 8)
    entity_emb = jax.random.normal(ks[0], (N_ENT, EMB), dtype=jnp.float32)
    user_emb = jax.random.normal(ks[1], (N_USERS, EMB), dtype=jnp.float32)
    intent_emb = jax.random.normal(ks[2], (N_INT, EMB), dtype=jnp.float32)
    head = jax.random.randint(ks[3], (N_EDGES,), 0, N_ENT)
    tail = jax.random.randint(ks[4], (N_EDGES,), 0, N_ENT)
    edge_index = jnp.stack([head, tail], axis=0)
    edge_type = jax.random.randint(ks[5], (N_EDGES,), 1, N_REL + 1)
    interact_mat = jax.random.uniform(ks[6], (N_USERS, N_ENT), dtype=jnp.float32)
    r_emb = jax.random.normal(ks[7], (N_REL, EMB), dtype=jnp.float32)
    return {"entity_emb": entity_emb, "user_emb": user_emb, "intent_emb": intent_emb, "edge_index": edge_index, "edge_type": edge_type, "interact_mat": interact_mat, "r_emb": r_emb}


def _intent(vec, emb):
    att = jax.nn.softmax((vec[None, :] * emb).sum(axis=1))
    return (att[:, None] * emb).mean(axis=0)


def reference(entity_emb, user_emb, intent_emb, edge_index, edge_type, interact_mat, r_emb):
    head = edge_index[0]
    tail = edge_index[1]
    edge_relation_emb = jnp.take(r_emb, edge_type - 1, axis=0, mode='clip')
    neigh_relation_emb = jnp.take(entity_emb, tail, axis=0, mode='clip') * edge_relation_emb
    sums = jax.ops.segment_sum(neigh_relation_emb, head, num_segments=N_ENT)
    cnt = jax.ops.segment_sum(jnp.ones((N_EDGES,), jnp.float32), head, num_segments=N_ENT)
    entity_agg = sums / jnp.clip(cnt, 1.0)[:, None]
    overall_intent = _intent(intent_emb[0], r_emb)
    c_intent = _intent(intent_emb[1], r_emb[C_INDEX])
    v_intent = _intent(intent_emb[2], r_emb[V_INDEX])
    k_intent = _intent(intent_emb[3], r_emb[K_INDEX])
    other_intent = _intent(intent_emb[4], r_emb[OTHER_INDEX])
    all_intent = jnp.stack([overall_intent, c_intent, v_intent, k_intent, other_intent], axis=0)
    intent_new = (all_intent + intent_emb) / 2.0
    score = jax.nn.softmax(user_emb @ intent_new.T, axis=1)[:, :, None]
    user_agg = interact_mat @ entity_emb
    user_intent = jnp.broadcast_to(intent_new[None, :, :], (user_emb.shape[0], N_INT, EMB))
    user_agg = user_agg * (user_intent * score).sum(axis=1) + user_agg
    return (entity_agg, user_agg)

if __name__ == "__main__":
    import jax
    _d = setup_inputs()
    print(jax.jit(kernel)(*tuple(_d.values())))

</pallas_src>

<mosaic_0001>
#map = affine_map<(d0, d1) -> (0, 0, 0)>
#map1 = affine_map<(d0, d1) -> (0)>
#map2 = affine_map<(d0, d1) -> (0, 0)>
module attributes {stable_mosaic.version = 14 : i64} {
  func.func @_seg_body(%arg0: i32, %arg1: i32, %arg2: memref<160x25x80xi32, #tpu.memory_space<hbm>>, %arg3: memref<320000xi32, #tpu.memory_space<hbm>>, %arg4: memref<320000xi32, #tpu.memory_space<hbm>>, %arg5: memref<10000x128xf32, #tpu.memory_space<hbm>>, %arg6: memref<24x128xf32, #tpu.memory_space<hbm>>, %arg7: memref<2x10000x128xf32, #tpu.memory_space<hbm>>, %arg8: memref<20000xf32, #tpu.memory_space<hbm>>, %arg9: memref<25x80xi32, #tpu.memory_space<vmem>>, %arg10: memref<2000xi32, #tpu.memory_space<vmem>>, %arg11: memref<2000xi32, #tpu.memory_space<vmem>>, %arg12: memref<80x128xf32, #tpu.memory_space<vmem>>, %arg13: memref<80x128xf32, #tpu.memory_space<vmem>>, %arg14: memref<80x128xf32, #tpu.memory_space<vmem>>, %arg15: memref<80x128xf32, #tpu.memory_space<vmem>>, %arg16: memref<80xf32, #tpu.memory_space<vmem>>, %arg17: memref<624xf32, #tpu.memory_space<vmem>>, %arg18: memref<!tpu.dma_semaphore, #tpu.memory_space<semaphore_mem>>, %arg19: memref<!tpu.dma_semaphore, #tpu.memory_space<semaphore_mem>>, %arg20: memref<!tpu.dma_semaphore, #tpu.memory_space<semaphore_mem>>, %arg21: memref<!tpu.dma_semaphore, #tpu.memory_space<semaphore_mem>>, %arg22: memref<!tpu.dma_semaphore, #tpu.memory_space<semaphore_mem>>, %arg23: memref<!tpu.dma_semaphore, #tpu.memory_space<semaphore_mem>>, %arg24: memref<10000x128xf32, #tpu.memory_space<vmem_shared>>, %arg25: memref<10000xf32, #tpu.memory_space<vmem_shared>>, %arg26: memref<24x128xf32, #tpu.memory_space<vmem_shared>>) attributes {dimension_semantics = [#tpu.dimension_semantics<core_parallel>, #tpu.dimension_semantics<subcore_parallel>], iteration_bounds = array<i64: 2, 16>, scalar_prefetch = 0 : i64, scratch_operands = 18 : i64, tpu.core_type = #tpu.core_type<sc_vector_subcore>, window_params = [{transform_indices = #map}, {transform_indices = #map1}, {transform_indices = #map1}, {transform_indices = #map2}, {transform_indices = #map2}, {transform_indices = #map}, {transform_indices = #map1}]} {
    %mul3A = arith.constant 2 : i32
    %mul3A_0 = arith.muli %arg1, %mul3A : i32
    %add3A = arith.addi %mul3A_0, %arg0 : i32
    %eq3A = arith.constant 0 : i32
    %eq3A_1 = arith.cmpi eq, %arg1, %eq3A : i32
    %convert_element_type3A = arith.extui %eq3A_1 : i1 to i32
    %cond3A = arith.constant 0 : i32
    %cond3A_2 = arith.cmpi ne, %convert_element_type3A, %cond3A : i32
    scf.if %cond3A_2 {
      "tpu.region"() ({
        %run_scoped3A = tpu.sem_alloc : memref<!tpu.dma_semaphore, #tpu.memory_space<semaphore_mem>>
        tpu.enqueue_dma source(%arg6 : memref<24x128xf32, #tpu.memory_space<hbm>>) target(%arg26 : memref<24x128xf32, #tpu.memory_space<vmem_shared>>) target_semaphore(%run_scoped3A : memref<!tpu.dma_semaphore, #tpu.memory_space<semaphore_mem>>)
        tpu.wait_dma2 semaphore(%run_scoped3A : memref<!tpu.dma_semaphore, #tpu.memory_space<semaphore_mem>>) src(%arg6 : memref<24x128xf32, #tpu.memory_space<hbm>>) dst(%arg26 : memref<24x128xf32, #tpu.memory_space<vmem_shared>>)
        tpu.yield
      }) : () -> ()
    } else {
    }
    %broadcast_in_dim3A = arith.constant 0.000000e+00 : f32
    %broadcast_in_dim3A_3 = vector.broadcast %broadcast_in_dim3A : f32 to vector<16xf32>
    %broadcast_in_dim3A_4 = arith.constant 1.000000e+00 : f32
    %broadcast_in_dim3A_5 = vector.broadcast %broadcast_in_dim3A_4 : f32 to vector<16xf32>
    %scan3A = arith.constant 0 : i32
    %scan3A_6 = arith.constant 80 : i32
    %scan3A_7 = arith.addi %scan3A, %scan3A_6 : i32
    %scan3A_8 = arith.constant 1 : i32
    scf.for %scan3A_89 = %scan3A to %scan3A_7 step %scan3A_8  : i32 {
      %swap3A = arith.index_cast %scan3A_89 : i32 to index
      %swap3A_90 = arith.constant 0 : index
      %swap3A_91 = tpu.vector_load %arg12[%swap3A, %swap3A_90] {strides = array<i32>} : memref<80x128xf32, #tpu.memory_space<vmem>>, vector<1x16xf32>,
      %swap3A_92 = vector.shape_cast %swap3A_91 : vector<1x16xf32> to vector<16xf32>
      %swap3A_93 = vector.shape_cast %broadcast_in_dim3A_3 : vector<16xf32> to vector<1x16xf32>
      tpu.vector_store %arg12[%swap3A, %swap3A_90], %swap3A_93 {strides = array<i32>} : memref<80x128xf32, #tpu.memory_space<vmem>>, vector<1x16xf32>,
      %swap3A_94 = arith.index_cast %scan3A_89 : i32 to index
      %swap3A_95 = arith.constant 16 : index
      %swap3A_96 = tpu.vector_load %arg12[%swap3A_94, %swap3A_95] {strides = array<i32>} : memref<80x128xf32, #tpu.memory_space<vmem>>, vector<1x16xf32>,
      %swap3A_97 = vector.shape_cast %swap3A_96 : vector<1x16xf32> to vector<16xf32>
      %swap3A_98 = vector.shape_cast %broadcast_in_dim3A_3 : vector<16xf32> to vector<1x16xf32>
      tpu.vector_store %arg12[%swap3A_94, %swap3A_95], %swap3A_98 {strides = array<i32>} : memref<80x128xf32, #tpu.memory_space<vmem>>, vector<1x16xf32>,
      %swap3A_99 = arith.index_cast %scan3A_89 : i32 to index
      %swap3A_100 = arith.constant 32 : index
      %swap3A_101 = tpu.vector_load %arg12[%swap3A_99, %swap3A_100] {strides = array<i32>} : memref<80x128xf32, #tpu.memory_space<vmem>>, vector<1x16xf32>,
      %swap3A_102 = vector.shape_cast %swap3A_101 : vector<1x16xf32> to vector<16xf32>
      %swap3A_103 = vector.shape_cast %broadcast_in_dim3A_3 : vector<16xf32> to vector<1x16xf32>
      tpu.vector_store %arg12[%swap3A_99, %swap3A_100], %swap3A_103 {strides = array<i32>} : memref<80x128xf32, #tpu.memory_space<vmem>>, vector<1x16xf32>,
      %swap3A_104 = arith.index_cast %scan3A_89 : i32 to index
      %swap3A_105 = arith.constant 48 : index
      %swap3A_106 = tpu.vector_load %arg12[%swap3A_104, %swap3A_105] {strides = array<i32>} : memref<80x128xf32, #tpu.memory_space<vmem>>, vector<1x16xf32>,
      %swap3A_107 = vector.shape_cast %swap3A_106 : vector<1x16xf32> to vector<16xf32>
      %swap3A_108 = vector.shape_cast %broadcast_in_dim3A_3 : vector<16xf32> to vector<1x16xf32>
      tpu.vector_store %arg12[%swap3A_104, %swap3A_105], %swap3A_108 {strides = array<i32>} : memref<80x128xf32, #tpu.memory_space<vmem>>, vector<1x16xf32>,
      %swap3A_109 = arith.index_cast %scan3A_89 : i32 to index
      %swap3A_110 = arith.constant 64 : index
      %swap3A_111 = tpu.vector_load %arg12[%swap3A_109, %swap3A_110] {strides = array<i32>} : memref<80x128xf32, #tpu.memory_space<vmem>>, vector<1x16xf32>,
      %swap3A_112 = vector.shape_cast %swap3A_111 : vector<1x16xf32> to vector<16xf32>
      %swap3A_113 = vector.shape_cast %broadcast_in_dim3A_3 : vector<16xf32> to vector<1x16xf32>
      tpu.vector_store %arg12[%swap3A_109, %swap3A_110], %swap3A_113 {strides = array<i32>} : memref<80x128xf32, #tpu.memory_space<vmem>>, vector<1x16xf32>,
      %swap3A_114 = arith.index_cast %scan3A_89 : i32 to index
      %swap3A_115 = arith.constant 80 : index
      %swap3A_116 = tpu.vector_load %arg12[%swap3A_114, %swap3A_115] {strides = array<i32>} : memref<80x128xf32, #tpu.memory_space<vmem>>, vector<1x16xf32>,
      %swap3A_117 = vector.shape_cast %swap3A_116 : vector<1x16xf32> to vector<16xf32>
      %swap3A_118 = vector.shape_cast %broadcast_in_dim3A_3 : vector<16xf32> to vector<1x16xf32>
      tpu.vector_store %arg12[%swap3A_114, %swap3A_115], %swap3A_118 {strides = array<i32>} : memref<80x128xf32, #tpu.memory_space<vmem>>, vector<1x16xf32>,
      %swap3A_119 = arith.index_cast %scan3A_89 : i32 to index
      %swap3A_120 = arith.constant 96 : index
      %swap3A_121 = tpu.vector_load %arg12[%swap3A_119, %swap3A_120] {strides = array<i32>} : memref<80x128xf32, #tpu.memory_space<vmem>>, vector<1x16xf32>,
      %swap3A_122 = vector.shape_cast %swap3A_121 : vector<1x16xf32> to vector<16xf32>
      %swap3A_123 = vector.shape_cast %broadcast_in_dim3A_3 : vector<16xf32> to vector<1x16xf32>
      tpu.vector_store %arg12[%swap3A_119, %swap3A_120], %swap3A_123 {strides = array<i32>} : memref<80x128xf32, #tpu.memory_space<vmem>>, vector<1x16xf32>,
      %swap3A_124 = arith.index_cast %scan3A_89 : i32 to index
      %swap3A_125 = arith.constant 112 : index
      %swap3A_126 = tpu.vector_load %arg12[%swap3A_124, %swap3A_125] {strides = array<i32>} : memref<80x128xf32, #tpu.memory_space<vmem>>, vector<1x16xf32>,
      %swap3A_127 = vector.shape_cast %swap3A_126 : vector<1x16xf32> to vector<16xf32>
      %swap3A_128 = vector.shape_cast %broadcast_in_dim3A_3 : vector<16xf32> to vector<1x16xf32>
      tpu.vector_store %arg12[%swap3A_124, %swap3A_125], %swap3A_128 {strides = array<i32>} : memref<80x128xf32, #tpu.memory_space<vmem>>, vector<1x16xf32>,
    }
    %scan3A_9 = arith.constant 80 : i32
    %scan3A_10 = arith.constant 0 : i32
    %scan3A_11 = arith.constant 5 : i32
    %scan3A_12 = arith.addi %scan3A_10, %scan3A_11 : i32
    %scan3A_13 = arith.constant 1 : i32
    scf.for %scan3A_89 = %scan3A_10 to %scan3A_12 step %scan3A_13  : i32 {
      %mul3A_90 = arith.constant 16 : i32
      %mul3A_91 = arith.muli %scan3A_89, %mul3A_90 : i32
      %swap3A = arith.index_cast %mul3A_91 : i32 to index
      %swap3A_92 = tpu.vector_load %arg16[%swap3A] {strides = array<i32>} : memref<80xf32, #tpu.memory_space<vmem>>, vector<16xf32>,
      %swap3A_93 = vector.shape_cast %swap3A_92 : vector<16xf32> to vector<16xf32>
      %swap3A_94 = vector.shape_cast %broadcast_in_dim3A_5 : vector<16xf32> to vector<16xf32>
      tpu.vector_store %arg16[%swap3A], %swap3A_94 {strides = array<i32>} : memref<80xf32, #tpu.memory_space<vmem>>, vector<16xf32>,
    }
    %scan3A_14 = arith.constant 5 : i32
    %scan3A_15 = arith.constant 0 : i32
    %scan3A_16 = arith.constant 39 : i32
    %scan3A_17 = arith.addi %scan3A_15, %scan3A_16 : i32
    %scan3A_18 = arith.constant 1 : i32
    scf.for %scan3A_89 = %scan3A_15 to %scan3A_17 step %scan3A_18  : i32 {
      %mul3A_90 = arith.constant 16 : i32
      %mul3A_91 = arith.muli %scan3A_89, %mul3A_90 : i32
      %swap3A = arith.index_cast %mul3A_91 : i32 to index
      %swap3A_92 = tpu.vector_load %arg17[%swap3A] {strides = array<i32>} : memref<624xf32, #tpu.memory_space<vmem>>, vector<16xf32>,
      %swap3A_93 = vector.shape_cast %swap3A_92 : vector<16xf32> to vector<16xf32>
      %swap3A_94 = vector.shape_cast %broadcast_in_dim3A_3 : vector<16xf32> to vector<16xf32>
      tpu.vector_store %arg17[%swap3A], %swap3A_94 {strides = array<i32>} : memref<624xf32, #tpu.memory_space<vmem>>, vector<16xf32>,
    }
    %scan3A_19 = arith.constant 39 : i32
    %mul3A_20 = arith.constant 624 : i32
    %mul3A_21 = arith.muli %arg1, %mul3A_20 : i32
    %add3A_22 = arith.constant 0 : i32
    %add3A_23 = arith.addi %mul3A_21, %add3A_22 : i32
    "tpu.region"() ({
      %run_scoped3A = tpu.sem_alloc : memref<!tpu.dma_semaphore, #tpu.memory_space<semaphore_mem>>
      %dma_start3A = arith.constant 0 : i32
      %dma_start3A_89 = tpu.memref_slice %arg24[%add3A_23, %dma_start3A] : memref<10000x128xf32, #tpu.memory_space<vmem_shared>> -> memref<80x128xf32, #tpu.memory_space<vmem_shared>>
      %dma_start3A_90 = arith.constant 0 : i32
      %dma_start3A_91 = tpu.memref_slice %arg24[%add3A_23, %dma_start3A_90] : memref<10000x128xf32, #tpu.memory_space<vmem_shared>> -> memref<80x128xf32, #tpu.memory_space<vmem_shared>>
      tpu.enqueue_dma source(%arg12 : memref<80x128xf32, #tpu.memory_space<vmem>>) target(%dma_start3A_91 : memref<80x128xf32, #tpu.memory_space<vmem_shared>>) target_semaphore(%run_scoped3A : memref<!tpu.dma_semaphore, #tpu.memory_space<semaphore_mem>>)
      %dma_wait3A = arith.constant 0 : i32
      %dma_wait3A_92 = tpu.memref_slice %arg24[%add3A_23, %dma_wait3A] : memref<10000x128xf32, #tpu.memory_space<vmem_shared>> -> memref<80x128xf32, #tpu.memory_space<vmem_shared>>
      %dma_wait3A_93 = arith.constant 0 : i32
      %dma_wait3A_94 = tpu.memref_slice %arg24[%add3A_23, %dma_wait3A_93] : memref<10000x128xf32, #tpu.memory_space<vmem_shared>> -> memref<80x128xf32, #tpu.memory_space<vmem_shared>>
      tpu.wait_dma2 semaphore(%run_scoped3A : memref<!tpu.dma_semaphore, #tpu.memory_space<semaphore_mem>>) src(%arg12 : memref<80x128xf32, #tpu.memory_space<vmem>>) dst(%dma_wait3A_94 : memref<80x128xf32, #tpu.memory_space<vmem_shared>>)
      tpu.yield
    }) : () -> ()
    %add3A_24 = arith.constant 80 : i32
    %add3A_25 = arith.addi %mul3A_21, %add3A_24 : i32
    "tpu.region"() ({
      %run_scoped3A = tpu.sem_alloc : memref<!tpu.dma_semaphore, #tpu.memory_space<semaphore_mem>>
      %dma_start3A = arith.constant 0 : i32
      %dma_start3A_89 = tpu.memref_slice %arg24[%add3A_25, %dma_start3A] : memref<10000x128xf32, #tpu.memory_space<vmem_shared>> -> memref<80x128xf32, #tpu.memory_space<vmem_shared>>
      %dma_start3A_90 = arith.constant 0 : i32
      %dma_start3A_91 = tpu.memref_slice %arg24[%add3A_25, %dma_start3A_90] : memref<10000x128xf32, #tpu.memory_space<vmem_shared>> -> memref<80x128xf32, #tpu.memory_space<vmem_shared>>
      tpu.enqueue_dma source(%arg12 : memref<80x128xf32, #tpu.memory_space<vmem>>) target(%dma_start3A_91 : memref<80x128xf32, #tpu.memory_space<vmem_shared>>) target_semaphore(%run_scoped3A : memref<!tpu.dma_semaphore, #tpu.memory_space<semaphore_mem>>)
      %dma_wait3A = arith.constant 0 : i32
      %dma_wait3A_92 = tpu.memref_slice %arg24[%add3A_25, %dma_wait3A] : memref<10000x128xf32, #tpu.memory_space<vmem_shared>> -> memref<80x128xf32, #tpu.memory_space<vmem_shared>>
      %dma_wait3A_93 = arith.constant 0 : i32
      %dma_wait3A_94 = tpu.memref_slice %arg24[%add3A_25, %dma_wait3A_93] : memref<10000x128xf32, #tpu.memory_space<vmem_shared>> -> memref<80x128xf32, #tpu.memory_space<vmem_shared>>
      tpu.wait_dma2 semaphore(%run_scoped3A : memref<!tpu.dma_semaphore, #tpu.memory_space<semaphore_mem>>) src(%arg12 : memref<80x128xf32, #tpu.memory_space<vmem>>) dst(%dma_wait3A_94 : memref<80x128xf32, #tpu.memory_space<vmem_shared>>)
      tpu.yield
    }) : () -> ()
    %add3A_26 = arith.constant 160 : i32
    %add3A_27 = arith.addi %mul3A_21, %add3A_26 : i32
    "tpu.region"() ({
      %run_scoped3A = tpu.sem_alloc : memref<!tpu.dma_semaphore, #tpu.memory_space<semaphore_mem>>
      %dma_start3A = arith.constant 0 : i32
      %dma_start3A_89 = tpu.memref_slice %arg24[%add3A_27, %dma_start3A] : memref<10000x128xf32, #tpu.memory_space<vmem_shared>> -> memref<80x128xf32, #tpu.memory_space<vmem_shared>>
      %dma_start3A_90 = arith.constant 0 : i32
      %dma_start3A_91 = tpu.memref_slice %arg24[%add3A_27, %dma_start3A_90] : memref<10000x128xf32, #tpu.memory_space<vmem_shared>> -> memref<80x128xf32, #tpu.memory_space<vmem_shared>>
      tpu.enqueue_dma source(%arg12 : memref<80x128xf32, #tpu.memory_space<vmem>>) target(%dma_start3A_91 : memref<80x128xf32, #tpu.memory_space<vmem_shared>>) target_semaphore(%run_scoped3A : memref<!tpu.dma_semaphore, #tpu.memory_space<semaphore_mem>>)
      %dma_wait3A = arith.constant 0 : i32
      %dma_wait3A_92 = tpu.memref_slice %arg24[%add3A_27, %dma_wait3A] : memref<10000x128xf32, #tpu.memory_space<vmem_shared>> -> memref<80x128xf32, #tpu.memory_space<vmem_shared>>
      %dma_wait3A_93 = arith.constant 0 : i32
      %dma_wait3A_94 = tpu.memref_slice %arg24[%add3A_27, %dma_wait3A_93] : memref<10000x128xf32, #tpu.memory_space<vmem_shared>> -> memref<80x128xf32, #tpu.memory_space<vmem_shared>>
      tpu.wait_dma2 semaphore(%run_scoped3A : memref<!tpu.dma_semaphore, #tpu.memory_space<semaphore_mem>>) src(%arg12 : memref<80x128xf32, #tpu.memory_space<vmem>>) dst(%dma_wait3A_94 : memref<80x128xf32, #tpu.memory_space<vmem_shared>>)
      tpu.yield
    }) : () -> ()
    %add3A_28 = arith.constant 240 : i32
    %add3A_29 = arith.addi %mul3A_21, %add3A_28 : i32
    "tpu.region"() ({
      %run_scoped3A = tpu.sem_alloc : memref<!tpu.dma_semaphore, #tpu.memory_space<semaphore_mem>>
      %dma_start3A = arith.constant 0 : i32
      %dma_start3A_89 = tpu.memref_slice %arg24[%add3A_29, %dma_start3A] : memref<10000x128xf32, #tpu.memory_space<vmem_shared>> -> memref<80x128xf32, #tpu.memory_space<vmem_shared>>
      %dma_start3A_90 = arith.constant 0 : i32
      %dma_start3A_91 = tpu.memref_slice %arg24[%add3A_29, %dma_start3A_90] : memref<10000x128xf32, #tpu.memory_space<vmem_shared>> -> memref<80x128xf32, #tpu.memory_space<vmem_shared>>
      tpu.enqueue_dma source(%arg12 : memref<80x128xf32, #tpu.memory_space<vmem>>) target(%dma_start3A_91 : memref<80x128xf32, #tpu.memory_space<vmem_shared>>) target_semaphore(%run_scoped3A : memref<!tpu.dma_semaphore, #tpu.memory_space<semaphore_mem>>)
      %dma_wait3A = arith.constant 0 : i32
      %dma_wait3A_92 = tpu.memref_slice %arg24[%add3A_29, %dma_wait3A] : memref<10000x128xf32, #tpu.memory_space<vmem_shared>> -> memref<80x128xf32, #tpu.memory_space<vmem_shared>>
      %dma_wait3A_93 = arith.constant 0 : i32
      %dma_wait3A_94 = tpu.memref_slice %arg24[%add3A_29, %dma_wait3A_93] : memref<10000x128xf32, #tpu.memory_space<vmem_shared>> -> memref<80x128xf32, #tpu.memory_space<vmem_shared>>
      tpu.wait_dma2 semaphore(%run_scoped3A : memref<!tpu.dma_semaphore, #tpu.memory_space<semaphore_mem>>) src(%arg12 : memref<80x128xf32, #tpu.memory_space<vmem>>) dst(%dma_wait3A_94 : memref<80x128xf32, #tpu.memory_space<vmem_shared>>)
      tpu.yield
    }) : () -> ()
    %add3A_30 = arith.constant 320 : i32
    %add3A_31 = arith.addi %mul3A_21, %add3A_30 : i32
    "tpu.region"() ({
      %run_scoped3A = tpu.sem_alloc : memref<!tpu.dma_semaphore, #tpu.memory_space<semaphore_mem>>
      %dma_start3A = arith.constant 0 : i32
      %dma_start3A_89 = tpu.memref_slice %arg24[%add3A_31, %dma_start3A] : memref<10000x128xf32, #tpu.memory_space<vmem_shared>> -> memref<80x128xf32, #tpu.memory_space<vmem_shared>>
      %dma_start3A_90 = arith.constant 0 : i32
      %dma_start3A_91 = tpu.memref_slice %arg24[%add3A_31, %dma_start3A_90] : memref<10000x128xf32, #tpu.memory_space<vmem_shared>> -> memref<80x128xf32, #tpu.memory_space<vmem_shared>>
      tpu.enqueue_dma source(%arg12 : memref<80x128xf32, #tpu.memory_space<vmem>>) target(%dma_start3A_91 : memref<80x128xf32, #tpu.memory_space<vmem_shared>>) target_semaphore(%run_scoped3A : memref<!tpu.dma_semaphore, #tpu.memory_space<semaphore_mem>>)
      %dma_wait3A = arith.constant 0 : i32
      %dma_wait3A_92 = tpu.memref_slice %arg24[%add3A_31, %dma_wait3A] : memref<10000x128xf32, #tpu.memory_space<vmem_shared>> -> memref<80x128xf32, #tpu.memory_space<vmem_shared>>
      %dma_wait3A_93 = arith.constant 0 : i32
      %dma_wait3A_94 = tpu.memref_slice %arg24[%add3A_31, %dma_wait3A_93] : memref<10000x128xf32, #tpu.memory_space<vmem_shared>> -> memref<80x128xf32, #tpu.memory_space<vmem_shared>>
      tpu.wait_dma2 semaphore(%run_scoped3A : memref<!tpu.dma_semaphore, #tpu.memory_space<semaphore_mem>>) src(%arg12 : memref<80x128xf32, #tpu.memory_space<vmem>>) dst(%dma_wait3A_94 : memref<80x128xf32, #tpu.memory_space<vmem_shared>>)
      tpu.yield
    }) : () -> ()
    %add3A_32 = arith.constant 400 : i32
    %add3A_33 = arith.addi %mul3A_21, %add3A_32 : i32
    "tpu.region"() ({
      %run_scoped3A = tpu.sem_alloc : memref<!tpu.dma_semaphore, #tpu.memory_space<semaphore_mem>>
      %dma_start3A = arith.constant 0 : i32
      %dma_start3A_89 = tpu.memref_slice %arg24[%add3A_33, %dma_start3A] : memref<10000x128xf32, #tpu.memory_space<vmem_shared>> -> memref<80x128xf32, #tpu.memory_space<vmem_shared>>
      %dma_start3A_90 = arith.constant 0 : i32
      %dma_start3A_91 = tpu.memref_slice %arg24[%add3A_33, %dma_start3A_90] : memref<10000x128xf32, #tpu.memory_space<vmem_shared>> -> memref<80x128xf32, #tpu.memory_space<vmem_shared>>
      tpu.enqueue_dma source(%arg12 : memref<80x128xf32, #tpu.memory_space<vmem>>) target(%dma_start3A_91 : memref<80x128xf32, #tpu.memory_space<vmem_shared>>) target_semaphore(%run_scoped3A : memref<!tpu.dma_semaphore, #tpu.memory_space<semaphore_mem>>)
      %dma_wait3A = arith.constant 0 : i32
      %dma_wait3A_92 = tpu.memref_slice %arg24[%add3A_33, %dma_wait3A] : memref<10000x128xf32, #tpu.memory_space<vmem_shared>> -> memref<80x128xf32, #tpu.memory_space<vmem_shared>>
      %dma_wait3A_93 = arith.constant 0 : i32
      %dma_wait3A_94 = tpu.memref_slice %arg24[%add3A_33, %dma_wait3A_93] : memref<10000x128xf32, #tpu.memory_space<vmem_shared>> -> memref<80x128xf32, #tpu.memory_space<vmem_shared>>
      tpu.wait_dma2 semaphore(%run_scoped3A : memref<!tpu.dma_semaphore, #tpu.memory_space<semaphore_mem>>) src(%arg12 : memref<80x128xf32, #tpu.memory_space<vmem>>) dst(%dma_wait3A_94 : memref<80x128xf32, #tpu.memory_space<vmem_shared>>)
      tpu.yield
    }) : () -> ()
    %add3A_34 = arith.constant 480 : i32
    %add3A_35 = arith.addi %mul3A_21, %add3A_34 : i32
    "tpu.region"() ({
      %run_scoped3A = tpu.sem_alloc : memref<!tpu.dma_semaphore, #tpu.memory_space<semaphore_mem>>
      %dma_start3A = arith.constant 0 : i32
      %dma_start3A_89 = tpu.memref_slice %arg24[%add3A_35, %dma_start3A] : memref<10000x128xf32, #tpu.memory_space<vmem_shared>> -> memref<80x128xf32, #tpu.memory_space<vmem_shared>>
      %dma_start3A_90 = arith.constant 0 : i32
      %dma_start3A_91 = tpu.memref_slice %arg24[%add3A_35, %dma_start3A_90] : memref<10000x128xf32, #tpu.memory_space<vmem_shared>> -> memref<80x128xf32, #tpu.memory_space<vmem_shared>>
      tpu.enqueue_dma source(%arg12 : memref<80x128xf32, #tpu.memory_space<vmem>>) target(%dma_start3A_91 : memref<80x128xf32, #tpu.memory_space<vmem_shared>>) target_semaphore(%run_scoped3A : memref<!tpu.dma_semaphore, #tpu.memory_space<semaphore_mem>>)
      %dma_wait3A = arith.constant 0 : i32
      %dma_wait3A_92 = tpu.memref_slice %arg24[%add3A_35, %dma_wait3A] : memref<10000x128xf32, #tpu.memory_space<vmem_shared>> -> memref<80x128xf32, #tpu.memory_space<vmem_shared>>
      %dma_wait3A_93 = arith.constant 0 : i32
      %dma_wait3A_94 = tpu.memref_slice %arg24[%add3A_35, %dma_wait3A_93] : memref<10000x128xf32, #tpu.memory_space<vmem_shared>> -> memref<80x128xf32, #tpu.memory_space<vmem_shared>>
      tpu.wait_dma2 semaphore(%run_scoped3A : memref<!tpu.dma_semaphore, #tpu.memory_space<semaphore_mem>>) src(%arg12 : memref<80x128xf32, #tpu.memory_space<vmem>>) dst(%dma_wait3A_94 : memref<80x128xf32, #tpu.memory_space<vmem_shared>>)
      tpu.yield
    }) : () -> ()
    %add3A_36 = arith.constant 560 : i32
    %add3A_37 = arith.addi %mul3A_21, %add3A_36 : i32
    "tpu.region"() ({
      %run_scoped3A = tpu.sem_alloc : memref<!tpu.dma_semaphore, #tpu.memory_space<semaphore_mem>>
      %dma_start3A = arith.constant 0 : i32
      %dma_start3A_89 = arith.constant 0 : i32
      %dma_start3A_90 = tpu.memref_slice %arg12[%dma_start3A, %dma_start3A_89] : memref<80x128xf32, #tpu.memory_space<vmem>> -> memref<64x128xf32, #tpu.memory_space<vmem>>
      %dma_start3A_91 = arith.constant 0 : i32
      %dma_start3A_92 = tpu.memref_slice %arg24[%add3A_37, %dma_start3A_91] : memref<10000x128xf32, #tpu.memory_space<vmem_shared>> -> memref<64x128xf32, #tpu.memory_space<vmem_shared>>
      %dma_start3A_93 = arith.constant 0 : i32
      %dma_start3A_94 = tpu.memref_slice %arg24[%add3A_37, %dma_start3A_93] : memref<10000x128xf32, #tpu.memory_space<vmem_shared>> -> memref<64x128xf32, #tpu.memory_space<vmem_shared>>
      %dma_start3A_95 = arith.constant 0 : i32
      %dma_start3A_96 = arith.constant 0 : i32
      %dma_start3A_97 = tpu.memref_slice %arg12[%dma_start3A_95, %dma_start3A_96] : memref<80x128xf32, #tpu.memory_space<vmem>> -> memref<64x128xf32, #tpu.memory_space<vmem>>
      tpu.enqueue_dma source(%dma_start3A_97 : memref<64x128xf32, #tpu.memory_space<vmem>>) target(%dma_start3A_94 : memref<64x128xf32, #tpu.memory_space<vmem_shared>>) target_semaphore(%run_scoped3A : memref<!tpu.dma_semaphore, #tpu.memory_space<semaphore_mem>>)
      %dma_wait3A = arith.constant 0 : i32
      %dma_wait3A_98 = arith.constant 0 : i32
      %dma_wait3A_99 = tpu.memref_slice %arg12[%dma_wait3A, %dma_wait3A_98] : memref<80x128xf32, #tpu.memory_space<vmem>> -> memref<64x128xf32, #tpu.memory_space<vmem>>
      %dma_wait3A_100 = arith.constant 0 : i32
      %dma_wait3A_101 = tpu.memref_slice %arg24[%add3A_37, %dma_wait3A_100] : memref<10000x128xf32, #tpu.memory_space<vmem_shared>> -> memref<64x128xf32, #tpu.memory_space<vmem_shared>>
      %dma_wait3A_102 = arith.constant 0 : i32
      %dma_wait3A_103 = tpu.memref_slice %arg24[%add3A_37, %dma_wait3A_102] : memref<10000x128xf32, #tpu.memory_space<vmem_shared>> -> memref<64x128xf32, #tpu.memory_space<vmem_shared>>
      %dma_wait3A_104 = arith.constant 0 : i32
      %dma_wait3A_105 = arith.constant 0 : i32
      %dma_wait3A_106 = tpu.memref_slice %arg12[%dma_wait3A_104, %dma_wait3A_105] : memref<80x128xf32, #tpu.memory_space<vmem>> -> memref<64x128xf32, #tpu.memory_space<vmem>>
      tpu.wait_dma2 semaphore(%run_scoped3A : memref<!tpu.dma_semaphore, #tpu.memory_space<semaphore_mem>>) src(%dma_wait3A_106 : memref<64x128xf32, #tpu.memory_space<vmem>>) dst(%dma_wait3A_103 : memref<64x128xf32, #tpu.memory_space<vmem_shared>>)
      tpu.yield
    }) : () -> ()
    "tpu.region"() ({
      %run_scoped3A = tpu.sem_alloc : memref<!tpu.dma_semaphore, #tpu.memory_space<semaphore_mem>>
      %dma_start3A = tpu.memref_slice %arg25[%mul3A_21] : memref<10000xf32, #tpu.memory_space<vmem_shared>> -> memref<624xf32, #tpu.memory_space<vmem_shared>>
      %dma_start3A_89 = tpu.memref_slice %arg25[%mul3A_21] : memref<10000xf32, #tpu.memory_space<vmem_shared>> -> memref<624xf32, #tpu.memory_space<vmem_shared>>
      tpu.enqueue_dma source(%arg17 : memref<624xf32, #tpu.memory_space<vmem>>) target(%dma_start3A_89 : memref<624xf32, #tpu.memory_space<vmem_shared>>) target_semaphore(%run_scoped3A : memref<!tpu.dma_semaphore, #tpu.memory_space<semaphore_mem>>)
      %dma_wait3A = tpu.memref_slice %arg25[%mul3A_21] : memref<10000xf32, #tpu.memory_space<vmem_shared>> -> memref<624xf32, #tpu.memory_space<vmem_shared>>
      %dma_wait3A_90 = tpu.memref_slice %arg25[%mul3A_21] : memref<10000xf32, #tpu.memory_space<vmem_shared>> -> memref<624xf32, #tpu.memory_space<vmem_shared>>
      tpu.wait_dma2 semaphore(%run_scoped3A : memref<!tpu.dma_semaphore, #tpu.memory_space<semaphore_mem>>) src(%arg17 : memref<624xf32, #tpu.memory_space<vmem>>) dst(%dma_wait3A_90 : memref<624xf32, #tpu.memory_space<vmem_shared>>)
      tpu.yield
    }) : () -> ()
    %eq3A_38 = arith.constant 15 : i32
    %eq3A_39 = arith.cmpi eq, %arg1, %eq3A_38 : i32
    %convert_element_type3A_40 = arith.extui %eq3A_39 : i1 to i32
    %cond3A_41 = arith.constant 0 : i32
    %cond3A_42 = arith.cmpi ne, %convert_element_type3A_40, %cond3A_41 : i32
    scf.if %cond3A_42 {
      "tpu.region"() ({
        %run_scoped3A = tpu.sem_alloc : memref<!tpu.dma_semaphore, #tpu.memory_space<semaphore_mem>>
        %dma_start3A = arith.constant 0 : i32
        %dma_start3A_89 = arith.constant 0 : i32
        %dma_start3A_90 = tpu.memref_slice %arg12[%dma_start3A, %dma_start3A_89] : memref<80x128xf32, #tpu.memory_space<vmem>> -> memref<16x128xf32, #tpu.memory_space<vmem>>
        %dma_start3A_91 = arith.constant 9984 : i32
        %dma_start3A_92 = arith.constant 0 : i32
        %dma_start3A_93 = tpu.memref_slice %arg24[%dma_start3A_91, %dma_start3A_92] : memref<10000x128xf32, #tpu.memory_space<vmem_shared>> -> memref<16x128xf32, #tpu.memory_space<vmem_shared>>
        %dma_start3A_94 = arith.constant 9984 : i32
        %dma_start3A_95 = arith.constant 0 : i32
        %dma_start3A_96 = tpu.memref_slice %arg24[%dma_start3A_94, %dma_start3A_95] : memref<10000x128xf32, #tpu.memory_space<vmem_shared>> -> memref<16x128xf32, #tpu.memory_space<vmem_shared>>
        %dma_start3A_97 = arith.constant 0 : i32
        %dma_start3A_98 = arith.constant 0 : i32
        %dma_start3A_99 = tpu.memref_slice %arg12[%dma_start3A_97, %dma_start3A_98] : memref<80x128xf32, #tpu.memory_space<vmem>> -> memref<16x128xf32, #tpu.memory_space<vmem>>
        tpu.enqueue_dma source(%dma_start3A_99 : memref<16x128xf32, #tpu.memory_space<vmem>>) target(%dma_start3A_96 : memref<16x128xf32, #tpu.memory_space<vmem_shared>>) target_semaphore(%run_scoped3A : memref<!tpu.dma_semaphore, #tpu.memory_space<semaphore_mem>>)
        %dma_wait3A = arith.constant 0 : i32
        %dma_wait3A_100 = arith.constant 0 : i32
        %dma_wait3A_101 = tpu.memref_slice %arg12[%dma_wait3A, %dma_wait3A_100] : memref<80x128xf32, #tpu.memory_space<vmem>> -> memref<16x128xf32, #tpu.memory_space<vmem>>
        %dma_wait3A_102 = arith.constant 9984 : i32
        %dma_wait3A_103 = arith.constant 0 : i32
        %dma_wait3A_104 = tpu.memref_slice %arg24[%dma_wait3A_102, %dma_wait3A_103] : memref<10000x128xf32, #tpu.memory_space<vmem_shared>> -> memref<16x128xf32, #tpu.memory_space<vmem_shared>>
        %dma_wait3A_105 = arith.constant 9984 : i32
        %dma_wait3A_106 = arith.constant 0 : i32
        %dma_wait3A_107 = tpu.memref_slice %arg24[%dma_wait3A_105, %dma_wait3A_106] : memref<10000x128xf32, #tpu.memory_space<vmem_shared>> -> memref<16x128xf32, #tpu.memory_space<vmem_shared>>
        %dma_wait3A_108 = arith.constant 0 : i32
        %dma_wait3A_109 = arith.constant 0 : i32
        %dma_wait3A_110 = tpu.memref_slice %arg12[%dma_wait3A_108, %dma_wait3A_109] : memref<80x128xf32, #tpu.memory_space<vmem>> -> memref<16x128xf32, #tpu.memory_space<vmem>>
        tpu.wait_dma2 semaphore(%run_scoped3A : memref<!tpu.dma_semaphore, #tpu.memory_space<semaphore_mem>>) src(%dma_wait3A_110 : memref<16x128xf32, #tpu.memory_space<vmem>>) dst(%dma_wait3A_107 : memref<16x128xf32, #tpu.memory_space<vmem_shared>>)
        tpu.yield
      }) : () -> ()
      "tpu.region"() ({
        %run_scoped3A = tpu.sem_alloc : memref<!tpu.dma_semaphore, #tpu.memory_space<semaphore_mem>>
        %dma_start3A = arith.constant 0 : i32
        %dma_start3A_89 = tpu.memref_slice %arg17[%dma_start3A] : memref<624xf32, #tpu.memory_space<vmem>> -> memref<16xf32, #tpu.memory_space<vmem>>
        %dma_start3A_90 = arith.constant 9984 : i32
        %dma_start3A_91 = tpu.memref_slice %arg25[%dma_start3A_90] : memref<10000xf32, #tpu.memory_space<vmem_shared>> -> memref<16xf32, #tpu.memory_space<vmem_shared>>
        %dma_start3A_92 = arith.constant 9984 : i32
        %dma_start3A_93 = tpu.memref_slice %arg25[%dma_start3A_92] : memref<10000xf32, #tpu.memory_space<vmem_shared>> -> memref<16xf32, #tpu.memory_space<vmem_shared>>
        %dma_start3A_94 = arith.constant 0 : i32
        %dma_start3A_95 = tpu.memref_slice %arg17[%dma_start3A_94] : memref<624xf32, #tpu.memory_space<vmem>> -> memref<16xf32, #tpu.memory_space<vmem>>
        tpu.enqueue_dma source(%dma_start3A_95 : memref<16xf32, #tpu.memory_space<vmem>>) target(%dma_start3A_93 : memref<16xf32, #tpu.memory_space<vmem_shared>>) target_semaphore(%run_scoped3A : memref<!tpu.dma_semaphore, #tpu.memory_space<semaphore_mem>>)
        %dma_wait3A = arith.constant 0 : i32
        %dma_wait3A_96 = tpu.memref_slice %arg17[%dma_wait3A] : memref<624xf32, #tpu.memory_space<vmem>> -> memref<16xf32, #tpu.memory_space<vmem>>
        %dma_wait3A_97 = arith.constant 9984 : i32
        %dma_wait3A_98 = tpu.memref_slice %arg25[%dma_wait3A_97] : memref<10000xf32, #tpu.memory_space<vmem_shared>> -> memref<16xf32, #tpu.memory_space<vmem_shared>>
        %dma_wait3A_99 = arith.constant 9984 : i32
        %dma_wait3A_100 = tpu.memref_slice %arg25[%dma_wait3A_99] : memref<10000xf32, #tpu.memory_space<vmem_shared>> -> memref<16xf32, #tpu.memory_space<vmem_shared>>
        %dma_wait3A_101 = arith.constant 0 : i32
        %dma_wait3A_102 = tpu.memref_slice %arg17[%dma_wait3A_101] : memref<624xf32, #tpu.memory_space<vmem>> -> memref<16xf32, #tpu.memory_space<vmem>>
        tpu.wait_dma2 semaphore(%run_scoped3A : memref<!tpu.dma_semaphore, #tpu.memory_space<semaphore_mem>>) src(%dma_wait3A_102 : memref<16xf32, #tpu.memory_space<vmem>>) dst(%dma_wait3A_100 : memref<16xf32, #tpu.memory_space<vmem_shared>>)
        tpu.yield
      }) : () -> ()
    } else {
    }
    %barrier3A = arith.constant 0 : index
    tpu.barrier barrier_id(%barrier3A)
    %scan3A_43 = arith.constant 0 : i32
    %scan3A_44 = arith.constant 5 : i32
    %scan3A_45 = arith.addi %scan3A_43, %scan3A_44 : i32
    %scan3A_46 = arith.constant 1 : i32
    scf.for %scan3A_89 = %scan3A_43 to %scan3A_45 step %scan3A_46  : i32 {
      %mul3A_90 = arith.constant 5 : i32
      %mul3A_91 = arith.muli %add3A, %mul3A_90 : i32
      %add3A_92 = arith.addi %mul3A_91, %scan3A_89 : i32
      %mul3A_93 = arith.constant 2000 : i32
      %mul3A_94 = arith.muli %add3A_92, %mul3A_93 : i32
      %multiple_of3A = tpu.assume_multiple %mul3A_94, 8 : i32
      "tpu.region"() ({
        %run_scoped3A_144 = tpu.sem_alloc : memref<!tpu.dma_semaphore, #tpu.memory_space<semaphore_mem>>
        %dma_start3A_145 = arith.constant 0 : i32
        %dma_start3A_146 = arith.constant 0 : i32
        %dma_start3A_147 = tpu.memref_slice %arg2[%add3A_92, %dma_start3A_145, %dma_start3A_146] : memref<160x25x80xi32, #tpu.memory_space<hbm>> -> memref<1x25x80xi32, #tpu.memory_space<hbm>>
        %dma_start3A_148 = tpu.memref_squeeze %dma_start3A_147 : memref<1x25x80xi32, #tpu.memory_space<hbm>> -> memref<25x80xi32, #tpu.memory_space<hbm>>
        %dma_start3A_149 = arith.constant 0 : i32
        %dma_start3A_150 = arith.constant 0 : i32
        %dma_start3A_151 = tpu.memref_slice %arg2[%add3A_92, %dma_start3A_149, %dma_start3A_150] : memref<160x25x80xi32, #tpu.memory_space<hbm>> -> memref<1x25x80xi32, #tpu.memory_space<hbm>>
        %dma_start3A_152 = tpu.memref_squeeze %dma_start3A_151 : memref<1x25x80xi32, #tpu.memory_space<hbm>> -> memref<25x80xi32, #tpu.memory_space<hbm>>
        tpu.enqueue_dma source(%dma_start3A_152 : memref<25x80xi32, #tpu.memory_space<hbm>>) target(%arg9 : memref<25x80xi32, #tpu.memory_space<vmem>>) target_semaphore(%run_scoped3A_144 : memref<!tpu.dma_semaphore, #tpu.memory_space<semaphore_mem>>)
        %dma_wait3A_153 = arith.constant 0 : i32
        %dma_wait3A_154 = arith.constant 0 : i32
        %dma_wait3A_155 = tpu.memref_slice %arg2[%add3A_92, %dma_wait3A_153, %dma_wait3A_154] : memref<160x25x80xi32, #tpu.memory_space<hbm>> -> memref<1x25x80xi32, #tpu.memory_space<hbm>>
        %dma_wait3A_156 = tpu.memref_squeeze %dma_wait3A_155 : memref<1x25x80xi32, #tpu.memory_space<hbm>> -> memref<25x80xi32, #tpu.memory_space<hbm>>
        %dma_wait3A_157 = arith.constant 0 : i32
        %dma_wait3A_158 = arith.constant 0 : i32
        %dma_wait3A_159 = tpu.memref_slice %arg2[%add3A_92, %dma_wait3A_157, %dma_wait3A_158] : memref<160x25x80xi32, #tpu.memory_space<hbm>> -> memref<1x25x80xi32, #tpu.memory_space<hbm>>
        %dma_wait3A_160 = tpu.memref_squeeze %dma_wait3A_159 : memref<1x25x80xi32, #tpu.memory_space<hbm>> -> memref<25x80xi32, #tpu.memory_space<hbm>>
        tpu.wait_dma2 semaphore(%run_scoped3A_144 : memref<!tpu.dma_semaphore, #tpu.memory_space<semaphore_mem>>) src(%dma_wait3A_160 : memref<25x80xi32, #tpu.memory_space<hbm>>) dst(%arg9 : memref<25x80xi32, #tpu.memory_space<vmem>>)
        tpu.yield
      }) : () -> ()
      "tpu.region"() ({
        %run_scoped3A_144 = tpu.sem_alloc : memref<!tpu.dma_semaphore, #tpu.memory_space<semaphore_mem>>
        %dma_start3A_145 = tpu.memref_slice %arg3[%multiple_of3A] : memref<320000xi32, #tpu.memory_space<hbm>> -> memref<2000xi32, #tpu.memory_space<hbm>>
        %dma_start3A_146 = tpu.memref_slice %arg3[%multiple_of3A] : memref<320000xi32, #tpu.memory_space<hbm>> -> memref<2000xi32, #tpu.memory_space<hbm>>
        tpu.enqueue_dma source(%dma_start3A_146 : memref<2000xi32, #tpu.memory_space<hbm>>) target(%arg10 : memref<2000xi32, #tpu.memory_space<vmem>>) target_semaphore(%run_scoped3A_144 : memref<!tpu.dma_semaphore, #tpu.memory_space<semaphore_mem>>)
        %dma_wait3A_147 = tpu.memref_slice %arg3[%multiple_of3A] : memref<320000xi32, #tpu.memory_space<hbm>> -> memref<2000xi32, #tpu.memory_space<hbm>>
        %dma_wait3A_148 = tpu.memref_slice %arg3[%multiple_of3A] : memref<320000xi32, #tpu.memory_space<hbm>> -> memref<2000xi32, #tpu.memory_space<hbm>>
        tpu.wait_dma2 semaphore(%run_scoped3A_144 : memref<!tpu.dma_semaphore, #tpu.memory_space<semaphore_mem>>) src(%dma_wait3A_148 : memref<2000xi32, #tpu.memory_space<hbm>>) dst(%arg10 : memref<2000xi32, #tpu.memory_space<vmem>>)
        tpu.yield
      }) : () -> ()
      "tpu.region"() ({
        %run_scoped3A_144 = tpu.sem_alloc : memref<!tpu.dma_semaphore, #tpu.memory_space<semaphore_mem>>
        %dma_start3A_145 = tpu.memref_slice %arg4[%multiple_of3A] : memref<320000xi32, #tpu.memory_space<hbm>> -> memref<2000xi32, #tpu.memory_space<hbm>>
        %dma_start3A_146 = tpu.memref_slice %arg4[%multiple_of3A] : memref<320000xi32, #tpu.memory_space<hbm>> -> memref<2000xi32, #tpu.memory_space<hbm>>
        tpu.enqueue_dma source(%dma_start3A_146 : memref<2000xi32, #tpu.memory_space<hbm>>) target(%arg11 : memref<2000xi32, #tpu.memory_space<vmem>>) target_semaphore(%run_scoped3A_144 : memref<!tpu.dma_semaphore, #tpu.memory_space<semaphore_mem>>)
        %dma_wait3A_147 = tpu.memref_slice %arg4[%multiple_of3A] : memref<320000xi32, #tpu.memory_space<hbm>> -> memref<2000xi32, #tpu.memory_space<hbm>>
        %dma_wait3A_148 = tpu.memref_slice %arg4[%multiple_of3A] : memref<320000xi32, #tpu.memory_space<hbm>> -> memref<2000xi32, #tpu.memory_space<hbm>>
        tpu.wait_dma2 semaphore(%run_scoped3A_144 : memref<!tpu.dma_semaphore, #tpu.memory_space<semaphore_mem>>) src(%dma_wait3A_148 : memref<2000xi32, #tpu.memory_space<hbm>>) dst(%arg11 : memref<2000xi32, #tpu.memory_space<vmem>>)
        tpu.yield
      }) : () -> ()
      %dma_start3A = arith.constant 0 : i32
      %dma_start3A_95 = tpu.memref_slice %arg10[%dma_start3A] : memref<2000xi32, #tpu.memory_space<vmem>> -> memref<80xi32, #tpu.memory_space<vmem>>
      %dma_start3A_96 = arith.constant 0 : i32
      %dma_start3A_97 = arith.constant 0 : i32
      %dma_start3A_98 = tpu.memref_slice %arg5[%dma_start3A_96, %dma_start3A_97] : memref<10000x128xf32, #tpu.memory_space<hbm>> -> memref<10000x128xf32, #tpu.memory_space<hbm>>
      tpu.enqueue_indirect_dma source(%dma_start3A_98 : memref<10000x128xf32, #tpu.memory_space<hbm>>) target(%arg12 : memref<80x128xf32, #tpu.memory_space<vmem>>) offsets(%dma_start3A_95 : memref<80xi32, #tpu.memory_space<vmem>>) semaphore(%arg18 : memref<!tpu.dma_semaphore, #tpu.memory_space<semaphore_mem>>)
      %dma_start3A_99 = arith.constant 0 : i32
      %dma_start3A_100 = tpu.memref_slice %arg11[%dma_start3A_99] : memref<2000xi32, #tpu.memory_space<vmem>> -> memref<80xi32, #tpu.memory_space<vmem>>
      %dma_start3A_101 = arith.constant 0 : i32
      %dma_start3A_102 = arith.constant 0 : i32
      %dma_start3A_103 = tpu.memref_slice %arg26[%dma_start3A_101, %dma_start3A_102] : memref<24x128xf32, #tpu.memory_space<vmem_shared>> -> memref<24x128xf32, #tpu.memory_space<vmem_shared>>
      tpu.enqueue_indirect_dma source(%dma_start3A_103 : memref<24x128xf32, #tpu.memory_space<vmem_shared>>) target(%arg14 : memref<80x128xf32, #tpu.memory_space<vmem>>) offsets(%dma_start3A_100 : memref<80xi32, #tpu.memory_space<vmem>>) semaphore(%arg20 : memref<!tpu.dma_semaphore, #tpu.memory_space<semaphore_mem>>)
      %scan3A_104 = arith.constant 0 : i32
      %scan3A_105 = arith.constant 12 : i32
      %scan3A_106 = arith.addi %scan3A_104, %scan3A_105 : i32
      %scan3A_107 = arith.constant 1 : i32
      scf.for %scan3A_144 = %scan3A_104 to %scan3A_106 step %scan3A_107  : i32 {
        %mul3A_145 = arith.constant 2 : i32
        %mul3A_146 = arith.muli %mul3A_145, %scan3A_144 : i32
        %gt3A = arith.constant 0 : i32
        %gt3A_147 = arith.cmpi sgt, %scan3A_144, %gt3A : i32
        %convert_element_type3A_148 = arith.extui %gt3A_147 : i1 to i32
        %cond3A_149 = arith.constant 0 : i32
        %cond3A_150 = arith.cmpi ne, %convert_element_type3A_148, %cond3A_149 : i32
        scf.if %cond3A_150 {
          %dma_wait3A_234 = arith.constant 0 : i32
          %dma_wait3A_235 = arith.constant 0 : i32
          %dma_wait3A_236 = tpu.memref_slice %arg9[%dma_wait3A_234, %dma_wait3A_235] : memref<25x80xi32, #tpu.memory_space<vmem>> -> memref<1x80xi32, #tpu.memory_space<vmem>>
          %dma_wait3A_237 = tpu.memref_squeeze %dma_wait3A_236 : memref<1x80xi32, #tpu.memory_space<vmem>> -> memref<80xi32, #tpu.memory_space<vmem>>
          %dma_wait3A_238 = arith.constant 0 : i32
          %dma_wait3A_239 = arith.constant 0 : i32
          %dma_wait3A_240 = tpu.memref_slice %arg24[%dma_wait3A_238, %dma_wait3A_239] : memref<10000x128xf32, #tpu.memory_space<vmem_shared>> -> memref<10000x128xf32, #tpu.memory_space<vmem_shared>>
          tpu.wait_indirect_dma semaphore(%arg23 : memref<!tpu.dma_semaphore, #tpu.memory_space<semaphore_mem>>) src(%arg13 : memref<80x128xf32, #tpu.memory_space<vmem>>) dst(%dma_wait3A_240 : memref<10000x128xf32, #tpu.memory_space<vmem_shared>>)
        } else {
        }
        %add3A_151 = arith.constant 1 : i32
        %add3A_152 = arith.addi %mul3A_146, %add3A_151 : i32
        %mul3A_153 = arith.constant 80 : i32
        %mul3A_154 = arith.muli %add3A_152, %mul3A_153 : i32
        %dma_start3A_155 = tpu.memref_slice %arg10[%mul3A_154] : memref<2000xi32, #tpu.memory_space<vmem>> -> memref<80xi32, #tpu.memory_space<vmem>>
        %dma_start3A_156 = arith.constant 0 : i32
        %dma_start3A_157 = arith.constant 0 : i32
        %dma_start3A_158 = tpu.memref_slice %arg5[%dma_start3A_156, %dma_start3A_157] : memref<10000x128xf32, #tpu.memory_space<hbm>> -> memref<10000x128xf32, #tpu.memory_space<hbm>>
        tpu.enqueue_indirect_dma source(%dma_start3A_158 : memref<10000x128xf32, #tpu.memory_space<hbm>>) target(%arg13 : memref<80x128xf32, #tpu.memory_space<vmem>>) offsets(%dma_start3A_155 : memref<80xi32, #tpu.memory_space<vmem>>) semaphore(%arg19 : memref<!tpu.dma_semaphore, #tpu.memory_space<semaphore_mem>>)
        %add3A_159 = arith.constant 1 : i32
        %add3A_160 = arith.addi %mul3A_146, %add3A_159 : i32
        %mul3A_161 = arith.constant 80 : i32
        %mul3A_162 = arith.muli %add3A_160, %mul3A_161 : i32
        %dma_start3A_163 = tpu.memref_slice %arg11[%mul3A_162] : memref<2000xi32, #tpu.memory_space<vmem>> -> memref<80xi32, #tpu.memory_space<vmem>>
        %dma_start3A_164 = arith.constant 0 : i32
        %dma_start3A_165 = arith.constant 0 : i32
        %dma_start3A_166 = tpu.memref_slice %arg26[%dma_start3A_164, %dma_start3A_165] : memref<24x128xf32, #tpu.memory_space<vmem_shared>> -> memref<24x128xf32, #tpu.memory_space<vmem_shared>>
        tpu.enqueue_indirect_dma source(%dma_start3A_166 : memref<24x128xf32, #tpu.memory_space<vmem_shared>>) target(%arg15 : memref<80x128xf32, #tpu.memory_space<vmem>>) offsets(%dma_start3A_163 : memref<80xi32, #tpu.memory_space<vmem>>) semaphore(%arg21 : memref<!tpu.dma_semaphore, #tpu.memory_space<semaphore_mem>>)
        %dma_wait3A_167 = arith.constant 0 : i32
        %dma_wait3A_168 = tpu.memref_slice %arg10[%dma_wait3A_167] : memref<2000xi32, #tpu.memory_space<vmem>> -> memref<80xi32, #tpu.memory_space<vmem>>
        %dma_wait3A_169 = arith.constant 0 : i32
        %dma_wait3A_170 = arith.constant 0 : i32
        %dma_wait3A_171 = tpu.memref_slice %arg5[%dma_wait3A_169, %dma_wait3A_170] : memref<10000x128xf32, #tpu.memory_space<hbm>> -> memref<10000x128xf32, #tpu.memory_space<hbm>>
        tpu.wait_indirect_dma semaphore(%arg18 : memref<!tpu.dma_semaphore, #tpu.memory_space<semaphore_mem>>) src(%dma_wait3A_171 : memref<10000x128xf32, #tpu.memory_space<hbm>>) dst(%arg12 : memref<80x128xf32, #tpu.memory_space<vmem>>)
        %dma_wait3A_172 = arith.constant 0 : i32
        %dma_wait3A_173 = tpu.memref_slice %arg11[%dma_wait3A_172] : memref<2000xi32, #tpu.memory_space<vmem>> -> memref<80xi32, #tpu.memory_space<vmem>>
        %dma_wait3A_174 = arith.constant 0 : i32
        %dma_wait3A_175 = arith.constant 0 : i32
        %dma_wait3A_176 = tpu.memref_slice %arg26[%dma_wait3A_174, %dma_wait3A_175] : memref<24x128xf32, #tpu.memory_space<vmem_shared>> -> memref<24x128xf32, #tpu.memory_space<vmem_shared>>
        tpu.wait_indirect_dma semaphore(%arg20 : memref<!tpu.dma_semaphore, #tpu.memory_space<semaphore_mem>>) src(%dma_wait3A_176 : memref<24x128xf32, #tpu.memory_space<vmem_shared>>) dst(%arg14 : memref<80x128xf32, #tpu.memory_space<vmem>>)
        %scan3A_177 = arith.constant 0 : i32
        %scan3A_178 = arith.constant 20 : i32
        %scan3A_179 = arith.addi %scan3A_177, %scan3A_178 : i32
        %scan3A_180 = arith.constant 1 : i32
        scf.for %scan3A_234 = %scan3A_177 to %scan3A_179 step %scan3A_180  : i32 {
          %mul3A_235 = arith.constant 4 : i32
          %mul3A_236 = arith.muli %scan3A_234, %mul3A_235 : i32
          %add3A_237 = arith.constant 0 : i32
          %add3A_238 = arith.addi %mul3A_236, %add3A_237 : i32
          %get3A = arith.index_cast %add3A_238 : i32 to index
          %get3A_239 = arith.constant 0 : index
          %get3A_240 = tpu.vector_load %arg12[%get3A, %get3A_239] {strides = array<i32>} : memref<80x128xf32, #tpu.memory_space<vmem>>, vector<1x16xf32>,
          %get3A_241 = vector.shape_cast %get3A_240 : vector<1x16xf32> to vector<16xf32>
          %get3A_242 = arith.index_cast %add3A_238 : i32 to index
          %get3A_243 = arith.constant 0 : index
          %get3A_244 = tpu.vector_load %arg14[%get3A_242, %get3A_243] {strides = array<i32>} : memref<80x128xf32, #tpu.memory_space<vmem>>, vector<1x16xf32>,
          %get3A_245 = vector.shape_cast %get3A_244 : vector<1x16xf32> to vector<16xf32>
          %mul3A_246 = arith.mulf %get3A_241, %get3A_245 : vector<16xf32>
          %swap3A = arith.index_cast %add3A_238 : i32 to index
          %swap3A_247 = arith.constant 0 : index
          %swap3A_248 = tpu.vector_load %arg12[%swap3A, %swap3A_247] {strides = array<i32>} : memref<80x128xf32, #tpu.memory_space<vmem>>, vector<1x16xf32>,
          %swap3A_249 = vector.shape_cast %swap3A_248 : vector<1x16xf32> to vector<16xf32>
          %swap3A_250 = vector.shape_cast %mul3A_246 : vector<16xf32> to vector<1x16xf32>
          tpu.vector_store %arg12[%swap3A, %swap3A_247], %swap3A_250 {strides = array<i32>} : memref<80x128xf32, #tpu.memory_space<vmem>>, vector<1x16xf32>,
          %get3A_251 = arith.index_cast %add3A_238 : i32 to index
          %get3A_252 = arith.constant 16 : index
          %get3A_253 = tpu.vector_load %arg12[%get3A_251, %get3A_252] {strides = array<i32>} : memref<80x128xf32, #tpu.memory_space<vmem>>, vector<1x16xf32>,
          %get3A_254 = vector.shape_cast %get3A_253 : vector<1x16xf32> to vector<16xf32>
          %get3A_255 = arith.index_cast %add3A_238 : i32 to index
          %get3A_256 = arith.constant 16 : index
          %get3A_257 = tpu.vector_load %arg14[%get3A_255, %get3A_256] {strides = array<i32>} : memref<80x128xf32, #tpu.memory_space<vmem>>, vector<1x16xf32>,
          %get3A_258 = vector.shape_cast %get3A_257 : vector<1x16xf32> to vector<16xf32>
          %mul3A_259 = arith.mulf %get3A_254, %get3A_258 : vector<16xf32>
          %swap3A_260 = arith.index_cast %add3A_238 : i32 to index
          %swap3A_261 = arith.constant 16 : index
          %swap3A_262 = tpu.vector_load %arg12[%swap3A_260, %swap3A_261] {strides = array<i32>} : memref<80x128xf32, #tpu.memory_space<vmem>>, vector<1x16xf32>,
          %swap3A_263 = vector.shape_cast %swap3A_262 : vector<1x16xf32> to vector<16xf32>
          %swap3A_264 = vector.shape_cast %mul3A_259 : vector<16xf32> to vector<1x16xf32>
          tpu.vector_store %arg12[%swap3A_260, %swap3A_261], %swap3A_264 {strides = array<i32>} : memref<80x128xf32, #tpu.memory_space<vmem>>, vector<1x16xf32>,
          %get3A_265 = arith.index_cast %add3A_238 : i32 to index
          %get3A_266 = arith.constant 32 : index
          %get3A_267 = tpu.vector_load %arg12[%get3A_265, %get3A_266] {strides = array<i32>} : memref<80x128xf32, #tpu.memory_space<vmem>>, vector<1x16xf32>,
          %get3A_268 = vector.shape_cast %get3A_267 : vector<1x16xf32> to vector<16xf32>
          %get3A_269 = arith.index_cast %add3A_238 : i32 to index
          %get3A_270 = arith.constant 32 : index
          %get3A_271 = tpu.vector_load %arg14[%get3A_269, %get3A_270] {strides = array<i32>} : memref<80x128xf32, #tpu.memory_space<vmem>>, vector<1x16xf32>,
          %get3A_272 = vector.shape_cast %get3A_271 : vector<1x16xf32> to vector<16xf32>
          %mul3A_273 = arith.mulf %get3A_268, %get3A_272 : vector<16xf32>
          %swap3A_274 = arith.index_cast %add3A_238 : i32 to index
          %swap3A_275 = arith.constant 32 : index
          %swap3A_276 = tpu.vector_load %arg12[%swap3A_274, %swap3A_275] {strides = array<i32>} : memref<80x128xf32, #tpu.memory_space<vmem>>, vector<1x16xf32>,
          %swap3A_277 = vector.shape_cast %swap3A_276 : vector<1x16xf32> to vector<16xf32>
          %swap3A_278 = vector.shape_cast %mul3A_273 : vector<16xf32> to vector<1x16xf32>
          tpu.vector_store %arg12[%swap3A_274, %swap3A_275], %swap3A_278 {strides = array<i32>} : memref<80x128xf32, #tpu.memory_space<vmem>>, vector<1x16xf32>,
          %get3A_279 = arith.index_cast %add3A_238 : i32 to index
          %get3A_280 = arith.constant 48 : index
          %get3A_281 = tpu.vector_load %arg12[%get3A_279, %get3A_280] {strides = array<i32>} : memref<80x128xf32, #tpu.memory_space<vmem>>, vector<1x16xf32>,
          %get3A_282 = vector.shape_cast %get3A_281 : vector<1x16xf32> to vector<16xf32>
          %get3A_283 = arith.index_cast %add3A_238 : i32 to index
          %get3A_284 = arith.constant 48 : index
          %get3A_285 = tpu.vector_load %arg14[%get3A_283, %get3A_284] {strides = array<i32>} : memref<80x128xf32, #tpu.memory_space<vmem>>, vector<1x16xf32>,
          %get3A_286 = vector.shape_cast %get3A_285 : vector<1x16xf32> to vector<16xf32>
          %mul3A_287 = arith.mulf %get3A_282, %get3A_286 : vector<16xf32>
          %swap3A_288 = arith.index_cast %add3A_238 : i32 to index
          %swap3A_289 = arith.constant 48 : index
          %swap3A_290 = tpu.vector_load %arg12[%swap3A_288, %swap3A_289] {strides = array<i32>} : memref<80x128xf32, #tpu.memory_space<vmem>>, vector<1x16xf32>,
          %swap3A_291 = vector.shape_cast %swap3A_290 : vector<1x16xf32> to vector<16xf32>
          %swap3A_292 = vector.shape_cast %mul3A_287 : vector<16xf32> to vector<1x16xf32>
          tpu.vector_store %arg12[%swap3A_288, %swap3A_289], %swap3A_292 {strides = array<i32>} : memref<80x128xf32, #tpu.memory_space<vmem>>, vector<1x16xf32>,
          %get3A_293 = arith.index_cast %add3A_238 : i32 to index
          %get3A_294 = arith.constant 64 : index
          %get3A_295 = tpu.vector_load %arg12[%get3A_293, %get3A_294] {strides = array<i32>} : memref<80x128xf32, #tpu.memory_space<vmem>>, vector<1x16xf32>,
          %get3A_296 = vector.shape_cast %get3A_295 : vector<1x16xf32> to vector<16xf32>
          %get3A_297 = arith.index_cast %add3A_238 : i32 to index
          %get3A_298 = arith.constant 64 : index
          %get3A_299 = tpu.vector_load %arg14[%get3A_297, %get3A_298] {strides = array<i32>} : memref<80x128xf32, #tpu.memory_space<vmem>>, vector<1x16xf32>,
          %get3A_300 = vector.shape_cast %get3A_299 : vector<1x16xf32> to vector<16xf32>
          %mul3A_301 = arith.mulf %get3A_296, %get3A_300 : vector<16xf32>
          %swap3A_302 = arith.index_cast %add3A_238 : i32 to index
          %swap3A_303 = arith.constant 64 : index
          %swap3A_304 = tpu.vector_load %arg12[%swap3A_302, %swap3A_303] {strides = array<i32>} : memref<80x128xf32, #tpu.memory_space<vmem>>, vector<1x16xf32>,
          %swap3A_305 = vector.shape_cast %swap3A_304 : vector<1x16xf32> to vector<16xf32>
          %swap3A_306 = vector.shape_cast %mul3A_301 : vector<16xf32> to vector<1x16xf32>
          tpu.vector_store %arg12[%swap3A_302, %swap3A_303], %swap3A_306 {strides = array<i32>} : memref<80x128xf32, #tpu.memory_space<vmem>>, vector<1x16xf32>,
          %get3A_307 = arith.index_cast %add3A_238 : i32 to index
          %get3A_308 = arith.constant 80 : index
          %get3A_309 = tpu.vector_load %arg12[%get3A_307, %get3A_308] {strides = array<i32>} : memref<80x128xf32, #tpu.memory_space<vmem>>, vector<1x16xf32>,
          %get3A_310 = vector.shape_cast %get3A_309 : vector<1x16xf32> to vector<16xf32>
          %get3A_311 = arith.index_cast %add3A_238 : i32 to index
          %get3A_312 = arith.constant 80 : index
          %get3A_313 = tpu.vector_load %arg14[%get3A_311, %get3A_312] {strides = array<i32>} : memref<80x128xf32, #tpu.memory_space<vmem>>, vector<1x16xf32>,
          %get3A_314 = vector.shape_cast %get3A_313 : vector<1x16xf32> to vector<16xf32>
          %mul3A_315 = arith.mulf %get3A_310, %get3A_314 : vector<16xf32>
          %swap3A_316 = arith.index_cast %add3A_238 : i32 to index
          %swap3A_317 = arith.constant 80 : index
          %swap3A_318 = tpu.vector_load %arg12[%swap3A_316, %swap3A_317] {strides = array<i32>} : memref<80x128xf32, #tpu.memory_space<vmem>>, vector<1x16xf32>,
          %swap3A_319 = vector.shape_cast %swap3A_318 : vector<1x16xf32> to vector<16xf32>
          %swap3A_320 = vector.shape_cast %mul3A_315 : vector<16xf32> to vector<1x16xf32>
          tpu.vector_store %arg12[%swap3A_316, %swap3A_317], %swap3A_320 {strides = array<i32>} : memref<80x128xf32, #tpu.memory_space<vmem>>, vector<1x16xf32>,
          %get3A_321 = arith.index_cast %add3A_238 : i32 to index
          %get3A_322 = arith.constant 96 : index
          %get3A_323 = tpu.vector_load %arg12[%get3A_321, %get3A_322] {strides = array<i32>} : memref<80x128xf32, #tpu.memory_space<vmem>>, vector<1x16xf32>,
          %get3A_324 = vector.shape_cast %get3A_323 : vector<1x16xf32> to vector<16xf32>
          %get3A_325 = arith.index_cast %add3A_238 : i32 to index
          %get3A_326 = arith.constant 96 : index
          %get3A_327 = tpu.vector_load %arg14[%get3A_325, %get3A_326] {strides = array<i32>} : memref<80x128xf32, #tpu.memory_space<vmem>>, vector<1x16xf32>,
          %get3A_328 = vector.shape_cast %get3A_327 : vector<1x16xf32> to vector<16xf32>
          %mul3A_329 = arith.mulf %get3A_324, %get3A_328 : vector<16xf32>
          %swap3A_330 = arith.index_cast %add3A_238 : i32 to index
          %swap3A_331 = arith.constant 96 : index
          %swap3A_332 = tpu.vector_load %arg12[%swap3A_330, %swap3A_331] {strides = array<i32>} : memref<80x128xf32, #tpu.memory_space<vmem>>, vector<1x16xf32>,
          %swap3A_333 = vector.shape_cast %swap3A_332 : vector<1x16xf32> to vector<16xf32>
          %swap3A_334 = vector.shape_cast %mul3A_329 : vector<16xf32> to vector<1x16xf32>
          tpu.vector_store %arg12[%swap3A_330, %swap3A_331], %swap3A_334 {strides = array<i32>} : memref<80x128xf32, #tpu.memory_space<vmem>>, vector<1x16xf32>,
          %get3A_335 = arith.index_cast %add3A_238 : i32 to index
          %get3A_336 = arith.constant 112 : index
          %get3A_337 = tpu.vector_load %arg12[%get3A_335, %get3A_336] {strides = array<i32>} : memref<80x128xf32, #tpu.memory_space<vmem>>, vector<1x16xf32>,
          %get3A_338 = vector.shape_cast %get3A_337 : vector<1x16xf32> to vector<16xf32>
          %get3A_339 = arith.index_cast %add3A_238 : i32 to index
          %get3A_340 = arith.constant 112 : index
          %get3A_341 = tpu.vector_load %arg14[%get3A_339, %get3A_340] {strides = array<i32>} : memref<80x128xf32, #tpu.memory_space<vmem>>, vector<1x16xf32>,
          %get3A_342 = vector.shape_cast %get3A_341 : vector<1x16xf32> to vector<16xf32>
          %mul3A_343 = arith.mulf %get3A_338, %get3A_342 : vector<16xf32>
          %swap3A_344 = arith.index_cast %add3A_238 : i32 to index
          %swap3A_345 = arith.constant 112 : index
          %swap3A_346 = tpu.vector_load %arg12[%swap3A_344, %swap3A_345] {strides = array<i32>} : memref<80x128xf32, #tpu.memory_space<vmem>>, vector<1x16xf32>,
          %swap3A_347 = vector.shape_cast %swap3A_346 : vector<1x16xf32> to vector<16xf32>
          %swap3A_348 = vector.shape_cast %mul3A_343 : vector<16xf32> to vector<1x16xf32>
          tpu.vector_store %arg12[%swap3A_344, %swap3A_345], %swap3A_348 {strides = array<i32>} : memref<80x128xf32, #tpu.memory_space<vmem>>, vector<1x16xf32>,
          %mul3A_349 = arith.constant 4 : i32
          %mul3A_350 = arith.muli %scan3A_234, %mul3A_349 : i32
          %add3A_351 = arith.constant 1 : i32
          %add3A_352 = arith.addi %mul3A_350, %add3A_351 : i32
          %get3A_353 = arith.index_cast %add3A_352 : i32 to index
          %get3A_354 = arith.constant 0 : index
          %get3A_355 = tpu.vector_load %arg12[%get3A_353, %get3A_354] {strides = array<i32>} : memref<80x128xf32, #tpu.memory_space<vmem>>, vector<1x16xf32>,
          %get3A_356 = vector.shape_cast %get3A_355 : vector<1x16xf32> to vector<16xf32>
          %get3A_357 = arith.index_cast %add3A_352 : i32 to index
          %get3A_358 = arith.constant 0 : index
          %get3A_359 = tpu.vector_load %arg14[%get3A_357, %get3A_358] {strides = array<i32>} : memref<80x128xf32, #tpu.memory_space<vmem>>, vector<1x16xf32>,
          %get3A_360 = vector.shape_cast %get3A_359 : vector<1x16xf32> to vector<16xf32>
          %mul3A_361 = arith.mulf %get3A_356, %get3A_360 : vector<16xf32>
          %swap3A_362 = arith.index_cast %add3A_352 : i32 to index
          %swap3A_363 = arith.constant 0 : index
          %swap3A_364 = tpu.vector_load %arg12[%swap3A_362, %swap3A_363] {strides = array<i32>} : memref<80x128xf32, #tpu.memory_space<vmem>>, vector<1x16xf32>,
          %swap3A_365 = vector.shape_cast %swap3A_364 : vector<1x16xf32> to vector<16xf32>
          %swap3A_366 = vector.shape_cast %mul3A_361 : vector<16xf32> to vector<1x16xf32>
          tpu.vector_store %arg12[%swap3A_362, %swap3A_363], %swap3A_366 {strides = array<i32>} : memref<80x128xf32, #tpu.memory_space<vmem>>, vector<1x16xf32>,
          %get3A_367 = arith.index_cast %add3A_352 : i32 to index
          %get3A_368 = arith.constant 16 : index
          %get3A_369 = tpu.vector_load %arg12[%get3A_367, %get3A_368] {strides = array<i32>} : memref<80x128xf32, #tpu.memory_space<vmem>>, vector<1x16xf32>,
          %get3A_370 = vector.shape_cast %get3A_369 : vector<1x16xf32> to vector<16xf32>
          %get3A_371 = arith.index_cast %add3A_352 : i32 to index
          %get3A_372 = arith.constant 16 : index
          %get3A_373 = tpu.vector_load %arg14[%get3A_371, %get3A_372] {strides = array<i32>} : memref<80x128xf32, #tpu.memory_space<vmem>>, vector<1x16xf32>,
          %get3A_374 = vector.shape_cast %get3A_373 : vector<1x16xf32> to vector<16xf32>
          %mul3A_375 = arith.mulf %get3A_370, %get3A_374 : vector<16xf32>
          %swap3A_376 = arith.index_cast %add3A_352 : i32 to index
          %swap3A_377 = arith.constant 16 : index
          %swap3A_378 = tpu.vector_load %arg12[%swap3A_376, %swap3A_377] {strides = array<i32>} : memref<80x128xf32, #tpu.memory_space<vmem>>, vector<1x16xf32>,
          %swap3A_379 = vector.shape_cast %swap3A_378 : vector<1x16xf32> to vector<16xf32>
          %swap3A_380 = vector.shape_cast %mul3A_375 : vector<16xf32> to vector<1x16xf32>
          tpu.vector_store %arg12[%swap3A_376, %swap3A_377], %swap3A_380 {strides = array<i32>} : memref<80x128xf32, #tpu.memory_space<vmem>>, vector<1x16xf32>,
          %get3A_381 = arith.index_cast %add3A_352 : i32 to index
          %get3A_382 = arith.constant 32 : index
          %get3A_383 = tpu.vector_load %arg12[%get3A_381, %get3A_382] {strides = array<i32>} : memref<80x128xf32, #tpu.memory_space<vmem>>, vector<1x16xf32>,
          %get3A_384 = vector.shape_cast %get3A_383 : vector<1x16xf32> to vector<16xf32>
          %get3A_385 = arith.index_cast %add3A_352 : i32 to index
          %get3A_386 = arith.constant 32 : index
          %get3A_387 = tpu.vector_load %arg14[%get3A_385, %get3A_386] {strides = array<i32>} : memref<80x128xf32, #tpu.memory_space<vmem>>, vector<1x16xf32>,
          %get3A_388 = vector.shape_cast %get3A_387 : vector<1x16xf32> to vector<16xf32>
          %mul3A_389 = arith.mulf %get3A_384, %get3A_388 : vector<16xf32>
          %swap3A_390 = arith.index_cast %add3A_352 : i32 to index
          %swap3A_391 = arith.constant 32 : index
          %swap3A_392 = tpu.vector_load %arg12[%swap3A_390, %swap3A_391] {strides = array<i32>} : memref<80x128xf32, #tpu.memory_space<vmem>>, vector<1x16xf32>,
          %swap3A_393 = vector.shape_cast %swap3A_392 : vector<1x16xf32> to vector<16xf32>
          %swap3A_394 = vector.shape_cast %mul3A_389 : vector<16xf32> to vector<1x16xf32>
          tpu.vector_store %arg12[%swap3A_390, %swap3A_391], %swap3A_394 {strides = array<i32>} : memref<80x128xf32, #tpu.memory_space<vmem>>, vector<1x16xf32>,
          %get3A_395 = arith.index_cast %add3A_352 : i32 to index
          %get3A_396 = arith.constant 48 : index
          %get3A_397 = tpu.vector_load %arg12[%get3A_395, %get3A_396] {strides = array<i32>} : memref<80x128xf32, #tpu.memory_space<vmem>>, vector<1x16xf32>,
          %get3A_398 = vector.shape_cast %get3A_397 : vector<1x16xf32> to vector<16xf32>
          %get3A_399 = arith.index_cast %add3A_352 : i32 to index
          %get3A_400 = arith.constant 48 : index
          %get3A_401 = tpu.vector_load %arg14[%get3A_399, %get3A_400] {strides = array<i32>} : memref<80x128xf32, #tpu.memory_space<vmem>>, vector<1x16xf32>,
          %get3A_402 = vector.shape_cast %get3A_401 : vector<1x16xf32> to vector<16xf32>
          %mul3A_403 = arith.mulf %get3A_398, %get3A_402 : vector<16xf32>
          %swap3A_404 = arith.index_cast %add3A_352 : i32 to index
          %swap3A_405 = arith.constant 48 : index
          %swap3A_406 = tpu.vector_load %arg12[%swap3A_404, %swap3A_405] {strides = array<i32>} : memref<80x128xf32, #tpu.memory_space<vmem>>, vector<1x16xf32>,
          %swap3A_407 = vector.shape_cast %swap3A_406 : vector<1x16xf32> to vector<16xf32>
          %swap3A_408 = vector.shape_cast %mul3A_403 : vector<16xf32> to vector<1x16xf32>
          tpu.vector_store %arg12[%swap3A_404, %swap3A_405], %swap3A_408 {strides = array<i32>} : memref<80x128xf32, #tpu.memory_space<vmem>>, vector<1x16xf32>,
          %get3A_409 = arith.index_cast %add3A_352 : i32 to index
          %get3A_410 = arith.constant 64 : index
          %get3A_411 = tpu.vector_load %arg12[%get3A_409, %get3A_410] {strides = array<i32>} : memref<80x128xf32, #tpu.memory_space<vmem>>, vector<1x16xf32>,
          %get3A_412 = vector.shape_cast %get3A_411 : vector<1x16xf32> to vector<16xf32>
          %get3A_413 = arith.index_cast %add3A_352 : i32 to index
          %get3A_414 = arith.constant 64 : index
          %get3A_415 = tpu.vector_load %arg14[%get3A_413, %get3A_414] {strides = array<i32>} : memref<80x128xf32, #tpu.memory_space<vmem>>, vector<1x16xf32>,
          %get3A_416 = vector.shape_cast %get3A_415 : vector<1x16xf32> to vector<16xf32>
          %mul3A_417 = arith.mulf %get3A_412, %get3A_416 : vector<16xf32>
          %swap3A_418 = arith.index_cast %add3A_352 : i32 to index
          %swap3A_419 = arith.constant 64 : index
          %swap3A_420 = tpu.vector_load %arg12[%swap3A_418, %swap3A_419] {strides = array<i32>} : memref<80x128xf32, #tpu.memory_space<vmem>>, vector<1x16xf32>,
          %swap3A_421 = vector.shape_cast %swap3A_420 : vector<1x16xf32> to vector<16xf32>
          %swap3A_422 = vector.shape_cast %mul3A_417 : vector<16xf32> to vector<1x16xf32>
          tpu.vector_store %arg12[%swap3A_418, %swap3A_419], %swap3A_422 {strides = array<i32>} : memref<80x128xf32, #tpu.memory_space<vmem>>, vector<1x16xf32>,
          %get3A_423 = arith.index_cast %add3A_352 : i32 to index
          %get3A_424 = arith.constant 80 : index
          %get3A_425 = tpu.vector_load %arg12[%get3A_423, %get3A_424] {strides = array<i32>} : memref<80x128xf32, #tpu.memory_space<vmem>>, vector<1x16xf32>,
          %get3A_426 = vector.shape_cast %get3A_425 : vector<1x16xf32> to vector<16xf32>
          %get3A_427 = arith.index_cast %add3A_352 : i32 to index
          %get3A_428 = arith.constant 80 : index
          %get3A_429 = tpu.vector_load %arg14[%get3A_427, %get3A_428] {strides = array<i32>} : memref<80x128xf32, #tpu.memory_space<vmem>>, vector<1x16xf32>,
          %get3A_430 = vector.shape_cast %get3A_429 : vector<1x16xf32> to vector<16xf32>
          %mul3A_431 = arith.mulf %get3A_426, %get3A_430 : vector<16xf32>
          %swap3A_432 = arith.index_cast %add3A_352 : i32 to index
          %swap3A_433 = arith.constant 80 : index
          %swap3A_434 = tpu.vector_load %arg12[%swap3A_432, %swap3A_433] {strides = array<i32>} : memref<80x128xf32, #tpu.memory_space<vmem>>, vector<1x16xf32>,
          %swap3A_435 = vector.shape_cast %swap3A_434 : vector<1x16xf32> to vector<16xf32>
          %swap3A_436 = vector.shape_cast %mul3A_431 : vector<16xf32> to vector<1x16xf32>
          tpu.vector_store %arg12[%swap3A_432, %swap3A_433], %swap3A_436 {strides = array<i32>} : memref<80x128xf32, #tpu.memory_space<vmem>>, vector<1x16xf32>,
          %get3A_437 = arith.index_cast %add3A_352 : i32 to index
          %get3A_438 = arith.constant 96 : index
          %get3A_439 = tpu.vector_load %arg12[%get3A_437, %get3A_438] {strides = array<i32>} : memref<80x128xf32, #tpu.memory_space<vmem>>, vector<1x16xf32>,
          %get3A_440 = vector.shape_cast %get3A_439 : vector<1x16xf32> to vector<16xf32>
          %get3A_441 = arith.index_cast %add3A_352 : i32 to index
          %get3A_442 = arith.constant 96 : index
          %get3A_443 = tpu.vector_load %arg14[%get3A_441, %get3A_442] {strides = array<i32>} : memref<80x128xf32, #tpu.memory_space<vmem>>, vector<1x16xf32>,
          %get3A_444 = vector.shape_cast %get3A_443 : vector<1x16xf32> to vector<16xf32>
          %mul3A_445 = arith.mulf %get3A_440, %get3A_444 : vector<16xf32>
          %swap3A_446 = arith.index_cast %add3A_352 : i32 to index
          %swap3A_447 = arith.constant 96 : index
          %swap3A_448 = tpu.vector_load %arg12[%swap3A_446, %swap3A_447] {strides = array<i32>} : memref<80x128xf32, #tpu.memory_space<vmem>>, vector<1x16xf32>,
          %swap3A_449 = vector.shape_cast %swap3A_448 : vector<1x16xf32> to vector<16xf32>
          %swap3A_450 = vector.shape_cast %mul3A_445 : vector<16xf32> to vector<1x16xf32>
          tpu.vector_store %arg12[%swap3A_446, %swap3A_447], %swap3A_450 {strides = array<i32>} : memref<80x128xf32, #tpu.memory_space<vmem>>, vector<1x16xf32>,
          %get3A_451 = arith.index_cast %add3A_352 : i32 to index
          %get3A_452 = arith.constant 112 : index
          %get3A_453 = tpu.vector_load %arg12[%get3A_451, %get3A_452] {strides = array<i32>} : memref<80x128xf32, #tpu.memory_space<vmem>>, vector<1x16xf32>,
          %get3A_454 = vector.shape_cast %get3A_453 : vector<1x16xf32> to vector<16xf32>
          %get3A_455 = arith.index_cast %add3A_352 : i32 to index
          %get3A_456 = arith.constant 112 : index
          %get3A_457 = tpu.vector_load %arg14[%get3A_455, %get3A_456] {strides = array<i32>} : memref<80x128xf32, #tpu.memory_space<vmem>>, vector<1x16xf32>,
          %get3A_458 = vector.shape_cast %get3A_457 : vector<1x16xf32> to vector<16xf32>
          %mul3A_459 = arith.mulf %get3A_454, %get3A_458 : vector<16xf32>
          %swap3A_460 = arith.index_cast %add3A_352 : i32 to index
          %swap3A_461 = arith.constant 112 : index
          %swap3A_462 = tpu.vector_load %arg12[%swap3A_460, %swap3A_461] {strides = array<i32>} : memref<80x128xf32, #tpu.memory_space<vmem>>, vector<1x16xf32>,
          %swap3A_463 = vector.shape_cast %swap3A_462 : vector<1x16xf32> to vector<16xf32>
          %swap3A_464 = vector.shape_cast %mul3A_459 : vector<16xf32> to vector<1x16xf32>
          tpu.vector_store %arg12[%swap3A_460, %swap3A_461], %swap3A_464 {strides = array<i32>} : memref<80x128xf32, #tpu.memory_space<vmem>>, vector<1x16xf32>,
          %mul3A_465 = arith.constant 4 : i32
          %mul3A_466 = arith.muli %scan3A_234, %mul3A_465 : i32
          %add3A_467 = arith.constant 2 : i32
          %add3A_468 = arith.addi %mul3A_466, %add3A_467 : i32
          %get3A_469 = arith.index_cast %add3A_468 : i32 to index
          %get3A_470 = arith.constant 0 : index
          %get3A_471 = tpu.vector_load %arg12[%get3A_469, %get3A_470] {strides = array<i32>} : memref<80x128xf32, #tpu.memory_space<vmem>>, vector<1x16xf32>,
          %get3A_472 = vector.shape_cast %get3A_471 : vector<1x16xf32> to vector<16xf32>
          %get3A_473 = arith.index_cast %add3A_468 : i32 to index
          %get3A_474 = arith.constant 0 : index
          %get3A_475 = tpu.vector_load %arg14[%get3A_473, %get3A_474] {strides = array<i32>} : memref<80x128xf32, #tpu.memory_space<vmem>>, vector<1x16xf32>,
          %get3A_476 = vector.shape_cast %get3A_475 : vector<1x16xf32> to vector<16xf32>
          %mul3A_477 = arith.mulf %get3A_472, %get3A_476 : vector<16xf32>
          %swap3A_478 = arith.index_cast %add3A_468 : i32 to index
          %swap3A_479 = arith.constant 0 : index
          %swap3A_480 = tpu.vector_load %arg12[%swap3A_478, %swap3A_479] {strides = array<i32>} : memref<80x128xf32, #tpu.memory_space<vmem>>, vector<1x16xf32>,
          %swap3A_481 = vector.shape_cast %swap3A_480 : vector<1x16xf32> to vector<16xf32>
          %swap3A_482 = vector.shape_cast %mul3A_477 : vector<16xf32> to vector<1x16xf32>
          tpu.vector_store %arg12[%swap3A_478, %swap3A_479], %swap3A_482 {strides = array<i32>} : memref<80x128xf32, #tpu.memory_space<vmem>>, vector<1x16xf32>,
          %get3A_483 = arith.index_cast %add3A_468 : i32 to index
          %get3A_484 = arith.constant 16 : index
          %get3A_485 = tpu.vector_load %arg12[%get3A_483, %get3A_484] {strides = array<i32>} : memref<80x128xf32, #tpu.memory_space<vmem>>, vector<1x16xf32>,
          %get3A_486 = vector.shape_cast %get3A_485 : vector<1x16xf32> to vector<16xf32>
          %get3A_487 = arith.index_cast %add3A_468 : i32 to index
          %get3A_488 = arith.constant 16 : index
          %get3A_489 = tpu.vector_load %arg14[%get3A_487, %get3A_488] {strides = array<i32>} : memref<80x128xf32, #tpu.memory_space<vmem>>, vector<1x16xf32>,
          %get3A_490 = vector.shape_cast %get3A_489 : vector<1x16xf32> to vector<16xf32>
          %mul3A_491 = arith.mulf %get3A_486, %get3A_490 : vector<16xf32>
          %swap3A_492 = arith.index_cast %add3A_468 : i32 to index
          %swap3A_493 = arith.constant 16 : index
          %swap3A_494 = tpu.vector_load %arg12[%swap3A_492, %swap3A_493] {strides = array<i32>} : memref<80x128xf32, #tpu.memory_space<vmem>>, vector<1x16xf32>,
          %swap3A_495 = vector.shape_cast %swap3A_494 : vector<1x16xf32> to vector<16xf32>
          %swap3A_496 = vector.shape_cast %mul3A_491 : vector<16xf32> to vector<1x16xf32>
          tpu.vector_store %arg12[%swap3A_492, %swap3A_493], %swap3A_496 {strides = array<i32>} : memref<80x128xf32, #tpu.memory_space<vmem>>, vector<1x16xf32>,
          %get3A_497 = arith.index_cast %add3A_468 : i32 to index
          %get3A_498 = arith.constant 32 : index
          %get3A_499 = tpu.vector_load %arg12[%get3A_497, %get3A_498] {strides = array<i32>} : memref<80x128xf32, #tpu.memory_space<vmem>>, vector<1x16xf32>,
          %get3A_500 = vector.shape_cast %get3A_499 : vector<1x16xf32> to vector<16xf32>
          %get3A_501 = arith.index_cast %add3A_468 : i32 to index
          %get3A_502 = arith.constant 32 : index
          %get3A_503 = tpu.vector_load %arg14[%get3A_501, %get3A_502] {strides = array<i32>} : memref<80x128xf32, #tpu.memory_space<vmem>>, vector<1x16xf32>,
          %get3A_504 = vector.shape_cast %get3A_503 : vector<1x16xf32> to vector<16xf32>
          %mul3A_505 = arith.mulf %get3A_500, %get3A_504 : vector<16xf32>
          %swap3A_506 = arith.index_cast %add3A_468 : i32 to index
          %swap3A_507 = arith.constant 32 : index
          %swap3A_508 = tpu.vector_load %arg12[%swap3A_506, %swap3A_507] {strides = array<i32>} : memref<80x128xf32, #tpu.memory_space<vmem>>, vector<1x16xf32>,
          %swap3A_509 = vector.shape_cast %swap3A_508 : vector<1x16xf32> to vector<16xf32>
          %swap3A_510 = vector.shape_cast %mul3A_505 : vector<16xf32> to vector<1x16xf32>
          tpu.vector_store %arg12[%swap3A_506, %swap3A_507], %swap3A_510 {strides = array<i32>} : memref<80x128xf32, #tpu.memory_space<vmem>>, vector<1x16xf32>,
          %get3A_511 = arith.index_cast %add3A_468 : i32 to index
          %get3A_512 = arith.constant 48 : index
          %get3A_513 = tpu.vector_load %arg12[%get3A_511, %get3A_512] {strides = array<i32>} : memref<80x128xf32, #tpu.memory_space<vmem>>, vector<1x16xf32>,
          %get3A_514 = vector.shape_cast %get3A_513 : vector<1x16xf32> to vector<16xf32>
          %get3A_515 = arith.index_cast %add3A_468 : i32 to index
          %get3A_516 = arith.constant 48 : index
          %get3A_517 = tpu.vector_load %arg14[%get3A_515, %get3A_516] {strides = array<i32>} : memref<80x128xf32, #tpu.memory_space<vmem>>, vector<1x16xf32>,
          %get3A_518 = vector.shape_cast %get3A_517 : vector<1x16xf32> to vector<16xf32>
          %mul3A_519 = arith.mulf %get3A_514, %get3A_518 : vector<16xf32>
          %swap3A_520 = arith.index_cast %add3A_468 : i32 to index
          %swap3A_521 = arith.constant 48 : index
          %swap3A_522 = tpu.vector_load %arg12[%swap3A_520, %swap3A_521] {strides = array<i32>} : memref<80x128xf32, #tpu.memory_space<vmem>>, vector<1x16xf32>,
          %swap3A_523 = vector.shape_cast %swap3A_522 : vector<1x16xf32> to vector<16xf32>
          %swap3A_524 = vector.shape_cast %mul3A_519 : vector<16xf32> to vector<1x16xf32>
          tpu.vector_store %arg12[%swap3A_520, %swap3A_521], %swap3A_524 {strides = array<i32>} : memref<80x128xf32, #tpu.memory_space<vmem>>, vector<1x16xf32>,
          %get3A_525 = arith.index_cast %add3A_468 : i32 to index
          %get3A_526 = arith.constant 64 : index
          %get3A_527 = tpu.vector_load %arg12[%get3A_525, %get3A_526] {strides = array<i32>} : memref<80x128xf32, #tpu.memory_space<vmem>>, vector<1x16xf32>,
          %get3A_528 = vector.shape_cast %get3A_527 : vector<1x16xf32> to vector<16xf32>
          %get3A_529 = arith.index_cast %add3A_468 : i32 to index
          %get3A_530 = arith.constant 64 : index
          %get3A_531 = tpu.vector_load %arg14[%get3A_529, %get3A_530] {strides = array<i32>} : memref<80x128xf32, #tpu.memory_space<vmem>>, vector<1x16xf32>,
          %get3A_532 = vector.shape_cast %get3A_531 : vector<1x16xf32> to vector<16xf32>
          %mul3A_533 = arith.mulf %get3A_528, %get3A_532 : vector<16xf32>
          %swap3A_534 = arith.index_cast %add3A_468 : i32 to index
          %swap3A_535 = arith.constant 64 : index
          %swap3A_536 = tpu.vector_load %arg12[%swap3A_534, %swap3A_535] {strides = array<i32>} : memref<80x128xf32, #tpu.memory_space<vmem>>, vector<1x16xf32>,
          %swap3A_537 = vector.shape_cast %swap3A_536 : vector<1x16xf32> to vector<16xf32>
          %swap3A_538 = vector.shape_cast %mul3A_533 : vector<16xf32> to vector<1x16xf32>
          tpu.vector_store %arg12[%swap3A_534, %swap3A_535], %swap3A_538 {strides = array<i32>} : memref<80x128xf32, #tpu.memory_space<vmem>>, vector<1x16xf32>,
          %get3A_539 = arith.index_cast %add3A_468 : i32 to index
          %get3A_540 = arith.constant 80 : index
          %get3A_541 = tpu.vector_load %arg12[%get3A_539, %get3A_540] {strides = array<i32>} : memref<80x128xf32, #tpu.memory_space<vmem>>, vector<1x16xf32>,
          %get3A_542 = vector.shape_cast %get3A_541 : vector<1x16xf32> to vector<16xf32>
          %get3A_543 = arith.index_cast %add3A_468 : i32 to index
          %get3A_544 = arith.constant 80 : index
          %get3A_545 = tpu.vector_load %arg14[%get3A_543, %get3A_544] {strides = array<i32>} : memref<80x128xf32, #tpu.memory_space<vmem>>, vector<1x16xf32>,
          %get3A_546 = vector.shape_cast %get3A_545 : vector<1x16xf32> to vector<16xf32>
          %mul3A_547 = arith.mulf %get3A_542, %get3A_546 : vector<16xf32>
          %swap3A_548 = arith.index_cast %add3A_468 : i32 to index
          %swap3A_549 = arith.constant 80 : index
          %swap3A_550 = tpu.vector_load %arg12[%swap3A_548, %swap3A_549] {strides = array<i32>} : memref<80x128xf32, #tpu.memory_space<vmem>>, vector<1x16xf32>,
          %swap3A_551 = vector.shape_cast %swap3A_550 : vector<1x16xf32> to vector<16xf32>
          %swap3A_552 = vector.shape_cast %mul3A_547 : vector<16xf32> to vector<1x16xf32>
          tpu.vector_store %arg12[%swap3A_548, %swap3A_549], %swap3A_552 {strides = array<i32>} : memref<80x128xf32, #tpu.memory_space<vmem>>, vector<1x16xf32>,
          %get3A_553 = arith.index_cast %add3A_468 : i32 to index
          %get3A_554 = arith.constant 96 : index
          %get3A_555 = tpu.vector_load %arg12[%get3A_553, %get3A_554] {strides = array<i32>} : memref<80x128xf32, #tpu.memory_space<vmem>>, vector<1x16xf32>,
          %get3A_556 = vector.shape_cast %get3A_555 : vector<1x16xf32> to vector<16xf32>
          %get3A_557 = arith.index_cast %add3A_468 : i32 to index
          %get3A_558 = arith.constant 96 : index
          %get3A_559 = tpu.vector_load %arg14[%get3A_557, %get3A_558] {strides = array<i32>} : memref<80x128xf32, #tpu.memory_space<vmem>>, vector<1x16xf32>,
          %get3A_560 = vector.shape_cast %get3A_559 : vector<1x16xf32> to vector<16xf32>
          %mul3A_561 = arith.mulf %get3A_556, %get3A_560 : vector<16xf32>
          %swap3A_562 = arith.index_cast %add3A_468 : i32 to index
          %swap3A_563 = arith.constant 96 : index
          %swap3A_564 = tpu.vector_load %arg12[%swap3A_562, %swap3A_563] {strides = array<i32>} : memref<80x128xf32, #tpu.memory_space<vmem>>, vector<1x16xf32>,
          %swap3A_565 = vector.shape_cast %swap3A_564 : vector<1x16xf32> to vector<16xf32>
          %swap3A_566 = vector.shape_cast %mul3A_561 : vector<16xf32> to vector<1x16xf32>
          tpu.vector_store %arg12[%swap3A_562, %swap3A_563], %swap3A_566 {strides = array<i32>} : memref<80x128xf32, #tpu.memory_space<vmem>>, vector<1x16xf32>,
          %get3A_567 = arith.index_cast %add3A_468 : i32 to index
          %get3A_568 = arith.constant 112 : index
          %get3A_569 = tpu.vector_load %arg12[%get3A_567, %get3A_568] {strides = array<i32>} : memref<80x128xf32, #tpu.memory_space<vmem>>, vector<1x16xf32>,
          %get3A_570 = vector.shape_cast %get3A_569 : vector<1x16xf32> to vector<16xf32>
          %get3A_571 = arith.index_cast %add3A_468 : i32 to index
          %get3A_572 = arith.constant 112 : index
          %get3A_573 = tpu.vector_load %arg14[%get3A_571, %get3A_572] {strides = array<i32>} : memref<80x128xf32, #tpu.memory_space<vmem>>, vector<1x16xf32>,
          %get3A_574 = vector.shape_cast %get3A_573 : vector<1x16xf32> to vector<16xf32>
          %mul3A_575 = arith.mulf %get3A_570, %get3A_574 : vector<16xf32>
          %swap3A_576 = arith.index_cast %add3A_468 : i32 to index
          %swap3A_577 = arith.constant 112 : index
          %swap3A_578 = tpu.vector_load %arg12[%swap3A_576, %swap3A_577] {strides = array<i32>} : memref<80x128xf32, #tpu.memory_space<vmem>>, vector<1x16xf32>,
          %swap3A_579 = vector.shape_cast %swap3A_578 : vector<1x16xf32> to vector<16xf32>
          %swap3A_580 = vector.shape_cast %mul3A_575 : vector<16xf32> to vector<1x16xf32>
          tpu.vector_store %arg12[%swap3A_576, %swap3A_577], %swap3A_580 {strides = array<i32>} : memref<80x128xf32, #tpu.memory_space<vmem>>, vector<1x16xf32>,
          %mul3A_581 = arith.constant 4 : i32
          %mul3A_582 = arith.muli %scan3A_234, %mul3A_581 : i32
          %add3A_583 = arith.constant 3 : i32
          %add3A_584 = arith.addi %mul3A_582, %add3A_583 : i32
          %get3A_585 = arith.index_cast %add3A_584 : i32 to index
          %get3A_586 = arith.constant 0 : index
          %get3A_587 = tpu.vector_load %arg12[%get3A_585, %get3A_586] {strides = array<i32>} : memref<80x128xf32, #tpu.memory_space<vmem>>, vector<1x16xf32>,
          %get3A_588 = vector.shape_cast %get3A_587 : vector<1x16xf32> to vector<16xf32>
          %get3A_589 = arith.index_cast %add3A_584 : i32 to index
          %get3A_590 = arith.constant 0 : index
          %get3A_591 = tpu.vector_load %arg14[%get3A_589, %get3A_590] {strides = array<i32>} : memref<80x128xf32, #tpu.memory_space<vmem>>, vector<1x16xf32>,
          %get3A_592 = vector.shape_cast %get3A_591 : vector<1x16xf32> to vector<16xf32>
          %mul3A_593 = arith.mulf %get3A_588, %get3A_592 : vector<16xf32>
          %swap3A_594 = arith.index_cast %add3A_584 : i32 to index
          %swap3A_595 = arith.constant 0 : index
          %swap3A_596 = tpu.vector_load %arg12[%swap3A_594, %swap3A_595] {strides = array<i32>} : memref<80x128xf32, #tpu.memory_space<vmem>>, vector<1x16xf32>,
          %swap3A_597 = vector.shape_cast %swap3A_596 : vector<1x16xf32> to vector<16xf32>
          %swap3A_598 = vector.shape_cast %mul3A_593 : vector<16xf32> to vector<1x16xf32>
          tpu.vector_store %arg12[%swap3A_594, %swap3A_595], %swap3A_598 {strides = array<i32>} : memref<80x128xf32, #tpu.memory_space<vmem>>, vector<1x16xf32>,
          %get3A_599 = arith.index_cast %add3A_584 : i32 to index
          %get3A_600 = arith.constant 16 : index
          %get3A_601 = tpu.vector_load %arg12[%get3A_599, %get3A_600] {strides = array<i32>} : memref<80x128xf32, #tpu.memory_space<vmem>>, vector<1x16xf32>,
          %get3A_602 = vector.shape_cast %get3A_601 : vector<1x16xf32> to vector<16xf32>
          %get3A_603 = arith.index_cast %add3A_584 : i32 to index
          %get3A_604 = arith.constant 16 : index
          %get3A_605 = tpu.vector_load %arg14[%get3A_603, %get3A_604] {strides = array<i32>} : memref<80x128xf32, #tpu.memory_space<vmem>>, vector<1x16xf32>,
          %get3A_606 = vector.shape_cast %get3A_605 : vector<1x16xf32> to vector<16xf32>
          %mul3A_607 = arith.mulf %get3A_602, %get3A_606 : vector<16xf32>
          %swap3A_608 = arith.index_cast %add3A_584 : i32 to index
          %swap3A_609 = arith.constant 16 : index
          %swap3A_610 = tpu.vector_load %arg12[%swap3A_608, %swap3A_609] {strides = array<i32>} : memref<80x128xf32, #tpu.memory_space<vmem>>, vector<1x16xf32>,
          %swap3A_611 = vector.shape_cast %swap3A_610 : vector<1x16xf32> to vector<16xf32>
          %swap3A_612 = vector.shape_cast %mul3A_607 : vector<16xf32> to vector<1x16xf32>
          tpu.vector_store %arg12[%swap3A_608, %swap3A_609], %swap3A_612 {strides = array<i32>} : memref<80x128xf32, #tpu.memory_space<vmem>>, vector<1x16xf32>,
          %get3A_613 = arith.index_cast %add3A_584 : i32 to index
          %get3A_614 = arith.constant 32 : index
          %get3A_615 = tpu.vector_load %arg12[%get3A_613, %get3A_614] {strides = array<i32>} : memref<80x128xf32, #tpu.memory_space<vmem>>, vector<1x16xf32>,
          %get3A_616 = vector.shape_cast %get3A_615 : vector<1x16xf32> to vector<16xf32>
          %get3A_617 = arith.index_cast %add3A_584 : i32 to index
          %get3A_618 = arith.constant 32 : index
          %get3A_619 = tpu.vector_load %arg14[%get3A_617, %get3A_618] {strides = array<i32>} : memref<80x128xf32, #tpu.memory_space<vmem>>, vector<1x16xf32>,
          %get3A_620 = vector.shape_cast %get3A_619 : vector<1x16xf32> to vector<16xf32>
          %mul3A_621 = arith.mulf %get3A_616, %get3A_620 : vector<16xf32>
          %swap3A_622 = arith.index_cast %add3A_584 : i32 to index
          %swap3A_623 = arith.constant 32 : index
          %swap3A_624 = tpu.vector_load %arg12[%swap3A_622, %swap3A_623] {strides = array<i32>} : memref<80x128xf32, #tpu.memory_space<vmem>>, vector<1x16xf32>,
          %swap3A_625 = vector.shape_cast %swap3A_624 : vector<1x16xf32> to vector<16xf32>
          %swap3A_626 = vector.shape_cast %mul3A_621 : vector<16xf32> to vector<1x16xf32>
          tpu.vector_store %arg12[%swap3A_622, %swap3A_623], %swap3A_626 {strides = array<i32>} : memref<80x128xf32, #tpu.memory_space<vmem>>, vector<1x16xf32>,
          %get3A_627 = arith.index_cast %add3A_584 : i32 to index
          %get3A_628 = arith.constant 48 : index
          %get3A_629 = tpu.vector_load %arg12[%get3A_627, %get3A_628] {strides = array<i32>} : memref<80x128xf32, #tpu.memory_space<vmem>>, vector<1x16xf32>,
          %get3A_630 = vector.shape_cast %get3A_629 : vector<1x16xf32> to vector<16xf32>
          %get3A_631 = arith.index_cast %add3A_584 : i32 to index
          %get3A_632 = arith.constant 48 : index
          %get3A_633 = tpu.vector_load %arg14[%get3A_631, %get3A_632] {strides = array<i32>} : memref<80x128xf32, #tpu.memory_space<vmem>>, vector<1x16xf32>,
          %get3A_634 = vector.shape_cast %get3A_633 : vector<1x16xf32> to vector<16xf32>
          %mul3A_635 = arith.mulf %get3A_630, %get3A_634 : vector<16xf32>
          %swap3A_636 = arith.index_cast %add3A_584 : i32 to index
          %swap3A_637 = arith.constant 48 : index
          %swap3A_638 = tpu.vector_load %arg12[%swap3A_636, %swap3A_637] {strides = array<i32>} : memref<80x128xf32, #tpu.memory_space<vmem>>, vector<1x16xf32>,
          %swap3A_639 = vector.shape_cast %swap3A_638 : vector<1x16xf32> to vector<16xf32>
          %swap3A_640 = vector.shape_cast %mul3A_635 : vector<16xf32> to vector<1x16xf32>
          tpu.vector_store %arg12[%swap3A_636, %swap3A_637], %swap3A_640 {strides = array<i32>} : memref<80x128xf32, #tpu.memory_space<vmem>>, vector<1x16xf32>,
          %get3A_641 = arith.index_cast %add3A_584 : i32 to index
          %get3A_642 = arith.constant 64 : index
          %get3A_643 = tpu.vector_load %arg12[%get3A_641, %get3A_642] {strides = array<i32>} : memref<80x128xf32, #tpu.memory_space<vmem>>, vector<1x16xf32>,
          %get3A_644 = vector.shape_cast %get3A_643 : vector<1x16xf32> to vector<16xf32>
          %get3A_645 = arith.index_cast %add3A_584 : i32 to index
          %get3A_646 = arith.constant 64 : index
          %get3A_647 = tpu.vector_load %arg14[%get3A_645, %get3A_646] {strides = array<i32>} : memref<80x128xf32, #tpu.memory_space<vmem>>, vector<1x16xf32>,
          %get3A_648 = vector.shape_cast %get3A_647 : vector<1x16xf32> to vector<16xf32>
          %mul3A_649 = arith.mulf %get3A_644, %get3A_648 : vector<16xf32>
          %swap3A_650 = arith.index_cast %add3A_584 : i32 to index
          %swap3A_651 = arith.constant 64 : index
          %swap3A_652 = tpu.vector_load %arg12[%swap3A_650, %swap3A_651] {strides = array<i32>} : memref<80x128xf32, #tpu.memory_space<vmem>>, vector<1x16xf32>,
          %swap3A_653 = vector.shape_cast %swap3A_652 : vector<1x16xf32> to vector<16xf32>
          %swap3A_654 = vector.shape_cast %mul3A_649 : vector<16xf32> to vector<1x16xf32>
          tpu.vector_store %arg12[%swap3A_650, %swap3A_651], %swap3A_654 {strides = array<i32>} : memref<80x128xf32, #tpu.memory_space<vmem>>, vector<1x16xf32>,
          %get3A_655 = arith.index_cast %add3A_584 : i32 to index
          %get3A_656 = arith.constant 80 : index
          %get3A_657 = tpu.vector_load %arg12[%get3A_655, %get3A_656] {strides = array<i32>} : memref<80x128xf32, #tpu.memory_space<vmem>>, vector<1x16xf32>,
          %get3A_658 = vector.shape_cast %get3A_657 : vector<1x16xf32> to vector<16xf32>
          %get3A_659 = arith.index_cast %add3A_584 : i32 to index
          %get3A_660 = arith.constant 80 : index
          %get3A_661 = tpu.vector_load %arg14[%get3A_659, %get3A_660] {strides = array<i32>} : memref<80x128xf32, #tpu.memory_space<vmem>>, vector<1x16xf32>,
          %get3A_662 = vector.shape_cast %get3A_661 : vector<1x16xf32> to vector<16xf32>
          %mul3A_663 = arith.mulf %get3A_658, %get3A_662 : vector<16xf32>
          %swap3A_664 = arith.index_cast %add3A_584 : i32 to index
          %swap3A_665 = arith.constant 80 : index
          %swap3A_666 = tpu.vector_load %arg12[%swap3A_664, %swap3A_665] {strides = array<i32>} : memref<80x128xf32, #tpu.memory_space<vmem>>, vector<1x16xf32>,
          %swap3A_667 = vector.shape_cast %swap3A_666 : vector<1x16xf32> to vector<16xf32>
          %swap3A_668 = vector.shape_cast %mul3A_663 : vector<16xf32> to vector<1x16xf32>
          tpu.vector_store %arg12[%swap3A_664, %swap3A_665], %swap3A_668 {strides = array<i32>} : memref<80x128xf32, #tpu.memory_space<vmem>>, vector<1x16xf32>,
          %get3A_669 = arith.index_cast %add3A_584 : i32 to index
          %get3A_670 = arith.constant 96 : index
          %get3A_671 = tpu.vector_load %arg12[%get3A_669, %get3A_670] {strides = array<i32>} : memref<80x128xf32, #tpu.memory_space<vmem>>, vector<1x16xf32>,
          %get3A_672 = vector.shape_cast %get3A_671 : vector<1x16xf32> to vector<16xf32>
          %get3A_673 = arith.index_cast %add3A_584 : i32 to index
          %get3A_674 = arith.constant 96 : index
          %get3A_675 = tpu.vector_load %arg14[%get3A_673, %get3A_674] {strides = array<i32>} : memref<80x128xf32, #tpu.memory_space<vmem>>, vector<1x16xf32>,
          %get3A_676 = vector.shape_cast %get3A_675 : vector<1x16xf32> to vector<16xf32>
          %mul3A_677 = arith.mulf %get3A_672, %get3A_676 : vector<16xf32>
          %swap3A_678 = arith.index_cast %add3A_584 : i32 to index
          %swap3A_679 = arith.constant 96 : index
          %swap3A_680 = tpu.vector_load %arg12[%swap3A_678, %swap3A_679] {strides = array<i32>} : memref<80x128xf32, #tpu.memory_space<vmem>>, vector<1x16xf32>,
          %swap3A_681 = vector.shape_cast %swap3A_680 : vector<1x16xf32> to vector<16xf32>
          %swap3A_682 = vector.shape_cast %mul3A_677 : vector<16xf32> to vector<1x16xf32>
          tpu.vector_store %arg12[%swap3A_678, %swap3A_679], %swap3A_682 {strides = array<i32>} : memref<80x128xf32, #tpu.memory_space<vmem>>, vector<1x16xf32>,
          %get3A_683 = arith.index_cast %add3A_584 : i32 to index
          %get3A_684 = arith.constant 112 : index
          %get3A_685 = tpu.vector_load %arg12[%get3A_683, %get3A_684] {strides = array<i32>} : memref<80x128xf32, #tpu.memory_space<vmem>>, vector<1x16xf32>,
          %get3A_686 = vector.shape_cast %get3A_685 : vector<1x16xf32> to vector<16xf32>
          %get3A_687 = arith.index_cast %add3A_584 : i32 to index
          %get3A_688 = arith.constant 112 : index
          %get3A_689 = tpu.vector_load %arg14[%get3A_687, %get3A_688] {strides = array<i32>} : memref<80x128xf32, #tpu.memory_space<vmem>>, vector<1x16xf32>,
          %get3A_690 = vector.shape_cast %get3A_689 : vector<1x16xf32> to vector<16xf32>
          %mul3A_691 = arith.mulf %get3A_686, %get3A_690 : vector<16xf32>
          %swap3A_692 = arith.index_cast %add3A_584 : i32 to index
          %swap3A_693 = arith.constant 112 : index
          %swap3A_694 = tpu.vector_load %arg12[%swap3A_692, %swap3A_693] {strides = array<i32>} : memref<80x128xf32, #tpu.memory_space<vmem>>, vector<1x16xf32>,
          %swap3A_695 = vector.shape_cast %swap3A_694 : vector<1x16xf32> to vector<16xf32>
          %swap3A_696 = vector.shape_cast %mul3A_691 : vector<16xf32> to vector<1x16xf32>
          tpu.vector_store %arg12[%swap3A_692, %swap3A_693], %swap3A_696 {strides = array<i32>} : memref<80x128xf32, #tpu.memory_space<vmem>>, vector<1x16xf32>,
        }
        %scan3A_181 = arith.constant 20 : i32
        %dma_start3A_182 = arith.constant 0 : i32
        %dma_start3A_183 = tpu.memref_slice %arg9[%mul3A_146, %dma_start3A_182] : memref<25x80xi32, #tpu.memory_space<vmem>> -> memref<1x80xi32, #tpu.memory_space<vmem>>
        %dma_start3A_184 = tpu.memref_squeeze %dma_start3A_183 : memref<1x80xi32, #tpu.memory_space<vmem>> -> memref<80xi32, #tpu.memory_space<vmem>>
        %dma_start3A_185 = arith.constant 0 : i32
        %dma_start3A_186 = arith.constant 0 : i32
        %dma_start3A_187 = tpu.memref_slice %arg24[%dma_start3A_185, %dma_start3A_186] : memref<10000x128xf32, #tpu.memory_space<vmem_shared>> -> memref<10000x128xf32, #tpu.memory_space<vmem_shared>>
        tpu.enqueue_indirect_dma source(%arg12 : memref<80x128xf32, #tpu.memory_space<vmem>>) target(%dma_start3A_187 : memref<10000x128xf32, #tpu.memory_space<vmem_shared>>) offsets(%dma_start3A_184 : memref<80xi32, #tpu.memory_space<vmem>>) semaphore(%arg22 : memref<!tpu.dma_semaphore, #tpu.memory_space<semaphore_mem>>) {add = true}
        "tpu.region"() ({
          %run_scoped3A_234 = tpu.sem_alloc : memref<!tpu.dma_semaphore, #tpu.memory_space<semaphore_mem>>
          %dma_start3A_235 = arith.constant 0 : i32
          %dma_start3A_236 = tpu.memref_slice %arg9[%mul3A_146, %dma_start3A_235] : memref<25x80xi32, #tpu.memory_space<vmem>> -> memref<1x80xi32, #tpu.memory_space<vmem>>
          %dma_start3A_237 = tpu.memref_squeeze %dma_start3A_236 : memref<1x80xi32, #tpu.memory_space<vmem>> -> memref<80xi32, #tpu.memory_space<vmem>>
          %dma_start3A_238 = arith.constant 0 : i32
          %dma_start3A_239 = tpu.memref_slice %arg25[%dma_start3A_238] : memref<10000xf32, #tpu.memory_space<vmem_shared>> -> memref<10000xf32, #tpu.memory_space<vmem_shared>>
          tpu.enqueue_indirect_dma source(%arg16 : memref<80xf32, #tpu.memory_space<vmem>>) target(%dma_start3A_239 : memref<10000xf32, #tpu.memory_space<vmem_shared>>) offsets(%dma_start3A_237 : memref<80xi32, #tpu.memory_space<vmem>>) semaphore(%run_scoped3A_234 : memref<!tpu.dma_semaphore, #tpu.memory_space<semaphore_mem>>) {add = true}
          %dma_wait3A_240 = arith.constant 0 : i32
          %dma_wait3A_241 = tpu.memref_slice %arg9[%mul3A_146, %dma_wait3A_240] : memref<25x80xi32, #tpu.memory_space<vmem>> -> memref<1x80xi32, #tpu.memory_space<vmem>>
          %dma_wait3A_242 = tpu.memref_squeeze %dma_wait3A_241 : memref<1x80xi32, #tpu.memory_space<vmem>> -> memref<80xi32, #tpu.memory_space<vmem>>
          %dma_wait3A_243 = arith.constant 0 : i32
          %dma_wait3A_244 = tpu.memref_slice %arg25[%dma_wait3A_243] : memref<10000xf32, #tpu.memory_space<vmem_shared>> -> memref<10000xf32, #tpu.memory_space<vmem_shared>>
          tpu.wait_indirect_dma semaphore(%run_scoped3A_234 : memref<!tpu.dma_semaphore, #tpu.memory_space<semaphore_mem>>) src(%arg16 : memref<80xf32, #tpu.memory_space<vmem>>) dst(%dma_wait3A_244 : memref<10000xf32, #tpu.memory_space<vmem_shared>>)
          tpu.yield
        }) : () -> ()
        %dma_wait3A_188 = arith.constant 0 : i32
        %dma_wait3A_189 = tpu.memref_slice %arg10[%dma_wait3A_188] : memref<2000xi32, #tpu.memory_space<vmem>> -> memref<80xi32, #tpu.memory_space<vmem>>
        %dma_wait3A_190 = arith.constant 0 : i32
        %dma_wait3A_191 = arith.constant 0 : i32
        %dma_wait3A_192 = tpu.memref_slice %arg5[%dma_wait3A_190, %dma_wait3A_191] : memref<10000x128xf32, #tpu.memory_space<hbm>> -> memref<10000x128xf32, #tpu.memory_space<hbm>>
        tpu.wait_indirect_dma semaphore(%arg19 : memref<!tpu.dma_semaphore, #tpu.memory_space<semaphore_mem>>) src(%dma_wait3A_192 : memref<10000x128xf32, #tpu.memory_space<hbm>>) dst(%arg13 : memref<80x128xf32, #tpu.memory_space<vmem>>)
        %dma_wait3A_193 = arith.constant 0 : i32
        %dma_wait3A_194 = tpu.memref_slice %arg11[%dma_wait3A_193] : memref<2000xi32, #tpu.memory_space<vmem>> -> memref<80xi32, #tpu.memory_space<vmem>>
        %dma_wait3A_195 = arith.constant 0 : i32
        %dma_wait3A_196 = arith.constant 0 : i32
        %dma_wait3A_197 = tpu.memref_slice %arg26[%dma_wait3A_195, %dma_wait3A_196] : memref<24x128xf32, #tpu.memory_space<vmem_shared>> -> memref<24x128xf32, #tpu.memory_space<vmem_shared>>
        tpu.wait_indirect_dma semaphore(%arg21 : memref<!tpu.dma_semaphore, #tpu.memory_space<semaphore_mem>>) src(%dma_wait3A_197 : memref<24x128xf32, #tpu.memory_space<vmem_shared>>) dst(%arg15 : memref<80x128xf32, #tpu.memory_space<vmem>>)
        %scan3A_198 = arith.constant 0 : i32
        %scan3A_199 = arith.constant 20 : i32
        %scan3A_200 = arith.addi %scan3A_198, %scan3A_199 : i32
        %scan3A_201 = arith.constant 1 : i32
        scf.for %scan3A_234 = %scan3A_198 to %scan3A_200 step %scan3A_201  : i32 {
          %mul3A_235 = arith.constant 4 : i32
          %mul3A_236 = arith.muli %scan3A_234, %mul3A_235 : i32
          %add3A_237 = arith.constant 0 : i32
          %add3A_238 = arith.addi %mul3A_236, %add3A_237 : i32
          %get3A = arith.index_cast %add3A_238 : i32 to index
          %get3A_239 = arith.constant 0 : index
          %get3A_240 = tpu.vector_load %arg13[%get3A, %get3A_239] {strides = array<i32>} : memref<80x128xf32, #tpu.memory_space<vmem>>, vector<1x16xf32>,
          %get3A_241 = vector.shape_cast %get3A_240 : vector<1x16xf32> to vector<16xf32>
          %get3A_242 = arith.index_cast %add3A_238 : i32 to index
          %get3A_243 = arith.constant 0 : index
          %get3A_244 = tpu.vector_load %arg15[%get3A_242, %get3A_243] {strides = array<i32>} : memref<80x128xf32, #tpu.memory_space<vmem>>, vector<1x16xf32>,
          %get3A_245 = vector.shape_cast %get3A_244 : vector<1x16xf32> to vector<16xf32>
          %mul3A_246 = arith.mulf %get3A_241, %get3A_245 : vector<16xf32>
          %swap3A = arith.index_cast %add3A_238 : i32 to index
          %swap3A_247 = arith.constant 0 : index
          %swap3A_248 = tpu.vector_load %arg13[%swap3A, %swap3A_247] {strides = array<i32>} : memref<80x128xf32, #tpu.memory_space<vmem>>, vector<1x16xf32>,
          %swap3A_249 = vector.shape_cast %swap3A_248 : vector<1x16xf32> to vector<16xf32>
          %swap3A_250 = vector.shape_cast %mul3A_246 : vector<16xf32> to vector<1x16xf32>
          tpu.vector_store %arg13[%swap3A, %swap3A_247], %swap3A_250 {strides = array<i32>} : memref<80x128xf32, #tpu.memory_space<vmem>>, vector<1x16xf32>,
          %get3A_251 = arith.index_cast %add3A_238 : i32 to index
          %get3A_252 = arith.constant 16 : index
          %get3A_253 = tpu.vector_load %arg13[%get3A_251, %get3A_252] {strides = array<i32>} : memref<80x128xf32, #tpu.memory_space<vmem>>, vector<1x16xf32>,
          %get3A_254 = vector.shape_cast %get3A_253 : vector<1x16xf32> to vector<16xf32>
          %get3A_255 = arith.index_cast %add3A_238 : i32 to index
          %get3A_256 = arith.constant 16 : index
          %get3A_257 = tpu.vector_load %arg15[%get3A_255, %get3A_256] {strides = array<i32>} : memref<80x128xf32, #tpu.memory_space<vmem>>, vector<1x16xf32>,
          %get3A_258 = vector.shape_cast %get3A_257 : vector<1x16xf32> to vector<16xf32>
          %mul3A_259 = arith.mulf %get3A_254, %get3A_258 : vector<16xf32>
          %swap3A_260 = arith.index_cast %add3A_238 : i32 to index
          %swap3A_261 = arith.constant 16 : index
          %swap3A_262 = tpu.vector_load %arg13[%swap3A_260, %swap3A_261] {strides = array<i32>} : memref<80x128xf32, #tpu.memory_space<vmem>>, vector<1x16xf32>,
          %swap3A_263 = vector.shape_cast %swap3A_262 : vector<1x16xf32> to vector<16xf32>
          %swap3A_264 = vector.shape_cast %mul3A_259 : vector<16xf32> to vector<1x16xf32>
          tpu.vector_store %arg13[%swap3A_260, %swap3A_261], %swap3A_264 {strides = array<i32>} : memref<80x128xf32, #tpu.memory_space<vmem>>, vector<1x16xf32>,
          %get3A_265 = arith.index_cast %add3A_238 : i32 to index
          %get3A_266 = arith.constant 32 : index
          %get3A_267 = tpu.vector_load %arg13[%get3A_265, %get3A_266] {strides = array<i32>} : memref<80x128xf32, #tpu.memory_space<vmem>>, vector<1x16xf32>,
          %get3A_268 = vector.shape_cast %get3A_267 : vector<1x16xf32> to vector<16xf32>
          %get3A_269 = arith.index_cast %add3A_238 : i32 to index
          %get3A_270 = arith.constant 32 : index
          %get3A_271 = tpu.vector_load %arg15[%get3A_269, %get3A_270] {strides = array<i32>} : memref<80x128xf32, #tpu.memory_space<vmem>>, vector<1x16xf32>,
          %get3A_272 = vector.shape_cast %get3A_271 : vector<1x16xf32> to vector<16xf32>
          %mul3A_273 = arith.mulf %get3A_268, %get3A_272 : vector<16xf32>
          %swap3A_274 = arith.index_cast %add3A_238 : i32 to index
          %swap3A_275 = arith.constant 32 : index
          %swap3A_276 = tpu.vector_load %arg13[%swap3A_274, %swap3A_275] {strides = array<i32>} : memref<80x128xf32, #tpu.memory_space<vmem>>, vector<1x16xf32>,
          %swap3A_277 = vector.shape_cast %swap3A_276 : vector<1x16xf32> to vector<16xf32>
          %swap3A_278 = vector.shape_cast %mul3A_273 : vector<16xf32> to vector<1x16xf32>
          tpu.vector_store %arg13[%swap3A_274, %swap3A_275], %swap3A_278 {strides = array<i32>} : memref<80x128xf32, #tpu.memory_space<vmem>>, vector<1x16xf32>,
          %get3A_279 = arith.index_cast %add3A_238 : i32 to index
          %get3A_280 = arith.constant 48 : index
          %get3A_281 = tpu.vector_load %arg13[%get3A_279, %get3A_280] {strides = array<i32>} : memref<80x128xf32, #tpu.memory_space<vmem>>, vector<1x16xf32>,
          %get3A_282 = vector.shape_cast %get3A_281 : vector<1x16xf32> to vector<16xf32>
          %get3A_283 = arith.index_cast %add3A_238 : i32 to index
          %get3A_284 = arith.constant 48 : index
          %get3A_285 = tpu.vector_load %arg15[%get3A_283, %get3A_284] {strides = array<i32>} : memref<80x128xf32, #tpu.memory_space<vmem>>, vector<1x16xf32>,
          %get3A_286 = vector.shape_cast %get3A_285 : vector<1x16xf32> to vector<16xf32>
          %mul3A_287 = arith.mulf %get3A_282, %get3A_286 : vector<16xf32>
          %swap3A_288 = arith.index_cast %add3A_238 : i32 to index
          %swap3A_289 = arith.constant 48 : index
          %swap3A_290 = tpu.vector_load %arg13[%swap3A_288, %swap3A_289] {strides = array<i32>} : memref<80x128xf32, #tpu.memory_space<vmem>>, vector<1x16xf32>,
          %swap3A_291 = vector.shape_cast %swap3A_290 : vector<1x16xf32> to vector<16xf32>
          %swap3A_292 = vector.shape_cast %mul3A_287 : vector<16xf32> to vector<1x16xf32>
          tpu.vector_store %arg13[%swap3A_288, %swap3A_289], %swap3A_292 {strides = array<i32>} : memref<80x128xf32, #tpu.memory_space<vmem>>, vector<1x16xf32>,
          %get3A_293 = arith.index_cast %add3A_238 : i32 to index
          %get3A_294 = arith.constant 64 : index
          %get3A_295 = tpu.vector_load %arg13[%get3A_293, %get3A_294] {strides = array<i32>} : memref<80x128xf32, #tpu.memory_space<vmem>>, vector<1x16xf32>,
          %get3A_296 = vector.shape_cast %get3A_295 : vector<1x16xf32> to vector<16xf32>
          %get3A_297 = arith.index_cast %add3A_238 : i32 to index
          %get3A_298 = arith.constant 64 : index
          %get3A_299 = tpu.vector_load %arg15[%get3A_297, %get3A_298] {strides = array<i32>} : memref<80x128xf32, #tpu.memory_space<vmem>>, vector<1x16xf32>,
          %get3A_300 = vector.shape_cast %get3A_299 : vector<1x16xf32> to vector<16xf32>
          %mul3A_301 = arith.mulf %get3A_296, %get3A_300 : vector<16xf32>
          %swap3A_302 = arith.index_cast %add3A_238 : i32 to index
          %swap3A_303 = arith.constant 64 : index
          %swap3A_304 = tpu.vector_load %arg13[%swap3A_302, %swap3A_303] {strides = array<i32>} : memref<80x128xf32, #tpu.memory_space<vmem>>, vector<1x16xf32>,
          %swap3A_305 = vector.shape_cast %swap3A_304 : vector<1x16xf32> to vector<16xf32>
          %swap3A_306 = vector.shape_cast %mul3A_301 : vector<16xf32> to vector<1x16xf32>
          tpu.vector_store %arg13[%swap3A_302, %swap3A_303], %swap3A_306 {strides = array<i32>} : memref<80x128xf32, #tpu.memory_space<vmem>>, vector<1x16xf32>,
          %get3A_307 = arith.index_cast %add3A_238 : i32 to index
          %get3A_308 = arith.constant 80 : index
          %get3A_309 = tpu.vector_load %arg13[%get3A_307, %get3A_308] {strides = array<i32>} : memref<80x128xf32, #tpu.memory_space<vmem>>, vector<1x16xf32>,
          %get3A_310 = vector.shape_cast %get3A_309 : vector<1x16xf32> to vector<16xf32>
          %get3A_311 = arith.index_cast %add3A_238 : i32 to index
          %get3A_312 = arith.constant 80 : index
          %get3A_313 = tpu.vector_load %arg15[%get3A_311, %get3A_312] {strides = array<i32>} : memref<80x128xf32, #tpu.memory_space<vmem>>, vector<1x16xf32>,
          %get3A_314 = vector.shape_cast %get3A_313 : vector<1x16xf32> to vector<16xf32>
          %mul3A_315 = arith.mulf %get3A_310, %get3A_314 : vector<16xf32>
          %swap3A_316 = arith.index_cast %add3A_238 : i32 to index
          %swap3A_317 = arith.constant 80 : index
          %swap3A_318 = tpu.vector_load %arg13[%swap3A_316, %swap3A_317] {strides = array<i32>} : memref<80x128xf32, #tpu.memory_space<vmem>>, vector<1x16xf32>,
          %swap3A_319 = vector.shape_cast %swap3A_318 : vector<1x16xf32> to vector<16xf32>
          %swap3A_320 = vector.shape_cast %mul3A_315 : vector<16xf32> to vector<1x16xf32>
          tpu.vector_store %arg13[%swap3A_316, %swap3A_317], %swap3A_320 {strides = array<i32>} : memref<80x128xf32, #tpu.memory_space<vmem>>, vector<1x16xf32>,
          %get3A_321 = arith.index_cast %add3A_238 : i32 to index
          %get3A_322 = arith.constant 96 : index
          %get3A_323 = tpu.vector_load %arg13[%get3A_321, %get3A_322] {strides = array<i32>} : memref<80x128xf32, #tpu.memory_space<vmem>>, vector<1x16xf32>,
          %get3A_324 = vector.shape_cast %get3A_323 : vector<1x16xf32> to vector<16xf32>
          %get3A_325 = arith.index_cast %add3A_238 : i32 to index
          %get3A_326 = arith.constant 96 : index
          %get3A_327 = tpu.vector_load %arg15[%get3A_325, %get3A_326] {strides = array<i32>} : memref<80x128xf32, #tpu.memory_space<vmem>>, vector<1x16xf32>,
          %get3A_328 = vector.shape_cast %get3A_327 : vector<1x16xf32> to vector<16xf32>
          %mul3A_329 = arith.mulf %get3A_324, %get3A_328 : vector<16xf32>
          %swap3A_330 = arith.index_cast %add3A_238 : i32 to index
          %swap3A_331 = arith.constant 96 : index
          %swap3A_332 = tpu.vector_load %arg13[%swap3A_330, %swap3A_331] {strides = array<i32>} : memref<80x128xf32, #tpu.memory_space<vmem>>, vector<1x16xf32>,
          %swap3A_333 = vector.shape_cast %swap3A_332 : vector<1x16xf32> to vector<16xf32>
          %swap3A_334 = vector.shape_cast %mul3A_329 : vector<16xf32> to vector<1x16xf32>
          tpu.vector_store %arg13[%swap3A_330, %swap3A_331], %swap3A_334 {strides = array<i32>} : memref<80x128xf32, #tpu.memory_space<vmem>>, vector<1x16xf32>,
          %get3A_335 = arith.index_cast %add3A_238 : i32 to index
          %get3A_336 = arith.constant 112 : index
          %get3A_337 = tpu.vector_load %arg13[%get3A_335, %get3A_336] {strides = array<i32>} : memref<80x128xf32, #tpu.memory_space<vmem>>, vector<1x16xf32>,
          %get3A_338 = vector.shape_cast %get3A_337 : vector<1x16xf32> to vector<16xf32>
          %get3A_339 = arith.index_cast %add3A_238 : i32 to index
          %get3A_340 = arith.constant 112 : index
          %get3A_341 = tpu.vector_load %arg15[%get3A_339, %get3A_340] {strides = array<i32>} : memref<80x128xf32, #tpu.memory_space<vmem>>, vector<1x16xf32>,
          %get3A_342 = vector.shape_cast %get3A_341 : vector<1x16xf32> to vector<16xf32>
          %mul3A_343 = arith.mulf %get3A_338, %get3A_342 : vector<16xf32>
          %swap3A_344 = arith.index_cast %add3A_238 : i32 to index
          %swap3A_345 = arith.constant 112 : index
          %swap3A_346 = tpu.vector_load %arg13[%swap3A_344, %swap3A_345] {strides = array<i32>} : memref<80x128xf32, #tpu.memory_space<vmem>>, vector<1x16xf32>,
          %swap3A_347 = vector.shape_cast %swap3A_346 : vector<1x16xf32> to vector<16xf32>
          %swap3A_348 = vector.shape_cast %mul3A_343 : vector<16xf32> to vector<1x16xf32>
          tpu.vector_store %arg13[%swap3A_344, %swap3A_345], %swap3A_348 {strides = array<i32>} : memref<80x128xf32, #tpu.memory_space<vmem>>, vector<1x16xf32>,
          %mul3A_349 = arith.constant 4 : i32
          %mul3A_350 = arith.muli %scan3A_234, %mul3A_349 : i32
          %add3A_351 = arith.constant 1 : i32
          %add3A_352 = arith.addi %mul3A_350, %add3A_351 : i32
          %get3A_353 = arith.index_cast %add3A_352 : i32 to index
          %get3A_354 = arith.constant 0 : index
          %get3A_355 = tpu.vector_load %arg13[%get3A_353, %get3A_354] {strides = array<i32>} : memref<80x128xf32, #tpu.memory_space<vmem>>, vector<1x16xf32>,
          %get3A_356 = vector.shape_cast %get3A_355 : vector<1x16xf32> to vector<16xf32>
          %get3A_357 = arith.index_cast %add3A_352 : i32 to index
          %get3A_358 = arith.constant 0 : index
          %get3A_359 = tpu.vector_load %arg15[%get3A_357, %get3A_358] {strides = array<i32>} : memref<80x128xf32, #tpu.memory_space<vmem>>, vector<1x16xf32>,
          %get3A_360 = vector.shape_cast %get3A_359 : vector<1x16xf32> to vector<16xf32>
          %mul3A_361 = arith.mulf %get3A_356, %get3A_360 : vector<16xf32>
          %swap3A_362 = arith.index_cast %add3A_352 : i32 to index
          %swap3A_363 = arith.constant 0 : index
          %swap3A_364 = tpu.vector_load %arg13[%swap3A_362, %swap3A_363] {strides = array<i32>} : memref<80x128xf32, #tpu.memory_space<vmem>>, vector<1x16xf32>,
          %swap3A_365 = vector.shape_cast %swap3A_364 : vector<1x16xf32> to vector<16xf32>
          %swap3A_366 = vector.shape_cast %mul3A_361 : vector<16xf32> to vector<1x16xf32>
          tpu.vector_store %arg13[%swap3A_362, %swap3A_363], %swap3A_366 {strides = array<i32>} : memref<80x128xf32, #tpu.memory_space<vmem>>, vector<1x16xf32>,
          %get3A_367 = arith.index_cast %add3A_352 : i32 to index
          %get3A_368 = arith.constant 16 : index
          %get3A_369 = tpu.vector_load %arg13[%get3A_367, %get3A_368] {strides = array<i32>} : memref<80x128xf32, #tpu.memory_space<vmem>>, vector<1x16xf32>,
          %get3A_370 = vector.shape_cast %get3A_369 : vector<1x16xf32> to vector<16xf32>
          %get3A_371 = arith.index_cast %add3A_352 : i32 to index
          %get3A_372 = arith.constant 16 : index
          %get3A_373 = tpu.vector_load %arg15[%get3A_371, %get3A_372] {strides = array<i32>} : memref<80x128xf32, #tpu.memory_space<vmem>>, vector<1x16xf32>,
          %get3A_374 = vector.shape_cast %get3A_373 : vector<1x16xf32> to vector<16xf32>
          %mul3A_375 = arith.mulf %get3A_370, %get3A_374 : vector<16xf32>
          %swap3A_376 = arith.index_cast %add3A_352 : i32 to index
          %swap3A_377 = arith.constant 16 : index
          %swap3A_378 = tpu.vector_load %arg13[%swap3A_376, %swap3A_377] {strides = array<i32>} : memref<80x128xf32, #tpu.memory_space<vmem>>, vector<1x16xf32>,
          %swap3A_379 = vector.shape_cast %swap3A_378 : vector<1x16xf32> to vector<16xf32>
          %swap3A_380 = vector.shape_cast %mul3A_375 : vector<16xf32> to vector<1x16xf32>
          tpu.vector_store %arg13[%swap3A_376, %swap3A_377], %swap3A_380 {strides = array<i32>} : memref<80x128xf32, #tpu.memory_space<vmem>>, vector<1x16xf32>,
          %get3A_381 = arith.index_cast %add3A_352 : i32 to index
          %get3A_382 = arith.constant 32 : index
          %get3A_383 = tpu.vector_load %arg13[%get3A_381, %get3A_382] {strides = array<i32>} : memref<80x128xf32, #tpu.memory_space<vmem>>, vector<1x16xf32>,
          %get3A_384 = vector.shape_cast %get3A_383 : vector<1x16xf32> to vector<16xf32>
          %get3A_385 = arith.index_cast %add3A_352 : i32 to index
          %get3A_386 = arith.constant 32 : index
          %get3A_387 = tpu.vector_load %arg15[%get3A_385, %get3A_386] {strides = array<i32>} : memref<80x128xf32, #tpu.memory_space<vmem>>, vector<1x16xf32>,
          %get3A_388 = vector.shape_cast %get3A_387 : vector<1x16xf32> to vector<16xf32>
          %mul3A_389 = arith.mulf %get3A_384, %get3A_388 : vector<16xf32>
          %swap3A_390 = arith.index_cast %add3A_352 : i32 to index
          %swap3A_391 = arith.constant 32 : index
          %swap3A_392 = tpu.vector_load %arg13[%swap3A_390, %swap3A_391] {strides = array<i32>} : memref<80x128xf32, #tpu.memory_space<vmem>>, vector<1x16xf32>,
          %swap3A_393 = vector.shape_cast %swap3A_392 : vector<1x16xf32> to vector<16xf32>
          %swap3A_394 = vector.shape_cast %mul3A_389 : vector<16xf32> to vector<1x16xf32>
          tpu.vector_store %arg13[%swap3A_390, %swap3A_391], %swap3A_394 {strides = array<i32>} : memref<80x128xf32, #tpu.memory_space<vmem>>, vector<1x16xf32>,
          %get3A_395 = arith.index_cast %add3A_352 : i32 to index
          %get3A_396 = arith.constant 48 : index
          %get3A_397 = tpu.vector_load %arg13[%get3A_395, %get3A_396] {strides = array<i32>} : memref<80x128xf32, #tpu.memory_space<vmem>>, vector<1x16xf32>,
          %get3A_398 = vector.shape_cast %get3A_397 : vector<1x16xf32> to vector<16xf32>
          %get3A_399 = arith.index_cast %add3A_352 : i32 to index
          %get3A_400 = arith.constant 48 : index
          %get3A_401 = tpu.vector_load %arg15[%get3A_399, %get3A_400] {strides = array<i32>} : memref<80x128xf32, #tpu.memory_space<vmem>>, vector<1x16xf32>,
          %get3A_402 = vector.shape_cast %get3A_401 : vector<1x16xf32> to vector<16xf32>
          %mul3A_403 = arith.mulf %get3A_398, %get3A_402 : vector<16xf32>
          %swap3A_404 = arith.index_cast %add3A_352 : i32 to index
          %swap3A_405 = arith.constant 48 : index
          %swap3A_406 = tpu.vector_load %arg13[%swap3A_404, %swap3A_405] {strides = array<i32>} : memref<80x128xf32, #tpu.memory_space<vmem>>, vector<1x16xf32>,
          %swap3A_407 = vector.shape_cast %swap3A_406 : vector<1x16xf32> to vector<16xf32>
          %swap3A_408 = vector.shape_cast %mul3A_403 : vector<16xf32> to vector<1x16xf32>
          tpu.vector_store %arg13[%swap3A_404, %swap3A_405], %swap3A_408 {strides = array<i32>} : memref<80x128xf32, #tpu.memory_space<vmem>>, vector<1x16xf32>,
          %get3A_409 = arith.index_cast %add3A_352 : i32 to index
          %get3A_410 = arith.constant 64 : index
          %get3A_411 = tpu.vector_load %arg13[%get3A_409, %get3A_410] {strides = array<i32>} : memref<80x128xf32, #tpu.memory_space<vmem>>, vector<1x16xf32>,
          %get3A_412 = vector.shape_cast %get3A_411 : vector<1x16xf32> to vector<16xf32>
          %get3A_413 = arith.index_cast %add3A_352 : i32 to index
          %get3A_414 = arith.constant 64 : index
          %get3A_415 = tpu.vector_load %arg15[%get3A_413, %get3A_414] {strides = array<i32>} : memref<80x128xf32, #tpu.memory_space<vmem>>, vector<1x16xf32>,
          %get3A_416 = vector.shape_cast %get3A_415 : vector<1x16xf32> to vector<16xf32>
          %mul3A_417 = arith.mulf %get3A_412, %get3A_416 : vector<16xf32>
          %swap3A_418 = arith.index_cast %add3A_352 : i32 to index
          %swap3A_419 = arith.constant 64 : index
          %swap3A_420 = tpu.vector_load %arg13[%swap3A_418, %swap3A_419] {strides = array<i32>} : memref<80x128xf32, #tpu.memory_space<vmem>>, vector<1x16xf32>,
          %swap3A_421 = vector.shape_cast %swap3A_420 : vector<1x16xf32> to vector<16xf32>
          %swap3A_422 = vector.shape_cast %mul3A_417 : vector<16xf32> to vector<1x16xf32>
          tpu.vector_store %arg13[%swap3A_418, %swap3A_419], %swap3A_422 {strides = array<i32>} : memref<80x128xf32, #tpu.memory_space<vmem>>, vector<1x16xf32>,
          %get3A_423 = arith.index_cast %add3A_352 : i32 to index
          %get3A_424 = arith.constant 80 : index
          %get3A_425 = tpu.vector_load %arg13[%get3A_423, %get3A_424] {strides = array<i32>} : memref<80x128xf32, #tpu.memory_space<vmem>>, vector<1x16xf32>,
          %get3A_426 = vector.shape_cast %get3A_425 : vector<1x16xf32> to vector<16xf32>
          %get3A_427 = arith.index_cast %add3A_352 : i32 to index
          %get3A_428 = arith.constant 80 : index
          %get3A_429 = tpu.vector_load %arg15[%get3A_427, %get3A_428] {strides = array<i32>} : memref<80x128xf32, #tpu.memory_space<vmem>>, vector<1x16xf32>,
          %get3A_430 = vector.shape_cast %get3A_429 : vector<1x16xf32> to vector<16xf32>
          %mul3A_431 = arith.mulf %get3A_426, %get3A_430 : vector<16xf32>
          %swap3A_432 = arith.index_cast %add3A_352 : i32 to index
          %swap3A_433 = arith.constant 80 : index
          %swap3A_434 = tpu.vector_load %arg13[%swap3A_432, %swap3A_433] {strides = array<i32>} : memref<80x128xf32, #tpu.memory_space<vmem>>, vector<1x16xf32>,
          %swap3A_435 = vector.shape_cast %swap3A_434 : vector<1x16xf32> to vector<16xf32>
          %swap3A_436 = vector.shape_cast %mul3A_431 : vector<16xf32> to vector<1x16xf32>
          tpu.vector_store %arg13[%swap3A_432, %swap3A_433], %swap3A_436 {strides = array<i32>} : memref<80x128xf32, #tpu.memory_space<vmem>>, vector<1x16xf32>,
          %get3A_437 = arith.index_cast %add3A_352 : i32 to index
          %get3A_438 = arith.constant 96 : index
          %get3A_439 = tpu.vector_load %arg13[%get3A_437, %get3A_438] {strides = array<i32>} : memref<80x128xf32, #tpu.memory_space<vmem>>, vector<1x16xf32>,
          %get3A_440 = vector.shape_cast %get3A_439 : vector<1x16xf32> to vector<16xf32>
          %get3A_441 = arith.index_cast %add3A_352 : i32 to index
          %get3A_442 = arith.constant 96 : index
          %get3A_443 = tpu.vector_load %arg15[%get3A_441, %get3A_442] {strides = array<i32>} : memref<80x128xf32, #tpu.memory_space<vmem>>, vector<1x16xf32>,
          %get3A_444 = vector.shape_cast %get3A_443 : vector<1x16xf32> to vector<16xf32>
          %mul3A_445 = arith.mulf %get3A_440, %get3A_444 : vector<16xf32>
          %swap3A_446 = arith.index_cast %add3A_352 : i32 to index
          %swap3A_447 = arith.constant 96 : index
          %swap3A_448 = tpu.vector_load %arg13[%swap3A_446, %swap3A_447] {strides = array<i32>} : memref<80x128xf32, #tpu.memory_space<vmem>>, vector<1x16xf32>,
          %swap3A_449 = vector.shape_cast %swap3A_448 : vector<1x16xf32> to vector<16xf32>
          %swap3A_450 = vector.shape_cast %mul3A_445 : vector<16xf32> to vector<1x16xf32>
          tpu.vector_store %arg13[%swap3A_446, %swap3A_447], %swap3A_450 {strides = array<i32>} : memref<80x128xf32, #tpu.memory_space<vmem>>, vector<1x16xf32>,
          %get3A_451 = arith.index_cast %add3A_352 : i32 to index
          %get3A_452 = arith.constant 112 : index
          %get3A_453 = tpu.vector_load %arg13[%get3A_451, %get3A_452] {strides = array<i32>} : memref<80x128xf32, #tpu.memory_space<vmem>>, vector<1x16xf32>,
          %get3A_454 = vector.shape_cast %get3A_453 : vector<1x16xf32> to vector<16xf32>
          %get3A_455 = arith.index_cast %add3A_352 : i32 to index
          %get3A_456 = arith.constant 112 : index
          %get3A_457 = tpu.vector_load %arg15[%get3A_455, %get3A_456] {strides = array<i32>} : memref<80x128xf32, #tpu.memory_space<vmem>>, vector<1x16xf32>,
          %get3A_458 = vector.shape_cast %get3A_457 : vector<1x16xf32> to vector<16xf32>
          %mul3A_459 = arith.mulf %get3A_454, %get3A_458 : vector<16xf32>
          %swap3A_460 = arith.index_cast %add3A_352 : i32 to index
          %swap3A_461 = arith.constant 112 : index
          %swap3A_462 = tpu.vector_load %arg13[%swap3A_460, %swap3A_461] {strides = array<i32>} : memref<80x128xf32, #tpu.memory_space<vmem>>, vector<1x16xf32>,
          %swap3A_463 = vector.shape_cast %swap3A_462 : vector<1x16xf32> to vector<16xf32>
          %swap3A_464 = vector.shape_cast %mul3A_459 : vector<16xf32> to vector<1x16xf32>
          tpu.vector_store %arg13[%swap3A_460, %swap3A_461], %swap3A_464 {strides = array<i32>} : memref<80x128xf32, #tpu.memory_space<vmem>>, vector<1x16xf32>,
          %mul3A_465 = arith.constant 4 : i32
          %mul3A_466 = arith.muli %scan3A_234, %mul3A_465 : i32
          %add3A_467 = arith.constant 2 : i32
          %add3A_468 = arith.addi %mul3A_466, %add3A_467 : i32
          %get3A_469 = arith.index_cast %add3A_468 : i32 to index
          %get3A_470 = arith.constant 0 : index
          %get3A_471 = tpu.vector_load %arg13[%get3A_469, %get3A_470] {strides = array<i32>} : memref<80x128xf32, #tpu.memory_space<vmem>>, vector<1x16xf32>,
          %get3A_472 = vector.shape_cast %get3A_471 : vector<1x16xf32> to vector<16xf32>
          %get3A_473 = arith.index_cast %add3A_468 : i32 to index
          %get3A_474 = arith.constant 0 : index
          %get3A_475 = tpu.vector_load %arg15[%get3A_473, %get3A_474] {strides = array<i32>} : memref<80x128xf32, #tpu.memory_space<vmem>>, vector<1x16xf32>,
          %get3A_476 = vector.shape_cast %get3A_475 : vector<1x16xf32> to vector<16xf32>
          %mul3A_477 = arith.mulf %get3A_472, %get3A_476 : vector<16xf32>
          %swap3A_478 = arith.index_cast %add3A_468 : i32 to index
          %swap3A_479 = arith.constant 0 : index
          %swap3A_480 = tpu.vector_load %arg13[%swap3A_478, %swap3A_479] {strides = array<i32>} : memref<80x128xf32, #tpu.memory_space<vmem>>, vector<1x16xf32>,
          %swap3A_481 = vector.shape_cast %swap3A_480 : vector<1x16xf32> to vector<16xf32>
          %swap3A_482 = vector.shape_cast %mul3A_477 : vector<16xf32> to vector<1x16xf32>
          tpu.vector_store %arg13[%swap3A_478, %swap3A_479], %swap3A_482 {strides = array<i32>} : memref<80x128xf32, #tpu.memory_space<vmem>>, vector<1x16xf32>,
          %get3A_483 = arith.index_cast %add3A_468 : i32 to index
          %get3A_484 = arith.constant 16 : index
          %get3A_485 = tpu.vector_load %arg13[%get3A_483, %get3A_484] {strides = array<i32>} : memref<80x128xf32, #tpu.memory_space<vmem>>, vector<1x16xf32>,
          %get3A_486 = vector.shape_cast %get3A_485 : vector<1x16xf32> to vector<16xf32>
          %get3A_487 = arith.index_cast %add3A_468 : i32 to index
          %get3A_488 = arith.constant 16 : index
          %get3A_489 = tpu.vector_load %arg15[%get3A_487, %get3A_488] {strides = array<i32>} : memref<80x128xf32, #tpu.memory_space<vmem>>, vector<1x16xf32>,
          %get3A_490 = vector.shape_cast %get3A_489 : vector<1x16xf32> to vector<16xf32>
          %mul3A_491 = arith.mulf %get3A_486, %get3A_490 : vector<16xf32>
          %swap3A_492 = arith.index_cast %add3A_468 : i32 to index
          %swap3A_493 = arith.constant 16 : index
          %swap3A_494 = tpu.vector_load %arg13[%swap3A_492, %swap3A_493] {strides = array<i32>} : memref<80x128xf32, #tpu.memory_space<vmem>>, vector<1x16xf32>,
          %swap3A_495 = vector.shape_cast %swap3A_494 : vector<1x16xf32> to vector<16xf32>
          %swap3A_496 = vector.shape_cast %mul3A_491 : vector<16xf32> to vector<1x16xf32>
          tpu.vector_store %arg13[%swap3A_492, %swap3A_493], %swap3A_496 {strides = array<i32>} : memref<80x128xf32, #tpu.memory_space<vmem>>, vector<1x16xf32>,
          %get3A_497 = arith.index_cast %add3A_468 : i32 to index
          %get3A_498 = arith.constant 32 : index
          %get3A_499 = tpu.vector_load %arg13[%get3A_497, %get3A_498] {strides = array<i32>} : memref<80x128xf32, #tpu.memory_space<vmem>>, vector<1x16xf32>,
          %get3A_500 = vector.shape_cast %get3A_499 : vector<1x16xf32> to vector<16xf32>
          %get3A_501 = arith.index_cast %add3A_468 : i32 to index
          %get3A_502 = arith.constant 32 : index
          %get3A_503 = tpu.vector_load %arg15[%get3A_501, %get3A_502] {strides = array<i32>} : memref<80x128xf32, #tpu.memory_space<vmem>>, vector<1x16xf32>,
          %get3A_504 = vector.shape_cast %get3A_503 : vector<1x16xf32> to vector<16xf32>
          %mul3A_505 = arith.mulf %get3A_500, %get3A_504 : vector<16xf32>
          %swap3A_506 = arith.index_cast %add3A_468 : i32 to index
          %swap3A_507 = arith.constant 32 : index
          %swap3A_508 = tpu.vector_load %arg13[%swap3A_506, %swap3A_507] {strides = array<i32>} : memref<80x128xf32, #tpu.memory_space<vmem>>, vector<1x16xf32>,
          %swap3A_509 = vector.shape_cast %swap3A_508 : vector<1x16xf32> to vector<16xf32>
          %swap3A_510 = vector.shape_cast %mul3A_505 : vector<16xf32> to vector<1x16xf32>
          tpu.vector_store %arg13[%swap3A_506, %swap3A_507], %swap3A_510 {strides = array<i32>} : memref<80x128xf32, #tpu.memory_space<vmem>>, vector<1x16xf32>,
          %get3A_511 = arith.index_cast %add3A_468 : i32 to index
          %get3A_512 = arith.constant 48 : index
          %get3A_513 = tpu.vector_load %arg13[%get3A_511, %get3A_512] {strides = array<i32>} : memref<80x128xf32, #tpu.memory_space<vmem>>, vector<1x16xf32>,
          %get3A_514 = vector.shape_cast %get3A_513 : vector<1x16xf32> to vector<16xf32>
          %get3A_515 = arith.index_cast %add3A_468 : i32 to index
          %get3A_516 = arith.constant 48 : index
          %get3A_517 = tpu.vector_load %arg15[%get3A_515, %get3A_516] {strides = array<i32>} : memref<80x128xf32, #tpu.memory_space<vmem>>, vector<1x16xf32>,
          %get3A_518 = vector.shape_cast %get3A_517 : vector<1x16xf32> to vector<16xf32>
          %mul3A_519 = arith.mulf %get3A_514, %get3A_518 : vector<16xf32>
          %swap3A_520 = arith.index_cast %add3A_468 : i32 to index
          %swap3A_521 = arith.constant 48 : index
          %swap3A_522 = tpu.vector_load %arg13[%swap3A_520, %swap3A_521] {strides = array<i32>} : memref<80x128xf32, #tpu.memory_space<vmem>>, vector<1x16xf32>,
          %swap3A_523 = vector.shape_cast %swap3A_522 : vector<1x16xf32> to vector<16xf32>
          %swap3A_524 = vector.shape_cast %mul3A_519 : vector<16xf32> to vector<1x16xf32>
          tpu.vector_store %arg13[%swap3A_520, %swap3A_521], %swap3A_524 {strides = array<i32>} : memref<80x128xf32, #tpu.memory_space<vmem>>, vector<1x16xf32>,
          %get3A_525 = arith.index_cast %add3A_468 : i32 to index
          %get3A_526 = arith.constant 64 : index
          %get3A_527 = tpu.vector_load %arg13[%get3A_525, %get3A_526] {strides = array<i32>} : memref<80x128xf32, #tpu.memory_space<vmem>>, vector<1x16xf32>,
          %get3A_528 = vector.shape_cast %get3A_527 : vector<1x16xf32> to vector<16xf32>
          %get3A_529 = arith.index_cast %add3A_468 : i32 to index
          %get3A_530 = arith.constant 64 : index
          %get3A_531 = tpu.vector_load %arg15[%get3A_529, %get3A_530] {strides = array<i32>} : memref<80x128xf32, #tpu.memory_space<vmem>>, vector<1x16xf32>,
          %get3A_532 = vector.shape_cast %get3A_531 : vector<1x16xf32> to vector<16xf32>
          %mul3A_533 = arith.mulf %get3A_528, %get3A_532 : vector<16xf32>
          %swap3A_534 = arith.index_cast %add3A_468 : i32 to index
          %swap3A_535 = arith.constant 64 : index
          %swap3A_536 = tpu.vector_load %arg13[%swap3A_534, %swap3A_535] {strides = array<i32>} : memref<80x128xf32, #tpu.memory_space<vmem>>, vector<1x16xf32>,
          %swap3A_537 = vector.shape_cast %swap3A_536 : vector<1x16xf32> to vector<16xf32>
          %swap3A_538 = vector.shape_cast %mul3A_533 : vector<16xf32> to vector<1x16xf32>
          tpu.vector_store %arg13[%swap3A_534, %swap3A_535], %swap3A_538 {strides = array<i32>} : memref<80x128xf32, #tpu.memory_space<vmem>>, vector<1x16xf32>,
          %get3A_539 = arith.index_cast %add3A_468 : i32 to index
          %get3A_540 = arith.constant 80 : index
          %get3A_541 = tpu.vector_load %arg13[%get3A_539, %get3A_540] {strides = array<i32>} : memref<80x128xf32, #tpu.memory_space<vmem>>, vector<1x16xf32>,
          %get3A_542 = vector.shape_cast %get3A_541 : vector<1x16xf32> to vector<16xf32>
          %get3A_543 = arith.index_cast %add3A_468 : i32 to index
          %get3A_544 = arith.constant 80 : index
          %get3A_545 = tpu.vector_load %arg15[%get3A_543, %get3A_544] {strides = array<i32>} : memref<80x128xf32, #tpu.memory_space<vmem>>, vector<1x16xf32>,
          %get3A_546 = vector.shape_cast %get3A_545 : vector<1x16xf32> to vector<16xf32>
          %mul3A_547 = arith.mulf %get3A_542, %get3A_546 : vector<16xf32>
          %swap3A_548 = arith.index_cast %add3A_468 : i32 to index
          %swap3A_549 = arith.constant 80 : index
          %swap3A_550 = tpu.vector_load %arg13[%swap3A_548, %swap3A_549] {strides = array<i32>} : memref<80x128xf32, #tpu.memory_space<vmem>>, vector<1x16xf32>,
          %swap3A_551 = vector.shape_cast %swap3A_550 : vector<1x16xf32> to vector<16xf32>
          %swap3A_552 = vector.shape_cast %mul3A_547 : vector<16xf32> to vector<1x16xf32>
          tpu.vector_store %arg13[%swap3A_548, %swap3A_549], %swap3A_552 {strides = array<i32>} : memref<80x128xf32, #tpu.memory_space<vmem>>, vector<1x16xf32>,
          %get3A_553 = arith.index_cast %add3A_468 : i32 to index
          %get3A_554 = arith.constant 96 : index
          %get3A_555 = tpu.vector_load %arg13[%get3A_553, %get3A_554] {strides = array<i32>} : memref<80x128xf32, #tpu.memory_space<vmem>>, vector<1x16xf32>,
          %get3A_556 = vector.shape_cast %get3A_555 : vector<1x16xf32> to vector<16xf32>
          %get3A_557 = arith.index_cast %add3A_468 : i32 to index
          %get3A_558 = arith.constant 96 : index
          %get3A_559 = tpu.vector_load %arg15[%get3A_557, %get3A_558] {strides = array<i32>} : memref<80x128xf32, #tpu.memory_space<vmem>>, vector<1x16xf32>,
          %get3A_560 = vector.shape_cast %get3A_559 : vector<1x16xf32> to vector<16xf32>
          %mul3A_561 = arith.mulf %get3A_556, %get3A_560 : vector<16xf32>
          %swap3A_562 = arith.index_cast %add3A_468 : i32 to index
          %swap3A_563 = arith.constant 96 : index
          %swap3A_564 = tpu.vector_load %arg13[%swap3A_562, %swap3A_563] {strides = array<i32>} : memref<80x128xf32, #tpu.memory_space<vmem>>, vector<1x16xf32>,
          %swap3A_565 = vector.shape_cast %swap3A_564 : vector<1x16xf32> to vector<16xf32>
          %swap3A_566 = vector.shape_cast %mul3A_561 : vector<16xf32> to vector<1x16xf32>
          tpu.vector_store %arg13[%swap3A_562, %swap3A_563], %swap3A_566 {strides = array<i32>} : memref<80x128xf32, #tpu.memory_space<vmem>>, vector<1x16xf32>,
          %get3A_567 = arith.index_cast %add3A_468 : i32 to index
          %get3A_568 = arith.constant 112 : index
          %get3A_569 = tpu.vector_load %arg13[%get3A_567, %get3A_568] {strides = array<i32>} : memref<80x128xf32, #tpu.memory_space<vmem>>, vector<1x16xf32>,
          %get3A_570 = vector.shape_cast %get3A_569 : vector<1x16xf32> to vector<16xf32>
          %get3A_571 = arith.index_cast %add3A_468 : i32 to index
          %get3A_572 = arith.constant 112 : index
          %get3A_573 = tpu.vector_load %arg15[%get3A_571, %get3A_572] {strides = array<i32>} : memref<80x128xf32, #tpu.memory_space<vmem>>, vector<1x16xf32>,
          %get3A_574 = vector.shape_cast %get3A_573 : vector<1x16xf32> to vector<16xf32>
          %mul3A_575 = arith.mulf %get3A_570, %get3A_574 : vector<16xf32>
          %swap3A_576 = arith.index_cast %add3A_468 : i32 to index
          %swap3A_577 = arith.constant 112 : index
          %swap3A_578 = tpu.vector_load %arg13[%swap3A_576, %swap3A_577] {strides = array<i32>} : memref<80x128xf32, #tpu.memory_space<vmem>>, vector<1x16xf32>,
          %swap3A_579 = vector.shape_cast %swap3A_578 : vector<1x16xf32> to vector<16xf32>
          %swap3A_580 = vector.shape_cast %mul3A_575 : vector<16xf32> to vector<1x16xf32>
          tpu.vector_store %arg13[%swap3A_576, %swap3A_577], %swap3A_580 {strides = array<i32>} : memref<80x128xf32, #tpu.memory_space<vmem>>, vector<1x16xf32>,
          %mul3A_581 = arith.constant 4 : i32
          %mul3A_582 = arith.muli %scan3A_234, %mul3A_581 : i32
          %add3A_583 = arith.constant 3 : i32
          %add3A_584 = arith.addi %mul3A_582, %add3A_583 : i32
          %get3A_585 = arith.index_cast %add3A_584 : i32 to index
          %get3A_586 = arith.constant 0 : index
          %get3A_587 = tpu.vector_load %arg13[%get3A_585, %get3A_586] {strides = array<i32>} : memref<80x128xf32, #tpu.memory_space<vmem>>, vector<1x16xf32>,
          %get3A_588 = vector.shape_cast %get3A_587 : vector<1x16xf32> to vector<16xf32>
          %get3A_589 = arith.index_cast %add3A_584 : i32 to index
          %get3A_590 = arith.constant 0 : index
          %get3A_591 = tpu.vector_load %arg15[%get3A_589, %get3A_590] {strides = array<i32>} : memref<80x128xf32, #tpu.memory_space<vmem>>, vector<1x16xf32>,
          %get3A_592 = vector.shape_cast %get3A_591 : vector<1x16xf32> to vector<16xf32>
          %mul3A_593 = arith.mulf %get3A_588, %get3A_592 : vector<16xf32>
          %swap3A_594 = arith.index_cast %add3A_584 : i32 to index
          %swap3A_595 = arith.constant 0 : index
          %swap3A_596 = tpu.vector_load %arg13[%swap3A_594, %swap3A_595] {strides = array<i32>} : memref<80x128xf32, #tpu.memory_space<vmem>>, vector<1x16xf32>,
          %swap3A_597 = vector.shape_cast %swap3A_596 : vector<1x16xf32> to vector<16xf32>
          %swap3A_598 = vector.shape_cast %mul3A_593 : vector<16xf32> to vector<1x16xf32>
          tpu.vector_store %arg13[%swap3A_594, %swap3A_595], %swap3A_598 {strides = array<i32>} : memref<80x128xf32, #tpu.memory_space<vmem>>, vector<1x16xf32>,
          %get3A_599 = arith.index_cast %add3A_584 : i32 to index
          %get3A_600 = arith.constant 16 : index
          %get3A_601 = tpu.vector_load %arg13[%get3A_599, %get3A_600] {strides = array<i32>} : memref<80x128xf32, #tpu.memory_space<vmem>>, vector<1x16xf32>,
          %get3A_602 = vector.shape_cast %get3A_601 : vector<1x16xf32> to vector<16xf32>
          %get3A_603 = arith.index_cast %add3A_584 : i32 to index
          %get3A_604 = arith.constant 16 : index
          %get3A_605 = tpu.vector_load %arg15[%get3A_603, %get3A_604] {strides = array<i32>} : memref<80x128xf32, #tpu.memory_space<vmem>>, vector<1x16xf32>,
          %get3A_606 = vector.shape_cast %get3A_605 : vector<1x16xf32> to vector<16xf32>
          %mul3A_607 = arith.mulf %get3A_602, %get3A_606 : vector<16xf32>
          %swap3A_608 = arith.index_cast %add3A_584 : i32 to index
          %swap3A_609 = arith.constant 16 : index
          %swap3A_610 = tpu.vector_load %arg13[%swap3A_608, %swap3A_609] {strides = array<i32>} : memref<80x128xf32, #tpu.memory_space<vmem>>, vector<1x16xf32>,
          %swap3A_611 = vector.shape_cast %swap3A_610 : vector<1x16xf32> to vector<16xf32>
          %swap3A_612 = vector.shape_cast %mul3A_607 : vector<16xf32> to vector<1x16xf32>
          tpu.vector_store %arg13[%swap3A_608, %swap3A_609], %swap3A_612 {strides = array<i32>} : memref<80x128xf32, #tpu.memory_space<vmem>>, vector<1x16xf32>,
          %get3A_613 = arith.index_cast %add3A_584 : i32 to index
          %get3A_614 = arith.constant 32 : index
          %get3A_615 = tpu.vector_load %arg13[%get3A_613, %get3A_614] {strides = array<i32>} : memref<80x128xf32, #tpu.memory_space<vmem>>, vector<1x16xf32>,
          %get3A_616 = vector.shape_cast %get3A_615 : vector<1x16xf32> to vector<16xf32>
          %get3A_617 = arith.index_cast %add3A_584 : i32 to index
          %get3A_618 = arith.constant 32 : index
          %get3A_619 = tpu.vector_load %arg15[%get3A_617, %get3A_618] {strides = array<i32>} : memref<80x128xf32, #tpu.memory_space<vmem>>, vector<1x16xf32>,
          %get3A_620 = vector.shape_cast %get3A_619 : vector<1x16xf32> to vector<16xf32>
          %mul3A_621 = arith.mulf %get3A_616, %get3A_620 : vector<16xf32>
          %swap3A_622 = arith.index_cast %add3A_584 : i32 to index
          %swap3A_623 = arith.constant 32 : index
          %swap3A_624 = tpu.vector_load %arg13[%swap3A_622, %swap3A_623] {strides = array<i32>} : memref<80x128xf32, #tpu.memory_space<vmem>>, vector<1x16xf32>,
          %swap3A_625 = vector.shape_cast %swap3A_624 : vector<1x16xf32> to vector<16xf32>
          %swap3A_626 = vector.shape_cast %mul3A_621 : vector<16xf32> to vector<1x16xf32>
          tpu.vector_store %arg13[%swap3A_622, %swap3A_623], %swap3A_626 {strides = array<i32>} : memref<80x128xf32, #tpu.memory_space<vmem>>, vector<1x16xf32>,
          %get3A_627 = arith.index_cast %add3A_584 : i32 to index
          %get3A_628 = arith.constant 48 : index
          %get3A_629 = tpu.vector_load %arg13[%get3A_627, %get3A_628] {strides = array<i32>} : memref<80x128xf32, #tpu.memory_space<vmem>>, vector<1x16xf32>,
          %get3A_630 = vector.shape_cast %get3A_629 : vector<1x16xf32> to vector<16xf32>
          %get3A_631 = arith.index_cast %add3A_584 : i32 to index
          %get3A_632 = arith.constant 48 : index
          %get3A_633 = tpu.vector_load %arg15[%get3A_631, %get3A_632] {strides = array<i32>} : memref<80x128xf32, #tpu.memory_space<vmem>>, vector<1x16xf32>,
          %get3A_634 = vector.shape_cast %get3A_633 : vector<1x16xf32> to vector<16xf32>
          %mul3A_635 = arith.mulf %get3A_630, %get3A_634 : vector<16xf32>
          %swap3A_636 = arith.index_cast %add3A_584 : i32 to index
          %swap3A_637 = arith.constant 48 : index
          %swap3A_638 = tpu.vector_load %arg13[%swap3A_636, %swap3A_637] {strides = array<i32>} : memref<80x128xf32, #tpu.memory_space<vmem>>, vector<1x16xf32>,
          %swap3A_639 = vector.shape_cast %swap3A_638 : vector<1x16xf32> to vector<16xf32>
          %swap3A_640 = vector.shape_cast %mul3A_635 : vector<16xf32> to vector<1x16xf32>
          tpu.vector_store %arg13[%swap3A_636, %swap3A_637], %swap3A_640 {strides = array<i32>} : memref<80x128xf32, #tpu.memory_space<vmem>>, vector<1x16xf32>,
          %get3A_641 = arith.index_cast %add3A_584 : i32 to index
          %get3A_642 = arith.constant 64 : index
          %get3A_643 = tpu.vector_load %arg13[%get3A_641, %get3A_642] {strides = array<i32>} : memref<80x128xf32, #tpu.memory_space<vmem>>, vector<1x16xf32>,
          %get3A_644 = vector.shape_cast %get3A_643 : vector<1x16xf32> to vector<16xf32>
          %get3A_645 = arith.index_cast %add3A_584 : i32 to index
          %get3A_646 = arith.constant 64 : index
          %get3A_647 = tpu.vector_load %arg15[%get3A_645, %get3A_646] {strides = array<i32>} : memref<80x128xf32, #tpu.memory_space<vmem>>, vector<1x16xf32>,
          %get3A_648 = vector.shape_cast %get3A_647 : vector<1x16xf32> to vector<16xf32>
          %mul3A_649 = arith.mulf %get3A_644, %get3A_648 : vector<16xf32>
          %swap3A_650 = arith.index_cast %add3A_584 : i32 to index
          %swap3A_651 = arith.constant 64 : index
          %swap3A_652 = tpu.vector_load %arg13[%swap3A_650, %swap3A_651] {strides = array<i32>} : memref<80x128xf32, #tpu.memory_space<vmem>>, vector<1x16xf32>,
          %swap3A_653 = vector.shape_cast %swap3A_652 : vector<1x16xf32> to vector<16xf32>
          %swap3A_654 = vector.shape_cast %mul3A_649 : vector<16xf32> to vector<1x16xf32>
          tpu.vector_store %arg13[%swap3A_650, %swap3A_651], %swap3A_654 {strides = array<i32>} : memref<80x128xf32, #tpu.memory_space<vmem>>, vector<1x16xf32>,
          %get3A_655 = arith.index_cast %add3A_584 : i32 to index
          %get3A_656 = arith.constant 80 : index
          %get3A_657 = tpu.vector_load %arg13[%get3A_655, %get3A_656] {strides = array<i32>} : memref<80x128xf32, #tpu.memory_space<vmem>>, vector<1x16xf32>,
          %get3A_658 = vector.shape_cast %get3A_657 : vector<1x16xf32> to vector<16xf32>
          %get3A_659 = arith.index_cast %add3A_584 : i32 to index
          %get3A_660 = arith.constant 80 : index
          %get3A_661 = tpu.vector_load %arg15[%get3A_659, %get3A_660] {strides = array<i32>} : memref<80x128xf32, #tpu.memory_space<vmem>>, vector<1x16xf32>,
          %get3A_662 = vector.shape_cast %get3A_661 : vector<1x16xf32> to vector<16xf32>
          %mul3A_663 = arith.mulf %get3A_658, %get3A_662 : vector<16xf32>
          %swap3A_664 = arith.index_cast %add3A_584 : i32 to index
          %swap3A_665 = arith.constant 80 : index
          %swap3A_666 = tpu.vector_load %arg13[%swap3A_664, %swap3A_665] {strides = array<i32>} : memref<80x128xf32, #tpu.memory_space<vmem>>, vector<1x16xf32>,
          %swap3A_667 = vector.shape_cast %swap3A_666 : vector<1x16xf32> to vector<16xf32>
          %swap3A_668 = vector.shape_cast %mul3A_663 : vector<16xf32> to vector<1x16xf32>
          tpu.vector_store %arg13[%swap3A_664, %swap3A_665], %swap3A_668 {strides = array<i32>} : memref<80x128xf32, #tpu.memory_space<vmem>>, vector<1x16xf32>,
          %get3A_669 = arith.index_cast %add3A_584 : i32 to index
          %get3A_670 = arith.constant 96 : index
          %get3A_671 = tpu.vector_load %arg13[%get3A_669, %get3A_670] {strides = array<i32>} : memref<80x128xf32, #tpu.memory_space<vmem>>, vector<1x16xf32>,
          %get3A_672 = vector.shape_cast %get3A_671 : vector<1x16xf32> to vector<16xf32>
          %get3A_673 = arith.index_cast %add3A_584 : i32 to index
          %get3A_674 = arith.constant 96 : index
          %get3A_675 = tpu.vector_load %arg15[%get3A_673, %get3A_674] {strides = array<i32>} : memref<80x128xf32, #tpu.memory_space<vmem>>, vector<1x16xf32>,
          %get3A_676 = vector.shape_cast %get3A_675 : vector<1x16xf32> to vector<16xf32>
          %mul3A_677 = arith.mulf %get3A_672, %get3A_676 : vector<16xf32>
          %swap3A_678 = arith.index_cast %add3A_584 : i32 to index
          %swap3A_679 = arith.constant 96 : index
          %swap3A_680 = tpu.vector_load %arg13[%swap3A_678, %swap3A_679] {strides = array<i32>} : memref<80x128xf32, #tpu.memory_space<vmem>>, vector<1x16xf32>,
          %swap3A_681 = vector.shape_cast %swap3A_680 : vector<1x16xf32> to vector<16xf32>
          %swap3A_682 = vector.shape_cast %mul3A_677 : vector<16xf32> to vector<1x16xf32>
          tpu.vector_store %arg13[%swap3A_678, %swap3A_679], %swap3A_682 {strides = array<i32>} : memref<80x128xf32, #tpu.memory_space<vmem>>, vector<1x16xf32>,
          %get3A_683 = arith.index_cast %add3A_584 : i32 to index
          %get3A_684 = arith.constant 112 : index
          %get3A_685 = tpu.vector_load %arg13[%get3A_683, %get3A_684] {strides = array<i32>} : memref<80x128xf32, #tpu.memory_space<vmem>>, vector<1x16xf32>,
          %get3A_686 = vector.shape_cast %get3A_685 : vector<1x16xf32> to vector<16xf32>
          %get3A_687 = arith.index_cast %add3A_584 : i32 to index
          %get3A_688 = arith.constant 112 : index
          %get3A_689 = tpu.vector_load %arg15[%get3A_687, %get3A_688] {strides = array<i32>} : memref<80x128xf32, #tpu.memory_space<vmem>>, vector<1x16xf32>,
          %get3A_690 = vector.shape_cast %get3A_689 : vector<1x16xf32> to vector<16xf32>
          %mul3A_691 = arith.mulf %get3A_686, %get3A_690 : vector<16xf32>
          %swap3A_692 = arith.index_cast %add3A_584 : i32 to index
          %swap3A_693 = arith.constant 112 : index
          %swap3A_694 = tpu.vector_load %arg13[%swap3A_692, %swap3A_693] {strides = array<i32>} : memref<80x128xf32, #tpu.memory_space<vmem>>, vector<1x16xf32>,
          %swap3A_695 = vector.shape_cast %swap3A_694 : vector<1x16xf32> to vector<16xf32>
          %swap3A_696 = vector.shape_cast %mul3A_691 : vector<16xf32> to vector<1x16xf32>
          tpu.vector_store %arg13[%swap3A_692, %swap3A_693], %swap3A_696 {strides = array<i32>} : memref<80x128xf32, #tpu.memory_space<vmem>>, vector<1x16xf32>,
        }
        %scan3A_202 = arith.constant 20 : i32
        %add3A_203 = arith.constant 1 : i32
        %add3A_204 = arith.addi %mul3A_146, %add3A_203 : i32
        %dma_start3A_205 = arith.constant 0 : i32
        %dma_start3A_206 = tpu.memref_slice %arg9[%add3A_204, %dma_start3A_205] : memref<25x80xi32, #tpu.memory_space<vmem>> -> memref<1x80xi32, #tpu.memory_space<vmem>>
        %dma_start3A_207 = tpu.memref_squeeze %dma_start3A_206 : memref<1x80xi32, #tpu.memory_space<vmem>> -> memref<80xi32, #tpu.memory_space<vmem>>
        %dma_start3A_208 = arith.constant 0 : i32
        %dma_start3A_209 = arith.constant 0 : i32
        %dma_start3A_210 = tpu.memref_slice %arg24[%dma_start3A_208, %dma_start3A_209] : memref<10000x128xf32, #tpu.memory_space<vmem_shared>> -> memref<10000x128xf32, #tpu.memory_space<vmem_shared>>
        tpu.enqueue_indirect_dma source(%arg13 : memref<80x128xf32, #tpu.memory_space<vmem>>) target(%dma_start3A_210 : memref<10000x128xf32, #tpu.memory_space<vmem_shared>>) offsets(%dma_start3A_207 : memref<80xi32, #tpu.memory_space<vmem>>) semaphore(%arg23 : memref<!tpu.dma_semaphore, #tpu.memory_space<semaphore_mem>>) {add = true}
        "tpu.region"() ({
          %run_scoped3A_234 = tpu.sem_alloc : memref<!tpu.dma_semaphore, #tpu.memory_space<semaphore_mem>>
          %dma_start3A_235 = arith.constant 0 : i32
          %dma_start3A_236 = tpu.memref_slice %arg9[%add3A_204, %dma_start3A_235] : memref<25x80xi32, #tpu.memory_space<vmem>> -> memref<1x80xi32, #tpu.memory_space<vmem>>
          %dma_start3A_237 = tpu.memref_squeeze %dma_start3A_236 : memref<1x80xi32, #tpu.memory_space<vmem>> -> memref<80xi32, #tpu.memory_space<vmem>>
          %dma_start3A_238 = arith.constant 0 : i32
          %dma_start3A_239 = tpu.memref_slice %arg25[%dma_start3A_238] : memref<10000xf32, #tpu.memory_space<vmem_shared>> -> memref<10000xf32, #tpu.memory_space<vmem_shared>>
          tpu.enqueue_indirect_dma source(%arg16 : memref<80xf32, #tpu.memory_space<vmem>>) target(%dma_start3A_239 : memref<10000xf32, #tpu.memory_space<vmem_shared>>) offsets(%dma_start3A_237 : memref<80xi32, #tpu.memory_space<vmem>>) semaphore(%run_scoped3A_234 : memref<!tpu.dma_semaphore, #tpu.memory_space<semaphore_mem>>) {add = true}
          %dma_wait3A_240 = arith.constant 0 : i32
          %dma_wait3A_241 = tpu.memref_slice %arg9[%add3A_204, %dma_wait3A_240] : memref<25x80xi32, #tpu.memory_space<vmem>> -> memref<1x80xi32, #tpu.memory_space<vmem>>
          %dma_wait3A_242 = tpu.memref_squeeze %dma_wait3A_241 : memref<1x80xi32, #tpu.memory_space<vmem>> -> memref<80xi32, #tpu.memory_space<vmem>>
          %dma_wait3A_243 = arith.constant 0 : i32
          %dma_wait3A_244 = tpu.memref_slice %arg25[%dma_wait3A_243] : memref<10000xf32, #tpu.memory_space<vmem_shared>> -> memref<10000xf32, #tpu.memory_space<vmem_shared>>
          tpu.wait_indirect_dma semaphore(%run_scoped3A_234 : memref<!tpu.dma_semaphore, #tpu.memory_space<semaphore_mem>>) src(%arg16 : memref<80xf32, #tpu.memory_space<vmem>>) dst(%dma_wait3A_244 : memref<10000xf32, #tpu.memory_space<vmem_shared>>)
          tpu.yield
        }) : () -> ()
        %dma_wait3A_211 = arith.constant 0 : i32
        %dma_wait3A_212 = arith.constant 0 : i32
        %dma_wait3A_213 = tpu.memref_slice %arg9[%dma_wait3A_211, %dma_wait3A_212] : memref<25x80xi32, #tpu.memory_space<vmem>> -> memref<1x80xi32, #tpu.memory_space<vmem>>
        %dma_wait3A_214 = tpu.memref_squeeze %dma_wait3A_213 : memref<1x80xi32, #tpu.memory_space<vmem>> -> memref<80xi32, #tpu.memory_space<vmem>>
        %dma_wait3A_215 = arith.constant 0 : i32
        %dma_wait3A_216 = arith.constant 0 : i32
        %dma_wait3A_217 = tpu.memref_slice %arg24[%dma_wait3A_215, %dma_wait3A_216] : memref<10000x128xf32, #tpu.memory_space<vmem_shared>> -> memref<10000x128xf32, #tpu.memory_space<vmem_shared>>
        tpu.wait_indirect_dma semaphore(%arg22 : memref<!tpu.dma_semaphore, #tpu.memory_space<semaphore_mem>>) src(%arg12 : memref<80x128xf32, #tpu.memory_space<vmem>>) dst(%dma_wait3A_217 : memref<10000x128xf32, #tpu.memory_space<vmem_shared>>)
        %add3A_218 = arith.constant 2 : i32
        %add3A_219 = arith.addi %mul3A_146, %add3A_218 : i32
        %mul3A_220 = arith.constant 80 : i32
        %mul3A_221 = arith.muli %add3A_219, %mul3A_220 : i32
        %dma_start3A_222 = tpu.memref_slice %arg10[%mul3A_221] : memref<2000xi32, #tpu.memory_space<vmem>> -> memref<80xi32, #tpu.memory_space<vmem>>
        %dma_start3A_223 = arith.constant 0 : i32
        %dma_start3A_224 = arith.constant 0 : i32
        %dma_start3A_225 = tpu.memref_slice %arg5[%dma_start3A_223, %dma_start3A_224] : memref<10000x128xf32, #tpu.memory_space<hbm>> -> memref<10000x128xf32, #tpu.memory_space<hbm>>
        tpu.enqueue_indirect_dma source(%dma_start3A_225 : memref<10000x128xf32, #tpu.memory_space<hbm>>) target(%arg12 : memref<80x128xf32, #tpu.memory_space<vmem>>) offsets(%dma_start3A_222 : memref<80xi32, #tpu.memory_space<vmem>>) semaphore(%arg18 : memref<!tpu.dma_semaphore, #tpu.memory_space<semaphore_mem>>)
        %add3A_226 = arith.constant 2 : i32
        %add3A_227 = arith.addi %mul3A_146, %add3A_226 : i32
        %mul3A_228 = arith.constant 80 : i32
        %mul3A_229 = arith.muli %add3A_227, %mul3A_228 : i32
        %dma_start3A_230 = tpu.memref_slice %arg11[%mul3A_229] : memref<2000xi32, #tpu.memory_space<vmem>> -> memref<80xi32, #tpu.memory_space<vmem>>
        %dma_start3A_231 = arith.constant 0 : i32
        %dma_start3A_232 = arith.constant 0 : i32
        %dma_start3A_233 = tpu.memref_slice %arg26[%dma_start3A_231, %dma_start3A_232] : memref<24x128xf32, #tpu.memory_space<vmem_shared>> -> memref<24x128xf32, #tpu.memory_space<vmem_shared>>
        tpu.enqueue_indirect_dma source(%dma_start3A_233 : memref<24x128xf32, #tpu.memory_space<vmem_shared>>) target(%arg14 : memref<80x128xf32, #tpu.memory_space<vmem>>) offsets(%dma_start3A_230 : memref<80xi32, #tpu.memory_space<vmem>>) semaphore(%arg20 : memref<!tpu.dma_semaphore, #tpu.memory_space<semaphore_mem>>)
      }
      %scan3A_108 = arith.constant 12 : i32
      %dma_wait3A = arith.constant 0 : i32
      %dma_wait3A_109 = tpu.memref_slice %arg10[%dma_wait3A] : memref<2000xi32, #tpu.memory_space<vmem>> -> memref<80xi32, #tpu.memory_space<vmem>>
      %dma_wait3A_110 = arith.constant 0 : i32
      %dma_wait3A_111 = arith.constant 0 : i32
      %dma_wait3A_112 = tpu.memref_slice %arg5[%dma_wait3A_110, %dma_wait3A_111] : memref<10000x128xf32, #tpu.memory_space<hbm>> -> memref<10000x128xf32, #tpu.memory_space<hbm>>
      tpu.wait_indirect_dma semaphore(%arg18 : memref<!tpu.dma_semaphore, #tpu.memory_space<semaphore_mem>>) src(%dma_wait3A_112 : memref<10000x128xf32, #tpu.memory_space<hbm>>) dst(%arg12 : memref<80x128xf32, #tpu.memory_space<vmem>>)
      %dma_wait3A_113 = arith.constant 0 : i32
      %dma_wait3A_114 = tpu.memref_slice %arg11[%dma_wait3A_113] : memref<2000xi32, #tpu.memory_space<vmem>> -> memref<80xi32, #tpu.memory_space<vmem>>
      %dma_wait3A_115 = arith.constant 0 : i32
      %dma_wait3A_116 = arith.constant 0 : i32
      %dma_wait3A_117 = tpu.memref_slice %arg26[%dma_wait3A_115, %dma_wait3A_116] : memref<24x128xf32, #tpu.memory_space<vmem_shared>> -> memref<24x128xf32, #tpu.memory_space<vmem_shared>>
      tpu.wait_indirect_dma semaphore(%arg20 : memref<!tpu.dma_semaphore, #tpu.memory_space<semaphore_mem>>) src(%dma_wait3A_117 : memref<24x128xf32, #tpu.memory_space<vmem_shared>>) dst(%arg14 : memref<80x128xf32, #tpu.memory_space<vmem>>)
      %scan3A_118 = arith.constant 0 : i32
      %scan3A_119 = arith.constant 20 : i32
      %scan3A_120 = arith.addi %scan3A_118, %scan3A_119 : i32
      %scan3A_121 = arith.constant 1 : i32
      scf.for %scan3A_144 = %scan3A_118 to %scan3A_120 step %scan3A_121  : i32 {
        %mul3A_145 = arith.constant 4 : i32
        %mul3A_146 = arith.muli %scan3A_144, %mul3A_145 : i32
        %add3A_147 = arith.constant 0 : i32
        %add3A_148 = arith.addi %mul3A_146, %add3A_147 : i32
        %get3A = arith.index_cast %add3A_148 : i32 to index
        %get3A_149 = arith.constant 0 : index
        %get3A_150 = tpu.vector_load %arg12[%get3A, %get3A_149] {strides = array<i32>} : memref<80x128xf32, #tpu.memory_space<vmem>>, vector<1x16xf32>,
        %get3A_151 = vector.shape_cast %get3A_150 : vector<1x16xf32> to vector<16xf32>
        %get3A_152 = arith.index_cast %add3A_148 : i32 to index
        %get3A_153 = arith.constant 0 : index
        %get3A_154 = tpu.vector_load %arg14[%get3A_152, %get3A_153] {strides = array<i32>} : memref<80x128xf32, #tpu.memory_space<vmem>>, vector<1x16xf32>,
        %get3A_155 = vector.shape_cast %get3A_154 : vector<1x16xf32> to vector<16xf32>
        %mul3A_156 = arith.mulf %get3A_151, %get3A_155 : vector<16xf32>
        %swap3A = arith.index_cast %add3A_148 : i32 to index
        %swap3A_157 = arith.constant 0 : index
        %swap3A_158 = tpu.vector_load %arg12[%swap3A, %swap3A_157] {strides = array<i32>} : memref<80x128xf32, #tpu.memory_space<vmem>>, vector<1x16xf32>,
        %swap3A_159 = vector.shape_cast %swap3A_158 : vector<1x16xf32> to vector<16xf32>
        %swap3A_160 = vector.shape_cast %mul3A_156 : vector<16xf32> to vector<1x16xf32>
        tpu.vector_store %arg12[%swap3A, %swap3A_157], %swap3A_160 {strides = array<i32>} : memref<80x128xf32, #tpu.memory_space<vmem>>, vector<1x16xf32>,
        %get3A_161 = arith.index_cast %add3A_148 : i32 to index
        %get3A_162 = arith.constant 16 : index
        %get3A_163 = tpu.vector_load %arg12[%get3A_161, %get3A_162] {strides = array<i32>} : memref<80x128xf32, #tpu.memory_space<vmem>>, vector<1x16xf32>,
        %get3A_164 = vector.shape_cast %get3A_163 : vector<1x16xf32> to vector<16xf32>
        %get3A_165 = arith.index_cast %add3A_148 : i32 to index
        %get3A_166 = arith.constant 16 : index
        %get3A_167 = tpu.vector_load %arg14[%get3A_165, %get3A_166] {strides = array<i32>} : memref<80x128xf32, #tpu.memory_space<vmem>>, vector<1x16xf32>,
        %get3A_168 = vector.shape_cast %get3A_167 : vector<1x16xf32> to vector<16xf32>
        %mul3A_169 = arith.mulf %get3A_164, %get3A_168 : vector<16xf32>
        %swap3A_170 = arith.index_cast %add3A_148 : i32 to index
        %swap3A_171 = arith.constant 16 : index
        %swap3A_172 = tpu.vector_load %arg12[%swap3A_170, %swap3A_171] {strides = array<i32>} : memref<80x128xf32, #tpu.memory_space<vmem>>, vector<1x16xf32>,
        %swap3A_173 = vector.shape_cast %swap3A_172 : vector<1x16xf32> to vector<16xf32>
        %swap3A_174 = vector.shape_cast %mul3A_169 : vector<16xf32> to vector<1x16xf32>
        tpu.vector_store %arg12[%swap3A_170, %swap3A_171], %swap3A_174 {strides = array<i32>} : memref<80x128xf32, #tpu.memory_space<vmem>>, vector<1x16xf32>,
        %get3A_175 = arith.index_cast %add3A_148 : i32 to index
        %get3A_176 = arith.constant 32 : index
        %get3A_177 = tpu.vector_load %arg12[%get3A_175, %get3A_176] {strides = array<i32>} : memref<80x128xf32, #tpu.memory_space<vmem>>, vector<1x16xf32>,
        %get3A_178 = vector.shape_cast %get3A_177 : vector<1x16xf32> to vector<16xf32>
        %get3A_179 = arith.index_cast %add3A_148 : i32 to index
        %get3A_180 = arith.constant 32 : index
        %get3A_181 = tpu.vector_load %arg14[%get3A_179, %get3A_180] {strides = array<i32>} : memref<80x128xf32, #tpu.memory_space<vmem>>, vector<1x16xf32>,
        %get3A_182 = vector.shape_cast %get3A_181 : vector<1x16xf32> to vector<16xf32>
        %mul3A_183 = arith.mulf %get3A_178, %get3A_182 : vector<16xf32>
        %swap3A_184 = arith.index_cast %add3A_148 : i32 to index
        %swap3A_185 = arith.constant 32 : index
        %swap3A_186 = tpu.vector_load %arg12[%swap3A_184, %swap3A_185] {strides = array<i32>} : memref<80x128xf32, #tpu.memory_space<vmem>>, vector<1x16xf32>,
        %swap3A_187 = vector.shape_cast %swap3A_186 : vector<1x16xf32> to vector<16xf32>
        %swap3A_188 = vector.shape_cast %mul3A_183 : vector<16xf32> to vector<1x16xf32>
        tpu.vector_store %arg12[%swap3A_184, %swap3A_185], %swap3A_188 {strides = array<i32>} : memref<80x128xf32, #tpu.memory_space<vmem>>, vector<1x16xf32>,
        %get3A_189 = arith.index_cast %add3A_148 : i32 to index
        %get3A_190 = arith.constant 48 : index
        %get3A_191 = tpu.vector_load %arg12[%get3A_189, %get3A_190] {strides = array<i32>} : memref<80x128xf32, #tpu.memory_space<vmem>>, vector<1x16xf32>,
        %get3A_192 = vector.shape_cast %get3A_191 : vector<1x16xf32> to vector<16xf32>
        %get3A_193 = arith.index_cast %add3A_148 : i32 to index
        %get3A_194 = arith.constant 48 : index
        %get3A_195 = tpu.vector_load %arg14[%get3A_193, %get3A_194] {strides = array<i32>} : memref<80x128xf32, #tpu.memory_space<vmem>>, vector<1x16xf32>,
        %get3A_196 = vector.shape_cast %get3A_195 : vector<1x16xf32> to vector<16xf32>
        %mul3A_197 = arith.mulf %get3A_192, %get3A_196 : vector<16xf32>
        %swap3A_198 = arith.index_cast %add3A_148 : i32 to index
        %swap3A_199 = arith.constant 48 : index
        %swap3A_200 = tpu.vector_load %arg12[%swap3A_198, %swap3A_199] {strides = array<i32>} : memref<80x128xf32, #tpu.memory_space<vmem>>, vector<1x16xf32>,
        %swap3A_201 = vector.shape_cast %swap3A_200 : vector<1x16xf32> to vector<16xf32>
        %swap3A_202 = vector.shape_cast %mul3A_197 : vector<16xf32> to vector<1x16xf32>
        tpu.vector_store %arg12[%swap3A_198, %swap3A_199], %swap3A_202 {strides = array<i32>} : memref<80x128xf32, #tpu.memory_space<vmem>>, vector<1x16xf32>,
        %get3A_203 = arith.index_cast %add3A_148 : i32 to index
        %get3A_204 = arith.constant 64 : index
        %get3A_205 = tpu.vector_load %arg12[%get3A_203, %get3A_204] {strides = array<i32>} : memref<80x128xf32, #tpu.memory_space<vmem>>, vector<1x16xf32>,
        %get3A_206 = vector.shape_cast %get3A_205 : vector<1x16xf32> to vector<16xf32>
        %get3A_207 = arith.index_cast %add3A_148 : i32 to index
        %get3A_208 = arith.constant 64 : index
        %get3A_209 = tpu.vector_load %arg14[%get3A_207, %get3A_208] {strides = array<i32>} : memref<80x128xf32, #tpu.memory_space<vmem>>, vector<1x16xf32>,
        %get3A_210 = vector.shape_cast %get3A_209 : vector<1x16xf32> to vector<16xf32>
        %mul3A_211 = arith.mulf %get3A_206, %get3A_210 : vector<16xf32>
        %swap3A_212 = arith.index_cast %add3A_148 : i32 to index
        %swap3A_213 = arith.constant 64 : index
        %swap3A_214 = tpu.vector_load %arg12[%swap3A_212, %swap3A_213] {strides = array<i32>} : memref<80x128xf32, #tpu.memory_space<vmem>>, vector<1x16xf32>,
        %swap3A_215 = vector.shape_cast %swap3A_214 : vector<1x16xf32> to vector<16xf32>
        %swap3A_216 = vector.shape_cast %mul3A_211 : vector<16xf32> to vector<1x16xf32>
        tpu.vector_store %arg12[%swap3A_212, %swap3A_213], %swap3A_216 {strides = array<i32>} : memref<80x128xf32, #tpu.memory_space<vmem>>, vector<1x16xf32>,
        %get3A_217 = arith.index_cast %add3A_148 : i32 to index
        %get3A_218 = arith.constant 80 : index
        %get3A_219 = tpu.vector_load %arg12[%get3A_217, %get3A_218] {strides = array<i32>} : memref<80x128xf32, #tpu.memory_space<vmem>>, vector<1x16xf32>,
        %get3A_220 = vector.shape_cast %get3A_219 : vector<1x16xf32> to vector<16xf32>
        %get3A_221 = arith.index_cast %add3A_148 : i32 to index
        %get3A_222 = arith.constant 80 : index
        %get3A_223 = tpu.vector_load %arg14[%get3A_221, %get3A_222] {strides = array<i32>} : memref<80x128xf32, #tpu.memory_space<vmem>>, vector<1x16xf32>,
        %get3A_224 = vector.shape_cast %get3A_223 : vector<1x16xf32> to vector<16xf32>
        %mul3A_225 = arith.mulf %get3A_220, %get3A_224 : vector<16xf32>
        %swap3A_226 = arith.index_cast %add3A_148 : i32 to index
        %swap3A_227 = arith.constant 80 : index
        %swap3A_228 = tpu.vector_load %arg12[%swap3A_226, %swap3A_227] {strides = array<i32>} : memref<80x128xf32, #tpu.memory_space<vmem>>, vector<1x16xf32>,
        %swap3A_229 = vector.shape_cast %swap3A_228 : vector<1x16xf32> to vector<16xf32>
        %swap3A_230 = vector.shape_cast %mul3A_225 : vector<16xf32> to vector<1x16xf32>
        tpu.vector_store %arg12[%swap3A_226, %swap3A_227], %swap3A_230 {strides = array<i32>} : memref<80x128xf32, #tpu.memory_space<vmem>>, vector<1x16xf32>,
        %get3A_231 = arith.index_cast %add3A_148 : i32 to index
        %get3A_232 = arith.constant 96 : index
        %get3A_233 = tpu.vector_load %arg12[%get3A_231, %get3A_232] {strides = array<i32>} : memref<80x128xf32, #tpu.memory_space<vmem>>, vector<1x16xf32>,
        %get3A_234 = vector.shape_cast %get3A_233 : vector<1x16xf32> to vector<16xf32>
        %get3A_235 = arith.index_cast %add3A_148 : i32 to index
        %get3A_236 = arith.constant 96 : index
        %get3A_237 = tpu.vector_load %arg14[%get3A_235, %get3A_236] {strides = array<i32>} : memref<80x128xf32, #tpu.memory_space<vmem>>, vector<1x16xf32>,
        %get3A_238 = vector.shape_cast %get3A_237 : vector<1x16xf32> to vector<16xf32>
        %mul3A_239 = arith.mulf %get3A_234, %get3A_238 : vector<16xf32>
        %swap3A_240 = arith.index_cast %add3A_148 : i32 to index
        %swap3A_241 = arith.constant 96 : index
        %swap3A_242 = tpu.vector_load %arg12[%swap3A_240, %swap3A_241] {strides = array<i32>} : memref<80x128xf32, #tpu.memory_space<vmem>>, vector<1x16xf32>,
        %swap3A_243 = vector.shape_cast %swap3A_242 : vector<1x16xf32> to vector<16xf32>
        %swap3A_244 = vector.shape_cast %mul3A_239 : vector<16xf32> to vector<1x16xf32>
        tpu.vector_store %arg12[%swap3A_240, %swap3A_241], %swap3A_244 {strides = array<i32>} : memref<80x128xf32, #tpu.memory_space<vmem>>, vector<1x16xf32>,
        %get3A_245 = arith.index_cast %add3A_148 : i32 to index
        %get3A_246 = arith.constant 112 : index
        %get3A_247 = tpu.vector_load %arg12[%get3A_245, %get3A_246] {strides = array<i32>} : memref<80x128xf32, #tpu.memory_space<vmem>>, vector<1x16xf32>,
        %get3A_248 = vector.shape_cast %get3A_247 : vector<1x16xf32> to vector<16xf32>
        %get3A_249 = arith.index_cast %add3A_148 : i32 to index
        %get3A_250 = arith.constant 112 : index
        %get3A_251 = tpu.vector_load %arg14[%get3A_249, %get3A_250] {strides = array<i32>} : memref<80x128xf32, #tpu.memory_space<vmem>>, vector<1x16xf32>,
        %get3A_252 = vector.shape_cast %get3A_251 : vector<1x16xf32> to vector<16xf32>
        %mul3A_253 = arith.mulf %get3A_248, %get3A_252 : vector<16xf32>
        %swap3A_254 = arith.index_cast %add3A_148 : i32 to index
        %swap3A_255 = arith.constant 112 : index
        %swap3A_256 = tpu.vector_load %arg12[%swap3A_254, %swap3A_255] {strides = array<i32>} : memref<80x128xf32, #tpu.memory_space<vmem>>, vector<1x16xf32>,
        %swap3A_257 = vector.shape_cast %swap3A_256 : vector<1x16xf32> to vector<16xf32>
        %swap3A_258 = vector.shape_cast %mul3A_253 : vector<16xf32> to vector<1x16xf32>
        tpu.vector_store %arg12[%swap3A_254, %swap3A_255], %swap3A_258 {strides = array<i32>} : memref<80x128xf32, #tpu.memory_space<vmem>>, vector<1x16xf32>,
        %mul3A_259 = arith.constant 4 : i32
        %mul3A_260 = arith.muli %scan3A_144, %mul3A_259 : i32
        %add3A_261 = arith.constant 1 : i32
        %add3A_262 = arith.addi %mul3A_260, %add3A_261 : i32
        %get3A_263 = arith.index_cast %add3A_262 : i32 to index
        %get3A_264 = arith.constant 0 : index
        %get3A_265 = tpu.vector_load %arg12[%get3A_263, %get3A_264] {strides = array<i32>} : memref<80x128xf32, #tpu.memory_space<vmem>>, vector<1x16xf32>,
        %get3A_266 = vector.shape_cast %get3A_265 : vector<1x16xf32> to vector<16xf32>
        %get3A_267 = arith.index_cast %add3A_262 : i32 to index
        %get3A_268 = arith.constant 0 : index
        %get3A_269 = tpu.vector_load %arg14[%get3A_267, %get3A_268] {strides = array<i32>} : memref<80x128xf32, #tpu.memory_space<vmem>>, vector<1x16xf32>,
        %get3A_270 = vector.shape_cast %get3A_269 : vector<1x16xf32> to vector<16xf32>
        %mul3A_271 = arith.mulf %get3A_266, %get3A_270 : vector<16xf32>
        %swap3A_272 = arith.index_cast %add3A_262 : i32 to index
        %swap3A_273 = arith.constant 0 : index
        %swap3A_274 = tpu.vector_load %arg12[%swap3A_272, %swap3A_273] {strides = array<i32>} : memref<80x128xf32, #tpu.memory_space<vmem>>, vector<1x16xf32>,
        %swap3A_275 = vector.shape_cast %swap3A_274 : vector<1x16xf32> to vector<16xf32>
        %swap3A_276 = vector.shape_cast %mul3A_271 : vector<16xf32> to vector<1x16xf32>
        tpu.vector_store %arg12[%swap3A_272, %swap3A_273], %swap3A_276 {strides = array<i32>} : memref<80x128xf32, #tpu.memory_space<vmem>>, vector<1x16xf32>,
        %get3A_277 = arith.index_cast %add3A_262 : i32 to index
        %get3A_278 = arith.constant 16 : index
        %get3A_279 = tpu.vector_load %arg12[%get3A_277, %get3A_278] {strides = array<i32>} : memref<80x128xf32, #tpu.memory_space<vmem>>, vector<1x16xf32>,
        %get3A_280 = vector.shape_cast %get3A_279 : vector<1x16xf32> to vector<16xf32>
        %get3A_281 = arith.index_cast %add3A_262 : i32 to index
        %get3A_282 = arith.constant 16 : index
        %get3A_283 = tpu.vector_load %arg14[%get3A_281, %get3A_282] {strides = array<i32>} : memref<80x128xf32, #tpu.memory_space<vmem>>, vector<1x16xf32>,
        %get3A_284 = vector.shape_cast %get3A_283 : vector<1x16xf32> to vector<16xf32>
        %mul3A_285 = arith.mulf %get3A_280, %get3A_284 : vector<16xf32>
        %swap3A_286 = arith.index_cast %add3A_262 : i32 to index
        %swap3A_287 = arith.constant 16 : index
        %swap3A_288 = tpu.vector_load %arg12[%swap3A_286, %swap3A_287] {strides = array<i32>} : memref<80x128xf32, #tpu.memory_space<vmem>>, vector<1x16xf32>,
        %swap3A_289 = vector.shape_cast %swap3A_288 : vector<1x16xf32> to vector<16xf32>
        %swap3A_290 = vector.shape_cast %mul3A_285 : vector<16xf32> to vector<1x16xf32>
        tpu.vector_store %arg12[%swap3A_286, %swap3A_287], %swap3A_290 {strides = array<i32>} : memref<80x128xf32, #tpu.memory_space<vmem>>, vector<1x16xf32>,
        %get3A_291 = arith.index_cast %add3A_262 : i32 to index
        %get3A_292 = arith.constant 32 : index
        %get3A_293 = tpu.vector_load %arg12[%get3A_291, %get3A_292] {strides = array<i32>} : memref<80x128xf32, #tpu.memory_space<vmem>>, vector<1x16xf32>,
        %get3A_294 = vector.shape_cast %get3A_293 : vector<1x16xf32> to vector<16xf32>
        %get3A_295 = arith.index_cast %add3A_262 : i32 to index
        %get3A_296 = arith.constant 32 : index
        %get3A_297 = tpu.vector_load %arg14[%get3A_295, %get3A_296] {strides = array<i32>} : memref<80x128xf32, #tpu.memory_space<vmem>>, vector<1x16xf32>,
        %get3A_298 = vector.shape_cast %get3A_297 : vector<1x16xf32> to vector<16xf32>
        %mul3A_299 = arith.mulf %get3A_294, %get3A_298 : vector<16xf32>
        %swap3A_300 = arith.index_cast %add3A_262 : i32 to index
        %swap3A_301 = arith.constant 32 : index
        %swap3A_302 = tpu.vector_load %arg12[%swap3A_300, %swap3A_301] {strides = array<i32>} : memref<80x128xf32, #tpu.memory_space<vmem>>, vector<1x16xf32>,
        %swap3A_303 = vector.shape_cast %swap3A_302 : vector<1x16xf32> to vector<16xf32>
        %swap3A_304 = vector.shape_cast %mul3A_299 : vector<16xf32> to vector<1x16xf32>
        tpu.vector_store %arg12[%swap3A_300, %swap3A_301], %swap3A_304 {strides = array<i32>} : memref<80x128xf32, #tpu.memory_space<vmem>>, vector<1x16xf32>,
        %get3A_305 = arith.index_cast %add3A_262 : i32 to index
        %get3A_306 = arith.constant 48 : index
        %get3A_307 = tpu.vector_load %arg12[%get3A_305, %get3A_306] {strides = array<i32>} : memref<80x128xf32, #tpu.memory_space<vmem>>, vector<1x16xf32>,
        %get3A_308 = vector.shape_cast %get3A_307 : vector<1x16xf32> to vector<16xf32>
        %get3A_309 = arith.index_cast %add3A_262 : i32 to index
        %get3A_310 = arith.constant 48 : index
        %get3A_311 = tpu.vector_load %arg14[%get3A_309, %get3A_310] {strides = array<i32>} : memref<80x128xf32, #tpu.memory_space<vmem>>, vector<1x16xf32>,
        %get3A_312 = vector.shape_cast %get3A_311 : vector<1x16xf32> to vector<16xf32>
        %mul3A_313 = arith.mulf %get3A_308, %get3A_312 : vector<16xf32>
        %swap3A_314 = arith.index_cast %add3A_262 : i32 to index
        %swap3A_315 = arith.constant 48 : index
        %swap3A_316 = tpu.vector_load %arg12[%swap3A_314, %swap3A_315] {strides = array<i32>} : memref<80x128xf32, #tpu.memory_space<vmem>>, vector<1x16xf32>,
        %swap3A_317 = vector.shape_cast %swap3A_316 : vector<1x16xf32> to vector<16xf32>
        %swap3A_318 = vector.shape_cast %mul3A_313 : vector<16xf32> to vector<1x16xf32>
        tpu.vector_store %arg12[%swap3A_314, %swap3A_315], %swap3A_318 {strides = array<i32>} : memref<80x128xf32, #tpu.memory_space<vmem>>, vector<1x16xf32>,
        %get3A_319 = arith.index_cast %add3A_262 : i32 to index
        %get3A_320 = arith.constant 64 : index
        %get3A_321 = tpu.vector_load %arg12[%get3A_319, %get3A_320] {strides = array<i32>} : memref<80x128xf32, #tpu.memory_space<vmem>>, vector<1x16xf32>,
        %get3A_322 = vector.shape_cast %get3A_321 : vector<1x16xf32> to vector<16xf32>
        %get3A_323 = arith.index_cast %add3A_262 : i32 to index
        %get3A_324 = arith.constant 64 : index
        %get3A_325 = tpu.vector_load %arg14[%get3A_323, %get3A_324] {strides = array<i32>} : memref<80x128xf32, #tpu.memory_space<vmem>>, vector<1x16xf32>,
        %get3A_326 = vector.shape_cast %get3A_325 : vector<1x16xf32> to vector<16xf32>
        %mul3A_327 = arith.mulf %get3A_322, %get3A_326 : vector<16xf32>
        %swap3A_328 = arith.index_cast %add3A_262 : i32 to index
        %swap3A_329 = arith.constant 64 : index
        %swap3A_330 = tpu.vector_load %arg12[%swap3A_328, %swap3A_329] {strides = array<i32>} : memref<80x128xf32, #tpu.memory_space<vmem>>, vector<1x16xf32>,
        %swap3A_331 = vector.shape_cast %swap3A_330 : vector<1x16xf32> to vector<16xf32>
        %swap3A_332 = vector.shape_cast %mul3A_327 : vector<16xf32> to vector<1x16xf32>
        tpu.vector_store %arg12[%swap3A_328, %swap3A_329], %swap3A_332 {strides = array<i32>} : memref<80x128xf32, #tpu.memory_space<vmem>>, vector<1x16xf32>,
        %get3A_333 = arith.index_cast %add3A_262 : i32 to index
        %get3A_334 = arith.constant 80 : index
        %get3A_335 = tpu.vector_load %arg12[%get3A_333, %get3A_334] {strides = array<i32>} : memref<80x128xf32, #tpu.memory_space<vmem>>, vector<1x16xf32>,
        %get3A_336 = vector.shape_cast %get3A_335 : vector<1x16xf32> to vector<16xf32>
        %get3A_337 = arith.index_cast %add3A_262 : i32 to index
        %get3A_338 = arith.constant 80 : index
        %get3A_339 = tpu.vector_load %arg14[%get3A_337, %get3A_338] {strides = array<i32>} : memref<80x128xf32, #tpu.memory_space<vmem>>, vector<1x16xf32>,
        %get3A_340 = vector.shape_cast %get3A_339 : vector<1x16xf32> to vector<16xf32>
        %mul3A_341 = arith.mulf %get3A_336, %get3A_340 : vector<16xf32>
        %swap3A_342 = arith.index_cast %add3A_262 : i32 to index
        %swap3A_343 = arith.constant 80 : index
        %swap3A_344 = tpu.vector_load %arg12[%swap3A_342, %swap3A_343] {strides = array<i32>} : memref<80x128xf32, #tpu.memory_space<vmem>>, vector<1x16xf32>,
        %swap3A_345 = vector.shape_cast %swap3A_344 : vector<1x16xf32> to vector<16xf32>
        %swap3A_346 = vector.shape_cast %mul3A_341 : vector<16xf32> to vector<1x16xf32>
        tpu.vector_store %arg12[%swap3A_342, %swap3A_343], %swap3A_346 {strides = array<i32>} : memref<80x128xf32, #tpu.memory_space<vmem>>, vector<1x16xf32>,
        %get3A_347 = arith.index_cast %add3A_262 : i32 to index
        %get3A_348 = arith.constant 96 : index
        %get3A_349 = tpu.vector_load %arg12[%get3A_347, %get3A_348] {strides = array<i32>} : memref<80x128xf32, #tpu.memory_space<vmem>>, vector<1x16xf32>,
        %get3A_350 = vector.shape_cast %get3A_349 : vector<1x16xf32> to vector<16xf32>
        %get3A_351 = arith.index_cast %add3A_262 : i32 to index
        %get3A_352 = arith.constant 96 : index
        %get3A_353 = tpu.vector_load %arg14[%get3A_351, %get3A_352] {strides = array<i32>} : memref<80x128xf32, #tpu.memory_space<vmem>>, vector<1x16xf32>,
        %get3A_354 = vector.shape_cast %get3A_353 : vector<1x16xf32> to vector<16xf32>
        %mul3A_355 = arith.mulf %get3A_350, %get3A_354 : vector<16xf32>
        %swap3A_356 = arith.index_cast %add3A_262 : i32 to index
        %swap3A_357 = arith.constant 96 : index
        %swap3A_358 = tpu.vector_load %arg12[%swap3A_356, %swap3A_357] {strides = array<i32>} : memref<80x128xf32, #tpu.memory_space<vmem>>, vector<1x16xf32>,
        %swap3A_359 = vector.shape_cast %swap3A_358 : vector<1x16xf32> to vector<16xf32>
        %swap3A_360 = vector.shape_cast %mul3A_355 : vector<16xf32> to vector<1x16xf32>
        tpu.vector_store %arg12[%swap3A_356, %swap3A_357], %swap3A_360 {strides = array<i32>} : memref<80x128xf32, #tpu.memory_space<vmem>>, vector<1x16xf32>,
        %get3A_361 = arith.index_cast %add3A_262 : i32 to index
        %get3A_362 = arith.constant 112 : index
        %get3A_363 = tpu.vector_load %arg12[%get3A_361, %get3A_362] {strides = array<i32>} : memref<80x128xf32, #tpu.memory_space<vmem>>, vector<1x16xf32>,
        %get3A_364 = vector.shape_cast %get3A_363 : vector<1x16xf32> to vector<16xf32>
        %get3A_365 = arith.index_cast %add3A_262 : i32 to index
        %get3A_366 = arith.constant 112 : index
        %get3A_367 = tpu.vector_load %arg14[%get3A_365, %get3A_366] {strides = array<i32>} : memref<80x128xf32, #tpu.memory_space<vmem>>, vector<1x16xf32>,
        %get3A_368 = vector.shape_cast %get3A_367 : vector<1x16xf32> to vector<16xf32>
        %mul3A_369 = arith.mulf %get3A_364, %get3A_368 : vector<16xf32>
        %swap3A_370 = arith.index_cast %add3A_262 : i32 to index
        %swap3A_371 = arith.constant 112 : index
        %swap3A_372 = tpu.vector_load %arg12[%swap3A_370, %swap3A_371] {strides = array<i32>} : memref<80x128xf32, #tpu.memory_space<vmem>>, vector<1x16xf32>,
        %swap3A_373 = vector.shape_cast %swap3A_372 : vector<1x16xf32> to vector<16xf32>
        %swap3A_374 = vector.shape_cast %mul3A_369 : vector<16xf32> to vector<1x16xf32>
        tpu.vector_store %arg12[%swap3A_370, %swap3A_371], %swap3A_374 {strides = array<i32>} : memref<80x128xf32, #tpu.memory_space<vmem>>, vector<1x16xf32>,
        %mul3A_375 = arith.constant 4 : i32
        %mul3A_376 = arith.muli %scan3A_144, %mul3A_375 : i32
        %add3A_377 = arith.constant 2 : i32
        %add3A_378 = arith.addi %mul3A_376, %add3A_377 : i32
        %get3A_379 = arith.index_cast %add3A_378 : i32 to index
        %get3A_380 = arith.constant 0 : index
        %get3A_381 = tpu.vector_load %arg12[%get3A_379, %get3A_380] {strides = array<i32>} : memref<80x128xf32, #tpu.memory_space<vmem>>, vector<1x16xf32>,
        %get3A_382 = vector.shape_cast %get3A_381 : vector<1x16xf32> to vector<16xf32>
        %get3A_383 = arith.index_cast %add3A_378 : i32 to index
        %get3A_384 = arith.constant 0 : index
        %get3A_385 = tpu.vector_load %arg14[%get3A_383, %get3A_384] {strides = array<i32>} : memref<80x128xf32, #tpu.memory_space<vmem>>, vector<1x16xf32>,
        %get3A_386 = vector.shape_cast %get3A_385 : vector<1x16xf32> to vector<16xf32>
        %mul3A_387 = arith.mulf %get3A_382, %get3A_386 : vector<16xf32>
        %swap3A_388 = arith.index_cast %add3A_378 : i32 to index
        %swap3A_389 = arith.constant 0 : index
        %swap3A_390 = tpu.vector_load %arg12[%swap3A_388, %swap3A_389] {strides = array<i32>} : memref<80x128xf32, #tpu.memory_space<vmem>>, vector<1x16xf32>,
        %swap3A_391 = vector.shape_cast %swap3A_390 : vector<1x16xf32> to vector<16xf32>
        %swap3A_392 = vector.shape_cast %mul3A_387 : vector<16xf32> to vector<1x16xf32>
        tpu.vector_store %arg12[%swap3A_388, %swap3A_389], %swap3A_392 {strides = array<i32>} : memref<80x128xf32, #tpu.memory_space<vmem>>, vector<1x16xf32>,
        %get3A_393 = arith.index_cast %add3A_378 : i32 to index
        %get3A_394 = arith.constant 16 : index
        %get3A_395 = tpu.vector_load %arg12[%get3A_393, %get3A_394] {strides = array<i32>} : memref<80x128xf32, #tpu.memory_space<vmem>>, vector<1x16xf32>,
        %get3A_396 = vector.shape_cast %get3A_395 : vector<1x16xf32> to vector<16xf32>
        %get3A_397 = arith.index_cast %add3A_378 : i32 to index
        %get3A_398 = arith.constant 16 : index
        %get3A_399 = tpu.vector_load %arg14[%get3A_397, %get3A_398] {strides = array<i32>} : memref<80x128xf32, #tpu.memory_space<vmem>>, vector<1x16xf32>,
        %get3A_400 = vector.shape_cast %get3A_399 : vector<1x16xf32> to vector<16xf32>
        %mul3A_401 = arith.mulf %get3A_396, %get3A_400 : vector<16xf32>
        %swap3A_402 = arith.index_cast %add3A_378 : i32 to index
        %swap3A_403 = arith.constant 16 : index
        %swap3A_404 = tpu.vector_load %arg12[%swap3A_402, %swap3A_403] {strides = array<i32>} : memref<80x128xf32, #tpu.memory_space<vmem>>, vector<1x16xf32>,
        %swap3A_405 = vector.shape_cast %swap3A_404 : vector<1x16xf32> to vector<16xf32>
        %swap3A_406 = vector.shape_cast %mul3A_401 : vector<16xf32> to vector<1x16xf32>
        tpu.vector_store %arg12[%swap3A_402, %swap3A_403], %swap3A_406 {strides = array<i32>} : memref<80x128xf32, #tpu.memory_space<vmem>>, vector<1x16xf32>,
        %get3A_407 = arith.index_cast %add3A_378 : i32 to index
        %get3A_408 = arith.constant 32 : index
        %get3A_409 = tpu.vector_load %arg12[%get3A_407, %get3A_408] {strides = array<i32>} : memref<80x128xf32, #tpu.memory_space<vmem>>, vector<1x16xf32>,
        %get3A_410 = vector.shape_cast %get3A_409 : vector<1x16xf32> to vector<16xf32>
        %get3A_411 = arith.index_cast %add3A_378 : i32 to index
        %get3A_412 = arith.constant 32 : index
        %get3A_413 = tpu.vector_load %arg14[%get3A_411, %get3A_412] {strides = array<i32>} : memref<80x128xf32, #tpu.memory_space<vmem>>, vector<1x16xf32>,
        %get3A_414 = vector.shape_cast %get3A_413 : vector<1x16xf32> to vector<16xf32>
        %mul3A_415 = arith.mulf %get3A_410, %get3A_414 : vector<16xf32>
        %swap3A_416 = arith.index_cast %add3A_378 : i32 to index
        %swap3A_417 = arith.constant 32 : index
        %swap3A_418 = tpu.vector_load %arg12[%swap3A_416, %swap3A_417] {strides = array<i32>} : memref<80x128xf32, #tpu.memory_space<vmem>>, vector<1x16xf32>,
        %swap3A_419 = vector.shape_cast %swap3A_418 : vector<1x16xf32> to vector<16xf32>
        %swap3A_420 = vector.shape_cast %mul3A_415 : vector<16xf32> to vector<1x16xf32>
        tpu.vector_store %arg12[%swap3A_416, %swap3A_417], %swap3A_420 {strides = array<i32>} : memref<80x128xf32, #tpu.memory_space<vmem>>, vector<1x16xf32>,
        %get3A_421 = arith.index_cast %add3A_378 : i32 to index
        %get3A_422 = arith.constant 48 : index
        %get3A_423 = tpu.vector_load %arg12[%get3A_421, %get3A_422] {strides = array<i32>} : memref<80x128xf32, #tpu.memory_space<vmem>>, vector<1x16xf32>,
        %get3A_424 = vector.shape_cast %get3A_423 : vector<1x16xf32> to vector<16xf32>
        %get3A_425 = arith.index_cast %add3A_378 : i32 to index
        %get3A_426 = arith.constant 48 : index
        %get3A_427 = tpu.vector_load %arg14[%get3A_425, %get3A_426] {strides = array<i32>} : memref<80x128xf32, #tpu.memory_space<vmem>>, vector<1x16xf32>,
        %get3A_428 = vector.shape_cast %get3A_427 : vector<1x16xf32> to vector<16xf32>
        %mul3A_429 = arith.mulf %get3A_424, %get3A_428 : vector<16xf32>
        %swap3A_430 = arith.index_cast %add3A_378 : i32 to index
        %swap3A_431 = arith.constant 48 : index
        %swap3A_432 = tpu.vector_load %arg12[%swap3A_430, %swap3A_431] {strides = array<i32>} : memref<80x128xf32, #tpu.memory_space<vmem>>, vector<1x16xf32>,
        %swap3A_433 = vector.shape_cast %swap3A_432 : vector<1x16xf32> to vector<16xf32>
        %swap3A_434 = vector.shape_cast %mul3A_429 : vector<16xf32> to vector<1x16xf32>
        tpu.vector_store %arg12[%swap3A_430, %swap3A_431], %swap3A_434 {strides = array<i32>} : memref<80x128xf32, #tpu.memory_space<vmem>>, vector<1x16xf32>,
        %get3A_435 = arith.index_cast %add3A_378 : i32 to index
        %get3A_436 = arith.constant 64 : index
        %get3A_437 = tpu.vector_load %arg12[%get3A_435, %get3A_436] {strides = array<i32>} : memref<80x128xf32, #tpu.memory_space<vmem>>, vector<1x16xf32>,
        %get3A_438 = vector.shape_cast %get3A_437 : vector<1x16xf32> to vector<16xf32>
        %get3A_439 = arith.index_cast %add3A_378 : i32 to index
        %get3A_440 = arith.constant 64 : index
        %get3A_441 = tpu.vector_load %arg14[%get3A_439, %get3A_440] {strides = array<i32>} : memref<80x128xf32, #tpu.memory_space<vmem>>, vector<1x16xf32>,
        %get3A_442 = vector.shape_cast %get3A_441 : vector<1x16xf32> to vector<16xf32>
        %mul3A_443 = arith.mulf %get3A_438, %get3A_442 : vector<16xf32>
        %swap3A_444 = arith.index_cast %add3A_378 : i32 to index
        %swap3A_445 = arith.constant 64 : index
        %swap3A_446 = tpu.vector_load %arg12[%swap3A_444, %swap3A_445] {strides = array<i32>} : memref<80x128xf32, #tpu.memory_space<vmem>>, vector<1x16xf32>,
        %swap3A_447 = vector.shape_cast %swap3A_446 : vector<1x16xf32> to vector<16xf32>
        %swap3A_448 = vector.shape_cast %mul3A_443 : vector<16xf32> to vector<1x16xf32>
        tpu.vector_store %arg12[%swap3A_444, %swap3A_445], %swap3A_448 {strides = array<i32>} : memref<80x128xf32, #tpu.memory_space<vmem>>, vector<1x16xf32>,
        %get3A_449 = arith.index_cast %add3A_378 : i32 to index
        %get3A_450 = arith.constant 80 : index
        %get3A_451 = tpu.vector_load %arg12[%get3A_449, %get3A_450] {strides = array<i32>} : memref<80x128xf32, #tpu.memory_space<vmem>>, vector<1x16xf32>,
        %get3A_452 = vector.shape_cast %get3A_451 : vector<1x16xf32> to vector<16xf32>
        %get3A_453 = arith.index_cast %add3A_378 : i32 to index
        %get3A_454 = arith.constant 80 : index
        %get3A_455 = tpu.vector_load %arg14[%get3A_453, %get3A_454] {strides = array<i32>} : memref<80x128xf32, #tpu.memory_space<vmem>>, vector<1x16xf32>,
        %get3A_456 = vector.shape_cast %get3A_455 : vector<1x16xf32> to vector<16xf32>
        %mul3A_457 = arith.mulf %get3A_452, %get3A_456 : vector<16xf32>
        %swap3A_458 = arith.index_cast %add3A_378 : i32 to index
        %swap3A_459 = arith.constant 80 : index
        %swap3A_460 = tpu.vector_load %arg12[%swap3A_458, %swap3A_459] {strides = array<i32>} : memref<80x128xf32, #tpu.memory_space<vmem>>, vector<1x16xf32>,
        %swap3A_461 = vector.shape_cast %swap3A_460 : vector<1x16xf32> to vector<16xf32>
        %swap3A_462 = vector.shape_cast %mul3A_457 : vector<16xf32> to vector<1x16xf32>
        tpu.vector_store %arg12[%swap3A_458, %swap3A_459], %swap3A_462 {strides = array<i32>} : memref<80x128xf32, #tpu.memory_space<vmem>>, vector<1x16xf32>,
        %get3A_463 = arith.index_cast %add3A_378 : i32 to index
        %get3A_464 = arith.constant 96 : index
        %get3A_465 = tpu.vector_load %arg12[%get3A_463, %get3A_464] {strides = array<i32>} : memref<80x128xf32, #tpu.memory_space<vmem>>, vector<1x16xf32>,
        %get3A_466 = vector.shape_cast %get3A_465 : vector<1x16xf32> to vector<16xf32>
        %get3A_467 = arith.index_cast %add3A_378 : i32 to index
        %get3A_468 = arith.constant 96 : index
        %get3A_469 = tpu.vector_load %arg14[%get3A_467, %get3A_468] {strides = array<i32>} : memref<80x128xf32, #tpu.memory_space<vmem>>, vector<1x16xf32>,
        %get3A_470 = vector.shape_cast %get3A_469 : vector<1x16xf32> to vector<16xf32>
        %mul3A_471 = arith.mulf %get3A_466, %get3A_470 : vector<16xf32>
        %swap3A_472 = arith.index_cast %add3A_378 : i32 to index
        %swap3A_473 = arith.constant 96 : index
        %swap3A_474 = tpu.vector_load %arg12[%swap3A_472, %swap3A_473] {strides = array<i32>} : memref<80x128xf32, #tpu.memory_space<vmem>>, vector<1x16xf32>,
        %swap3A_475 = vector.shape_cast %swap3A_474 : vector<1x16xf32> to vector<16xf32>
        %swap3A_476 = vector.shape_cast %mul3A_471 : vector<16xf32> to vector<1x16xf32>
        tpu.vector_store %arg12[%swap3A_472, %swap3A_473], %swap3A_476 {strides = array<i32>} : memref<80x128xf32, #tpu.memory_space<vmem>>, vector<1x16xf32>,
        %get3A_477 = arith.index_cast %add3A_378 : i32 to index
        %get3A_478 = arith.constant 112 : index
        %get3A_479 = tpu.vector_load %arg12[%get3A_477, %get3A_478] {strides = array<i32>} : memref<80x128xf32, #tpu.memory_space<vmem>>, vector<1x16xf32>,
        %get3A_480 = vector.shape_cast %get3A_479 : vector<1x16xf32> to vector<16xf32>
        %get3A_481 = arith.index_cast %add3A_378 : i32 to index
        %get3A_482 = arith.constant 112 : index
        %get3A_483 = tpu.vector_load %arg14[%get3A_481, %get3A_482] {strides = array<i32>} : memref<80x128xf32, #tpu.memory_space<vmem>>, vector<1x16xf32>,
        %get3A_484 = vector.shape_cast %get3A_483 : vector<1x16xf32> to vector<16xf32>
        %mul3A_485 = arith.mulf %get3A_480, %get3A_484 : vector<16xf32>
        %swap3A_486 = arith.index_cast %add3A_378 : i32 to index
        %swap3A_487 = arith.constant 112 : index
        %swap3A_488 = tpu.vector_load %arg12[%swap3A_486, %swap3A_487] {strides = array<i32>} : memref<80x128xf32, #tpu.memory_space<vmem>>, vector<1x16xf32>,
        %swap3A_489 = vector.shape_cast %swap3A_488 : vector<1x16xf32> to vector<16xf32>
        %swap3A_490 = vector.shape_cast %mul3A_485 : vector<16xf32> to vector<1x16xf32>
        tpu.vector_store %arg12[%swap3A_486, %swap3A_487], %swap3A_490 {strides = array<i32>} : memref<80x128xf32, #tpu.memory_space<vmem>>, vector<1x16xf32>,
        %mul3A_491 = arith.constant 4 : i32
        %mul3A_492 = arith.muli %scan3A_144, %mul3A_491 : i32
        %add3A_493 = arith.constant 3 : i32
        %add3A_494 = arith.addi %mul3A_492, %add3A_493 : i32
        %get3A_495 = arith.index_cast %add3A_494 : i32 to index
        %get3A_496 = arith.constant 0 : index
        %get3A_497 = tpu.vector_load %arg12[%get3A_495, %get3A_496] {strides = array<i32>} : memref<80x128xf32, #tpu.memory_space<vmem>>, vector<1x16xf32>,
        %get3A_498 = vector.shape_cast %get3A_497 : vector<1x16xf32> to vector<16xf32>
        %get3A_499 = arith.index_cast %add3A_494 : i32 to index
        %get3A_500 = arith.constant 0 : index
        %get3A_501 = tpu.vector_load %arg14[%get3A_499, %get3A_500] {strides = array<i32>} : memref<80x128xf32, #tpu.memory_space<vmem>>, vector<1x16xf32>,
        %get3A_502 = vector.shape_cast %get3A_501 : vector<1x16xf32> to vector<16xf32>
        %mul3A_503 = arith.mulf %get3A_498, %get3A_502 : vector<16xf32>
        %swap3A_504 = arith.index_cast %add3A_494 : i32 to index
        %swap3A_505 = arith.constant 0 : index
        %swap3A_506 = tpu.vector_load %arg12[%swap3A_504, %swap3A_505] {strides = array<i32>} : memref<80x128xf32, #tpu.memory_space<vmem>>, vector<1x16xf32>,
        %swap3A_507 = vector.shape_cast %swap3A_506 : vector<1x16xf32> to vector<16xf32>
        %swap3A_508 = vector.shape_cast %mul3A_503 : vector<16xf32> to vector<1x16xf32>
        tpu.vector_store %arg12[%swap3A_504, %swap3A_505], %swap3A_508 {strides = array<i32>} : memref<80x128xf32, #tpu.memory_space<vmem>>, vector<1x16xf32>,
        %get3A_509 = arith.index_cast %add3A_494 : i32 to index
        %get3A_510 = arith.constant 16 : index
        %get3A_511 = tpu.vector_load %arg12[%get3A_509, %get3A_510] {strides = array<i32>} : memref<80x128xf32, #tpu.memory_space<vmem>>, vector<1x16xf32>,
        %get3A_512 = vector.shape_cast %get3A_511 : vector<1x16xf32> to vector<16xf32>
        %get3A_513 = arith.index_cast %add3A_494 : i32 to index
        %get3A_514 = arith.constant 16 : index
        %get3A_515 = tpu.vector_load %arg14[%get3A_513, %get3A_514] {strides = array<i32>} : memref<80x128xf32, #tpu.memory_space<vmem>>, vector<1x16xf32>,
        %get3A_516 = vector.shape_cast %get3A_515 : vector<1x16xf32> to vector<16xf32>
        %mul3A_517 = arith.mulf %get3A_512, %get3A_516 : vector<16xf32>
        %swap3A_518 = arith.index_cast %add3A_494 : i32 to index
        %swap3A_519 = arith.constant 16 : index
        %swap3A_520 = tpu.vector_load %arg12[%swap3A_518, %swap3A_519] {strides = array<i32>} : memref<80x128xf32, #tpu.memory_space<vmem>>, vector<1x16xf32>,
        %swap3A_521 = vector.shape_cast %swap3A_520 : vector<1x16xf32> to vector<16xf32>
        %swap3A_522 = vector.shape_cast %mul3A_517 : vector<16xf32> to vector<1x16xf32>
        tpu.vector_store %arg12[%swap3A_518, %swap3A_519], %swap3A_522 {strides = array<i32>} : memref<80x128xf32, #tpu.memory_space<vmem>>, vector<1x16xf32>,
        %get3A_523 = arith.index_cast %add3A_494 : i32 to index
        %get3A_524 = arith.constant 32 : index
        %get3A_525 = tpu.vector_load %arg12[%get3A_523, %get3A_524] {strides = array<i32>} : memref<80x128xf32, #tpu.memory_space<vmem>>, vector<1x16xf32>,
        %get3A_526 = vector.shape_cast %get3A_525 : vector<1x16xf32> to vector<16xf32>
        %get3A_527 = arith.index_cast %add3A_494 : i32 to index
        %get3A_528 = arith.constant 32 : index
        %get3A_529 = tpu.vector_load %arg14[%get3A_527, %get3A_528] {strides = array<i32>} : memref<80x128xf32, #tpu.memory_space<vmem>>, vector<1x16xf32>,
        %get3A_530 = vector.shape_cast %get3A_529 : vector<1x16xf32> to vector<16xf32>
        %mul3A_531 = arith.mulf %get3A_526, %get3A_530 : vector<16xf32>
        %swap3A_532 = arith.index_cast %add3A_494 : i32 to index
        %swap3A_533 = arith.constant 32 : index
        %swap3A_534 = tpu.vector_load %arg12[%swap3A_532, %swap3A_533] {strides = array<i32>} : memref<80x128xf32, #tpu.memory_space<vmem>>, vector<1x16xf32>,
        %swap3A_535 = vector.shape_cast %swap3A_534 : vector<1x16xf32> to vector<16xf32>
        %swap3A_536 = vector.shape_cast %mul3A_531 : vector<16xf32> to vector<1x16xf32>
        tpu.vector_store %arg12[%swap3A_532, %swap3A_533], %swap3A_536 {strides = array<i32>} : memref<80x128xf32, #tpu.memory_space<vmem>>, vector<1x16xf32>,
        %get3A_537 = arith.index_cast %add3A_494 : i32 to index
        %get3A_538 = arith.constant 48 : index
        %get3A_539 = tpu.vector_load %arg12[%get3A_537, %get3A_538] {strides = array<i32>} : memref<80x128xf32, #tpu.memory_space<vmem>>, vector<1x16xf32>,
        %get3A_540 = vector.shape_cast %get3A_539 : vector<1x16xf32> to vector<16xf32>
        %get3A_541 = arith.index_cast %add3A_494 : i32 to index
        %get3A_542 = arith.constant 48 : index
        %get3A_543 = tpu.vector_load %arg14[%get3A_541, %get3A_542] {strides = array<i32>} : memref<80x128xf32, #tpu.memory_space<vmem>>, vector<1x16xf32>,
        %get3A_544 = vector.shape_cast %get3A_543 : vector<1x16xf32> to vector<16xf32>
        %mul3A_545 = arith.mulf %get3A_540, %get3A_544 : vector<16xf32>
        %swap3A_546 = arith.index_cast %add3A_494 : i32 to index
        %swap3A_547 = arith.constant 48 : index
        %swap3A_548 = tpu.vector_load %arg12[%swap3A_546, %swap3A_547] {strides = array<i32>} : memref<80x128xf32, #tpu.memory_space<vmem>>, vector<1x16xf32>,
        %swap3A_549 = vector.shape_cast %swap3A_548 : vector<1x16xf32> to vector<16xf32>
        %swap3A_550 = vector.shape_cast %mul3A_545 : vector<16xf32> to vector<1x16xf32>
        tpu.vector_store %arg12[%swap3A_546, %swap3A_547], %swap3A_550 {strides = array<i32>} : memref<80x128xf32, #tpu.memory_space<vmem>>, vector<1x16xf32>,
        %get3A_551 = arith.index_cast %add3A_494 : i32 to index
        %get3A_552 = arith.constant 64 : index
        %get3A_553 = tpu.vector_load %arg12[%get3A_551, %get3A_552] {strides = array<i32>} : memref<80x128xf32, #tpu.memory_space<vmem>>, vector<1x16xf32>,
        %get3A_554 = vector.shape_cast %get3A_553 : vector<1x16xf32> to vector<16xf32>
        %get3A_555 = arith.index_cast %add3A_494 : i32 to index
        %get3A_556 = arith.constant 64 : index
        %get3A_557 = tpu.vector_load %arg14[%get3A_555, %get3A_556] {strides = array<i32>} : memref<80x128xf32, #tpu.memory_space<vmem>>, vector<1x16xf32>,
        %get3A_558 = vector.shape_cast %get3A_557 : vector<1x16xf32> to vector<16xf32>
        %mul3A_559 = arith.mulf %get3A_554, %get3A_558 : vector<16xf32>
        %swap3A_560 = arith.index_cast %add3A_494 : i32 to index
        %swap3A_561 = arith.constant 64 : index
        %swap3A_562 = tpu.vector_load %arg12[%swap3A_560, %swap3A_561] {strides = array<i32>} : memref<80x128xf32, #tpu.memory_space<vmem>>, vector<1x16xf32>,
        %swap3A_563 = vector.shape_cast %swap3A_562 : vector<1x16xf32> to vector<16xf32>
        %swap3A_564 = vector.shape_cast %mul3A_559 : vector<16xf32> to vector<1x16xf32>
        tpu.vector_store %arg12[%swap3A_560, %swap3A_561], %swap3A_564 {strides = array<i32>} : memref<80x128xf32, #tpu.memory_space<vmem>>, vector<1x16xf32>,
        %get3A_565 = arith.index_cast %add3A_494 : i32 to index
        %get3A_566 = arith.constant 80 : index
        %get3A_567 = tpu.vector_load %arg12[%get3A_565, %get3A_566] {strides = array<i32>} : memref<80x128xf32, #tpu.memory_space<vmem>>, vector<1x16xf32>,
        %get3A_568 = vector.shape_cast %get3A_567 : vector<1x16xf32> to vector<16xf32>
        %get3A_569 = arith.index_cast %add3A_494 : i32 to index
        %get3A_570 = arith.constant 80 : index
        %get3A_571 = tpu.vector_load %arg14[%get3A_569, %get3A_570] {strides = array<i32>} : memref<80x128xf32, #tpu.memory_space<vmem>>, vector<1x16xf32>,
        %get3A_572 = vector.shape_cast %get3A_571 : vector<1x16xf32> to vector<16xf32>
        %mul3A_573 = arith.mulf %get3A_568, %get3A_572 : vector<16xf32>
        %swap3A_574 = arith.index_cast %add3A_494 : i32 to index
        %swap3A_575 = arith.constant 80 : index
        %swap3A_576 = tpu.vector_load %arg12[%swap3A_574, %swap3A_575] {strides = array<i32>} : memref<80x128xf32, #tpu.memory_space<vmem>>, vector<1x16xf32>,
        %swap3A_577 = vector.shape_cast %swap3A_576 : vector<1x16xf32> to vector<16xf32>
        %swap3A_578 = vector.shape_cast %mul3A_573 : vector<16xf32> to vector<1x16xf32>
        tpu.vector_store %arg12[%swap3A_574, %swap3A_575], %swap3A_578 {strides = array<i32>} : memref<80x128xf32, #tpu.memory_space<vmem>>, vector<1x16xf32>,
        %get3A_579 = arith.index_cast %add3A_494 : i32 to index
        %get3A_580 = arith.constant 96 : index
        %get3A_581 = tpu.vector_load %arg12[%get3A_579, %get3A_580] {strides = array<i32>} : memref<80x128xf32, #tpu.memory_space<vmem>>, vector<1x16xf32>,
        %get3A_582 = vector.shape_cast %get3A_581 : vector<1x16xf32> to vector<16xf32>
        %get3A_583 = arith.index_cast %add3A_494 : i32 to index
        %get3A_584 = arith.constant 96 : index
        %get3A_585 = tpu.vector_load %arg14[%get3A_583, %get3A_584] {strides = array<i32>} : memref<80x128xf32, #tpu.memory_space<vmem>>, vector<1x16xf32>,
        %get3A_586 = vector.shape_cast %get3A_585 : vector<1x16xf32> to vector<16xf32>
        %mul3A_587 = arith.mulf %get3A_582, %get3A_586 : vector<16xf32>
        %swap3A_588 = arith.index_cast %add3A_494 : i32 to index
        %swap3A_589 = arith.constant 96 : index
        %swap3A_590 = tpu.vector_load %arg12[%swap3A_588, %swap3A_589] {strides = array<i32>} : memref<80x128xf32, #tpu.memory_space<vmem>>, vector<1x16xf32>,
        %swap3A_591 = vector.shape_cast %swap3A_590 : vector<1x16xf32> to vector<16xf32>
        %swap3A_592 = vector.shape_cast %mul3A_587 : vector<16xf32> to vector<1x16xf32>
        tpu.vector_store %arg12[%swap3A_588, %swap3A_589], %swap3A_592 {strides = array<i32>} : memref<80x128xf32, #tpu.memory_space<vmem>>, vector<1x16xf32>,
        %get3A_593 = arith.index_cast %add3A_494 : i32 to index
        %get3A_594 = arith.constant 112 : index
        %get3A_595 = tpu.vector_load %arg12[%get3A_593, %get3A_594] {strides = array<i32>} : memref<80x128xf32, #tpu.memory_space<vmem>>, vector<1x16xf32>,
        %get3A_596 = vector.shape_cast %get3A_595 : vector<1x16xf32> to vector<16xf32>
        %get3A_597 = arith.index_cast %add3A_494 : i32 to index
        %get3A_598 = arith.constant 112 : index
        %get3A_599 = tpu.vector_load %arg14[%get3A_597, %get3A_598] {strides = array<i32>} : memref<80x128xf32, #tpu.memory_space<vmem>>, vector<1x16xf32>,
        %get3A_600 = vector.shape_cast %get3A_599 : vector<1x16xf32> to vector<16xf32>
        %mul3A_601 = arith.mulf %get3A_596, %get3A_600 : vector<16xf32>
        %swap3A_602 = arith.index_cast %add3A_494 : i32 to index
        %swap3A_603 = arith.constant 112 : index
        %swap3A_604 = tpu.vector_load %arg12[%swap3A_602, %swap3A_603] {strides = array<i32>} : memref<80x128xf32, #tpu.memory_space<vmem>>, vector<1x16xf32>,
        %swap3A_605 = vector.shape_cast %swap3A_604 : vector<1x16xf32> to vector<16xf32>
        %swap3A_606 = vector.shape_cast %mul3A_601 : vector<16xf32> to vector<1x16xf32>
        tpu.vector_store %arg12[%swap3A_602, %swap3A_603], %swap3A_606 {strides = array<i32>} : memref<80x128xf32, #tpu.memory_space<vmem>>, vector<1x16xf32>,
      }
      %scan3A_122 = arith.constant 20 : i32
      %dma_start3A_123 = arith.constant 24 : i32
      %dma_start3A_124 = arith.constant 0 : i32
      %dma_start3A_125 = tpu.memref_slice %arg9[%dma_start3A_123, %dma_start3A_124] : memref<25x80xi32, #tpu.memory_space<vmem>> -> memref<1x80xi32, #tpu.memory_space<vmem>>
      %dma_start3A_126 = tpu.memref_squeeze %dma_start3A_125 : memref<1x80xi32, #tpu.memory_space<vmem>> -> memref<80xi32, #tpu.memory_space<vmem>>
      %dma_start3A_127 = arith.constant 0 : i32
      %dma_start3A_128 = arith.constant 0 : i32
      %dma_start3A_129 = tpu.memref_slice %arg24[%dma_start3A_127, %dma_start3A_128] : memref<10000x128xf32, #tpu.memory_space<vmem_shared>> -> memref<10000x128xf32, #tpu.memory_space<vmem_shared>>
      tpu.enqueue_indirect_dma source(%arg12 : memref<80x128xf32, #tpu.memory_space<vmem>>) target(%dma_start3A_129 : memref<10000x128xf32, #tpu.memory_space<vmem_shared>>) offsets(%dma_start3A_126 : memref<80xi32, #tpu.memory_space<vmem>>) semaphore(%arg22 : memref<!tpu.dma_semaphore, #tpu.memory_space<semaphore_mem>>) {add = true}
      %run_scoped3A = arith.constant 24 : i32
      "tpu.region"() ({
        %run_scoped3A_144 = tpu.sem_alloc : memref<!tpu.dma_semaphore, #tpu.memory_space<semaphore_mem>>
        %dma_start3A_145 = arith.constant 0 : i32
        %dma_start3A_146 = tpu.memref_slice %arg9[%run_scoped3A, %dma_start3A_145] : memref<25x80xi32, #tpu.memory_space<vmem>> -> memref<1x80xi32, #tpu.memory_space<vmem>>
        %dma_start3A_147 = tpu.memref_squeeze %dma_start3A_146 : memref<1x80xi32, #tpu.memory_space<vmem>> -> memref<80xi32, #tpu.memory_space<vmem>>
        %dma_start3A_148 = arith.constant 0 : i32
        %dma_start3A_149 = tpu.memref_slice %arg25[%dma_start3A_148] : memref<10000xf32, #tpu.memory_space<vmem_shared>> -> memref<10000xf32, #tpu.memory_space<vmem_shared>>
        tpu.enqueue_indirect_dma source(%arg16 : memref<80xf32, #tpu.memory_space<vmem>>) target(%dma_start3A_149 : memref<10000xf32, #tpu.memory_space<vmem_shared>>) offsets(%dma_start3A_147 : memref<80xi32, #tpu.memory_space<vmem>>) semaphore(%run_scoped3A_144 : memref<!tpu.dma_semaphore, #tpu.memory_space<semaphore_mem>>) {add = true}
        %dma_wait3A_150 = arith.constant 0 : i32
        %dma_wait3A_151 = tpu.memref_slice %arg9[%run_scoped3A, %dma_wait3A_150] : memref<25x80xi32, #tpu.memory_space<vmem>> -> memref<1x80xi32, #tpu.memory_space<vmem>>
        %dma_wait3A_152 = tpu.memref_squeeze %dma_wait3A_151 : memref<1x80xi32, #tpu.memory_space<vmem>> -> memref<80xi32, #tpu.memory_space<vmem>>
        %dma_wait3A_153 = arith.constant 0 : i32
        %dma_wait3A_154 = tpu.memref_slice %arg25[%dma_wait3A_153] : memref<10000xf32, #tpu.memory_space<vmem_shared>> -> memref<10000xf32, #tpu.memory_space<vmem_shared>>
        tpu.wait_indirect_dma semaphore(%run_scoped3A_144 : memref<!tpu.dma_semaphore, #tpu.memory_space<semaphore_mem>>) src(%arg16 : memref<80xf32, #tpu.memory_space<vmem>>) dst(%dma_wait3A_154 : memref<10000xf32, #tpu.memory_space<vmem_shared>>)
        tpu.yield
      }) : () -> ()
      %dma_wait3A_130 = arith.constant 0 : i32
      %dma_wait3A_131 = arith.constant 0 : i32
      %dma_wait3A_132 = tpu.memref_slice %arg9[%dma_wait3A_130, %dma_wait3A_131] : memref<25x80xi32, #tpu.memory_space<vmem>> -> memref<1x80xi32, #tpu.memory_space<vmem>>
      %dma_wait3A_133 = tpu.memref_squeeze %dma_wait3A_132 : memref<1x80xi32, #tpu.memory_space<vmem>> -> memref<80xi32, #tpu.memory_space<vmem>>
      %dma_wait3A_134 = arith.constant 0 : i32
      %dma_wait3A_135 = arith.constant 0 : i32
      %dma_wait3A_136 = tpu.memref_slice %arg24[%dma_wait3A_134, %dma_wait3A_135] : memref<10000x128xf32, #tpu.memory_space<vmem_shared>> -> memref<10000x128xf32, #tpu.memory_space<vmem_shared>>
      tpu.wait_indirect_dma semaphore(%arg22 : memref<!tpu.dma_semaphore, #tpu.memory_space<semaphore_mem>>) src(%arg12 : memref<80x128xf32, #tpu.memory_space<vmem>>) dst(%dma_wait3A_136 : memref<10000x128xf32, #tpu.memory_space<vmem_shared>>)
      %dma_wait3A_137 = arith.constant 0 : i32
      %dma_wait3A_138 = arith.constant 0 : i32
      %dma_wait3A_139 = tpu.memref_slice %arg9[%dma_wait3A_137, %dma_wait3A_138] : memref<25x80xi32, #tpu.memory_space<vmem>> -> memref<1x80xi32, #tpu.memory_space<vmem>>
      %dma_wait3A_140 = tpu.memref_squeeze %dma_wait3A_139 : memref<1x80xi32, #tpu.memory_space<vmem>> -> memref<80xi32, #tpu.memory_space<vmem>>
      %dma_wait3A_141 = arith.constant 0 : i32
      %dma_wait3A_142 = arith.constant 0 : i32
      %dma_wait3A_143 = tpu.memref_slice %arg24[%dma_wait3A_141, %dma_wait3A_142] : memref<10000x128xf32, #tpu.memory_space<vmem_shared>> -> memref<10000x128xf32, #tpu.memory_space<vmem_shared>>
      tpu.wait_indirect_dma semaphore(%arg23 : memref<!tpu.dma_semaphore, #tpu.memory_space<semaphore_mem>>) src(%arg13 : memref<80x128xf32, #tpu.memory_space<vmem>>) dst(%dma_wait3A_143 : memref<10000x128xf32, #tpu.memory_space<vmem_shared>>)
    }
    %scan3A_47 = arith.constant 5 : i32
    %barrier3A_48 = arith.constant 0 : index
    tpu.barrier barrier_id(%barrier3A_48)
    %add3A_49 = arith.constant 0 : i32
    %add3A_50 = arith.addi %mul3A_21, %add3A_49 : i32
    "tpu.region"() ({
      %run_scoped3A = tpu.sem_alloc : memref<!tpu.dma_semaphore, #tpu.memory_space<semaphore_mem>>
      %dma_start3A = arith.constant 0 : i32
      %dma_start3A_89 = tpu.memref_slice %arg24[%add3A_50, %dma_start3A] : memref<10000x128xf32, #tpu.memory_space<vmem_shared>> -> memref<80x128xf32, #tpu.memory_space<vmem_shared>>
      %dma_start3A_90 = arith.constant 0 : i32
      %dma_start3A_91 = tpu.memref_slice %arg24[%add3A_50, %dma_start3A_90] : memref<10000x128xf32, #tpu.memory_space<vmem_shared>> -> memref<80x128xf32, #tpu.memory_space<vmem_shared>>
      tpu.enqueue_dma source(%dma_start3A_91 : memref<80x128xf32, #tpu.memory_space<vmem_shared>>) target(%arg12 : memref<80x128xf32, #tpu.memory_space<vmem>>) target_semaphore(%run_scoped3A : memref<!tpu.dma_semaphore, #tpu.memory_space<semaphore_mem>>)
      %dma_wait3A = arith.constant 0 : i32
      %dma_wait3A_92 = tpu.memref_slice %arg24[%add3A_50, %dma_wait3A] : memref<10000x128xf32, #tpu.memory_space<vmem_shared>> -> memref<80x128xf32, #tpu.memory_space<vmem_shared>>
      %dma_wait3A_93 = arith.constant 0 : i32
      %dma_wait3A_94 = tpu.memref_slice %arg24[%add3A_50, %dma_wait3A_93] : memref<10000x128xf32, #tpu.memory_space<vmem_shared>> -> memref<80x128xf32, #tpu.memory_space<vmem_shared>>
      tpu.wait_dma2 semaphore(%run_scoped3A : memref<!tpu.dma_semaphore, #tpu.memory_space<semaphore_mem>>) src(%dma_wait3A_94 : memref<80x128xf32, #tpu.memory_space<vmem_shared>>) dst(%arg12 : memref<80x128xf32, #tpu.memory_space<vmem>>)
      tpu.yield
    }) : () -> ()
    %add3A_51 = arith.constant 0 : i32
    %add3A_52 = arith.addi %mul3A_21, %add3A_51 : i32
    "tpu.region"() ({
      %run_scoped3A = tpu.sem_alloc : memref<!tpu.dma_semaphore, #tpu.memory_space<semaphore_mem>>
      %dma_start3A = arith.constant 0 : i32
      %dma_start3A_89 = tpu.memref_slice %arg7[%arg0, %add3A_52, %dma_start3A] : memref<2x10000x128xf32, #tpu.memory_space<hbm>> -> memref<1x80x128xf32, #tpu.memory_space<hbm>>
      %dma_start3A_90 = tpu.memref_squeeze %dma_start3A_89 : memref<1x80x128xf32, #tpu.memory_space<hbm>> -> memref<80x128xf32, #tpu.memory_space<hbm>>
      %dma_start3A_91 = arith.constant 0 : i32
      %dma_start3A_92 = tpu.memref_slice %arg7[%arg0, %add3A_52, %dma_start3A_91] : memref<2x10000x128xf32, #tpu.memory_space<hbm>> -> memref<1x80x128xf32, #tpu.memory_space<hbm>>
      %dma_start3A_93 = tpu.memref_squeeze %dma_start3A_92 : memref<1x80x128xf32, #tpu.memory_space<hbm>> -> memref<80x128xf32, #tpu.memory_space<hbm>>
      tpu.enqueue_dma source(%arg12 : memref<80x128xf32, #tpu.memory_space<vmem>>) target(%dma_start3A_93 : memref<80x128xf32, #tpu.memory_space<hbm>>) target_semaphore(%run_scoped3A : memref<!tpu.dma_semaphore, #tpu.memory_space<semaphore_mem>>)
      %dma_wait3A = arith.constant 0 : i32
      %dma_wait3A_94 = tpu.memref_slice %arg7[%arg0, %add3A_52, %dma_wait3A] : memref<2x10000x128xf32, #tpu.memory_space<hbm>> -> memref<1x80x128xf32, #tpu.memory_space<hbm>>
      %dma_wait3A_95 = tpu.memref_squeeze %dma_wait3A_94 : memref<1x80x128xf32, #tpu.memory_space<hbm>> -> memref<80x128xf32, #tpu.memory_space<hbm>>
      %dma_wait3A_96 = arith.constant 0 : i32
      %dma_wait3A_97 = tpu.memref_slice %arg7[%arg0, %add3A_52, %dma_wait3A_96] : memref<2x10000x128xf32, #tpu.memory_space<hbm>> -> memref<1x80x128xf32, #tpu.memory_space<hbm>>
      %dma_wait3A_98 = tpu.memref_squeeze %dma_wait3A_97 : memref<1x80x128xf32, #tpu.memory_space<hbm>> -> memref<80x128xf32, #tpu.memory_space<hbm>>
      tpu.wait_dma2 semaphore(%run_scoped3A : memref<!tpu.dma_semaphore, #tpu.memory_space<semaphore_mem>>) src(%arg12 : memref<80x128xf32, #tpu.memory_space<vmem>>) dst(%dma_wait3A_98 : memref<80x128xf32, #tpu.memory_space<hbm>>)
      tpu.yield
    }) : () -> ()
    %add3A_53 = arith.constant 80 : i32
    %add3A_54 = arith.addi %mul3A_21, %add3A_53 : i32
    "tpu.region"() ({
      %run_scoped3A = tpu.sem_alloc : memref<!tpu.dma_semaphore, #tpu.memory_space<semaphore_mem>>
      %dma_start3A = arith.constant 0 : i32
      %dma_start3A_89 = tpu.memref_slice %arg24[%add3A_54, %dma_start3A] : memref<10000x128xf32, #tpu.memory_space<vmem_shared>> -> memref<80x128xf32, #tpu.memory_space<vmem_shared>>
      %dma_start3A_90 = arith.constant 0 : i32
      %dma_start3A_91 = tpu.memref_slice %arg24[%add3A_54, %dma_start3A_90] : memref<10000x128xf32, #tpu.memory_space<vmem_shared>> -> memref<80x128xf32, #tpu.memory_space<vmem_shared>>
      tpu.enqueue_dma source(%dma_start3A_91 : memref<80x128xf32, #tpu.memory_space<vmem_shared>>) target(%arg12 : memref<80x128xf32, #tpu.memory_space<vmem>>) target_semaphore(%run_scoped3A : memref<!tpu.dma_semaphore, #tpu.memory_space<semaphore_mem>>)
      %dma_wait3A = arith.constant 0 : i32
      %dma_wait3A_92 = tpu.memref_slice %arg24[%add3A_54, %dma_wait3A] : memref<10000x128xf32, #tpu.memory_space<vmem_shared>> -> memref<80x128xf32, #tpu.memory_space<vmem_shared>>
      %dma_wait3A_93 = arith.constant 0 : i32
      %dma_wait3A_94 = tpu.memref_slice %arg24[%add3A_54, %dma_wait3A_93] : memref<10000x128xf32, #tpu.memory_space<vmem_shared>> -> memref<80x128xf32, #tpu.memory_space<vmem_shared>>
      tpu.wait_dma2 semaphore(%run_scoped3A : memref<!tpu.dma_semaphore, #tpu.memory_space<semaphore_mem>>) src(%dma_wait3A_94 : memref<80x128xf32, #tpu.memory_space<vmem_shared>>) dst(%arg12 : memref<80x128xf32, #tpu.memory_space<vmem>>)
      tpu.yield
    }) : () -> ()
    %add3A_55 = arith.constant 80 : i32
    %add3A_56 = arith.addi %mul3A_21, %add3A_55 : i32
    "tpu.region"() ({
      %run_scoped3A = tpu.sem_alloc : memref<!tpu.dma_semaphore, #tpu.memory_space<semaphore_mem>>
      %dma_start3A = arith.constant 0 : i32
      %dma_start3A_89 = tpu.memref_slice %arg7[%arg0, %add3A_56, %dma_start3A] : memref<2x10000x128xf32, #tpu.memory_space<hbm>> -> memref<1x80x128xf32, #tpu.memory_space<hbm>>
      %dma_start3A_90 = tpu.memref_squeeze %dma_start3A_89 : memref<1x80x128xf32, #tpu.memory_space<hbm>> -> memref<80x128xf32, #tpu.memory_space<hbm>>
      %dma_start3A_91 = arith.constant 0 : i32
      %dma_start3A_92 = tpu.memref_slice %arg7[%arg0, %add3A_56, %dma_start3A_91] : memref<2x10000x128xf32, #tpu.memory_space<hbm>> -> memref<1x80x128xf32, #tpu.memory_space<hbm>>
      %dma_start3A_93 = tpu.memref_squeeze %dma_start3A_92 : memref<1x80x128xf32, #tpu.memory_space<hbm>> -> memref<80x128xf32, #tpu.memory_space<hbm>>
      tpu.enqueue_dma source(%arg12 : memref<80x128xf32, #tpu.memory_space<vmem>>) target(%dma_start3A_93 : memref<80x128xf32, #tpu.memory_space<hbm>>) target_semaphore(%run_scoped3A : memref<!tpu.dma_semaphore, #tpu.memory_space<semaphore_mem>>)
      %dma_wait3A = arith.constant 0 : i32
      %dma_wait3A_94 = tpu.memref_slice %arg7[%arg0, %add3A_56, %dma_wait3A] : memref<2x10000x128xf32, #tpu.memory_space<hbm>> -> memref<1x80x128xf32, #tpu.memory_space<hbm>>
      %dma_wait3A_95 = tpu.memref_squeeze %dma_wait3A_94 : memref<1x80x128xf32, #tpu.memory_space<hbm>> -> memref<80x128xf32, #tpu.memory_space<hbm>>
      %dma_wait3A_96 = arith.constant 0 : i32
      %dma_wait3A_97 = tpu.memref_slice %arg7[%arg0, %add3A_56, %dma_wait3A_96] : memref<2x10000x128xf32, #tpu.memory_space<hbm>> -> memref<1x80x128xf32, #tpu.memory_space<hbm>>
      %dma_wait3A_98 = tpu.memref_squeeze %dma_wait3A_97 : memref<1x80x128xf32, #tpu.memory_space<hbm>> -> memref<80x128xf32, #tpu.memory_space<hbm>>
      tpu.wait_dma2 semaphore(%run_scoped3A : memref<!tpu.dma_semaphore, #tpu.memory_space<semaphore_mem>>) src(%arg12 : memref<80x128xf32, #tpu.memory_space<vmem>>) dst(%dma_wait3A_98 : memref<80x128xf32, #tpu.memory_space<hbm>>)
      tpu.yield
    }) : () -> ()
    %add3A_57 = arith.constant 160 : i32
    %add3A_58 = arith.addi %mul3A_21, %add3A_57 : i32
    "tpu.region"() ({
      %run_scoped3A = tpu.sem_alloc : memref<!tpu.dma_semaphore, #tpu.memory_space<semaphore_mem>>
      %dma_start3A = arith.constant 0 : i32
      %dma_start3A_89 = tpu.memref_slice %arg24[%add3A_58, %dma_start3A] : memref<10000x128xf32, #tpu.memory_space<vmem_shared>> -> memref<80x128xf32, #tpu.memory_space<vmem_shared>>
      %dma_start3A_90 = arith.constant 0 : i32
      %dma_start3A_91 = tpu.memref_slice %arg24[%add3A_58, %dma_start3A_90] : memref<10000x128xf32, #tpu.memory_space<vmem_shared>> -> memref<80x128xf32, #tpu.memory_space<vmem_shared>>
      tpu.enqueue_dma source(%dma_start3A_91 : memref<80x128xf32, #tpu.memory_space<vmem_shared>>) target(%arg12 : memref<80x128xf32, #tpu.memory_space<vmem>>) target_semaphore(%run_scoped3A : memref<!tpu.dma_semaphore, #tpu.memory_space<semaphore_mem>>)
      %dma_wait3A = arith.constant 0 : i32
      %dma_wait3A_92 = tpu.memref_slice %arg24[%add3A_58, %dma_wait3A] : memref<10000x128xf32, #tpu.memory_space<vmem_shared>> -> memref<80x128xf32, #tpu.memory_space<vmem_shared>>
      %dma_wait3A_93 = arith.constant 0 : i32
      %dma_wait3A_94 = tpu.memref_slice %arg24[%add3A_58, %dma_wait3A_93] : memref<10000x128xf32, #tpu.memory_space<vmem_shared>> -> memref<80x128xf32, #tpu.memory_space<vmem_shared>>
      tpu.wait_dma2 semaphore(%run_scoped3A : memref<!tpu.dma_semaphore, #tpu.memory_space<semaphore_mem>>) src(%dma_wait3A_94 : memref<80x128xf32, #tpu.memory_space<vmem_shared>>) dst(%arg12 : memref<80x128xf32, #tpu.memory_space<vmem>>)
      tpu.yield
    }) : () -> ()
    %add3A_59 = arith.constant 160 : i32
    %add3A_60 = arith.addi %mul3A_21, %add3A_59 : i32
    "tpu.region"() ({
      %run_scoped3A = tpu.sem_alloc : memref<!tpu.dma_semaphore, #tpu.memory_space<semaphore_mem>>
      %dma_start3A = arith.constant 0 : i32
      %dma_start3A_89 = tpu.memref_slice %arg7[%arg0, %add3A_60, %dma_start3A] : memref<2x10000x128xf32, #tpu.memory_space<hbm>> -> memref<1x80x128xf32, #tpu.memory_space<hbm>>
      %dma_start3A_90 = tpu.memref_squeeze %dma_start3A_89 : memref<1x80x128xf32, #tpu.memory_space<hbm>> -> memref<80x128xf32, #tpu.memory_space<hbm>>
      %dma_start3A_91 = arith.constant 0 : i32
      %dma_start3A_92 = tpu.memref_slice %arg7[%arg0, %add3A_60, %dma_start3A_91] : memref<2x10000x128xf32, #tpu.memory_space<hbm>> -> memref<1x80x128xf32, #tpu.memory_space<hbm>>
      %dma_start3A_93 = tpu.memref_squeeze %dma_start3A_92 : memref<1x80x128xf32, #tpu.memory_space<hbm>> -> memref<80x128xf32, #tpu.memory_space<hbm>>
      tpu.enqueue_dma source(%arg12 : memref<80x128xf32, #tpu.memory_space<vmem>>) target(%dma_start3A_93 : memref<80x128xf32, #tpu.memory_space<hbm>>) target_semaphore(%run_scoped3A : memref<!tpu.dma_semaphore, #tpu.memory_space<semaphore_mem>>)
      %dma_wait3A = arith.constant 0 : i32
      %dma_wait3A_94 = tpu.memref_slice %arg7[%arg0, %add3A_60, %dma_wait3A] : memref<2x10000x128xf32, #tpu.memory_space<hbm>> -> memref<1x80x128xf32, #tpu.memory_space<hbm>>
      %dma_wait3A_95 = tpu.memref_squeeze %dma_wait3A_94 : memref<1x80x128xf32, #tpu.memory_space<hbm>> -> memref<80x128xf32, #tpu.memory_space<hbm>>
      %dma_wait3A_96 = arith.constant 0 : i32
      %dma_wait3A_97 = tpu.memref_slice %arg7[%arg0, %add3A_60, %dma_wait3A_96] : memref<2x10000x128xf32, #tpu.memory_space<hbm>> -> memref<1x80x128xf32, #tpu.memory_space<hbm>>
      %dma_wait3A_98 = tpu.memref_squeeze %dma_wait3A_97 : memref<1x80x128xf32, #tpu.memory_space<hbm>> -> memref<80x128xf32, #tpu.memory_space<hbm>>
      tpu.wait_dma2 semaphore(%run_scoped3A : memref<!tpu.dma_semaphore, #tpu.memory_space<semaphore_mem>>) src(%arg12 : memref<80x128xf32, #tpu.memory_space<vmem>>) dst(%dma_wait3A_98 : memref<80x128xf32, #tpu.memory_space<hbm>>)
      tpu.yield
    }) : () -> ()
    %add3A_61 = arith.constant 240 : i32
    %add3A_62 = arith.addi %mul3A_21, %add3A_61 : i32
    "tpu.region"() ({
      %run_scoped3A = tpu.sem_alloc : memref<!tpu.dma_semaphore, #tpu.memory_space<semaphore_mem>>
      %dma_start3A = arith.constant 0 : i32
      %dma_start3A_89 = tpu.memref_slice %arg24[%add3A_62, %dma_start3A] : memref<10000x128xf32, #tpu.memory_space<vmem_shared>> -> memref<80x128xf32, #tpu.memory_space<vmem_shared>>
      %dma_start3A_90 = arith.constant 0 : i32
      %dma_start3A_91 = tpu.memref_slice %arg24[%add3A_62, %dma_start3A_90] : memref<10000x128xf32, #tpu.memory_space<vmem_shared>> -> memref<80x128xf32, #tpu.memory_space<vmem_shared>>
      tpu.enqueue_dma source(%dma_start3A_91 : memref<80x128xf32, #tpu.memory_space<vmem_shared>>) target(%arg12 : memref<80x128xf32, #tpu.memory_space<vmem>>) target_semaphore(%run_scoped3A : memref<!tpu.dma_semaphore, #tpu.memory_space<semaphore_mem>>)
      %dma_wait3A = arith.constant 0 : i32
      %dma_wait3A_92 = tpu.memref_slice %arg24[%add3A_62, %dma_wait3A] : memref<10000x128xf32, #tpu.memory_space<vmem_shared>> -> memref<80x128xf32, #tpu.memory_space<vmem_shared>>
      %dma_wait3A_93 = arith.constant 0 : i32
      %dma_wait3A_94 = tpu.memref_slice %arg24[%add3A_62, %dma_wait3A_93] : memref<10000x128xf32, #tpu.memory_space<vmem_shared>> -> memref<80x128xf32, #tpu.memory_space<vmem_shared>>
      tpu.wait_dma2 semaphore(%run_scoped3A : memref<!tpu.dma_semaphore, #tpu.memory_space<semaphore_mem>>) src(%dma_wait3A_94 : memref<80x128xf32, #tpu.memory_space<vmem_shared>>) dst(%arg12 : memref<80x128xf32, #tpu.memory_space<vmem>>)
      tpu.yield
    }) : () -> ()
    %add3A_63 = arith.constant 240 : i32
    %add3A_64 = arith.addi %mul3A_21, %add3A_63 : i32
    "tpu.region"() ({
      %run_scoped3A = tpu.sem_alloc : memref<!tpu.dma_semaphore, #tpu.memory_space<semaphore_mem>>
      %dma_start3A = arith.constant 0 : i32
      %dma_start3A_89 = tpu.memref_slice %arg7[%arg0, %add3A_64, %dma_start3A] : memref<2x10000x128xf32, #tpu.memory_space<hbm>> -> memref<1x80x128xf32, #tpu.memory_space<hbm>>
      %dma_start3A_90 = tpu.memref_squeeze %dma_start3A_89 : memref<1x80x128xf32, #tpu.memory_space<hbm>> -> memref<80x128xf32, #tpu.memory_space<hbm>>
      %dma_start3A_91 = arith.constant 0 : i32
      %dma_start3A_92 = tpu.memref_slice %arg7[%arg0, %add3A_64, %dma_start3A_91] : memref<2x10000x128xf32, #tpu.memory_space<hbm>> -> memref<1x80x128xf32, #tpu.memory_space<hbm>>
      %dma_start3A_93 = tpu.memref_squeeze %dma_start3A_92 : memref<1x80x128xf32, #tpu.memory_space<hbm>> -> memref<80x128xf32, #tpu.memory_space<hbm>>
      tpu.enqueue_dma source(%arg12 : memref<80x128xf32, #tpu.memory_space<vmem>>) target(%dma_start3A_93 : memref<80x128xf32, #tpu.memory_space<hbm>>) target_semaphore(%run_scoped3A : memref<!tpu.dma_semaphore, #tpu.memory_space<semaphore_mem>>)
      %dma_wait3A = arith.constant 0 : i32
      %dma_wait3A_94 = tpu.memref_slice %arg7[%arg0, %add3A_64, %dma_wait3A] : memref<2x10000x128xf32, #tpu.memory_space<hbm>> -> memref<1x80x128xf32, #tpu.memory_space<hbm>>
      %dma_wait3A_95 = tpu.memref_squeeze %dma_wait3A_94 : memref<1x80x128xf32, #tpu.memory_space<hbm>> -> memref<80x128xf32, #tpu.memory_space<hbm>>
      %dma_wait3A_96 = arith.constant 0 : i32
      %dma_wait3A_97 = tpu.memref_slice %arg7[%arg0, %add3A_64, %dma_wait3A_96] : memref<2x10000x128xf32, #tpu.memory_space<hbm>> -> memref<1x80x128xf32, #tpu.memory_space<hbm>>
      %dma_wait3A_98 = tpu.memref_squeeze %dma_wait3A_97 : memref<1x80x128xf32, #tpu.memory_space<hbm>> -> memref<80x128xf32, #tpu.memory_space<hbm>>
      tpu.wait_dma2 semaphore(%run_scoped3A : memref<!tpu.dma_semaphore, #tpu.memory_space<semaphore_mem>>) src(%arg12 : memref<80x128xf32, #tpu.memory_space<vmem>>) dst(%dma_wait3A_98 : memref<80x128xf32, #tpu.memory_space<hbm>>)
      tpu.yield
    }) : () -> ()
    %add3A_65 = arith.constant 320 : i32
    %add3A_66 = arith.addi %mul3A_21, %add3A_65 : i32
    "tpu.region"() ({
      %run_scoped3A = tpu.sem_alloc : memref<!tpu.dma_semaphore, #tpu.memory_space<semaphore_mem>>
      %dma_start3A = arith.constant 0 : i32
      %dma_start3A_89 = tpu.memref_slice %arg24[%add3A_66, %dma_start3A] : memref<10000x128xf32, #tpu.memory_space<vmem_shared>> -> memref<80x128xf32, #tpu.memory_space<vmem_shared>>
      %dma_start3A_90 = arith.constant 0 : i32
      %dma_start3A_91 = tpu.memref_slice %arg24[%add3A_66, %dma_start3A_90] : memref<10000x128xf32, #tpu.memory_space<vmem_shared>> -> memref<80x128xf32, #tpu.memory_space<vmem_shared>>
      tpu.enqueue_dma source(%dma_start3A_91 : memref<80x128xf32, #tpu.memory_space<vmem_shared>>) target(%arg12 : memref<80x128xf32, #tpu.memory_space<vmem>>) target_semaphore(%run_scoped3A : memref<!tpu.dma_semaphore, #tpu.memory_space<semaphore_mem>>)
      %dma_wait3A = arith.constant 0 : i32
      %dma_wait3A_92 = tpu.memref_slice %arg24[%add3A_66, %dma_wait3A] : memref<10000x128xf32, #tpu.memory_space<vmem_shared>> -> memref<80x128xf32, #tpu.memory_space<vmem_shared>>
      %dma_wait3A_93 = arith.constant 0 : i32
      %dma_wait3A_94 = tpu.memref_slice %arg24[%add3A_66, %dma_wait3A_93] : memref<10000x128xf32, #tpu.memory_space<vmem_shared>> -> memref<80x128xf32, #tpu.memory_space<vmem_shared>>
      tpu.wait_dma2 semaphore(%run_scoped3A : memref<!tpu.dma_semaphore, #tpu.memory_space<semaphore_mem>>) src(%dma_wait3A_94 : memref<80x128xf32, #tpu.memory_space<vmem_shared>>) dst(%arg12 : memref<80x128xf32, #tpu.memory_space<vmem>>)
      tpu.yield
    }) : () -> ()
    %add3A_67 = arith.constant 320 : i32
    %add3A_68 = arith.addi %mul3A_21, %add3A_67 : i32
    "tpu.region"() ({
      %run_scoped3A = tpu.sem_alloc : memref<!tpu.dma_semaphore, #tpu.memory_space<semaphore_mem>>
      %dma_start3A = arith.constant 0 : i32
      %dma_start3A_89 = tpu.memref_slice %arg7[%arg0, %add3A_68, %dma_start3A] : memref<2x10000x128xf32, #tpu.memory_space<hbm>> -> memref<1x80x128xf32, #tpu.memory_space<hbm>>
      %dma_start3A_90 = tpu.memref_squeeze %dma_start3A_89 : memref<1x80x128xf32, #tpu.memory_space<hbm>> -> memref<80x128xf32, #tpu.memory_space<hbm>>
      %dma_start3A_91 = arith.constant 0 : i32
      %dma_start3A_92 = tpu.memref_slice %arg7[%arg0, %add3A_68, %dma_start3A_91] : memref<2x10000x128xf32, #tpu.memory_space<hbm>> -> memref<1x80x128xf32, #tpu.memory_space<hbm>>
      %dma_start3A_93 = tpu.memref_squeeze %dma_start3A_92 : memref<1x80x128xf32, #tpu.memory_space<hbm>> -> memref<80x128xf32, #tpu.memory_space<hbm>>
      tpu.enqueue_dma source(%arg12 : memref<80x128xf32, #tpu.memory_space<vmem>>) target(%dma_start3A_93 : memref<80x128xf32, #tpu.memory_space<hbm>>) target_semaphore(%run_scoped3A : memref<!tpu.dma_semaphore, #tpu.memory_space<semaphore_mem>>)
      %dma_wait3A = arith.constant 0 : i32
      %dma_wait3A_94 = tpu.memref_slice %arg7[%arg0, %add3A_68, %dma_wait3A] : memref<2x10000x128xf32, #tpu.memory_space<hbm>> -> memref<1x80x128xf32, #tpu.memory_space<hbm>>
      %dma_wait3A_95 = tpu.memref_squeeze %dma_wait3A_94 : memref<1x80x128xf32, #tpu.memory_space<hbm>> -> memref<80x128xf32, #tpu.memory_space<hbm>>
      %dma_wait3A_96 = arith.constant 0 : i32
      %dma_wait3A_97 = tpu.memref_slice %arg7[%arg0, %add3A_68, %dma_wait3A_96] : memref<2x10000x128xf32, #tpu.memory_space<hbm>> -> memref<1x80x128xf32, #tpu.memory_space<hbm>>
      %dma_wait3A_98 = tpu.memref_squeeze %dma_wait3A_97 : memref<1x80x128xf32, #tpu.memory_space<hbm>> -> memref<80x128xf32, #tpu.memory_space<hbm>>
      tpu.wait_dma2 semaphore(%run_scoped3A : memref<!tpu.dma_semaphore, #tpu.memory_space<semaphore_mem>>) src(%arg12 : memref<80x128xf32, #tpu.memory_space<vmem>>) dst(%dma_wait3A_98 : memref<80x128xf32, #tpu.memory_space<hbm>>)
      tpu.yield
    }) : () -> ()
    %add3A_69 = arith.constant 400 : i32
    %add3A_70 = arith.addi %mul3A_21, %add3A_69 : i32
    "tpu.region"() ({
      %run_scoped3A = tpu.sem_alloc : memref<!tpu.dma_semaphore, #tpu.memory_space<semaphore_mem>>
      %dma_start3A = arith.constant 0 : i32
      %dma_start3A_89 = tpu.memref_slice %arg24[%add3A_70, %dma_start3A] : memref<10000x128xf32, #tpu.memory_space<vmem_shared>> -> memref<80x128xf32, #tpu.memory_space<vmem_shared>>
      %dma_start3A_90 = arith.constant 0 : i32
      %dma_start3A_91 = tpu.memref_slice %arg24[%add3A_70, %dma_start3A_90] : memref<10000x128xf32, #tpu.memory_space<vmem_shared>> -> memref<80x128xf32, #tpu.memory_space<vmem_shared>>
      tpu.enqueue_dma source(%dma_start3A_91 : memref<80x128xf32, #tpu.memory_space<vmem_shared>>) target(%arg12 : memref<80x128xf32, #tpu.memory_space<vmem>>) target_semaphore(%run_scoped3A : memref<!tpu.dma_semaphore, #tpu.memory_space<semaphore_mem>>)
      %dma_wait3A = arith.constant 0 : i32
      %dma_wait3A_92 = tpu.memref_slice %arg24[%add3A_70, %dma_wait3A] : memref<10000x128xf32, #tpu.memory_space<vmem_shared>> -> memref<80x128xf32, #tpu.memory_space<vmem_shared>>
      %dma_wait3A_93 = arith.constant 0 : i32
      %dma_wait3A_94 = tpu.memref_slice %arg24[%add3A_70, %dma_wait3A_93] : memref<10000x128xf32, #tpu.memory_space<vmem_shared>> -> memref<80x128xf32, #tpu.memory_space<vmem_shared>>
      tpu.wait_dma2 semaphore(%run_scoped3A : memref<!tpu.dma_semaphore, #tpu.memory_space<semaphore_mem>>) src(%dma_wait3A_94 : memref<80x128xf32, #tpu.memory_space<vmem_shared>>) dst(%arg12 : memref<80x128xf32, #tpu.memory_space<vmem>>)
      tpu.yield
    }) : () -> ()
    %add3A_71 = arith.constant 400 : i32
    %add3A_72 = arith.addi %mul3A_21, %add3A_71 : i32
    "tpu.region"() ({
      %run_scoped3A = tpu.sem_alloc : memref<!tpu.dma_semaphore, #tpu.memory_space<semaphore_mem>>
      %dma_start3A = arith.constant 0 : i32
      %dma_start3A_89 = tpu.memref_slice %arg7[%arg0, %add3A_72, %dma_start3A] : memref<2x10000x128xf32, #tpu.memory_space<hbm>> -> memref<1x80x128xf32, #tpu.memory_space<hbm>>
      %dma_start3A_90 = tpu.memref_squeeze %dma_start3A_89 : memref<1x80x128xf32, #tpu.memory_space<hbm>> -> memref<80x128xf32, #tpu.memory_space<hbm>>
      %dma_start3A_91 = arith.constant 0 : i32
      %dma_start3A_92 = tpu.memref_slice %arg7[%arg0, %add3A_72, %dma_start3A_91] : memref<2x10000x128xf32, #tpu.memory_space<hbm>> -> memref<1x80x128xf32, #tpu.memory_space<hbm>>
      %dma_start3A_93 = tpu.memref_squeeze %dma_start3A_92 : memref<1x80x128xf32, #tpu.memory_space<hbm>> -> memref<80x128xf32, #tpu.memory_space<hbm>>
      tpu.enqueue_dma source(%arg12 : memref<80x128xf32, #tpu.memory_space<vmem>>) target(%dma_start3A_93 : memref<80x128xf32, #tpu.memory_space<hbm>>) target_semaphore(%run_scoped3A : memref<!tpu.dma_semaphore, #tpu.memory_space<semaphore_mem>>)
      %dma_wait3A = arith.constant 0 : i32
      %dma_wait3A_94 = tpu.memref_slice %arg7[%arg0, %add3A_72, %dma_wait3A] : memref<2x10000x128xf32, #tpu.memory_space<hbm>> -> memref<1x80x128xf32, #tpu.memory_space<hbm>>
      %dma_wait3A_95 = tpu.memref_squeeze %dma_wait3A_94 : memref<1x80x128xf32, #tpu.memory_space<hbm>> -> memref<80x128xf32, #tpu.memory_space<hbm>>
      %dma_wait3A_96 = arith.constant 0 : i32
      %dma_wait3A_97 = tpu.memref_slice %arg7[%arg0, %add3A_72, %dma_wait3A_96] : memref<2x10000x128xf32, #tpu.memory_space<hbm>> -> memref<1x80x128xf32, #tpu.memory_space<hbm>>
      %dma_wait3A_98 = tpu.memref_squeeze %dma_wait3A_97 : memref<1x80x128xf32, #tpu.memory_space<hbm>> -> memref<80x128xf32, #tpu.memory_space<hbm>>
      tpu.wait_dma2 semaphore(%run_scoped3A : memref<!tpu.dma_semaphore, #tpu.memory_space<semaphore_mem>>) src(%arg12 : memref<80x128xf32, #tpu.memory_space<vmem>>) dst(%dma_wait3A_98 : memref<80x128xf32, #tpu.memory_space<hbm>>)
      tpu.yield
    }) : () -> ()
    %add3A_73 = arith.constant 480 : i32
    %add3A_74 = arith.addi %mul3A_21, %add3A_73 : i32
    "tpu.region"() ({
      %run_scoped3A = tpu.sem_alloc : memref<!tpu.dma_semaphore, #tpu.memory_space<semaphore_mem>>
      %dma_start3A = arith.constant 0 : i32
      %dma_start3A_89 = tpu.memref_slice %arg24[%add3A_74, %dma_start3A] : memref<10000x128xf32, #tpu.memory_space<vmem_shared>> -> memref<80x128xf32, #tpu.memory_space<vmem_shared>>
      %dma_start3A_90 = arith.constant 0 : i32
      %dma_start3A_91 = tpu.memref_slice %arg24[%add3A_74, %dma_start3A_90] : memref<10000x128xf32, #tpu.memory_space<vmem_shared>> -> memref<80x128xf32, #tpu.memory_space<vmem_shared>>
      tpu.enqueue_dma source(%dma_start3A_91 : memref<80x128xf32, #tpu.memory_space<vmem_shared>>) target(%arg12 : memref<80x128xf32, #tpu.memory_space<vmem>>) target_semaphore(%run_scoped3A : memref<!tpu.dma_semaphore, #tpu.memory_space<semaphore_mem>>)
      %dma_wait3A = arith.constant 0 : i32
      %dma_wait3A_92 = tpu.memref_slice %arg24[%add3A_74, %dma_wait3A] : memref<10000x128xf32, #tpu.memory_space<vmem_shared>> -> memref<80x128xf32, #tpu.memory_space<vmem_shared>>
      %dma_wait3A_93 = arith.constant 0 : i32
      %dma_wait3A_94 = tpu.memref_slice %arg24[%add3A_74, %dma_wait3A_93] : memref<10000x128xf32, #tpu.memory_space<vmem_shared>> -> memref<80x128xf32, #tpu.memory_space<vmem_shared>>
      tpu.wait_dma2 semaphore(%run_scoped3A : memref<!tpu.dma_semaphore, #tpu.memory_space<semaphore_mem>>) src(%dma_wait3A_94 : memref<80x128xf32, #tpu.memory_space<vmem_shared>>) dst(%arg12 : memref<80x128xf32, #tpu.memory_space<vmem>>)
      tpu.yield
    }) : () -> ()
    %add3A_75 = arith.constant 480 : i32
    %add3A_76 = arith.addi %mul3A_21, %add3A_75 : i32
    "tpu.region"() ({
      %run_scoped3A = tpu.sem_alloc : memref<!tpu.dma_semaphore, #tpu.memory_space<semaphore_mem>>
      %dma_start3A = arith.constant 0 : i32
      %dma_start3A_89 = tpu.memref_slice %arg7[%arg0, %add3A_76, %dma_start3A] : memref<2x10000x128xf32, #tpu.memory_space<hbm>> -> memref<1x80x128xf32, #tpu.memory_space<hbm>>
      %dma_start3A_90 = tpu.memref_squeeze %dma_start3A_89 : memref<1x80x128xf32, #tpu.memory_space<hbm>> -> memref<80x128xf32, #tpu.memory_space<hbm>>
      %dma_start3A_91 = arith.constant 0 : i32
      %dma_start3A_92 = tpu.memref_slice %arg7[%arg0, %add3A_76, %dma_start3A_91] : memref<2x10000x128xf32, #tpu.memory_space<hbm>> -> memref<1x80x128xf32, #tpu.memory_space<hbm>>
      %dma_start3A_93 = tpu.memref_squeeze %dma_start3A_92 : memref<1x80x128xf32, #tpu.memory_space<hbm>> -> memref<80x128xf32, #tpu.memory_space<hbm>>
      tpu.enqueue_dma source(%arg12 : memref<80x128xf32, #tpu.memory_space<vmem>>) target(%dma_start3A_93 : memref<80x128xf32, #tpu.memory_space<hbm>>) target_semaphore(%run_scoped3A : memref<!tpu.dma_semaphore, #tpu.memory_space<semaphore_mem>>)
      %dma_wait3A = arith.constant 0 : i32
      %dma_wait3A_94 = tpu.memref_slice %arg7[%arg0, %add3A_76, %dma_wait3A] : memref<2x10000x128xf32, #tpu.memory_space<hbm>> -> memref<1x80x128xf32, #tpu.memory_space<hbm>>
      %dma_wait3A_95 = tpu.memref_squeeze %dma_wait3A_94 : memref<1x80x128xf32, #tpu.memory_space<hbm>> -> memref<80x128xf32, #tpu.memory_space<hbm>>
      %dma_wait3A_96 = arith.constant 0 : i32
      %dma_wait3A_97 = tpu.memref_slice %arg7[%arg0, %add3A_76, %dma_wait3A_96] : memref<2x10000x128xf32, #tpu.memory_space<hbm>> -> memref<1x80x128xf32, #tpu.memory_space<hbm>>
      %dma_wait3A_98 = tpu.memref_squeeze %dma_wait3A_97 : memref<1x80x128xf32, #tpu.memory_space<hbm>> -> memref<80x128xf32, #tpu.memory_space<hbm>>
      tpu.wait_dma2 semaphore(%run_scoped3A : memref<!tpu.dma_semaphore, #tpu.memory_space<semaphore_mem>>) src(%arg12 : memref<80x128xf32, #tpu.memory_space<vmem>>) dst(%dma_wait3A_98 : memref<80x128xf32, #tpu.memory_space<hbm>>)
      tpu.yield
    }) : () -> ()
    %add3A_77 = arith.constant 560 : i32
    %add3A_78 = arith.addi %mul3A_21, %add3A_77 : i32
    "tpu.region"() ({
      %run_scoped3A = tpu.sem_alloc : memref<!tpu.dma_semaphore, #tpu.memory_space<semaphore_mem>>
      %dma_start3A = arith.constant 0 : i32
      %dma_start3A_89 = arith.constant 0 : i32
      %dma_start3A_90 = tpu.memref_slice %arg12[%dma_start3A, %dma_start3A_89] : memref<80x128xf32, #tpu.memory_space<vmem>> -> memref<64x128xf32, #tpu.memory_space<vmem>>
      %dma_start3A_91 = arith.constant 0 : i32
      %dma_start3A_92 = tpu.memref_slice %arg24[%add3A_78, %dma_start3A_91] : memref<10000x128xf32, #tpu.memory_space<vmem_shared>> -> memref<64x128xf32, #tpu.memory_space<vmem_shared>>
      %dma_start3A_93 = arith.constant 0 : i32
      %dma_start3A_94 = arith.constant 0 : i32
      %dma_start3A_95 = tpu.memref_slice %arg12[%dma_start3A_93, %dma_start3A_94] : memref<80x128xf32, #tpu.memory_space<vmem>> -> memref<64x128xf32, #tpu.memory_space<vmem>>
      %dma_start3A_96 = arith.constant 0 : i32
      %dma_start3A_97 = tpu.memref_slice %arg24[%add3A_78, %dma_start3A_96] : memref<10000x128xf32, #tpu.memory_space<vmem_shared>> -> memref<64x128xf32, #tpu.memory_space<vmem_shared>>
      tpu.enqueue_dma source(%dma_start3A_97 : memref<64x128xf32, #tpu.memory_space<vmem_shared>>) target(%dma_start3A_95 : memref<64x128xf32, #tpu.memory_space<vmem>>) target_semaphore(%run_scoped3A : memref<!tpu.dma_semaphore, #tpu.memory_space<semaphore_mem>>)
      %dma_wait3A = arith.constant 0 : i32
      %dma_wait3A_98 = arith.constant 0 : i32
      %dma_wait3A_99 = tpu.memref_slice %arg12[%dma_wait3A, %dma_wait3A_98] : memref<80x128xf32, #tpu.memory_space<vmem>> -> memref<64x128xf32, #tpu.memory_space<vmem>>
      %dma_wait3A_100 = arith.constant 0 : i32
      %dma_wait3A_101 = tpu.memref_slice %arg24[%add3A_78, %dma_wait3A_100] : memref<10000x128xf32, #tpu.memory_space<vmem_shared>> -> memref<64x128xf32, #tpu.memory_space<vmem_shared>>
      %dma_wait3A_102 = arith.constant 0 : i32
      %dma_wait3A_103 = arith.constant 0 : i32
      %dma_wait3A_104 = tpu.memref_slice %arg12[%dma_wait3A_102, %dma_wait3A_103] : memref<80x128xf32, #tpu.memory_space<vmem>> -> memref<64x128xf32, #tpu.memory_space<vmem>>
      %dma_wait3A_105 = arith.constant 0 : i32
      %dma_wait3A_106 = tpu.memref_slice %arg24[%add3A_78, %dma_wait3A_105] : memref<10000x128xf32, #tpu.memory_space<vmem_shared>> -> memref<64x128xf32, #tpu.memory_space<vmem_shared>>
      tpu.wait_dma2 semaphore(%run_scoped3A : memref<!tpu.dma_semaphore, #tpu.memory_space<semaphore_mem>>) src(%dma_wait3A_106 : memref<64x128xf32, #tpu.memory_space<vmem_shared>>) dst(%dma_wait3A_104 : memref<64x128xf32, #tpu.memory_space<vmem>>)
      tpu.yield
    }) : () -> ()
    %add3A_79 = arith.constant 560 : i32
    %add3A_80 = arith.addi %mul3A_21, %add3A_79 : i32
    "tpu.region"() ({
      %run_scoped3A = tpu.sem_alloc : memref<!tpu.dma_semaphore, #tpu.memory_space<semaphore_mem>>
      %dma_start3A = arith.constant 0 : i32
      %dma_start3A_89 = arith.constant 0 : i32
      %dma_start3A_90 = tpu.memref_slice %arg12[%dma_start3A, %dma_start3A_89] : memref<80x128xf32, #tpu.memory_space<vmem>> -> memref<64x128xf32, #tpu.memory_space<vmem>>
      %dma_start3A_91 = arith.constant 0 : i32
      %dma_start3A_92 = tpu.memref_slice %arg7[%arg0, %add3A_80, %dma_start3A_91] : memref<2x10000x128xf32, #tpu.memory_space<hbm>> -> memref<1x64x128xf32, #tpu.memory_space<hbm>>
      %dma_start3A_93 = tpu.memref_squeeze %dma_start3A_92 : memref<1x64x128xf32, #tpu.memory_space<hbm>> -> memref<64x128xf32, #tpu.memory_space<hbm>>
      %dma_start3A_94 = arith.constant 0 : i32
      %dma_start3A_95 = tpu.memref_slice %arg7[%arg0, %add3A_80, %dma_start3A_94] : memref<2x10000x128xf32, #tpu.memory_space<hbm>> -> memref<1x64x128xf32, #tpu.memory_space<hbm>>
      %dma_start3A_96 = tpu.memref_squeeze %dma_start3A_95 : memref<1x64x128xf32, #tpu.memory_space<hbm>> -> memref<64x128xf32, #tpu.memory_space<hbm>>
      %dma_start3A_97 = arith.constant 0 : i32
      %dma_start3A_98 = arith.constant 0 : i32
      %dma_start3A_99 = tpu.memref_slice %arg12[%dma_start3A_97, %dma_start3A_98] : memref<80x128xf32, #tpu.memory_space<vmem>> -> memref<64x128xf32, #tpu.memory_space<vmem>>
      tpu.enqueue_dma source(%dma_start3A_99 : memref<64x128xf32, #tpu.memory_space<vmem>>) target(%dma_start3A_96 : memref<64x128xf32, #tpu.memory_space<hbm>>) target_semaphore(%run_scoped3A : memref<!tpu.dma_semaphore, #tpu.memory_space<semaphore_mem>>)
      %dma_wait3A = arith.constant 0 : i32
      %dma_wait3A_100 = arith.constant 0 : i32
      %dma_wait3A_101 = tpu.memref_slice %arg12[%dma_wait3A, %dma_wait3A_100] : memref<80x128xf32, #tpu.memory_space<vmem>> -> memref<64x128xf32, #tpu.memory_space<vmem>>
      %dma_wait3A_102 = arith.constant 0 : i32
      %dma_wait3A_103 = tpu.memref_slice %arg7[%arg0, %add3A_80, %dma_wait3A_102] : memref<2x10000x128xf32, #tpu.memory_space<hbm>> -> memref<1x64x128xf32, #tpu.memory_space<hbm>>
      %dma_wait3A_104 = tpu.memref_squeeze %dma_wait3A_103 : memref<1x64x128xf32, #tpu.memory_space<hbm>> -> memref<64x128xf32, #tpu.memory_space<hbm>>
      %dma_wait3A_105 = arith.constant 0 : i32
      %dma_wait3A_106 = tpu.memref_slice %arg7[%arg0, %add3A_80, %dma_wait3A_105] : memref<2x10000x128xf32, #tpu.memory_space<hbm>> -> memref<1x64x128xf32, #tpu.memory_space<hbm>>
      %dma_wait3A_107 = tpu.memref_squeeze %dma_wait3A_106 : memref<1x64x128xf32, #tpu.memory_space<hbm>> -> memref<64x128xf32, #tpu.memory_space<hbm>>
      %dma_wait3A_108 = arith.constant 0 : i32
      %dma_wait3A_109 = arith.constant 0 : i32
      %dma_wait3A_110 = tpu.memref_slice %arg12[%dma_wait3A_108, %dma_wait3A_109] : memref<80x128xf32, #tpu.memory_space<vmem>> -> memref<64x128xf32, #tpu.memory_space<vmem>>
      tpu.wait_dma2 semaphore(%run_scoped3A : memref<!tpu.dma_semaphore, #tpu.memory_space<semaphore_mem>>) src(%dma_wait3A_110 : memref<64x128xf32, #tpu.memory_space<vmem>>) dst(%dma_wait3A_107 : memref<64x128xf32, #tpu.memory_space<hbm>>)
      tpu.yield
    }) : () -> ()
    "tpu.region"() ({
      %run_scoped3A = tpu.sem_alloc : memref<!tpu.dma_semaphore, #tpu.memory_space<semaphore_mem>>
      %dma_start3A = tpu.memref_slice %arg25[%mul3A_21] : memref<10000xf32, #tpu.memory_space<vmem_shared>> -> memref<624xf32, #tpu.memory_space<vmem_shared>>
      %dma_start3A_89 = tpu.memref_slice %arg25[%mul3A_21] : memref<10000xf32, #tpu.memory_space<vmem_shared>> -> memref<624xf32, #tpu.memory_space<vmem_shared>>
      tpu.enqueue_dma source(%dma_start3A_89 : memref<624xf32, #tpu.memory_space<vmem_shared>>) target(%arg17 : memref<624xf32, #tpu.memory_space<vmem>>) target_semaphore(%run_scoped3A : memref<!tpu.dma_semaphore, #tpu.memory_space<semaphore_mem>>)
      %dma_wait3A = tpu.memref_slice %arg25[%mul3A_21] : memref<10000xf32, #tpu.memory_space<vmem_shared>> -> memref<624xf32, #tpu.memory_space<vmem_shared>>
      %dma_wait3A_90 = tpu.memref_slice %arg25[%mul3A_21] : memref<10000xf32, #tpu.memory_space<vmem_shared>> -> memref<624xf32, #tpu.memory_space<vmem_shared>>
      tpu.wait_dma2 semaphore(%run_scoped3A : memref<!tpu.dma_semaphore, #tpu.memory_space<semaphore_mem>>) src(%dma_wait3A_90 : memref<624xf32, #tpu.memory_space<vmem_shared>>) dst(%arg17 : memref<624xf32, #tpu.memory_space<vmem>>)
      tpu.yield
    }) : () -> ()
    %mul3A_81 = arith.constant 10000 : i32
    %mul3A_82 = arith.muli %arg0, %mul3A_81 : i32
    %add3A_83 = arith.addi %mul3A_82, %mul3A_21 : i32
    "tpu.region"() ({
      %run_scoped3A = tpu.sem_alloc : memref<!tpu.dma_semaphore, #tpu.memory_space<semaphore_mem>>
      %dma_start3A = tpu.memref_slice %arg8[%add3A_83] : memref<20000xf32, #tpu.memory_space<hbm>> -> memref<624xf32, #tpu.memory_space<hbm>>
      %dma_start3A_89 = tpu.memref_slice %arg8[%add3A_83] : memref<20000xf32, #tpu.memory_space<hbm>> -> memref<624xf32, #tpu.memory_space<hbm>>
      tpu.enqueue_dma source(%arg17 : memref<624xf32, #tpu.memory_space<vmem>>) target(%dma_start3A_89 : memref<624xf32, #tpu.memory_space<hbm>>) target_semaphore(%run_scoped3A : memref<!tpu.dma_semaphore, #tpu.memory_space<semaphore_mem>>)
      %dma_wait3A = tpu.memref_slice %arg8[%add3A_83] : memref<20000xf32, #tpu.memory_space<hbm>> -> memref<624xf32, #tpu.memory_space<hbm>>
      %dma_wait3A_90 = tpu.memref_slice %arg8[%add3A_83] : memref<20000xf32, #tpu.memory_space<hbm>> -> memref<624xf32, #tpu.memory_space<hbm>>
      tpu.wait_dma2 semaphore(%run_scoped3A : memref<!tpu.dma_semaphore, #tpu.memory_space<semaphore_mem>>) src(%arg17 : memref<624xf32, #tpu.memory_space<vmem>>) dst(%dma_wait3A_90 : memref<624xf32, #tpu.memory_space<hbm>>)
      tpu.yield
    }) : () -> ()
    %eq3A_84 = arith.constant 15 : i32
    %eq3A_85 = arith.cmpi eq, %arg1, %eq3A_84 : i32
    %convert_element_type3A_86 = arith.extui %eq3A_85 : i1 to i32
    %cond3A_87 = arith.constant 0 : i32
    %cond3A_88 = arith.cmpi ne, %convert_element_type3A_86, %cond3A_87 : i32
    scf.if %cond3A_88 {
      "tpu.region"() ({
        %run_scoped3A = tpu.sem_alloc : memref<!tpu.dma_semaphore, #tpu.memory_space<semaphore_mem>>
        %dma_start3A = arith.constant 0 : i32
        %dma_start3A_94 = arith.constant 0 : i32
        %dma_start3A_95 = tpu.memref_slice %arg12[%dma_start3A, %dma_start3A_94] : memref<80x128xf32, #tpu.memory_space<vmem>> -> memref<16x128xf32, #tpu.memory_space<vmem>>
        %dma_start3A_96 = arith.constant 9984 : i32
        %dma_start3A_97 = arith.constant 0 : i32
        %dma_start3A_98 = tpu.memref_slice %arg24[%dma_start3A_96, %dma_start3A_97] : memref<10000x128xf32, #tpu.memory_space<vmem_shared>> -> memref<16x128xf32, #tpu.memory_space<vmem_shared>>
        %dma_start3A_99 = arith.constant 0 : i32
        %dma_start3A_100 = arith.constant 0 : i32
        %dma_start3A_101 = tpu.memref_slice %arg12[%dma_start3A_99, %dma_start3A_100] : memref<80x128xf32, #tpu.memory_space<vmem>> -> memref<16x128xf32, #tpu.memory_space<vmem>>
        %dma_start3A_102 = arith.constant 9984 : i32
        %dma_start3A_103 = arith.constant 0 : i32
        %dma_start3A_104 = tpu.memref_slice %arg24[%dma_start3A_102, %dma_start3A_103] : memref<10000x128xf32, #tpu.memory_space<vmem_shared>> -> memref<16x128xf32, #tpu.memory_space<vmem_shared>>
        tpu.enqueue_dma source(%dma_start3A_104 : memref<16x128xf32, #tpu.memory_space<vmem_shared>>) target(%dma_start3A_101 : memref<16x128xf32, #tpu.memory_space<vmem>>) target_semaphore(%run_scoped3A : memref<!tpu.dma_semaphore, #tpu.memory_space<semaphore_mem>>)
        %dma_wait3A = arith.constant 0 : i32
        %dma_wait3A_105 = arith.constant 0 : i32
        %dma_wait3A_106 = tpu.memref_slice %arg12[%dma_wait3A, %dma_wait3A_105] : memref<80x128xf32, #tpu.memory_space<vmem>> -> memref<16x128xf32, #tpu.memory_space<vmem>>
        %dma_wait3A_107 = arith.constant 9984 : i32
        %dma_wait3A_108 = arith.constant 0 : i32
        %dma_wait3A_109 = tpu.memref_slice %arg24[%dma_wait3A_107, %dma_wait3A_108] : memref<10000x128xf32, #tpu.memory_space<vmem_shared>> -> memref<16x128xf32, #tpu.memory_space<vmem_shared>>
        %dma_wait3A_110 = arith.constant 0 : i32
        %dma_wait3A_111 = arith.constant 0 : i32
        %dma_wait3A_112 = tpu.memref_slice %arg12[%dma_wait3A_110, %dma_wait3A_111] : memref<80x128xf32, #tpu.memory_space<vmem>> -> memref<16x128xf32, #tpu.memory_space<vmem>>
        %dma_wait3A_113 = arith.constant 9984 : i32
        %dma_wait3A_114 = arith.constant 0 : i32
        %dma_wait3A_115 = tpu.memref_slice %arg24[%dma_wait3A_113, %dma_wait3A_114] : memref<10000x128xf32, #tpu.memory_space<vmem_shared>> -> memref<16x128xf32, #tpu.memory_space<vmem_shared>>
        tpu.wait_dma2 semaphore(%run_scoped3A : memref<!tpu.dma_semaphore, #tpu.memory_space<semaphore_mem>>) src(%dma_wait3A_115 : memref<16x128xf32, #tpu.memory_space<vmem_shared>>) dst(%dma_wait3A_112 : memref<16x128xf32, #tpu.memory_space<vmem>>)
        tpu.yield
      }) : () -> ()
      "tpu.region"() ({
        %run_scoped3A = tpu.sem_alloc : memref<!tpu.dma_semaphore, #tpu.memory_space<semaphore_mem>>
        %dma_start3A = arith.constant 0 : i32
        %dma_start3A_94 = arith.constant 0 : i32
        %dma_start3A_95 = tpu.memref_slice %arg12[%dma_start3A, %dma_start3A_94] : memref<80x128xf32, #tpu.memory_space<vmem>> -> memref<16x128xf32, #tpu.memory_space<vmem>>
        %dma_start3A_96 = arith.constant 9984 : i32
        %dma_start3A_97 = arith.constant 0 : i32
        %dma_start3A_98 = tpu.memref_slice %arg7[%arg0, %dma_start3A_96, %dma_start3A_97] : memref<2x10000x128xf32, #tpu.memory_space<hbm>> -> memref<1x16x128xf32, #tpu.memory_space<hbm>>
        %dma_start3A_99 = tpu.memref_squeeze %dma_start3A_98 : memref<1x16x128xf32, #tpu.memory_space<hbm>> -> memref<16x128xf32, #tpu.memory_space<hbm>>
        %dma_start3A_100 = arith.constant 9984 : i32
        %dma_start3A_101 = arith.constant 0 : i32
        %dma_start3A_102 = tpu.memref_slice %arg7[%arg0, %dma_start3A_100, %dma_start3A_101] : memref<2x10000x128xf32, #tpu.memory_space<hbm>> -> memref<1x16x128xf32, #tpu.memory_space<hbm>>
        %dma_start3A_103 = tpu.memref_squeeze %dma_start3A_102 : memref<1x16x128xf32, #tpu.memory_space<hbm>> -> memref<16x128xf32, #tpu.memory_space<hbm>>
        %dma_start3A_104 = arith.constant 0 : i32
        %dma_start3A_105 = arith.constant 0 : i32
        %dma_start3A_106 = tpu.memref_slice %arg12[%dma_start3A_104, %dma_start3A_105] : memref<80x128xf32, #tpu.memory_space<vmem>> -> memref<16x128xf32, #tpu.memory_space<vmem>>
        tpu.enqueue_dma source(%dma_start3A_106 : memref<16x128xf32, #tpu.memory_space<vmem>>) target(%dma_start3A_103 : memref<16x128xf32, #tpu.memory_space<hbm>>) target_semaphore(%run_scoped3A : memref<!tpu.dma_semaphore, #tpu.memory_space<semaphore_mem>>)
        %dma_wait3A = arith.constant 0 : i32
        %dma_wait3A_107 = arith.constant 0 : i32
        %dma_wait3A_108 = tpu.memref_slice %arg12[%dma_wait3A, %dma_wait3A_107] : memref<80x128xf32, #tpu.memory_space<vmem>> -> memref<16x128xf32, #tpu.memory_space<vmem>>
        %dma_wait3A_109 = arith.constant 9984 : i32
        %dma_wait3A_110 = arith.constant 0 : i32
        %dma_wait3A_111 = tpu.memref_slice %arg7[%arg0, %dma_wait3A_109, %dma_wait3A_110] : memref<2x10000x128xf32, #tpu.memory_space<hbm>> -> memref<1x16x128xf32, #tpu.memory_space<hbm>>
        %dma_wait3A_112 = tpu.memref_squeeze %dma_wait3A_111 : memref<1x16x128xf32, #tpu.memory_space<hbm>> -> memref<16x128xf32, #tpu.memory_space<hbm>>
        %dma_wait3A_113 = arith.constant 9984 : i32
        %dma_wait3A_114 = arith.constant 0 : i32
        %dma_wait3A_115 = tpu.memref_slice %arg7[%arg0, %dma_wait3A_113, %dma_wait3A_114] : memref<2x10000x128xf32, #tpu.memory_space<hbm>> -> memref<1x16x128xf32, #tpu.memory_space<hbm>>
        %dma_wait3A_116 = tpu.memref_squeeze %dma_wait3A_115 : memref<1x16x128xf32, #tpu.memory_space<hbm>> -> memref<16x128xf32, #tpu.memory_space<hbm>>
        %dma_wait3A_117 = arith.constant 0 : i32
        %dma_wait3A_118 = arith.constant 0 : i32
        %dma_wait3A_119 = tpu.memref_slice %arg12[%dma_wait3A_117, %dma_wait3A_118] : memref<80x128xf32, #tpu.memory_space<vmem>> -> memref<16x128xf32, #tpu.memory_space<vmem>>
        tpu.wait_dma2 semaphore(%run_scoped3A : memref<!tpu.dma_semaphore, #tpu.memory_space<semaphore_mem>>) src(%dma_wait3A_119 : memref<16x128xf32, #tpu.memory_space<vmem>>) dst(%dma_wait3A_116 : memref<16x128xf32, #tpu.memory_space<hbm>>)
        tpu.yield
      }) : () -> ()
      "tpu.region"() ({
        %run_scoped3A = tpu.sem_alloc : memref<!tpu.dma_semaphore, #tpu.memory_space<semaphore_mem>>
        %dma_start3A = arith.constant 0 : i32
        %dma_start3A_94 = tpu.memref_slice %arg17[%dma_start3A] : memref<624xf32, #tpu.memory_space<vmem>> -> memref<16xf32, #tpu.memory_space<vmem>>
        %dma_start3A_95 = arith.constant 9984 : i32
        %dma_start3A_96 = tpu.memref_slice %arg25[%dma_start3A_95] : memref<10000xf32, #tpu.memory_space<vmem_shared>> -> memref<16xf32, #tpu.memory_space<vmem_shared>>
        %dma_start3A_97 = arith.constant 0 : i32
        %dma_start3A_98 = tpu.memref_slice %arg17[%dma_start3A_97] : memref<624xf32, #tpu.memory_space<vmem>> -> memref<16xf32, #tpu.memory_space<vmem>>
        %dma_start3A_99 = arith.constant 9984 : i32
        %dma_start3A_100 = tpu.memref_slice %arg25[%dma_start3A_99] : memref<10000xf32, #tpu.memory_space<vmem_shared>> -> memref<16xf32, #tpu.memory_space<vmem_shared>>
        tpu.enqueue_dma source(%dma_start3A_100 : memref<16xf32, #tpu.memory_space<vmem_shared>>) target(%dma_start3A_98 : memref<16xf32, #tpu.memory_space<vmem>>) target_semaphore(%run_scoped3A : memref<!tpu.dma_semaphore, #tpu.memory_space<semaphore_mem>>)
        %dma_wait3A = arith.constant 0 : i32
        %dma_wait3A_101 = tpu.memref_slice %arg17[%dma_wait3A] : memref<624xf32, #tpu.memory_space<vmem>> -> memref<16xf32, #tpu.memory_space<vmem>>
        %dma_wait3A_102 = arith.constant 9984 : i32
        %dma_wait3A_103 = tpu.memref_slice %arg25[%dma_wait3A_102] : memref<10000xf32, #tpu.memory_space<vmem_shared>> -> memref<16xf32, #tpu.memory_space<vmem_shared>>
        %dma_wait3A_104 = arith.constant 0 : i32
        %dma_wait3A_105 = tpu.memref_slice %arg17[%dma_wait3A_104] : memref<624xf32, #tpu.memory_space<vmem>> -> memref<16xf32, #tpu.memory_space<vmem>>
        %dma_wait3A_106 = arith.constant 9984 : i32
        %dma_wait3A_107 = tpu.memref_slice %arg25[%dma_wait3A_106] : memref<10000xf32, #tpu.memory_space<vmem_shared>> -> memref<16xf32, #tpu.memory_space<vmem_shared>>
        tpu.wait_dma2 semaphore(%run_scoped3A : memref<!tpu.dma_semaphore, #tpu.memory_space<semaphore_mem>>) src(%dma_wait3A_107 : memref<16xf32, #tpu.memory_space<vmem_shared>>) dst(%dma_wait3A_105 : memref<16xf32, #tpu.memory_space<vmem>>)
        tpu.yield
      }) : () -> ()
      %mul3A_89 = arith.constant 10000 : i32
      %mul3A_90 = arith.muli %arg0, %mul3A_89 : i32
      %add3A_91 = arith.constant 10000 : i32
      %add3A_92 = arith.addi %mul3A_90, %add3A_91 : i32
      %sub3A = arith.constant 16 : i32
      %sub3A_93 = arith.subi %add3A_92, %sub3A : i32
      "tpu.region"() ({
        %run_scoped3A = tpu.sem_alloc : memref<!tpu.dma_semaphore, #tpu.memory_space<semaphore_mem>>
        %dma_start3A = arith.constant 0 : i32
        %dma_start3A_94 = tpu.memref_slice %arg17[%dma_start3A] : memref<624xf32, #tpu.memory_space<vmem>> -> memref<16xf32, #tpu.memory_space<vmem>>
        %dma_start3A_95 = tpu.memref_slice %arg8[%sub3A_93] : memref<20000xf32, #tpu.memory_space<hbm>> -> memref<16xf32, #tpu.memory_space<hbm>>
        %dma_start3A_96 = tpu.memref_slice %arg8[%sub3A_93] : memref<20000xf32, #tpu.memory_space<hbm>> -> memref<16xf32, #tpu.memory_space<hbm>>
        %dma_start3A_97 = arith.constant 0 : i32
        %dma_start3A_98 = tpu.memref_slice %arg17[%dma_start3A_97] : memref<624xf32, #tpu.memory_space<vmem>> -> memref<16xf32, #tpu.memory_space<vmem>>
        tpu.enqueue_dma source(%dma_start3A_98 : memref<16xf32, #tpu.memory_space<vmem>>) target(%dma_start3A_96 : memref<16xf32, #tpu.memory_space<hbm>>) target_semaphore(%run_scoped3A : memref<!tpu.dma_semaphore, #tpu.memory_space<semaphore_mem>>)
        %dma_wait3A = arith.constant 0 : i32
        %dma_wait3A_99 = tpu.memref_slice %arg17[%dma_wait3A] : memref<624xf32, #tpu.memory_space<vmem>> -> memref<16xf32, #tpu.memory_space<vmem>>
        %dma_wait3A_100 = tpu.memref_slice %arg8[%sub3A_93] : memref<20000xf32, #tpu.memory_space<hbm>> -> memref<16xf32, #tpu.memory_space<hbm>>
        %dma_wait3A_101 = tpu.memref_slice %arg8[%sub3A_93] : memref<20000xf32, #tpu.memory_space<hbm>> -> memref<16xf32, #tpu.memory_space<hbm>>
        %dma_wait3A_102 = arith.constant 0 : i32
        %dma_wait3A_103 = tpu.memref_slice %arg17[%dma_wait3A_102] : memref<624xf32, #tpu.memory_space<vmem>> -> memref<16xf32, #tpu.memory_space<vmem>>
        tpu.wait_dma2 semaphore(%run_scoped3A : memref<!tpu.dma_semaphore, #tpu.memory_space<semaphore_mem>>) src(%dma_wait3A_103 : memref<16xf32, #tpu.memory_space<vmem>>) dst(%dma_wait3A_101 : memref<16xf32, #tpu.memory_space<hbm>>)
        tpu.yield
      }) : () -> ()
    } else {
    }
    return
  }
}

module attributes {stable_mosaic.version = 14 : i64} {
  func.func @_user_body(%arg0: i32, %arg1: i32, %arg2: memref<8x128xf32, #tpu.memory_space<vmem>>, %arg3: memref<24x128xf32, #tpu.memory_space<vmem>>, %arg4: memref<512x128xf32, #tpu.memory_space<vmem>>, %arg5: memref<512x1024xf32, #tpu.memory_space<vmem>>, %arg6: memref<1024x128xf32, #tpu.memory_space<vmem>>, %arg7: memref<512x128xf32, #tpu.memory_space<vmem>>) attributes {dimension_semantics = [#tpu.dimension_semantics<parallel>, #tpu.dimension_semantics<arbitrary>], iteration_bounds = array<i64: 8, 10>, scalar_prefetch = 0 : i64, scratch_operands = 0 : i64, tpu.core_type = #tpu.core_type<tc>, window_params = [{pipeline_mode = #tpu.pipeline_mode<synchronous>, transform_indices = @transform_0, window_bounds = array<i64: 8, 128>}, {pipeline_mode = #tpu.pipeline_mode<synchronous>, transform_indices = @transform_1, window_bounds = array<i64: 24, 128>}, {transform_indices = @transform_2, window_bounds = array<i64: 512, 128>}, {transform_indices = @transform_3, window_bounds = array<i64: 512, 1024>}, {transform_indices = @transform_4, window_bounds = array<i64: 1024, 128>}, {transform_indices = @transform_5, window_bounds = array<i64: 512, 128>}]} {
    %eq3A = arith.constant 0 : i32
    %eq3A_0 = arith.cmpi eq, %arg1, %eq3A : i32
    %convert_element_type3A = arith.extui %eq3A_0 : i1 to i32
    %cond3A = arith.constant 0 : i32
    %cond3A_1 = arith.cmpi ne, %convert_element_type3A, %cond3A : i32
    scf.if %cond3A_1 {
      %broadcast_in_dim3A_30 = arith.constant 0.000000e+00 : f32
      %broadcast_in_dim3A_31 = vector.broadcast %broadcast_in_dim3A_30 : f32 to vector<512x128xf32>
      %swap3A_32 = arith.constant 0 : index
      %swap3A_33 = arith.constant 0 : index
      %swap3A_34 = vector.load %arg7[%swap3A_32, %swap3A_33] : memref<512x128xf32, #tpu.memory_space<vmem>>, vector<512x128xf32>
      tpu.vector_store %arg7[%swap3A_32, %swap3A_33], %broadcast_in_dim3A_31 {strides = array<i32>} : memref<512x128xf32, #tpu.memory_space<vmem>>, vector<512x128xf32>,
    } else {
    }
    %eq3A_2 = arith.constant 9 : i32
    %eq3A_3 = arith.cmpi eq, %arg1, %eq3A_2 : i32
    %jit3A = arith.constant 784 : i32
    %jit3A_4 = arith.constant 1024 : i32
    %select_n3A = arith.select %eq3A_3, %jit3A, %jit3A_4 : i32
    %get3A = arith.constant 0 : index
    %get3A_5 = arith.constant 0 : index
    %get3A_6 = vector.load %arg5[%get3A, %get3A_5] : memref<512x1024xf32, #tpu.memory_space<vmem>>, vector<512x1024xf32>
    %get3A_7 = arith.constant 0 : index
    %get3A_8 = arith.constant 0 : index
    %get3A_9 = vector.load %arg6[%get3A_7, %get3A_8] : memref<1024x128xf32, #tpu.memory_space<vmem>>, vector<1024x128xf32>
    %iota3A = tpu.iota {dimensions = array<i32: 1>} : vector<512x1024xi32>
    %iota3A_10 = tpu.iota {dimensions = array<i32: 0>} : vector<1024x128xi32>
    %lt3A = vector.broadcast %select_n3A : i32 to vector<512x1024xi32>
    %lt3A_11 = arith.cmpi slt, %iota3A, %lt3A : vector<512x1024xi32>
    %jit3A_12 = arith.constant 0.000000e+00 : f32
    %broadcast_in_dim3A = vector.broadcast %jit3A_12 : f32 to vector<512x1024xf32>
    %select_n3A_13 = arith.select %lt3A_11, %get3A_6, %broadcast_in_dim3A : vector<512x1024xi1>, vector<512x1024xf32>
    %lt3A_14 = vector.broadcast %select_n3A : i32 to vector<1024x128xi32>
    %lt3A_15 = arith.cmpi slt, %iota3A_10, %lt3A_14 : vector<1024x128xi32>
    %jit3A_16 = arith.constant 0.000000e+00 : f32
    %broadcast_in_dim3A_17 = vector.broadcast %jit3A_16 : f32 to vector<1024x128xf32>
    %select_n3A_18 = arith.select %lt3A_15, %get3A_9, %broadcast_in_dim3A_17 : vector<1024x128xi1>, vector<1024x128xf32>
    %get3A_19 = arith.constant 0 : index
    %get3A_20 = arith.constant 0 : index
    %get3A_21 = vector.load %arg7[%get3A_19, %get3A_20] : memref<512x128xf32, #tpu.memory_space<vmem>>, vector<512x128xf32>
    %dot_general3A = arith.constant dense<0.000000e+00> : vector<512x128xf32>
    %dot_general3A_22 = tpu.matmul %select_n3A_13, %select_n3A_18, %dot_general3A {dimension_numbers = #tpu.dot_dimension_numbers<[1], [0], [0], [1], [0, 0, 1, 1], [], []>, transpose_lhs_hint = false} : vector<512x1024xf32>, vector<1024x128xf32>, vector<512x128xf32> -> vector<512x128xf32>
    %add3A = arith.addf %get3A_21, %dot_general3A_22 : vector<512x128xf32>
    %swap3A = arith.constant 0 : index
    %swap3A_23 = arith.constant 0 : index
    %swap3A_24 = vector.load %arg7[%swap3A, %swap3A_23] : memref<512x128xf32, #tpu.memory_space<vmem>>, vector<512x128xf32>
    tpu.vector_store %arg7[%swap3A, %swap3A_23], %add3A {strides = array<i32>} : memref<512x128xf32, #tpu.memory_space<vmem>>, vector<512x128xf32>,
    %eq3A_25 = arith.constant 9 : i32
    %eq3A_26 = arith.cmpi eq, %arg1, %eq3A_25 : i32
    %convert_element_type3A_27 = arith.extui %eq3A_26 : i1 to i32
    %cond3A_28 = arith.constant 0 : i32
    %cond3A_29 = arith.cmpi ne, %convert_element_type3A_27, %cond3A_28 : i32
    scf.if %cond3A_29 {
      %get3A_30 = arith.constant 0 : index
      %get3A_31 = arith.constant 0 : index
      %get3A_32 = vector.load %arg2[%get3A_30, %get3A_31] : memref<8x128xf32, #tpu.memory_space<vmem>>, vector<5x128xf32>
      %get3A_33 = arith.constant 0 : index
      %get3A_34 = arith.constant 0 : index
      %get3A_35 = vector.load %arg3[%get3A_33, %get3A_34] : memref<24x128xf32, #tpu.memory_space<vmem>>, vector<24x128xf32>
      %dot_general3A_36 = arith.constant dense<0.000000e+00> : vector<5x24xf32>
      %dot_general3A_37 = tpu.matmul %get3A_32, %get3A_35, %dot_general3A_36 {dimension_numbers = #tpu.dot_dimension_numbers<[1], [1], [0], [0], [0, 0, 1, 0], [], []>, transpose_lhs_hint = false} : vector<5x128xf32>, vector<24x128xf32>, vector<5x24xf32> -> vector<5x24xf32>
      %iota3A_38 = tpu.iota {dimensions = array<i32: 0>} : vector<5x24xi32>
      %iota3A_39 = tpu.iota {dimensions = array<i32: 1>} : vector<5x24xi32>
      %sub3A = arith.constant 1 : i32
      %sub3A_40 = vector.broadcast %sub3A : i32 to vector<5x24xi32>
      %sub3A_41 = arith.subi %iota3A_38, %sub3A_40 : vector<5x24xi32>
      %mul3A = arith.constant 6 : i32
      %mul3A_42 = vector.broadcast %mul3A : i32 to vector<5x24xi32>
      %mul3A_43 = arith.muli %sub3A_41, %mul3A_42 : vector<5x24xi32>
      %eq3A_44 = arith.constant 0 : i32
      %eq3A_45 = vector.broadcast %eq3A_44 : i32 to vector<5x24xi32>
      %eq3A_46 = arith.cmpi eq, %iota3A_38, %eq3A_45 : vector<5x24xi32>
      %ge3A = arith.cmpi sge, %iota3A_39, %mul3A_43 : vector<5x24xi32>
      %add3A_47 = arith.constant 6 : i32
      %add3A_48 = vector.broadcast %add3A_47 : i32 to vector<5x24xi32>
      %add3A_49 = arith.addi %mul3A_43, %add3A_48 : vector<5x24xi32>
      %lt3A_50 = arith.cmpi slt, %iota3A_39, %add3A_49 : vector<5x24xi32>
      %and3A = arith.andi %ge3A, %lt3A_50 : vector<5x24xi1>
      %or3A = arith.ori %eq3A_46, %and3A : vector<5x24xi1>
      %jit3A_51 = arith.constant -1.000000e+30 : f32
      %broadcast_in_dim3A_52 = vector.broadcast %jit3A_51 : f32 to vector<5x24xf32>
      %select_n3A_53 = arith.select %or3A, %dot_general3A_37, %broadcast_in_dim3A_52 : vector<5x24xi1>, vector<5x24xf32>
      %reduce_max3A = arith.constant dense<0xFF800000> : vector<5xf32>
      %reduce_max3A_54 = vector.multi_reduction <maximumf>, %select_n3A_53, %reduce_max3A [1] : vector<5x24xf32> to vector<5xf32>
      %broadcast_in_dim3A_55 = vector.shape_cast %reduce_max3A_54 : vector<5xf32> to vector<5x1xf32>
      %sub3A_56 = vector.broadcast %broadcast_in_dim3A_55 : vector<5x1xf32> to vector<5x24xf32>
      %sub3A_57 = arith.subf %select_n3A_53, %sub3A_56 : vector<5x24xf32>
      %exp3A = math.exp %sub3A_57 : vector<5x24xf32>
      %jit3A_58 = arith.constant 0.000000e+00 : f32
      %broadcast_in_dim3A_59 = vector.broadcast %jit3A_58 : f32 to vector<5x24xf32>
      %select_n3A_60 = arith.select %or3A, %exp3A, %broadcast_in_dim3A_59 : vector<5x24xi1>, vector<5x24xf32>
      %reduce_sum3A = arith.constant dense<0.000000e+00> : vector<5xf32>
      %reduce_sum3A_61 = vector.multi_reduction <add>, %select_n3A_60, %reduce_sum3A [1] : vector<5x24xf32> to vector<5xf32>
      %broadcast_in_dim3A_62 = vector.shape_cast %reduce_sum3A_61 : vector<5xf32> to vector<5x1xf32>
      %div3A = vector.broadcast %broadcast_in_dim3A_62 : vector<5x1xf32> to vector<5x24xf32>
      %div3A_63 = arith.divf %select_n3A_60, %div3A : vector<5x24xf32>
      %dot_general3A_64 = arith.constant dense<0.000000e+00> : vector<5x128xf32>
      %dot_general3A_65 = tpu.matmul %div3A_63, %get3A_35, %dot_general3A_64 {dimension_numbers = #tpu.dot_dimension_numbers<[1], [0], [0], [1], [0, 0, 1, 1], [], []>, transpose_lhs_hint = false} : vector<5x24xf32>, vector<24x128xf32>, vector<5x128xf32> -> vector<5x128xf32>
      %iota3A_66 = tpu.iota {dimensions = array<i32: 0>} : vector<5x1xi32>
      %eq3A_67 = arith.constant 0 : i32
      %eq3A_68 = vector.broadcast %eq3A_67 : i32 to vector<5x1xi32>
      %eq3A_69 = arith.cmpi eq, %iota3A_66, %eq3A_68 : vector<5x1xi32>
      %jit3A_70 = arith.constant 0.0416666679 : f32
      %jit3A_71 = arith.constant 0.166666672 : f32
      %broadcast_in_dim3A_72 = vector.broadcast %jit3A_70 : f32 to vector<5x1xf32>
      %broadcast_in_dim3A_73 = vector.broadcast %jit3A_71 : f32 to vector<5x1xf32>
      %select_n3A_74 = arith.select %eq3A_69, %broadcast_in_dim3A_72, %broadcast_in_dim3A_73 : vector<5x1xi1>, vector<5x1xf32>
      %mul3A_75 = vector.broadcast %select_n3A_74 : vector<5x1xf32> to vector<5x128xf32>
      %mul3A_76 = arith.mulf %dot_general3A_65, %mul3A_75 : vector<5x128xf32>
      %add3A_77 = arith.addf %mul3A_76, %get3A_32 : vector<5x128xf32>
      %mul3A_78 = arith.constant 5.000000e-01 : f32
      %mul3A_79 = vector.broadcast %mul3A_78 : f32 to vector<5x128xf32>
      %mul3A_80 = arith.mulf %add3A_77, %mul3A_79 : vector<5x128xf32>
      %get3A_81 = arith.constant 0 : index
      %get3A_82 = arith.constant 0 : index
      %get3A_83 = vector.load %arg4[%get3A_81, %get3A_82] : memref<512x128xf32, #tpu.memory_space<vmem>>, vector<512x128xf32>
      %dot_general3A_84 = arith.constant dense<0.000000e+00> : vector<512x5xf32>
      %dot_general3A_85 = tpu.matmul %get3A_83, %mul3A_80, %dot_general3A_84 {dimension_numbers = #tpu.dot_dimension_numbers<[1], [1], [0], [0], [0, 0, 1, 0], [], []>, transpose_lhs_hint = false} : vector<512x128xf32>, vector<5x128xf32>, vector<512x5xf32> -> vector<512x5xf32>
      %reduce_max3A_86 = arith.constant dense<0xFF800000> : vector<512xf32>
      %reduce_max3A_87 = vector.multi_reduction <maximumf>, %dot_general3A_85, %reduce_max3A_86 [1] : vector<512x5xf32> to vector<512xf32>
      %broadcast_in_dim3A_88 = vector.shape_cast %reduce_max3A_87 : vector<512xf32> to vector<512x1xf32>
      %sub3A_89 = vector.broadcast %broadcast_in_dim3A_88 : vector<512x1xf32> to vector<512x5xf32>
      %sub3A_90 = arith.subf %dot_general3A_85, %sub3A_89 : vector<512x5xf32>
      %exp3A_91 = math.exp %sub3A_90 : vector<512x5xf32>
      %reduce_sum3A_92 = arith.constant dense<0.000000e+00> : vector<512xf32>
      %reduce_sum3A_93 = vector.multi_reduction <add>, %exp3A_91, %reduce_sum3A_92 [1] : vector<512x5xf32> to vector<512xf32>
      %broadcast_in_dim3A_94 = vector.shape_cast %reduce_sum3A_93 : vector<512xf32> to vector<512x1xf32>
      %div3A_95 = vector.broadcast %broadcast_in_dim3A_94 : vector<512x1xf32> to vector<512x5xf32>
      %div3A_96 = arith.divf %exp3A_91, %div3A_95 : vector<512x5xf32>
      %dot_general3A_97 = arith.constant dense<0.000000e+00> : vector<512x128xf32>
      %dot_general3A_98 = tpu.matmul %div3A_96, %mul3A_80, %dot_general3A_97 {dimension_numbers = #tpu.dot_dimension_numbers<[1], [0], [0], [1], [0, 0, 1, 1], [], []>, transpose_lhs_hint = false} : vector<512x5xf32>, vector<5x128xf32>, vector<512x128xf32> -> vector<512x128xf32>
      %add3A_99 = arith.constant 1.000000e+00 : f32
      %add3A_100 = vector.broadcast %add3A_99 : f32 to vector<512x128xf32>
      %add3A_101 = arith.addf %add3A_100, %dot_general3A_98 : vector<512x128xf32>
      %get3A_102 = arith.constant 0 : index
      %get3A_103 = arith.constant 0 : index
      %get3A_104 = vector.load %arg7[%get3A_102, %get3A_103] : memref<512x128xf32, #tpu.memory_space<vmem>>, vector<512x128xf32>
      %mul3A_105 = arith.mulf %get3A_104, %add3A_101 : vector<512x128xf32>
      %swap3A_106 = arith.constant 0 : index
      %swap3A_107 = arith.constant 0 : index
      %swap3A_108 = vector.load %arg7[%swap3A_106, %swap3A_107] : memref<512x128xf32, #tpu.memory_space<vmem>>, vector<512x128xf32>
      tpu.vector_store %arg7[%swap3A_106, %swap3A_107], %mul3A_105 {strides = array<i32>} : memref<512x128xf32, #tpu.memory_space<vmem>>, vector<512x128xf32>,
    } else {
    }
    return
  }
  func.func @transform_0(%arg0: i32, %arg1: i32) -> (i32, i32) {
    %c0_i32 = arith.constant 0 : i32
    %c0_i32_0 = arith.constant 0 : i32
    %c0_i32_1 = arith.constant 0 : i32
    return %c0_i32, %c0_i32_0 : i32, i32
  }
  func.func @transform_1(%arg0: i32, %arg1: i32) -> (i32, i32) {
    %c0_i32 = arith.constant 0 : i32
    %c0_i32_0 = arith.constant 0 : i32
    %c0_i32_1 = arith.constant 0 : i32
    return %c0_i32, %c0_i32_0 : i32, i32
  }
  func.func @transform_2(%arg0: i32, %arg1: i32) -> (i32, i32) {
    %c0_i32 = arith.constant 0 : i32
    %c0_i32_0 = arith.constant 0 : i32
    return %arg0, %c0_i32 : i32, i32
  }
  func.func @transform_3(%arg0: i32, %arg1: i32) -> (i32, i32) {
    %c0_i32 = arith.constant 0 : i32
    return %arg0, %arg1 : i32, i32
  }
  func.func @transform_4(%arg0: i32, %arg1: i32) -> (i32, i32) {
    %c0_i32 = arith.constant 0 : i32
    %c0_i32_0 = arith.constant 0 : i32
    return %arg1, %c0_i32 : i32, i32
  }
  func.func @transform_5(%arg0: i32, %arg1: i32) -> (i32, i32) {
    %c0_i32 = arith.constant 0 : i32
    %c0_i32_0 = arith.constant 0 : i32
    return %arg0, %c0_i32 : i32, i32
  }
}

module attributes {stable_mosaic.version = 14 : i64} {
  func.func @_combine_body(%arg0: i32, %arg1: memref<2000x128xf32, #tpu.memory_space<vmem>>, %arg2: memref<2000x128xf32, #tpu.memory_space<vmem>>, %arg3: memref<2000x1xf32, #tpu.memory_space<vmem>>, %arg4: memref<2000x1xf32, #tpu.memory_space<vmem>>, %arg5: memref<2000x128xf32, #tpu.memory_space<vmem>>) attributes {dimension_semantics = [#tpu.dimension_semantics<arbitrary>], iteration_bounds = array<i64: 5>, scalar_prefetch = 0 : i64, scratch_operands = 0 : i64, tpu.core_type = #tpu.core_type<tc>, window_params = [{transform_indices = @transform_0, window_bounds = array<i64: 2000, 128>}, {transform_indices = @transform_1, window_bounds = array<i64: 2000, 128>}, {transform_indices = @transform_2, window_bounds = array<i64: 2000, 1>}, {transform_indices = @transform_3, window_bounds = array<i64: 2000, 1>}, {transform_indices = @transform_4, window_bounds = array<i64: 2000, 128>}]} {
    %get3A = arith.constant 0 : index
    %get3A_0 = arith.constant 0 : index
    %get3A_1 = vector.load %arg3[%get3A, %get3A_0] : memref<2000x1xf32, #tpu.memory_space<vmem>>, vector<2000x1xf32>
    %get3A_2 = arith.constant 0 : index
    %get3A_3 = arith.constant 0 : index
    %get3A_4 = vector.load %arg4[%get3A_2, %get3A_3] : memref<2000x1xf32, #tpu.memory_space<vmem>>, vector<2000x1xf32>
    %add3A = arith.addf %get3A_1, %get3A_4 : vector<2000x1xf32>
    %max3A = arith.constant 1.000000e+00 : f32
    %max3A_5 = vector.broadcast %max3A : f32 to vector<2000x1xf32>
    %max3A_6 = arith.maximumf %add3A, %max3A_5 : vector<2000x1xf32>
    %get3A_7 = arith.constant 0 : index
    %get3A_8 = arith.constant 0 : index
    %get3A_9 = vector.load %arg1[%get3A_7, %get3A_8] : memref<2000x128xf32, #tpu.memory_space<vmem>>, vector<2000x128xf32>
    %get3A_10 = arith.constant 0 : index
    %get3A_11 = arith.constant 0 : index
    %get3A_12 = vector.load %arg2[%get3A_10, %get3A_11] : memref<2000x128xf32, #tpu.memory_space<vmem>>, vector<2000x128xf32>
    %add3A_13 = arith.addf %get3A_9, %get3A_12 : vector<2000x128xf32>
    %div3A = vector.broadcast %max3A_6 : vector<2000x1xf32> to vector<2000x128xf32>
    %div3A_14 = arith.divf %add3A_13, %div3A : vector<2000x128xf32>
    %swap3A = arith.constant 0 : index
    %swap3A_15 = arith.constant 0 : index
    %swap3A_16 = vector.load %arg5[%swap3A, %swap3A_15] : memref<2000x128xf32, #tpu.memory_space<vmem>>, vector<2000x128xf32>
    tpu.vector_store %arg5[%swap3A, %swap3A_15], %div3A_14 {strides = array<i32>} : memref<2000x128xf32, #tpu.memory_space<vmem>>, vector<2000x128xf32>,
    return
  }
  func.func @transform_0(%arg0: i32) -> (i32, i32) {
    %c0_i32 = arith.constant 0 : i32
    %c0_i32_0 = arith.constant 0 : i32
    return %arg0, %c0_i32 : i32, i32
  }
  func.func @transform_1(%arg0: i32) -> (i32, i32) {
    %c0_i32 = arith.constant 0 : i32
    %c0_i32_0 = arith.constant 0 : i32
    return %arg0, %c0_i32 : i32, i32
  }
  func.func @transform_2(%arg0: i32) -> (i32, i32) {
    %c0_i32 = arith.constant 0 : i32
    %c0_i32_0 = arith.constant 0 : i32
    return %arg0, %c0_i32 : i32, i32
  }
  func.func @transform_3(%arg0: i32) -> (i32, i32) {
    %c0_i32 = arith.constant 0 : i32
    %c0_i32_0 = arith.constant 0 : i32
    return %arg0, %c0_i32 : i32, i32
  }
  func.func @transform_4(%arg0: i32) -> (i32, i32) {
    %c0_i32 = arith.constant 0 : i32
    %c0_i32_0 = arith.constant 0 : i32
    return %arg0, %c0_i32 : i32, i32
  }
}

</mosaic_0001>

<sc_bundles>
// kernel: kernel.5.cloned.1.call-start
scs
__scs_entry_jumppad:
0x0: {  	(pc) =	sbr.rel $0x88, $3  }
0x1: {  	(tag) =	ssettag $0x0;
	lr =	simm.s32 $0x1  }
0x2: {  	[smem:$0x3F9A] =	sst lr;
	_ =	strace $0xD0000000  }
0x3: {  	_ = 	snop  }
0x4: {  	_ = 	snop  }
0x5: {  	_ = 	snop  }
0x6: {  	_ = 	snop  }
0x7: {  	_ = 	snop  }
__scs_overlays_trampoline_lowered:
0x8: {  	[smem:$0x3FA9] =	sst s0  }
0x9: {  	[smem:$0x3FAA] =	sst s1  }
0xa: {  	[smem:$0x3FAB] =	sst s2  }
0xb: {  	[smem:$0x3FAC] =	sst s3  }
0xc: {  	[smem:$0x3FAD] =	sst s4  }
0xd: {  	[smem:$0x3FAE] =	sst s5  }
0xe: {  	[smem:$0x3FAF] =	sst s6  }
0xf: {  	[smem:$0x3FB0] =	sst s7  }
0x10: {  	[smem:$0x3FB1] =	sst s8  }
0x11: {  	[smem:$0x3FB2] =	sst s9;
	s0 =	simm.s32 @!p0 $0x0  }
0x12: {  	s1 =	sld [smem:$0x3F98];
	s0 =	simm.s32 @p0 $0x1  }
0x13: {  	[smem:$0x3FB3] =	sst s0;
	s0 =	simm.s32 @!p1 $0x0  }
0x14: {  	s2 =	sld [smem:$0x3F97];
	s0 =	simm.s32 @p1 $0x1  }
0x15: {  	[smem:$0x3FB4] =	sst s0;
	s0 =	simm.s32 @!p2 $0x0  }
0x16: {  	s3 =	sld [smem:$0x3FDB];
	s0 =	simm.s32 @p2 $0x1  }
0x17: {  	s4 =	simm.s32 $0x1BF5;
	[smem:$0x3FB6] =	sst s0  }
0x18: {  	s0 =	sld [smem:$0x3F99];
	_ =	swait.ge [sflag:s4], $0x0  }
0x19: {  	s7 =	sld [smem:$0x3F9A]  }
0x1a: {  	s8 =	sadd.s32 $0xFFFFE003, lr  }
0x1b: {  	s9 =	sadd.s32 $0xFFFFFEF7, lr;
	s5 =	simm.s32 $0xFFFFFFFF;
	p2 =	slt.u32 s8, $0xFFFFF086  }
0x1c: {  	p1 =	slt.u32 s9, $0xF7A;
	s5 =	simm.s32 @!p2 $0x0  }
0x1d: {  	s5 =	simm.s32 @p1 $0x1;
	p0 =	seq.s32 s7, s2  }
0x1e: {  	s7 =	smul.u32 @!p0 $0xF7A, s2;
	p2 =	seq.s32 @!p0 s5, $0x0  }
0x1f: {  	s9 =	smul.u32 $0xF7A, s1;
	s8 =	simm.s32 @!p0 $0x1BF5;
	p2 =	por !p2, p0  }
0x20: {  	[sflag:s8] =	ssyncset.s32 @!p0 $0xFFFFF086;
	s6 =	sadd.s32 @!p0 s3, s7;
	s7 =	simm.s32 @!p0 $0x108  }
0x21: {  	s3 =	sadd.s32 s3, s9;
	s6 =	sadd.s32 @!p0 $0x88, s6;
	s7 =	simm.s32 @p2 $0x1082  }
0x22: {  	[simem:s7], [sflag:s8] =	dma.local @!p0 [hbm:s6], $0xF7A  }
0x23: {  	s9 =	sor.u32 $0xD0000000, s2;
	s6 =	simm.s32 $0x108;
	_ =	swait.ge @!p0 [sflag:s8], $0x0  }
0x24: {  	s3 =	sadd.s32 $0x88, s3;
	s6 =	simm.s32 @!p1 $0x1082;
	[sflag:s4] =	ssyncset.s32 $0xFFFFF086  }
0x25: {  	[simem:s6], [sflag:s4] =	dma.local [hbm:s3], $0xF7A  }
0x26: {  	[smem:$0x3F9A] =	sst s1;
	(tag) =	ssettag s2;
	_ =	strace s9  }
0x27: {  	s1 =	sld [smem:$0x3FAA]  }
0x28: {  	s2 =	sld [smem:$0x3FAB]  }
0x29: {  	s4 =	sld [smem:$0x3FAD]  }
0x2a: {  	p0 =	seq.s32 s5, $0x0;
	s5 =	sld [smem:$0x3FAE]  }
0x2b: {  	s6 =	sld [smem:$0x3FAF]  }
0x2c: {  	s7 =	sld [smem:$0x3FB0]  }
0x2d: {  	s3 =	simm.s32 $0x108;
	s8 =	sld [smem:$0x3FB1]  }
0x2e: {  	s3 =	simm.s32 @!p0 $0x1082;
	s9 =	sld [smem:$0x3FB2]  }
0x2f: {  	lr =	sadd.s32 s0, s3;
	s0 =	sld [smem:$0x3FA9]  }
0x30: {  	s3 =	sld [smem:$0x3FAC]  }
0x31: {  	[smem:$0x3FB5] =	sst s10  }
0x32: {  	s10 =	sld [smem:$0x3FB3];
	_ =	sdelay $0x3  }
0x33: {  	p0 =	seq.s32 s10, $0x1;
	s10 =	sld [smem:$0x3FB5];
	_ =	sdelay $0x3  }
0x34: {  	[smem:$0x3FB5] =	sst s10  }
0x35: {  	s10 =	sld [smem:$0x3FB4];
	_ =	sdelay $0x3  }
0x36: {  	p1 =	seq.s32 s10, $0x1;
	s10 =	sld [smem:$0x3FB5];
	_ =	sdelay $0x3  }
0x37: {  	[smem:$0x3FB5] =	sst s10  }
0x38: {  	s10 =	sld [smem:$0x3FB6]  }
0x39: {  	_ = 	snop;
	(pc) =	sbr.ind lr, $3  }
0x3a: {  	_ = 	snop  }
0x3b: {  	_ = 	snop  }
0x3c: {  	p2 =	seq.s32 s10, $0x1;
	s10 =	sld [smem:$0x3FB5]  }
0x3d: {  	_ =	shalt  }
0x3e: {  	_ =	shalt  }
0x3f: {  	_ =	shalt  }
0x40: {  	_ =	shalt  }
0x41: {  	_ =	shalt  }
0x42: {  	_ =	shalt  }
0x43: {  	_ =	shalt  }
0x44: {  	_ =	shalt  }
0x45: {  	_ =	shalt  }
0x46: {  	_ =	shalt  }
0x47: {  	_ =	shalt  }
0x48: {  	_ =	shalt  }
0x49: {  	_ =	shalt  }
0x4a: {  	_ =	shalt  }
0x4b: {  	_ =	shalt  }
0x4c: {  	_ =	shalt  }
0x4d: {  	_ =	shalt  }
0x4e: {  	_ =	shalt  }
0x4f: {  	_ =	shalt  }
0x50: {  	_ =	shalt  }
0x51: {  	_ =	shalt  }
0x52: {  	_ =	shalt  }
0x53: {  	_ =	shalt  }
0x54: {  	_ =	shalt  }
0x55: {  	_ =	shalt  }
0x56: {  	_ =	shalt  }
0x57: {  	_ =	shalt  }
0x58: {  	_ =	shalt  }
0x59: {  	_ =	shalt  }
0x5a: {  	_ =	shalt  }
0x5b: {  	_ =	shalt  }
0x5c: {  	_ =	shalt  }
0x5d: {  	_ =	shalt  }
0x5e: {  	_ =	shalt  }
0x5f: {  	_ =	shalt  }
0x60: {  	_ =	shalt  }
0x61: {  	_ =	shalt  }
0x62: {  	_ =	shalt  }
0x63: {  	_ =	shalt  }
0x64: {  	_ =	shalt  }
0x65: {  	_ =	shalt  }
0x66: {  	_ =	shalt  }
0x67: {  	_ =	shalt  }
0x68: {  	_ =	shalt  }
0x69: {  	_ =	shalt  }
0x6a: {  	_ =	shalt  }
0x6b: {  	_ =	shalt  }
0x6c: {  	_ =	shalt  }
0x6d: {  	_ =	shalt  }
0x6e: {  	_ =	shalt  }
0x6f: {  	_ =	shalt  }
0x70: {  	_ =	shalt  }
0x71: {  	_ =	shalt  }
0x72: {  	_ =	shalt  }
0x73: {  	_ =	shalt  }
0x74: {  	_ =	shalt  }
0x75: {  	_ =	shalt  }
0x76: {  	_ =	shalt  }
0x77: {  	_ =	shalt  }
0x78: {  	_ =	shalt  }
0x79: {  	_ =	shalt  }
0x7a: {  	_ =	shalt  }
0x7b: {  	_ =	shalt  }
0x7c: {  	_ =	shalt  }
0x7d: {  	_ =	shalt  }
0x7e: {  	_ =	shalt  }
0x7f: {  	_ =	shalt  }
0x80: {  	_ =	shalt  }
0x81: {  	_ =	shalt  }
0x82: {  	_ =	shalt  }
0x83: {  	_ =	shalt  }
0x84: {  	_ =	shalt  }
0x85: {  	_ =	shalt  }
0x86: {  	_ =	shalt  }
0x87: {  	_ =	shalt  }
.Lfunc_end0:
.L_simem_size_0:
called_computation_lowered:
.L_overlay_start_0:
0x88: {  	s2 =	sld [smem:$0x3FD9]  }
0x89: {  	s3 =	sld [smem:$0x3FFE];
	_ =	sdelay $0x1  }
0x8a: {  	s1 =	srdreg.scid  }
0x8b: {  	s0 =	sand.u32 $0x1, s1  }
0x8c: {  	s14 =	sshll.u32 s0, $0xA;
	s2 =	sadd.s32 s3, s2  }
0x8d: {  	s2 =	sadd.s32 s2, s14  }
0x8e: {  	[smem:$0x3FC1] =	sst s2  }
0x8f: {  	_ = 	snop  }
0x90: {  	s2 =	sld [smem:$0x3FD0];
	_ =	sdelay $0x1  }
0x91: {  	s15 =	sld [smem:$0x3FC9]  }
0x92: {  	s5 =	simm.s32 $0xA;
	s6 =	simm.s32 $0x10;
	s4 =	sld [smem:$0x3FC3]  }
0x93: {  	[smem:s6], [sflag:s5] =	dma.local [hbm:s2], $0x1  }
0x94: {  	_ =	swait.eq [sflag:s5], $0x1  }
0x95: {  	[sflag:s5] =	ssyncset.done $0x0  }
0x96: {  	[sflag:s5] =	ssyncadd.s32 $0xFFFFFFFF  }
0x97: {  	s16 =	sld [smem:$0x10];
	(tm) =	ssettm $0x1  }
0x98: {  	s17 =	sld [smem:$0x3FFB];
	_ =	sdelay $0x3  }
0x99: {  	_ =	strace s17  }
0x9a: {  	s5 =	sld [smem:$0x3FFC];
	_ =	sdelay $0x3  }
0x9b: {  	_ =	strace s5  }
0x9c: {  	s5 =	sld [smem:$0x3FFD];
	_ =	sdelay $0x3  }
0x9d: {  	_ =	strace s5  }
0x9e: {  	_ =	strace $0x8FFFFFFF  }
0x9f: {  	s18 =	sld [smem:$0x3FDB];
	_ =	sdelay $0x1  }
0xa0: {  	s19 =	simm.s32 $_scs_section_size  }
0xa1: {  	s7 =	simm.s32 $_size__tile_overlayer_lowered;
	s8 =	simm.s32 $_tile_overlayer_lowered  }
0xa2: {  	s22 =	simm.s32 $0x1BFF;
	s21 =	sshll.u32 s8, $0x1;
	s5 =	sadd.s32 s19, s18  }
0xa3: {  	s9 =	simm.s32 $0x0;
	s20 =	sshll.u32 s7, $0x1;
	s7 =	sadd.s32 s21, s5  }
0xa4: {  	[timem:s9], [sflag:s22] =	dma.local [hbm:s7], s20  }
0xa5: {  	_ =	swait.ge [sflag:s22], s20  }
0xa6: {  	s6 =	ssub.s32 $0x0, s20;
	[sflag:s22] =	ssyncset.done $0x0  }
0xa7: {  	[sflag:s22] =	ssyncadd.s32 s6;
	_ =	sdelay $0x1  }
0xa8: {  	s23 =	simm.s32 $0x1B8B  }
0xa9: {  	_ =	swait.ge [sflag:s23], $0x1  }
0xaa: {  	[sflag:s23] =	ssyncset.done $0x0  }
0xab: {  	s25 =	simm.s32 $0x1B8E;
	s24 =	sld [smem:$0x3FFE];
	[sflag:s23] =	ssyncadd.s32 $0xFFFFFFFF  }
0xac: {  	s26 =	simm.s32 $execute0_lowered;
	[smem:$0x3FD2] =	sst s25  }
0xad: {  	s7 =	sshll.u32 s26, $0x1;
	_ =	strace $0x80000046;
	[dreg:$0x1] =	wrdreg $0xFFFFFFFF  }
0xae: {  	s28 =	simm.s32 $_size_execute0_lowered;
	s5 =	sadd.s32 s5, s7;
	[dreg:$0x0] =	wrdreg $0x0  }
0xaf: {  	s7 =	sshll.u32 s28, $0x1;
	[dreg:$0x2] =	wrdreg s5  }
0xb0: {  	[dreg:$0x3] =	wrdreg s7  }
0xb1: {  	[dreg:$0x4] =	wrdreg $0xC0  }
0xb2: {  	_ =	task [dreg:s9], $0x5FFFF  }
0xb3: {  	[dreg:$0x1] =	wrdreg $0xFFFFFFFF  }
0xb4: {  	[dreg:$0x0] =	wrdreg $0x60  }
0xb5: {  	[dreg:$0x2] =	wrdreg s16  }
0xb6: {  	[dreg:$0x3] =	wrdreg s24  }
0xb7: {  	[dreg:$0x4] =	wrdreg s15  }
0xb8: {  	[dreg:$0x5] =	wrdreg s4  }
0xb9: {  	[dreg:$0x6] =	wrdreg $0xC3000  }
0xba: {  	[dreg:$0x7] =	wrdreg $0x1FDF80  }
0xbb: {  	[dreg:$0x8] =	wrdreg $0x1FB800  }
0xbc: {  	[dreg:$0x9] =	wrdreg $0x9  }
0xbd: {  	_ =	task.clear_ibuf [dreg:s9], $0xAFFFF;
	_ =	strace $0x90000046  }
0xbe: {  	s29 =	simm.s32 $0x9;
	_ =	strace $0x80000048  }
0xbf: {  	_ =	swait.ge [sflag:s29], $0x1  }
0xc0: {  	[sflag:s29] =	ssyncadd.s32 $0xFFFFFFFF  }
0xc1: {  	_ =	strace $0x90000048  }
0xc2: {  	_ =	sfence  }
0xc3: {  	s30 =	sld [smem:$0x0];
	_ =	sdelay $0x2  }
0xc4: {  	s31 =	sshll.u32 s1, $0xD;
	s1 =	sshrl.u32 s1, $0x2  }
0xc5: {  	s3 =	sand.u32 $0x4000, s31;
	s1 =	sadd.s32 s1, s30  }
0xc6: {  	s0 =	sor.u32 s3, s0;
	s1 =	sshll.u32 s1, $0x11  }
0xc7: {  	s0 =	sor.u32 s1, s0  }
0xc8: {  	s0 =	sadd.s32 $0x8F2B, s0  }
0xc9: {  	[sflag:s0] =	ssyncadd.remote.s32 $0x1  }
0xca: {  	_ =	sfence.sel $0xFFFF  }
0xcb: {  	[dreg:$0x0] =	wrdreg $0xFFFFFFFF;
	(pc) =	sbr.abs _section_cstart, $3  }
0xcc: {  	[dreg:$0x1] =	wrdreg $0xFFFFFFFF  }
0xcd: {  	_ =	task.clear_ibuf [dreg:s9], $0x2FFFF;
	_ =	strace $0x9FFFFFFF  }
0xce: {  	(tm) =	ssettm $0x7FFFFFFF  }
0xcf: {  	_ =	shalt  }
tec
execute0_lowered:
.L_overlay_start_1:
0x0: {  	(tag) =	ssettag $0x1  }
0x1: {  	s0 =	rddreg [dreg:$0x0];
	s1 =	srdreg.scid  }
0x2: {  	s4 =	rddreg [dreg:$0x1];
	s7 =	stileid.u32;
	s8 =	simm.s32 $0x0  }
0x3: {  	s30 =	simm.s32 $0x9800;
	s6 =	sand.u32 $0x1, s1;
	s1 =	rddreg [dreg:$0x2]  }
0x4: {  	s31 =	simm.s32 $0x1;
	s3 =	smul.u32 $0x270, s7;
	[smem:$0x7FF] =	sst s8  }
0x5: {  	s8 =	sadd.s32 $0x15200, s4;
	s17 =	sshll.u32 s7, $0x1;
	s12 =	smul.u32 $0x13800, s7  }
0x6: {  	p0 =	sne.s32 s7, $0x0;
	p1 =	sne.s32 s7, $0xF;
	s2 =	ssub.s32 $0x2, s6  }
0x7: {  	s10 =	smul.u32 $0x138800, s6;
	s5 =	sshrl.u32 s2, $0x1;
	s9 =	sshll.u32 s3, $0x7  }
0x8: {  	s2 =	ssub.s32 s2, s5;
	s5 =	sor.u32 s6, s17;
	s11 =	sadd.s32 $0x2800, s9  }
0x9: {  	s14 =	sadd.s32 $0x5000, s9;
	s15 =	sadd.s32 $0x7800, s9;
	s19 =	sadd.s32 $0xA000, s9  }
0xa: {  	s20 =	sadd.s32 $0xC800, s9;
	s21 =	sadd.s32 $0xF000, s9;
	s12 =	sadd.s32 s12, s10  }
0xb: {  	s9 =	sadd.s32 $0x11800, s9;
	s6 =	smul.u32 $0x2710, s6;
	s12 =	sshrl.u32 s12, $0x3  }
0xc: {  	s13 =	sadd.s32 s10, s11;
	s22 =	sadd.s32 s10, s14;
	s24 =	sadd.s32 s10, s15  }
0xd: {  	s26 =	sadd.s32 s10, s19;
	s16 =	sadd.s32 s10, s20;
	s29 =	smul.u32 $0x5, s5  }
0xe: {  	s12 =	sadd.s32 s8, s12;
	s18 =	sshrl.u32 s13, $0x3;
	s23 =	sshrl.u32 s22, $0x3  }
0xf: {  	s25 =	sshrl.u32 s24, $0x3;
	s17 =	sshrl.u32 s16, $0x3;
	s16 =	rddreg [dreg:$0x6]  }
0x10: {  	s13 =	sshrl.u32 s26, $0x3;
	[dreg:$0x8] =	wrdreg s12;
	s12 =	sadd.s32 s8, s18  }
0x11: {  	s26 =	smul.u32 $0x4E000, s7;
	[dreg:$0x9] =	wrdreg s12;
	s12 =	sadd.s32 s8, s23  }
0x12: {  	s18 =	sadd.s32 s10, s21;
	[dreg:$0xa] =	wrdreg s12;
	s12 =	sadd.s32 s8, s25  }
0x13: {  	s22 =	sshrl.u32 s18, $0x3;
	s23 =	sadd.s32 s10, s9;
	[dreg:$0xb] =	wrdreg s12  }
0x14: {  	s10 =	sshrl.u32 s10, $0x3;
	s12 =	sadd.s32 s8, s13;
	s13 =	rddreg [dreg:$0x5]  }
0x15: {  	s24 =	sshrl.u32 s23, $0x3;
	[dreg:$0xc] =	wrdreg s12;
	s12 =	sadd.s32 s8, s17  }
0x16: {  	s25 =	sadd.s32 s3, s6;
	[dreg:$0xd] =	wrdreg s12;
	s12 =	sadd.s32 s8, s22  }
0x17: {  	s17 =	sadd.s32 $0x63400, s4;
	[dreg:$0xe] =	wrdreg s12;
	s12 =	sadd.s32 s8, s24  }
0x18: {  	s8 =	sadd.s32 s8, s10;
	s10 =	sshrl.u32 s25, $0x3;
	[dreg:$0xf] =	wrdreg s12  }
0x19: {  	s2 =	smax.u32 s2, $0x1;
	s12 =	rddreg [dreg:$0x4];
	s10 =	sadd.s32 s17, s10  }
0x1a: {  	s5 =	simm.s32 $0x7;
	[dreg:$0x10] =	wrdreg s10;
	s10 =	sshrl.u32 s26, $0x2  }
0x1b: {  	s25 =	sadd.s32 s11, s12;
	s26 =	sadd.s32 s14, s12;
	s11 =	sadd.s32 s19, s12  }
0x1c: {  	s14 =	sadd.s32 s20, s12;
	_ =	strace $0x80000047;
	[dreg:$0x15] =	wrdreg s11  }
0x1d: {  	s28 =	sadd.s32 s15, s12;
	s15 =	sadd.s32 s21, s12;
	[dreg:$0x16] =	wrdreg s14  }
0x1e: {  	s7 =	simm.s32 $0x0;
	s19 =	sadd.s32 s9, s12;
	[dreg:$0x17] =	wrdreg s15  }
0x1f: {  	s6 =	sshrl.u32 s6, $0x3;
	s3 =	sadd.s32 s3, s16;
	[dreg:$0x18] =	wrdreg s19  }
0x20: {  	s6 =	sadd.s32 s17, s6;
	s20 =	sadd.s32 $0x27000, s8;
	[dreg:$0x19] =	wrdreg s3  }
0x21: {  	s18 =	sadd.s32 $0x1600, s4;
	s21 =	sadd.s32 $0x4E0, s6;
	[dreg:$0x1a] =	wrdreg s20  }
0x22: {  	s23 =	sadd.s32 $0x2700, s16;
	s17 =	sadd.s32 $0xB400, s4;
	[dreg:$0x1b] =	wrdreg s21  }
0x23: {  	s4 =	simm.s32 $0x2000;
	s22 =	sadd.s32 $0x138000, s12;
	[dreg:$0x1c] =	wrdreg s2  }
0x24: {  	s8 =	simm.s32 $0x1800;
	s9 =	simm.s32 $0x50;
	[dreg:$0x1d] =	wrdreg s22  }
0x25: {  	s6 =	simm.s32 $0xC000;
	s24 =	sadd.s32 s10, s12;
	[dreg:$0x1e] =	wrdreg s23  }
0x26: {  	s10 =	simm.s32 $0x7000;
	s15 =	simm.s32 $0x4800;
	[dreg:$0x12] =	wrdreg s25  }
0x27: {  	s14 =	simm.s32 $0x3;
	s19 =	simm.s32 $0x2;
	[dreg:$0x13] =	wrdreg s26  }
0x28: {  	s20 =	simm.s32 $0x4;
	s21 =	simm.s32 $0x5;
	[dreg:$0x14] =	wrdreg s28  }
0x29: {  	v0 =	vimm.f32 $0.0e+00;
	v1 =	vimm.f32 $1.000000000e+00;
	s22 =	simm.s32 $0xC00;
	s23 =	simm.s32 $0x6;
	[dreg:$0x11] =	wrdreg s24  }
.LBB2_1:
0x2a: {  	[dreg:$0x1f] =	wrdreg s7  }
0x2b: {  	s2 =	sshrl.u32 @!p0 s13, $0x3;
	s3 =	simm.s32 @!p0 $0x1C07;
	s11 =	rddreg [dreg:$0x3]  }
0x2c: {  	[spmem:s2], [sflag:s3] =	dma.local @!p0 [hbm:s11], $0x180  }
0x2d: {  	s2 =	simm.s32 @!p0 $0x7  }
0x2e: {  	_ =	swait.ge @!p0 [sflag:s2], $0x180  }
0x2f: {  	[sflag:s2] =	ssyncset.done @!p0 $0x0  }
0x30: {  	s3 =	simm.s32 $0x200;
	[sflag:s2] =	ssyncadd.s32 @!p0 $0xFFFFFE80;
	s2 =	simm.s32 $0x0  }
.LBB2_2:
0x31: {  	p2 =	sne.s32 s3, $0x9E00;
	[tilespmem:s2+$0x2070] =	vst v0  }
0x32: {  	[tilespmem:s2+$0x2000] =	vst v0  }
0x33: {  	[tilespmem:s2+$0x2010] =	vst v0  }
.Ltmp0:
0x34: {  	[tilespmem:s2+$0x2020] =	vst v0;
	(pc) =	sbr.rel @p2 .LBB2_2-.Ltmp0, $4  }
0x35: {  	[tilespmem:s2+$0x2030] =	vst v0  }
0x36: {  	[tilespmem:s2+$0x2040] =	vst v0  }
0x37: {  	[tilespmem:s2+$0x2050] =	vst v0  }
0x38: {  	[tilespmem:s2+$0x2060] =	vst v0;
	s2 =	sshra.s32 s3, $0x2;
	s3 =	sadd.s32 $0x200, s3  }
0x39: {  	[tilespmem:s2+$0x2070] =	vst v0  }
0x3a: {  	[tilespmem:s2+$0x2000] =	vst v0  }
0x3b: {  	[tilespmem:s2+$0x2010] =	vst v0  }
0x3c: {  	[tilespmem:s2+$0x2020] =	vst v0  }
0x3d: {  	[tilespmem:s2+$0x2030] =	vst v0  }
0x3e: {  	[tilespmem:s2+$0x2040] =	vst v0  }
0x3f: {  	[tilespmem:s2+$0x2050] =	vst v0  }
0x40: {  	[tilespmem:s2+$0x2060] =	vst v0  }
0x41: {  	[tilespmem:$0xC000] =	vst v1  }
0x42: {  	[tilespmem:$0xC010] =	vst v1  }
0x43: {  	[tilespmem:$0xC020] =	vst v1  }
0x44: {  	[tilespmem:$0xC030] =	vst v1  }
0x45: {  	[tilespmem:$0xC040] =	vst v1  }
0x46: {  	[tilespmem:$0xC080] =	vst v0  }
0x47: {  	[tilespmem:$0xC090] =	vst v0  }
0x48: {  	[tilespmem:$0xC0A0] =	vst v0  }
0x49: {  	[tilespmem:$0xC0B0] =	vst v0  }
0x4a: {  	[tilespmem:$0xC0C0] =	vst v0  }
0x4b: {  	[tilespmem:$0xC0D0] =	vst v0  }
0x4c: {  	[tilespmem:$0xC0E0] =	vst v0  }
0x4d: {  	[tilespmem:$0xC0F0] =	vst v0  }
0x4e: {  	[tilespmem:$0xC100] =	vst v0  }
0x4f: {  	[tilespmem:$0xC110] =	vst v0  }
0x50: {  	[tilespmem:$0xC120] =	vst v0  }
0x51: {  	[tilespmem:$0xC130] =	vst v0  }
0x52: {  	[tilespmem:$0xC140] =	vst v0  }
0x53: {  	[tilespmem:$0xC150] =	vst v0  }
0x54: {  	[tilespmem:$0xC160] =	vst v0  }
0x55: {  	[tilespmem:$0xC170] =	vst v0  }
0x56: {  	[tilespmem:$0xC180] =	vst v0  }
0x57: {  	[tilespmem:$0xC190] =	vst v0  }
0x58: {  	[tilespmem:$0xC1A0] =	vst v0  }
0x59: {  	[tilespmem:$0xC1B0] =	vst v0  }
0x5a: {  	[tilespmem:$0xC1C0] =	vst v0  }
0x5b: {  	[tilespmem:$0xC1D0] =	vst v0  }
0x5c: {  	[tilespmem:$0xC1E0] =	vst v0  }
0x5d: {  	[tilespmem:$0xC1F0] =	vst v0  }
0x5e: {  	[tilespmem:$0xC200] =	vst v0  }
0x5f: {  	[tilespmem:$0xC210] =	vst v0  }
0x60: {  	[tilespmem:$0xC220] =	vst v0  }
0x61: {  	[tilespmem:$0xC230] =	vst v0  }
0x62: {  	[tilespmem:$0xC240] =	vst v0  }
0x63: {  	[tilespmem:$0xC250] =	vst v0  }
0x64: {  	[tilespmem:$0xC260] =	vst v0  }
0x65: {  	[tilespmem:$0xC270] =	vst v0  }
0x66: {  	[tilespmem:$0xC280] =	vst v0  }
0x67: {  	[tilespmem:$0xC290] =	vst v0  }
0x68: {  	[tilespmem:$0xC2A0] =	vst v0  }
0x69: {  	[tilespmem:$0xC2B0] =	vst v0  }
0x6a: {  	[tilespmem:$0xC2C0] =	vst v0  }
0x6b: {  	[tilespmem:$0xC2D0] =	vst v0  }
0x6c: {  	[tilespmem:$0xC2E0] =	vst v0  }
0x6d: {  	[spmem:s24] =	stream.linear.scatter [tilespmem:s4], [sflag:$0x7], $0x2800, $0x38;
	[tilespmem:$0x1FEB8] =	vst v63  }
0x6e: {  	_ =	swait.ge [sflag:s5], $0x2800  }
0x6f: {  	[sflag:s5] =	ssyncset.done $0x0  }
0x70: {  	[sflag:s5] =	ssyncadd.s32 $0xFFFFD800  }
0x71: {  	[spmem:s25] =	stream.linear.scatter [tilespmem:s4], [sflag:$0x7], $0x2800, $0x38;
	[tilespmem:$0x1FEB8] =	vst v63  }
0x72: {  	_ =	swait.ge [sflag:s5], $0x2800  }
0x73: {  	[sflag:s5] =	ssyncset.done $0x0  }
0x74: {  	[sflag:s5] =	ssyncadd.s32 $0xFFFFD800  }
0x75: {  	[spmem:s26] =	stream.linear.scatter [tilespmem:s4], [sflag:$0x7], $0x2800, $0x38;
	[tilespmem:$0x1FEB8] =	vst v63  }
0x76: {  	_ =	swait.ge [sflag:s5], $0x2800  }
0x77: {  	[sflag:s5] =	ssyncset.done $0x0  }
0x78: {  	[sflag:s5] =	ssyncadd.s32 $0xFFFFD800  }
0x79: {  	[spmem:s28] =	stream.linear.scatter [tilespmem:s4], [sflag:$0x7], $0x2800, $0x38;
	[tilespmem:$0x1FEB8] =	vst v63  }
0x7a: {  	_ =	swait.ge [sflag:s5], $0x2800  }
0x7b: {  	[sflag:s5] =	ssyncset.done $0x0  }
0x7c: {  	s11 =	rddreg [dreg:$0x15];
	[sflag:s5] =	ssyncadd.s32 $0xFFFFD800  }
0x7d: {  	[spmem:s11] =	stream.linear.scatter [tilespmem:s4], [sflag:$0x7], $0x2800, $0x38;
	[tilespmem:$0x1FEB8] =	vst v63  }
0x7e: {  	_ =	swait.ge [sflag:s5], $0x2800  }
0x7f: {  	[sflag:s5] =	ssyncset.done $0x0  }
0x80: {  	s24 =	rddreg [dreg:$0x16];
	[sflag:s5] =	ssyncadd.s32 $0xFFFFD800  }
0x81: {  	[spmem:s24] =	stream.linear.scatter [tilespmem:s4], [sflag:$0x7], $0x2800, $0x38;
	[tilespmem:$0x1FEB8] =	vst v63  }
0x82: {  	_ =	swait.ge [sflag:s5], $0x2800  }
0x83: {  	[sflag:s5] =	ssyncset.done $0x0  }
0x84: {  	s25 =	rddreg [dreg:$0x17];
	[sflag:s5] =	ssyncadd.s32 $0xFFFFD800  }
0x85: {  	[spmem:s25] =	stream.linear.scatter [tilespmem:s4], [sflag:$0x7], $0x2800, $0x38;
	[tilespmem:$0x1FEB8] =	vst v63  }
0x86: {  	_ =	swait.ge [sflag:s5], $0x2800  }
0x87: {  	[sflag:s5] =	ssyncset.done $0x0  }
0x88: {  	s26 =	rddreg [dreg:$0x18];
	[sflag:s5] =	ssyncadd.s32 $0xFFFFD800  }
0x89: {  	[spmem:s26] =	stream.linear.scatter [tilespmem:s4], [sflag:$0x7], $0x2000, $0x38;
	[tilespmem:$0x1FEB8] =	vst v63  }
0x8a: {  	_ =	swait.ge [sflag:s5], $0x2000  }
0x8b: {  	[sflag:s5] =	ssyncset.done $0x0  }
0x8c: {  	s3 =	simm.s32 $0xC080;
	s28 =	rddreg [dreg:$0x19];
	[sflag:s5] =	ssyncadd.s32 $0xFFFFE000  }
0x8d: {  	[spmem:s28] =	stream.linear.scatter [tilespmem:s3], [sflag:$0x7], $0x270, $0x38;
	[tilespmem:$0x1FEB8] =	vst v63  }
0x8e: {  	_ =	swait.ge [sflag:s5], $0x270  }
0x8f: {  	[sflag:s5] =	ssyncset.done $0x0  }
0x90: {  	s2 =	simm.s32 @!p1 $0x2000;
	s3 =	rddreg [dreg:$0x1d];
	[sflag:s5] =	ssyncadd.s32 $0xFFFFFD90  }
0x91: {  	[spmem:s3] =	stream.linear.scatter @!p1 [tilespmem:s2], [sflag:$0x7], $0x800, $0x38;
	[tilespmem:$0x1FEB8] =	vst v63  }
0x92: {  	s2 =	simm.s32 @!p1 $0x7  }
0x93: {  	_ =	swait.ge @!p1 [sflag:s2], $0x800  }
0x94: {  	[sflag:s2] =	ssyncset.done @!p1 $0x0  }
0x95: {  	s3 =	simm.s32 @!p1 $0xC080;
	s7 =	rddreg [dreg:$0x1e];
	[sflag:s2] =	ssyncadd.s32 @!p1 $0xFFFFF800  }
0x96: {  	[spmem:s7] =	stream.linear.scatter @!p1 [tilespmem:s3], [sflag:$0x7], $0x10, $0x38;
	[tilespmem:$0x1FEB8] =	vst v63  }
0x97: {  	_ =	swait.ge @!p1 [sflag:s2], $0x10  }
0x98: {  	[sflag:s2] =	ssyncset.done @!p1 $0x0  }
0x99: {  	s25 =	simm.s32 $0x0;
	[sflag:s2] =	ssyncadd.s32 @!p1 $0xFFFFFFF0  }
0x9a: {  	s26 =	simm.s32 $0x0;
	s7 =	simm.s32 $0x1000;
	[bflag:$0x0] =	sbarrier.arrive $0xFFFF  }
.LBB2_4:
0x9b: {  	s2 =	sadd.s32 s29, s26  }
0x9c: {  	s3 =	sshll.u32 s2, $0x9  }
0x9d: {  	s3 =	sadd.s32 s0, s3  }
0x9e: {  	[tilespmem:s25], [sflag:$0x7] =	stream.linear.gather [hbm4b:s3+s25], $0xC80, $0x38;
	[tilespmem:$0x1FEB8] =	vst v63  }
0x9f: {  	s2 =	smul.u32 $0xFA, s2;
	_ =	swait.ge [sflag:s5], $0xC80  }
0xa0: {  	[sflag:s5] =	ssyncset.done $0x0  }
0xa1: {  	s24 =	sadd.s32 s17, s2;
	[sflag:s5] =	ssyncadd.s32 $0xFFFFF380  }
0xa2: {  	[tilespmem:s7], [sflag:$0x7] =	stream.linear.gather [hbm4b:s24+s25], $0x7D0, $0x38;
	[tilespmem:$0x1FEB8] =	vst v63  }
0xa3: {  	_ =	swait.ge [sflag:s5], $0x7D0  }
0xa4: {  	[sflag:s5] =	ssyncset.done $0x0  }
0xa5: {  	s2 =	sadd.s32 s18, s2;
	[sflag:s5] =	ssyncadd.s32 $0xFFFFF830  }
0xa6: {  	[tilespmem:s8], [sflag:$0x7] =	stream.linear.gather [hbm4b:s2+s25], $0x7D0, $0x38;
	[tilespmem:$0x1FEB8] =	vst v63  }
0xa7: {  	_ =	swait.ge [sflag:s5], $0x7D0  }
0xa8: {  	[sflag:s5] =	ssyncset.done $0x0  }
0xa9: {  	[sflag:s5] =	ssyncadd.s32 $0xFFFFF830  }
0xaa: {  	[tilespmem:s4], [sflag:$0x1] =	stream.indirect.gather [hbm4b:s1+s9], $0x80, s7, s9, $0xb8;
	[tilespmem:$0x1FEB8] =	vst v63  }
0xab: {  	s28 =	simm.s32 $0x0  }
0xac: {  	[tilespmem:s10], [sflag:$0x3] =	stream.indirect.gather [spmem:s13], $0x80, s8, s9, $0xb8;
	[tilespmem:$0x1FEB8] =	vst v63  }
.LBB2_5:
0xad: {  	s2 =	sshll.u32 s28, $0x1;
	p2 =	seq.s32 s28, $0x0  }
0xae: {  	s3 =	simm.s32 @!p2 $0x6;
	s11 =	sor.u32 $0x1, s2  }
0xaf: {  	_ =	swait.ge @!p2 [sflag:s3], $0x2800;
	s2 =	smul.u32 $0x50, s11  }
0xb0: {  	[sflag:s3] =	ssyncset.done @!p2 $0x0  }
0xb1: {  	[sflag:s3] =	ssyncadd.s32 @!p2 $0xFFFFD800;
	s24 =	sadd.s32 $0x1000, s2  }
0xb2: {  	[tilespmem:s15], [sflag:$0x2] =	stream.indirect.gather [hbm4b:s1+s9], $0x80, s24, s9, $0xb8;
	[tilespmem:$0x1FEB8] =	vst v63  }
0xb3: {  	s2 =	sadd.s32 $0x1800, s2  }
0xb4: {  	[tilespmem:s30], [sflag:$0x4] =	stream.indirect.gather [spmem:s13], $0x80, s2, s9, $0xb8;
	[tilespmem:$0x1FEB8] =	vst v63  }
0xb5: {  	_ =	swait.ge [sflag:s31], $0x2800  }
0xb6: {  	[sflag:s31] =	ssyncset.done $0x0  }
0xb7: {  	[sflag:s31] =	ssyncadd.s32 $0xFFFFD800  }
0xb8: {  	_ =	swait.ge [sflag:s14], $0x2800  }
0xb9: {  	[sflag:s14] =	ssyncset.done $0x0  }
0xba: {  	s3 =	simm.s32 $0x0;
	[sflag:s14] =	ssyncadd.s32 $0xFFFFD800  }
0xbb: {  	v8 =	vld [tilespmem:s3+$0x7000]  }
0xbc: {  	v9 =	vld [tilespmem:s3+$0x7010]  }
0xbd: {  	v10 =	vld [tilespmem:s3+$0x7020]  }
0xbe: {  	v11 =	vld [tilespmem:s3+$0x7030]  }
0xbf: {  	v12 =	vld [tilespmem:s3+$0x7040]  }
0xc0: {  	v13 =	vld [tilespmem:s3+$0x7050]  }
0xc1: {  	v14 =	vld [tilespmem:s3+$0x7060]  }
0xc2: {  	v15 =	vld [tilespmem:s3+$0x7070]  }
0xc3: {  	v16 =	vld [tilespmem:s3+$0x7080]  }
0xc4: {  	v17 =	vld [tilespmem:s3+$0x7090]  }
0xc5: {  	v18 =	vld [tilespmem:s3+$0x70A0]  }
0xc6: {  	v19 =	vld [tilespmem:s3+$0x70B0]  }
0xc7: {  	v20 =	vld [tilespmem:s3+$0x70C0]  }
0xc8: {  	v21 =	vld [tilespmem:s3+$0x70D0]  }
0xc9: {  	v22 =	vld [tilespmem:s3+$0x70E0]  }
0xca: {  	v23 =	vld [tilespmem:s3+$0x70F0]  }
0xcb: {  	v24 =	vld [tilespmem:s3+$0x7100]  }
0xcc: {  	v25 =	vld [tilespmem:s3+$0x7110]  }
0xcd: {  	v26 =	vld [tilespmem:s3+$0x7120]  }
0xce: {  	v27 =	vld [tilespmem:s3+$0x7130]  }
0xcf: {  	v28 =	vld [tilespmem:s3+$0x7140]  }
0xd0: {  	v29 =	vld [tilespmem:s3+$0x7150]  }
0xd1: {  	v30 =	vld [tilespmem:s3+$0x7160]  }
0xd2: {  	v31 =	vld [tilespmem:s3+$0x7170]  }
0xd3: {  	v32 =	vld [tilespmem:s3+$0x7180]  }
0xd4: {  	v33 =	vld [tilespmem:s3+$0x7190]  }
0xd5: {  	v7 =	vld [tilespmem:s3+$0x71A0]  }
0xd6: {  	v6 =	vld [tilespmem:s3+$0x71B0]  }
0xd7: {  	v5 =	vld [tilespmem:s3+$0x71C0]  }
0xd8: {  	v4 =	vld [tilespmem:s3+$0x71D0]  }
0xd9: {  	v3 =	vld [tilespmem:s3+$0x71E0]  }
0xda: {  	v34 =	vld [tilespmem:s3+$0x2000]  }
0xdb: {  	v35 =	vld [tilespmem:s3+$0x2010]  }
0xdc: {  	v36 =	vld [tilespmem:s3+$0x2020]  }
0xdd: {  	v37 =	vld [tilespmem:s3+$0x2030]  }
0xde: {  	v38 =	vld [tilespmem:s3+$0x2040]  }
0xdf: {  	v63 =	vld [tilespmem:s3+$0x2050];
	v8 =	vmul.f32 v8, v34  }
0xe0: {  	v39 =	vld [tilespmem:s3+$0x2060];
	v9 =	vmul.f32 v9, v35  }
0xe1: {  	v10 =	vmul.f32 v10, v36;
	[tilespmem:s3+$0x2000] =	vst v8;
	v8 =	vld [tilespmem:s3+$0x2070]  }
0xe2: {  	v11 =	vmul.f32 v11, v37;
	[tilespmem:s3+$0x2010] =	vst v9;
	v9 =	vld [tilespmem:s3+$0x2080]  }
0xe3: {  	v12 =	vmul.f32 v12, v38;
	[tilespmem:s3+$0x2020] =	vst v10;
	v10 =	vld [tilespmem:s3+$0x2090]  }
0xe4: {  	v13 =	vmul.f32 v13, v63;
	[tilespmem:s3+$0x2030] =	vst v11;
	v11 =	vld [tilespmem:s3+$0x20A0]  }
0xe5: {  	v14 =	vmul.f32 v14, v39;
	[tilespmem:s3+$0x2040] =	vst v12;
	v12 =	vld [tilespmem:s3+$0x20B0]  }
0xe6: {  	[tilespmem:s3+$0x2050] =	vst v13;
	v13 =	vld [tilespmem:s3+$0x20C0];
	v8 =	vmul.f32 v15, v8  }
0xe7: {  	[tilespmem:s3+$0x2060] =	vst v14;
	v14 =	vld [tilespmem:s3+$0x20D0];
	v9 =	vmul.f32 v16, v9  }
0xe8: {  	v10 =	vmul.f32 v17, v10;
	[tilespmem:s3+$0x2070] =	vst v8;
	v8 =	vld [tilespmem:s3+$0x20E0]  }
0xe9: {  	v11 =	vmul.f32 v18, v11;
	[tilespmem:s3+$0x2080] =	vst v9;
	v9 =	vld [tilespmem:s3+$0x20F0]  }
0xea: {  	v12 =	vmul.f32 v19, v12;
	[tilespmem:s3+$0x2090] =	vst v10;
	v10 =	vld [tilespmem:s3+$0x2100]  }
0xeb: {  	v13 =	vmul.f32 v20, v13;
	[tilespmem:s3+$0x20A0] =	vst v11;
	v11 =	vld [tilespmem:s3+$0x2110]  }
0xec: {  	v14 =	vmul.f32 v21, v14;
	[tilespmem:s3+$0x20B0] =	vst v12;
	v12 =	vld [tilespmem:s3+$0x2120]  }
0xed: {  	[tilespmem:s3+$0x20C0] =	vst v13;
	v13 =	vld [tilespmem:s3+$0x2130];
	v8 =	vmul.f32 v22, v8  }
0xee: {  	[tilespmem:s3+$0x20D0] =	vst v14;
	v14 =	vld [tilespmem:s3+$0x2140]  }
0xef: {  	v9 =	vmul.f32 v23, v9;
	[tilespmem:s3+$0x20E0] =	vst v8;
	v8 =	vld [tilespmem:s3+$0x2150]  }
0xf0: {  	v2 =	vld [tilespmem:s3+$0x71F0];
	v10 =	vmul.f32 v24, v10  }
0xf1: {  	[tilespmem:s3+$0x20F0] =	vst v9;
	v9 =	vmul.f32 v25, v11;
	v11 =	vld [tilespmem:s3+$0x2170]  }
0xf2: {  	v15 =	vld [tilespmem:s3+$0x2160];
	[tilespmem:s3+$0x2100] =	vst v10;
	v10 =	vmul.f32 v26, v12  }
0xf3: {  	v12 =	vld [tilespmem:s3+$0x2180];
	[tilespmem:s3+$0x2110] =	vst v9;
	v9 =	vmul.f32 v27, v13  }
0xf4: {  	[tilespmem:s3+$0x2120] =	vst v10;
	v13 =	vld [tilespmem:s3+$0x2190];
	v10 =	vmul.f32 v28, v14;
	v14 =	vmul.f32 v29, v8  }
0xf5: {  	[tilespmem:s3+$0x2130] =	vst v9;
	v9 =	vld [tilespmem:s3+$0x21A0]  }
0xf6: {  	v8 =	vld [tilespmem:s3+$0x21B0];
	[tilespmem:s3+$0x2150] =	vst v14;
	v14 =	vmul.f32 v31, v11  }
0xf7: {  	v15 =	vmul.f32 v30, v15;
	[tilespmem:s3+$0x2140] =	vst v10;
	v10 =	vld [tilespmem:s3+$0x21C0]  }
0xf8: {  	v11 =	vld [tilespmem:s3+$0x21D0];
	[tilespmem:s3+$0x2170] =	vst v14;
	v14 =	vmul.f32 v32, v12  }
0xf9: {  	s2 =	simm.s32 $0x800;
	[tilespmem:s3+$0x2160] =	vst v15;
	v13 =	vmul.f32 v33, v13;
	v12 =	vld [tilespmem:s3+$0x21E0]  }
.LBB2_6:
0xfa: {  	s24 =	sshra.s32 s2, $0x2;
	p2 =	sne.s32 s2, $0x9800;
	[tilespmem:s3+$0x2180] =	vst v14;
	v7 =	vmul.f32 v7, v9;
	v9 =	vld [tilespmem:s3+$0x21F0]  }
0xfb: {  	v14 =	vld [tilespmem:s24+$0x7000];
	[tilespmem:s3+$0x2190] =	vst v13;
	v6 =	vmul.f32 v6, v8  }
0xfc: {  	v8 =	vld [tilespmem:s24+$0x7010];
	[tilespmem:s3+$0x21A0] =	vst v7;
	v5 =	vmul.f32 v5, v10  }
0xfd: {  	v10 =	vld [tilespmem:s24+$0x7020];
	[tilespmem:s3+$0x21B0] =	vst v6;
	v4 =	vmul.f32 v4, v11  }
0xfe: {  	v11 =	vld [tilespmem:s24+$0x7030];
	[tilespmem:s3+$0x21C0] =	vst v5;
	v3 =	vmul.f32 v3, v12  }
0xff: {  	v12 =	vld [tilespmem:s24+$0x7040];
	[tilespmem:s3+$0x21D0] =	vst v4;
	v2 =	vmul.f32 v2, v9  }
0x100: {  	v9 =	vld [tilespmem:s24+$0x7050];
	[tilespmem:s3+$0x21E0] =	vst v3  }
0x101: {  	v13 =	vld [tilespmem:s24+$0x7060];
	[tilespmem:s3+$0x21F0] =	vst v2;
	s3 =	smov.u32 s24  }
0x102: {  	v15 =	vld [tilespmem:s3+$0x7070]  }
0x103: {  	v16 =	vld [tilespmem:s3+$0x7080]  }
0x104: {  	v17 =	vld [tilespmem:s3+$0x7090]  }
0x105: {  	v18 =	vld [tilespmem:s3+$0x70A0]  }
0x106: {  	v19 =	vld [tilespmem:s3+$0x70B0]  }
0x107: {  	v20 =	vld [tilespmem:s3+$0x70C0]  }
0x108: {  	v21 =	vld [tilespmem:s3+$0x70D0]  }
0x109: {  	v22 =	vld [tilespmem:s3+$0x70E0]  }
0x10a: {  	v23 =	vld [tilespmem:s3+$0x70F0]  }
0x10b: {  	v24 =	vld [tilespmem:s3+$0x7100]  }
0x10c: {  	v25 =	vld [tilespmem:s3+$0x7110]  }
0x10d: {  	v26 =	vld [tilespmem:s3+$0x7120]  }
0x10e: {  	v27 =	vld [tilespmem:s3+$0x7130]  }
0x10f: {  	v28 =	vld [tilespmem:s3+$0x7140]  }
0x110: {  	v29 =	vld [tilespmem:s3+$0x7150]  }
0x111: {  	v30 =	vld [tilespmem:s3+$0x7160]  }
0x112: {  	v31 =	vld [tilespmem:s3+$0x7170]  }
0x113: {  	v32 =	vld [tilespmem:s3+$0x7180]  }
0x114: {  	v33 =	vld [tilespmem:s3+$0x7190]  }
0x115: {  	v7 =	vld [tilespmem:s3+$0x71A0]  }
0x116: {  	v6 =	vld [tilespmem:s3+$0x71B0]  }
0x117: {  	v5 =	vld [tilespmem:s3+$0x71C0]  }
0x118: {  	v4 =	vld [tilespmem:s3+$0x71D0]  }
0x119: {  	v3 =	vld [tilespmem:s3+$0x71E0]  }
0x11a: {  	v2 =	vld [tilespmem:s3+$0x71F0]  }
0x11b: {  	v34 =	vld [tilespmem:s3+$0x2000]  }
0x11c: {  	v35 =	vld [tilespmem:s3+$0x2010]  }
0x11d: {  	v36 =	vld [tilespmem:s3+$0x2020]  }
0x11e: {  	v37 =	vld [tilespmem:s3+$0x2030]  }
0x11f: {  	v38 =	vld [tilespmem:s3+$0x2040]  }
0x120: {  	v14 =	vmul.f32 v14, v34;
	v34 =	vld [tilespmem:s3+$0x2050]  }
0x121: {  	v8 =	vmul.f32 v8, v35;
	v35 =	vld [tilespmem:s3+$0x2060]  }
0x122: {  	[tilespmem:s3+$0x2000] =	vst v14;
	v10 =	vmul.f32 v10, v36;
	v14 =	vld [tilespmem:s3+$0x2070]  }
0x123: {  	[tilespmem:s3+$0x2010] =	vst v8;
	v8 =	vmul.f32 v11, v37;
	v11 =	vld [tilespmem:s3+$0x2080]  }
0x124: {  	[tilespmem:s3+$0x2020] =	vst v10;
	v10 =	vmul.f32 v12, v38;
	v12 =	vld [tilespmem:s3+$0x2090]  }
0x125: {  	[tilespmem:s3+$0x2030] =	vst v8;
	v8 =	vmul.f32 v9, v34;
	v9 =	vld [tilespmem:s3+$0x20A0]  }
0x126: {  	[tilespmem:s3+$0x2040] =	vst v10;
	v10 =	vmul.f32 v13, v35;
	v13 =	vld [tilespmem:s3+$0x20B0]  }
0x127: {  	[tilespmem:s3+$0x2050] =	vst v8;
	v8 =	vmul.f32 v15, v14;
	v14 =	vld [tilespmem:s3+$0x20C0]  }
0x128: {  	[tilespmem:s3+$0x2060] =	vst v10;
	v10 =	vmul.f32 v16, v11;
	v11 =	vld [tilespmem:s3+$0x20D0]  }
0x129: {  	[tilespmem:s3+$0x2070] =	vst v8;
	v8 =	vmul.f32 v17, v12;
	v12 =	vld [tilespmem:s3+$0x20E0]  }
0x12a: {  	[tilespmem:s3+$0x2080] =	vst v10;
	v9 =	vmul.f32 v18, v9;
	v10 =	vld [tilespmem:s3+$0x20F0]  }
0x12b: {  	[tilespmem:s3+$0x2090] =	vst v8;
	v8 =	vmul.f32 v19, v13;
	v13 =	vld [tilespmem:s3+$0x2100]  }
0x12c: {  	[tilespmem:s3+$0x20A0] =	vst v9;
	v9 =	vmul.f32 v20, v14;
	v14 =	vld [tilespmem:s3+$0x2110]  }
0x12d: {  	[tilespmem:s3+$0x20B0] =	vst v8;
	v8 =	vmul.f32 v21, v11;
	v11 =	vld [tilespmem:s3+$0x2120]  }
0x12e: {  	[tilespmem:s3+$0x20C0] =	vst v9;
	v9 =	vmul.f32 v22, v12;
	v12 =	vld [tilespmem:s3+$0x2130]  }
0x12f: {  	[tilespmem:s3+$0x20D0] =	vst v8;
	v8 =	vmul.f32 v23, v10;
	v10 =	vld [tilespmem:s3+$0x2140]  }
0x130: {  	[tilespmem:s3+$0x20E0] =	vst v9;
	v9 =	vmul.f32 v24, v13;
	v13 =	vld [tilespmem:s3+$0x2150]  }
0x131: {  	[tilespmem:s3+$0x20F0] =	vst v8;
	v8 =	vmul.f32 v25, v14;
	v14 =	vld [tilespmem:s3+$0x2160]  }
0x132: {  	[tilespmem:s3+$0x2100] =	vst v9;
	v9 =	vmul.f32 v26, v11;
	v11 =	vld [tilespmem:s3+$0x2170]  }
0x133: {  	[tilespmem:s3+$0x2110] =	vst v8;
	v8 =	vmul.f32 v27, v12;
	v12 =	vld [tilespmem:s3+$0x2180]  }
0x134: {  	[tilespmem:s3+$0x2120] =	vst v9;
	v10 =	vmul.f32 v28, v10;
	v15 =	vld [tilespmem:s3+$0x2190]  }
.Ltmp1:
0x135: {  	[tilespmem:s3+$0x2130] =	vst v8;
	v13 =	vmul.f32 v29, v13;
	v9 =	vld [tilespmem:s3+$0x21A0];
	(pc) =	sbr.rel @p2 .LBB2_6-.Ltmp1, $4  }
0x136: {  	[tilespmem:s3+$0x2140] =	vst v10;
	v14 =	vmul.f32 v30, v14;
	v8 =	vld [tilespmem:s3+$0x21B0]  }
0x137: {  	[tilespmem:s3+$0x2150] =	vst v13;
	v13 =	vmul.f32 v31, v11;
	v10 =	vld [tilespmem:s3+$0x21C0]  }
0x138: {  	[tilespmem:s3+$0x2160] =	vst v14;
	v14 =	vmul.f32 v32, v12;
	v11 =	vld [tilespmem:s3+$0x21D0]  }
0x139: {  	s2 =	sadd.s32 $0x800, s2;
	[tilespmem:s3+$0x2170] =	vst v13;
	v13 =	vmul.f32 v33, v15;
	v12 =	vld [tilespmem:s3+$0x21E0]  }
0x13a: {  	[tilespmem:s3+$0x2180] =	vst v14;
	v7 =	vmul.f32 v7, v9;
	v9 =	vld [tilespmem:s3+$0x21F0]  }
0x13b: {  	[tilespmem:s3+$0x2190] =	vst v13;
	v6 =	vmul.f32 v6, v8  }
0x13c: {  	[tilespmem:s3+$0x21A0] =	vst v7;
	v5 =	vmul.f32 v5, v10  }
0x13d: {  	[tilespmem:s3+$0x21B0] =	vst v6;
	v4 =	vmul.f32 v4, v11  }
0x13e: {  	[tilespmem:s3+$0x21C0] =	vst v5;
	v3 =	vmul.f32 v3, v12  }
0x13f: {  	[tilespmem:s3+$0x21D0] =	vst v4;
	v2 =	vmul.f32 v2, v9  }
0x140: {  	s2 =	sshll.u32 s28, $0x8;
	[tilespmem:s3+$0x21E0] =	vst v3  }
0x141: {  	s2 =	sand.u32 $0x3FFFFF00, s2;
	[tilespmem:s3+$0x21F0] =	vst v2  }
0x142: {  	[spmem:s12] =	stream.indirect.scatter.add.f32 [tilespmem:s4], [sflag:$0x5], $0x80, s2, s9, $0xb8;
	[tilespmem:$0x1FEB8] =	vst v63  }
0x143: {  	_ = 	snop  }
0x144: {  	[spmem:s16] =	stream.indirect.scatter.add.f32 [tilespmem:s6], [sflag:$0x7], $0x1, s2, s9, $0xb8;
	[tilespmem:$0x1FEB8] =	vst v63  }
0x145: {  	_ =	swait.ge [sflag:s5], $0x50  }
0x146: {  	[sflag:s5] =	ssyncset.done $0x0  }
0x147: {  	[sflag:s5] =	ssyncadd.s32 $0xFFFFFFB0  }
0x148: {  	_ =	swait.ge [sflag:s19], $0x2800  }
0x149: {  	[sflag:s19] =	ssyncset.done $0x0  }
0x14a: {  	[sflag:s19] =	ssyncadd.s32 $0xFFFFD800  }
0x14b: {  	_ =	swait.ge [sflag:s20], $0x2800  }
0x14c: {  	[sflag:s20] =	ssyncset.done $0x0  }
0x14d: {  	s3 =	simm.s32 $0x0;
	[sflag:s20] =	ssyncadd.s32 $0xFFFFD800  }
0x14e: {  	v8 =	vld [tilespmem:s3+$0x9800]  }
0x14f: {  	v9 =	vld [tilespmem:s3+$0x9810]  }
0x150: {  	v10 =	vld [tilespmem:s3+$0x9820]  }
0x151: {  	v11 =	vld [tilespmem:s3+$0x9830]  }
0x152: {  	v12 =	vld [tilespmem:s3+$0x9840]  }
0x153: {  	v13 =	vld [tilespmem:s3+$0x9850]  }
0x154: {  	v14 =	vld [tilespmem:s3+$0x9860]  }
0x155: {  	v15 =	vld [tilespmem:s3+$0x9870]  }
0x156: {  	v16 =	vld [tilespmem:s3+$0x9880]  }
0x157: {  	v17 =	vld [tilespmem:s3+$0x9890]  }
0x158: {  	v18 =	vld [tilespmem:s3+$0x98A0]  }
0x159: {  	v19 =	vld [tilespmem:s3+$0x98B0]  }
0x15a: {  	v20 =	vld [tilespmem:s3+$0x98C0]  }
0x15b: {  	v21 =	vld [tilespmem:s3+$0x98D0]  }
0x15c: {  	v22 =	vld [tilespmem:s3+$0x98E0]  }
0x15d: {  	v23 =	vld [tilespmem:s3+$0x98F0]  }
0x15e: {  	v24 =	vld [tilespmem:s3+$0x9900]  }
0x15f: {  	v25 =	vld [tilespmem:s3+$0x9910]  }
0x160: {  	v26 =	vld [tilespmem:s3+$0x9920]  }
0x161: {  	v27 =	vld [tilespmem:s3+$0x9930]  }
0x162: {  	v28 =	vld [tilespmem:s3+$0x9940]  }
0x163: {  	v29 =	vld [tilespmem:s3+$0x9950]  }
0x164: {  	v30 =	vld [tilespmem:s3+$0x9960]  }
0x165: {  	v31 =	vld [tilespmem:s3+$0x9970]  }
0x166: {  	v32 =	vld [tilespmem:s3+$0x9980]  }
0x167: {  	v33 =	vld [tilespmem:s3+$0x9990]  }
0x168: {  	v7 =	vld [tilespmem:s3+$0x99A0]  }
0x169: {  	v6 =	vld [tilespmem:s3+$0x99B0]  }
0x16a: {  	v5 =	vld [tilespmem:s3+$0x99C0]  }
0x16b: {  	v4 =	vld [tilespmem:s3+$0x99D0]  }
0x16c: {  	v3 =	vld [tilespmem:s3+$0x99E0]  }
0x16d: {  	v34 =	vld [tilespmem:s3+$0x4800]  }
0x16e: {  	v35 =	vld [tilespmem:s3+$0x4810]  }
0x16f: {  	v36 =	vld [tilespmem:s3+$0x4820]  }
0x170: {  	v37 =	vld [tilespmem:s3+$0x4830]  }
0x171: {  	v38 =	vld [tilespmem:s3+$0x4840]  }
0x172: {  	v63 =	vld [tilespmem:s3+$0x4850];
	v8 =	vmul.f32 v8, v34  }
0x173: {  	v39 =	vld [tilespmem:s3+$0x4860];
	v9 =	vmul.f32 v9, v35  }
0x174: {  	v10 =	vmul.f32 v10, v36;
	[tilespmem:s3+$0x4800] =	vst v8;
	v8 =	vld [tilespmem:s3+$0x4870]  }
0x175: {  	v11 =	vmul.f32 v11, v37;
	[tilespmem:s3+$0x4810] =	vst v9;
	v9 =	vld [tilespmem:s3+$0x4880]  }
0x176: {  	v12 =	vmul.f32 v12, v38;
	[tilespmem:s3+$0x4820] =	vst v10;
	v10 =	vld [tilespmem:s3+$0x4890]  }
0x177: {  	v13 =	vmul.f32 v13, v63;
	[tilespmem:s3+$0x4830] =	vst v11;
	v11 =	vld [tilespmem:s3+$0x48A0]  }
0x178: {  	v14 =	vmul.f32 v14, v39;
	[tilespmem:s3+$0x4840] =	vst v12;
	v12 =	vld [tilespmem:s3+$0x48B0]  }
0x179: {  	[tilespmem:s3+$0x4850] =	vst v13;
	v13 =	vld [tilespmem:s3+$0x48C0];
	v8 =	vmul.f32 v15, v8  }
0x17a: {  	[tilespmem:s3+$0x4860] =	vst v14;
	v14 =	vld [tilespmem:s3+$0x48D0];
	v9 =	vmul.f32 v16, v9  }
0x17b: {  	v10 =	vmul.f32 v17, v10;
	[tilespmem:s3+$0x4870] =	vst v8;
	v8 =	vld [tilespmem:s3+$0x48E0]  }
0x17c: {  	v11 =	vmul.f32 v18, v11;
	[tilespmem:s3+$0x4880] =	vst v9;
	v9 =	vld [tilespmem:s3+$0x48F0]  }
0x17d: {  	v12 =	vmul.f32 v19, v12;
	[tilespmem:s3+$0x4890] =	vst v10;
	v10 =	vld [tilespmem:s3+$0x4900]  }
0x17e: {  	v13 =	vmul.f32 v20, v13;
	[tilespmem:s3+$0x48A0] =	vst v11;
	v11 =	vld [tilespmem:s3+$0x4910]  }
0x17f: {  	v14 =	vmul.f32 v21, v14;
	[tilespmem:s3+$0x48B0] =	vst v12;
	v12 =	vld [tilespmem:s3+$0x4920]  }
0x180: {  	[tilespmem:s3+$0x48C0] =	vst v13;
	v13 =	vld [tilespmem:s3+$0x4930];
	v8 =	vmul.f32 v22, v8  }
0x181: {  	[tilespmem:s3+$0x48D0] =	vst v14;
	v14 =	vld [tilespmem:s3+$0x4940]  }
0x182: {  	v9 =	vmul.f32 v23, v9;
	[tilespmem:s3+$0x48E0] =	vst v8;
	v8 =	vld [tilespmem:s3+$0x4950]  }
0x183: {  	v2 =	vld [tilespmem:s3+$0x99F0];
	v10 =	vmul.f32 v24, v10  }
0x184: {  	[tilespmem:s3+$0x48F0] =	vst v9;
	v9 =	vmul.f32 v25, v11;
	v11 =	vld [tilespmem:s3+$0x4970]  }
0x185: {  	v15 =	vld [tilespmem:s3+$0x4960];
	[tilespmem:s3+$0x4900] =	vst v10;
	v10 =	vmul.f32 v26, v12  }
0x186: {  	v12 =	vld [tilespmem:s3+$0x4980];
	[tilespmem:s3+$0x4910] =	vst v9;
	v9 =	vmul.f32 v27, v13  }
0x187: {  	[tilespmem:s3+$0x4920] =	vst v10;
	v13 =	vld [tilespmem:s3+$0x4990];
	v10 =	vmul.f32 v28, v14;
	v14 =	vmul.f32 v29, v8  }
0x188: {  	[tilespmem:s3+$0x4930] =	vst v9;
	v9 =	vld [tilespmem:s3+$0x49A0]  }
0x189: {  	v8 =	vld [tilespmem:s3+$0x49B0];
	[tilespmem:s3+$0x4950] =	vst v14;
	v14 =	vmul.f32 v31, v11  }
0x18a: {  	v15 =	vmul.f32 v30, v15;
	[tilespmem:s3+$0x4940] =	vst v10;
	v10 =	vld [tilespmem:s3+$0x49C0]  }
0x18b: {  	v11 =	vld [tilespmem:s3+$0x49D0];
	[tilespmem:s3+$0x4970] =	vst v14;
	v14 =	vmul.f32 v32, v12  }
0x18c: {  	s2 =	simm.s32 $0x800;
	[tilespmem:s3+$0x4960] =	vst v15;
	v13 =	vmul.f32 v33, v13;
	v12 =	vld [tilespmem:s3+$0x49E0]  }
.LBB2_8:
0x18d: {  	s24 =	sshra.s32 s2, $0x2;
	p2 =	sne.s32 s2, $0x9800;
	[tilespmem:s3+$0x4980] =	vst v14;
	v7 =	vmul.f32 v7, v9;
	v9 =	vld [tilespmem:s3+$0x49F0]  }
0x18e: {  	v14 =	vld [tilespmem:s24+$0x9800];
	[tilespmem:s3+$0x4990] =	vst v13;
	v6 =	vmul.f32 v6, v8  }
0x18f: {  	v8 =	vld [tilespmem:s24+$0x9810];
	[tilespmem:s3+$0x49A0] =	vst v7;
	v5 =	vmul.f32 v5, v10  }
0x190: {  	v10 =	vld [tilespmem:s24+$0x9820];
	[tilespmem:s3+$0x49B0] =	vst v6;
	v4 =	vmul.f32 v4, v11  }
0x191: {  	v11 =	vld [tilespmem:s24+$0x9830];
	[tilespmem:s3+$0x49C0] =	vst v5;
	v3 =	vmul.f32 v3, v12  }
0x192: {  	v12 =	vld [tilespmem:s24+$0x9840];
	[tilespmem:s3+$0x49D0] =	vst v4;
	v2 =	vmul.f32 v2, v9  }
0x193: {  	v9 =	vld [tilespmem:s24+$0x9850];
	[tilespmem:s3+$0x49E0] =	vst v3  }
0x194: {  	v13 =	vld [tilespmem:s24+$0x9860];
	[tilespmem:s3+$0x49F0] =	vst v2;
	s3 =	smov.u32 s24  }
0x195: {  	v15 =	vld [tilespmem:s3+$0x9870]  }
0x196: {  	v16 =	vld [tilespmem:s3+$0x9880]  }
0x197: {  	v17 =	vld [tilespmem:s3+$0x9890]  }
0x198: {  	v18 =	vld [tilespmem:s3+$0x98A0]  }
0x199: {  	v19 =	vld [tilespmem:s3+$0x98B0]  }
0x19a: {  	v20 =	vld [tilespmem:s3+$0x98C0]  }
0x19b: {  	v21 =	vld [tilespmem:s3+$0x98D0]  }
0x19c: {  	v22 =	vld [tilespmem:s3+$0x98E0]  }
0x19d: {  	v23 =	vld [tilespmem:s3+$0x98F0]  }
0x19e: {  	v24 =	vld [tilespmem:s3+$0x9900]  }
0x19f: {  	v25 =	vld [tilespmem:s3+$0x9910]  }
0x1a0: {  	v26 =	vld [tilespmem:s3+$0x9920]  }
0x1a1: {  	v27 =	vld [tilespmem:s3+$0x9930]  }
0x1a2: {  	v28 =	vld [tilespmem:s3+$0x9940]  }
0x1a3: {  	v29 =	vld [tilespmem:s3+$0x9950]  }
0x1a4: {  	v30 =	vld [tilespmem:s3+$0x9960]  }
0x1a5: {  	v31 =	vld [tilespmem:s3+$0x9970]  }
0x1a6: {  	v32 =	vld [tilespmem:s3+$0x9980]  }
0x1a7: {  	v33 =	vld [tilespmem:s3+$0x9990]  }
0x1a8: {  	v7 =	vld [tilespmem:s3+$0x99A0]  }
0x1a9: {  	v6 =	vld [tilespmem:s3+$0x99B0]  }
0x1aa: {  	v5 =	vld [tilespmem:s3+$0x99C0]  }
0x1ab: {  	v4 =	vld [tilespmem:s3+$0x99D0]  }
0x1ac: {  	v3 =	vld [tilespmem:s3+$0x99E0]  }
0x1ad: {  	v2 =	vld [tilespmem:s3+$0x99F0]  }
0x1ae: {  	v34 =	vld [tilespmem:s3+$0x4800]  }
0x1af: {  	v35 =	vld [tilespmem:s3+$0x4810]  }
0x1b0: {  	v36 =	vld [tilespmem:s3+$0x4820]  }
0x1b1: {  	v37 =	vld [tilespmem:s3+$0x4830]  }
0x1b2: {  	v38 =	vld [tilespmem:s3+$0x4840]  }
0x1b3: {  	v14 =	vmul.f32 v14, v34;
	v34 =	vld [tilespmem:s3+$0x4850]  }
0x1b4: {  	v8 =	vmul.f32 v8, v35;
	v35 =	vld [tilespmem:s3+$0x4860]  }
0x1b5: {  	[tilespmem:s3+$0x4800] =	vst v14;
	v10 =	vmul.f32 v10, v36;
	v14 =	vld [tilespmem:s3+$0x4870]  }
0x1b6: {  	[tilespmem:s3+$0x4810] =	vst v8;
	v8 =	vmul.f32 v11, v37;
	v11 =	vld [tilespmem:s3+$0x4880]  }
0x1b7: {  	[tilespmem:s3+$0x4820] =	vst v10;
	v10 =	vmul.f32 v12, v38;
	v12 =	vld [tilespmem:s3+$0x4890]  }
0x1b8: {  	[tilespmem:s3+$0x4830] =	vst v8;
	v8 =	vmul.f32 v9, v34;
	v9 =	vld [tilespmem:s3+$0x48A0]  }
0x1b9: {  	[tilespmem:s3+$0x4840] =	vst v10;
	v10 =	vmul.f32 v13, v35;
	v13 =	vld [tilespmem:s3+$0x48B0]  }
0x1ba: {  	[tilespmem:s3+$0x4850] =	vst v8;
	v8 =	vmul.f32 v15, v14;
	v14 =	vld [tilespmem:s3+$0x48C0]  }
0x1bb: {  	[tilespmem:s3+$0x4860] =	vst v10;
	v10 =	vmul.f32 v16, v11;
	v11 =	vld [tilespmem:s3+$0x48D0]  }
0x1bc: {  	[tilespmem:s3+$0x4870] =	vst v8;
	v8 =	vmul.f32 v17, v12;
	v12 =	vld [tilespmem:s3+$0x48E0]  }
0x1bd: {  	[tilespmem:s3+$0x4880] =	vst v10;
	v9 =	vmul.f32 v18, v9;
	v10 =	vld [tilespmem:s3+$0x48F0]  }
0x1be: {  	[tilespmem:s3+$0x4890] =	vst v8;
	v8 =	vmul.f32 v19, v13;
	v13 =	vld [tilespmem:s3+$0x4900]  }
0x1bf: {  	[tilespmem:s3+$0x48A0] =	vst v9;
	v9 =	vmul.f32 v20, v14;
	v14 =	vld [tilespmem:s3+$0x4910]  }
0x1c0: {  	[tilespmem:s3+$0x48B0] =	vst v8;
	v8 =	vmul.f32 v21, v11;
	v11 =	vld [tilespmem:s3+$0x4920]  }
0x1c1: {  	[tilespmem:s3+$0x48C0] =	vst v9;
	v9 =	vmul.f32 v22, v12;
	v12 =	vld [tilespmem:s3+$0x4930]  }
0x1c2: {  	[tilespmem:s3+$0x48D0] =	vst v8;
	v8 =	vmul.f32 v23, v10;
	v10 =	vld [tilespmem:s3+$0x4940]  }
0x1c3: {  	[tilespmem:s3+$0x48E0] =	vst v9;
	v9 =	vmul.f32 v24, v13;
	v13 =	vld [tilespmem:s3+$0x4950]  }
0x1c4: {  	[tilespmem:s3+$0x48F0] =	vst v8;
	v8 =	vmul.f32 v25, v14;
	v14 =	vld [tilespmem:s3+$0x4960]  }
0x1c5: {  	[tilespmem:s3+$0x4900] =	vst v9;
	v9 =	vmul.f32 v26, v11;
	v11 =	vld [tilespmem:s3+$0x4970]  }
0x1c6: {  	[tilespmem:s3+$0x4910] =	vst v8;
	v8 =	vmul.f32 v27, v12;
	v12 =	vld [tilespmem:s3+$0x4980]  }
0x1c7: {  	[tilespmem:s3+$0x4920] =	vst v9;
	v10 =	vmul.f32 v28, v10;
	v15 =	vld [tilespmem:s3+$0x4990]  }
.Ltmp2:
0x1c8: {  	[tilespmem:s3+$0x4930] =	vst v8;
	v13 =	vmul.f32 v29, v13;
	v9 =	vld [tilespmem:s3+$0x49A0];
	(pc) =	sbr.rel @p2 .LBB2_8-.Ltmp2, $4  }
0x1c9: {  	[tilespmem:s3+$0x4940] =	vst v10;
	v14 =	vmul.f32 v30, v14;
	v8 =	vld [tilespmem:s3+$0x49B0]  }
0x1ca: {  	[tilespmem:s3+$0x4950] =	vst v13;
	v13 =	vmul.f32 v31, v11;
	v10 =	vld [tilespmem:s3+$0x49C0]  }
0x1cb: {  	[tilespmem:s3+$0x4960] =	vst v14;
	v14 =	vmul.f32 v32, v12;
	v11 =	vld [tilespmem:s3+$0x49D0]  }
0x1cc: {  	s2 =	sadd.s32 $0x800, s2;
	[tilespmem:s3+$0x4970] =	vst v13;
	v13 =	vmul.f32 v33, v15;
	v12 =	vld [tilespmem:s3+$0x49E0]  }
0x1cd: {  	[tilespmem:s3+$0x4980] =	vst v14;
	v7 =	vmul.f32 v7, v9;
	v63 =	vld [tilespmem:s3+$0x49F0]  }
0x1ce: {  	[tilespmem:s3+$0x4990] =	vst v13;
	v6 =	vmul.f32 v6, v8  }
0x1cf: {  	[tilespmem:s3+$0x49A0] =	vst v7;
	v5 =	vmul.f32 v5, v10  }
0x1d0: {  	[tilespmem:s3+$0x49B0] =	vst v6;
	v4 =	vmul.f32 v4, v11  }
0x1d1: {  	[tilespmem:s3+$0x49C0] =	vst v5;
	v3 =	vmul.f32 v3, v12  }
0x1d2: {  	[tilespmem:s3+$0x49D0] =	vst v4;
	v2 =	vmul.f32 v2, v63  }
0x1d3: {  	s2 =	sshll.u32 s11, $0x7;
	[tilespmem:s3+$0x49E0] =	vst v3  }
0x1d4: {  	s2 =	sand.u32 $0x3FFFFF80, s2;
	[tilespmem:s3+$0x49F0] =	vst v2  }
0x1d5: {  	[spmem:s12] =	stream.indirect.scatter.add.f32 [tilespmem:s15], [sflag:$0x6], $0x80, s2, s9, $0xb8;
	[tilespmem:$0x1FEB8] =	vst v63  }
0x1d6: {  	_ = 	snop  }
0x1d7: {  	[spmem:s16] =	stream.indirect.scatter.add.f32 [tilespmem:s6], [sflag:$0x7], $0x1, s2, s9, $0xb8;
	[tilespmem:$0x1FEB8] =	vst v63  }
0x1d8: {  	_ =	swait.ge [sflag:s5], $0x50  }
0x1d9: {  	[sflag:s5] =	ssyncset.done $0x0  }
0x1da: {  	s11 =	smul.u32 $0xA0, s28;
	s28 =	sadd.s32 $0x1, s28;
	[sflag:s5] =	ssyncadd.s32 $0xFFFFFFB0  }
0x1db: {  	p2 =	sne.s32 s28, $0xC;
	_ =	swait.ge [sflag:s21], $0x2800  }
.Ltmp3:
0x1dc: {  	[sflag:s21] =	ssyncset.done $0x0;
	(pc) =	sbr.rel @p2 .LBB2_5-.Ltmp3, $4  }
0x1dd: {  	s24 =	sadd.s32 $0x10A0, s11;
	[sflag:s21] =	ssyncadd.s32 $0xFFFFD800  }
0x1de: {  	[tilespmem:s4], [sflag:$0x1] =	stream.indirect.gather [hbm4b:s1+s9], $0x80, s24, s9, $0xb8;
	[tilespmem:$0x1FEB8] =	vst v63  }
0x1df: {  	s2 =	sadd.s32 $0x18A0, s11  }
0x1e0: {  	[tilespmem:s10], [sflag:$0x3] =	stream.indirect.gather [spmem:s13], $0x80, s2, s9, $0xb8;
	[tilespmem:$0x1FEB8] =	vst v63  }
0x1e1: {  	_ =	swait.ge [sflag:s31], $0x2800  }
0x1e2: {  	[sflag:s31] =	ssyncset.done $0x0  }
0x1e3: {  	[sflag:s31] =	ssyncadd.s32 $0xFFFFD800  }
0x1e4: {  	_ =	swait.ge [sflag:s14], $0x2800  }
0x1e5: {  	[sflag:s14] =	ssyncset.done $0x0  }
0x1e6: {  	s3 =	simm.s32 $0x0;
	[sflag:s14] =	ssyncadd.s32 $0xFFFFD800  }
0x1e7: {  	v8 =	vld [tilespmem:s3+$0x7000]  }
0x1e8: {  	v9 =	vld [tilespmem:s3+$0x7010]  }
0x1e9: {  	v10 =	vld [tilespmem:s3+$0x7020]  }
0x1ea: {  	v11 =	vld [tilespmem:s3+$0x7030]  }
0x1eb: {  	v12 =	vld [tilespmem:s3+$0x7040]  }
0x1ec: {  	v13 =	vld [tilespmem:s3+$0x7050]  }
0x1ed: {  	v14 =	vld [tilespmem:s3+$0x7060]  }
0x1ee: {  	v15 =	vld [tilespmem:s3+$0x7070]  }
0x1ef: {  	v16 =	vld [tilespmem:s3+$0x7080]  }
0x1f0: {  	v17 =	vld [tilespmem:s3+$0x7090]  }
0x1f1: {  	v18 =	vld [tilespmem:s3+$0x70A0]  }
0x1f2: {  	v19 =	vld [tilespmem:s3+$0x70B0]  }
0x1f3: {  	v20 =	vld [tilespmem:s3+$0x70C0]  }
0x1f4: {  	v21 =	vld [tilespmem:s3+$0x70D0]  }
0x1f5: {  	v22 =	vld [tilespmem:s3+$0x70E0]  }
0x1f6: {  	v23 =	vld [tilespmem:s3+$0x70F0]  }
0x1f7: {  	v24 =	vld [tilespmem:s3+$0x7100]  }
0x1f8: {  	v25 =	vld [tilespmem:s3+$0x7110]  }
0x1f9: {  	v26 =	vld [tilespmem:s3+$0x7120]  }
0x1fa: {  	v27 =	vld [tilespmem:s3+$0x7130]  }
0x1fb: {  	v28 =	vld [tilespmem:s3+$0x7140]  }
0x1fc: {  	v29 =	vld [tilespmem:s3+$0x7150]  }
0x1fd: {  	v30 =	vld [tilespmem:s3+$0x7160]  }
0x1fe: {  	v31 =	vld [tilespmem:s3+$0x7170]  }
0x1ff: {  	v32 =	vld [tilespmem:s3+$0x7180]  }
0x200: {  	v33 =	vld [tilespmem:s3+$0x7190]  }
0x201: {  	v7 =	vld [tilespmem:s3+$0x71A0]  }
0x202: {  	v6 =	vld [tilespmem:s3+$0x71B0]  }
0x203: {  	v5 =	vld [tilespmem:s3+$0x71C0]  }
0x204: {  	v4 =	vld [tilespmem:s3+$0x71D0]  }
0x205: {  	v3 =	vld [tilespmem:s3+$0x71E0]  }
0x206: {  	v34 =	vld [tilespmem:s3+$0x2000]  }
0x207: {  	v35 =	vld [tilespmem:s3+$0x2010]  }
0x208: {  	v36 =	vld [tilespmem:s3+$0x2020]  }
0x209: {  	v37 =	vld [tilespmem:s3+$0x2030]  }
0x20a: {  	v38 =	vld [tilespmem:s3+$0x2040]  }
0x20b: {  	v63 =	vld [tilespmem:s3+$0x2050];
	v8 =	vmul.f32 v8, v34  }
0x20c: {  	v39 =	vld [tilespmem:s3+$0x2060];
	v9 =	vmul.f32 v9, v35  }
0x20d: {  	v10 =	vmul.f32 v10, v36;
	[tilespmem:s3+$0x2000] =	vst v8;
	v8 =	vld [tilespmem:s3+$0x2070]  }
0x20e: {  	v11 =	vmul.f32 v11, v37;
	[tilespmem:s3+$0x2010] =	vst v9;
	v9 =	vld [tilespmem:s3+$0x2080]  }
0x20f: {  	v12 =	vmul.f32 v12, v38;
	[tilespmem:s3+$0x2020] =	vst v10;
	v10 =	vld [tilespmem:s3+$0x2090]  }
0x210: {  	v13 =	vmul.f32 v13, v63;
	[tilespmem:s3+$0x2030] =	vst v11;
	v11 =	vld [tilespmem:s3+$0x20A0]  }
0x211: {  	v14 =	vmul.f32 v14, v39;
	[tilespmem:s3+$0x2040] =	vst v12;
	v12 =	vld [tilespmem:s3+$0x20B0]  }
0x212: {  	[tilespmem:s3+$0x2050] =	vst v13;
	v13 =	vld [tilespmem:s3+$0x20C0];
	v8 =	vmul.f32 v15, v8  }
0x213: {  	[tilespmem:s3+$0x2060] =	vst v14;
	v14 =	vld [tilespmem:s3+$0x20D0];
	v9 =	vmul.f32 v16, v9  }
0x214: {  	v10 =	vmul.f32 v17, v10;
	[tilespmem:s3+$0x2070] =	vst v8;
	v8 =	vld [tilespmem:s3+$0x20E0]  }
0x215: {  	v11 =	vmul.f32 v18, v11;
	[tilespmem:s3+$0x2080] =	vst v9;
	v9 =	vld [tilespmem:s3+$0x20F0]  }
0x216: {  	v12 =	vmul.f32 v19, v12;
	[tilespmem:s3+$0x2090] =	vst v10;
	v10 =	vld [tilespmem:s3+$0x2100]  }
0x217: {  	v13 =	vmul.f32 v20, v13;
	[tilespmem:s3+$0x20A0] =	vst v11;
	v11 =	vld [tilespmem:s3+$0x2110]  }
0x218: {  	v14 =	vmul.f32 v21, v14;
	[tilespmem:s3+$0x20B0] =	vst v12;
	v12 =	vld [tilespmem:s3+$0x2120]  }
0x219: {  	[tilespmem:s3+$0x20C0] =	vst v13;
	v13 =	vld [tilespmem:s3+$0x2130];
	v8 =	vmul.f32 v22, v8  }
0x21a: {  	[tilespmem:s3+$0x20D0] =	vst v14;
	v14 =	vld [tilespmem:s3+$0x2140]  }
0x21b: {  	v9 =	vmul.f32 v23, v9;
	[tilespmem:s3+$0x20E0] =	vst v8;
	v8 =	vld [tilespmem:s3+$0x2150]  }
0x21c: {  	v2 =	vld [tilespmem:s3+$0x71F0];
	v10 =	vmul.f32 v24, v10  }
0x21d: {  	[tilespmem:s3+$0x20F0] =	vst v9;
	v9 =	vmul.f32 v25, v11;
	v11 =	vld [tilespmem:s3+$0x2170]  }
0x21e: {  	v15 =	vld [tilespmem:s3+$0x2160];
	[tilespmem:s3+$0x2100] =	vst v10;
	v10 =	vmul.f32 v26, v12  }
0x21f: {  	v12 =	vld [tilespmem:s3+$0x2180];
	[tilespmem:s3+$0x2110] =	vst v9;
	v9 =	vmul.f32 v27, v13  }
0x220: {  	[tilespmem:s3+$0x2120] =	vst v10;
	v13 =	vld [tilespmem:s3+$0x2190];
	v10 =	vmul.f32 v28, v14;
	v14 =	vmul.f32 v29, v8  }
0x221: {  	[tilespmem:s3+$0x2130] =	vst v9;
	v9 =	vld [tilespmem:s3+$0x21A0]  }
0x222: {  	v8 =	vld [tilespmem:s3+$0x21B0];
	[tilespmem:s3+$0x2150] =	vst v14;
	v14 =	vmul.f32 v31, v11  }
0x223: {  	v15 =	vmul.f32 v30, v15;
	[tilespmem:s3+$0x2140] =	vst v10;
	v10 =	vld [tilespmem:s3+$0x21C0]  }
0x224: {  	v11 =	vld [tilespmem:s3+$0x21D0];
	[tilespmem:s3+$0x2170] =	vst v14;
	v14 =	vmul.f32 v32, v12  }
0x225: {  	s2 =	simm.s32 $0x800;
	[tilespmem:s3+$0x2160] =	vst v15;
	v13 =	vmul.f32 v33, v13;
	v12 =	vld [tilespmem:s3+$0x21E0]  }
.LBB2_11:
0x226: {  	s11 =	sshra.s32 s2, $0x2;
	p2 =	sne.s32 s2, $0x9800;
	[tilespmem:s3+$0x2180] =	vst v14;
	v7 =	vmul.f32 v7, v9;
	v9 =	vld [tilespmem:s3+$0x21F0]  }
0x227: {  	v14 =	vld [tilespmem:s11+$0x7000];
	[tilespmem:s3+$0x2190] =	vst v13;
	v6 =	vmul.f32 v6, v8  }
0x228: {  	v8 =	vld [tilespmem:s11+$0x7010];
	[tilespmem:s3+$0x21A0] =	vst v7;
	v5 =	vmul.f32 v5, v10  }
0x229: {  	v10 =	vld [tilespmem:s11+$0x7020];
	[tilespmem:s3+$0x21B0] =	vst v6;
	v4 =	vmul.f32 v4, v11  }
0x22a: {  	v11 =	vld [tilespmem:s11+$0x7030];
	[tilespmem:s3+$0x21C0] =	vst v5;
	v3 =	vmul.f32 v3, v12  }
0x22b: {  	v12 =	vld [tilespmem:s11+$0x7040];
	[tilespmem:s3+$0x21D0] =	vst v4;
	v2 =	vmul.f32 v2, v9  }
0x22c: {  	v9 =	vld [tilespmem:s11+$0x7050];
	[tilespmem:s3+$0x21E0] =	vst v3  }
0x22d: {  	v13 =	vld [tilespmem:s11+$0x7060];
	[tilespmem:s3+$0x21F0] =	vst v2;
	s3 =	smov.u32 s11  }
0x22e: {  	v15 =	vld [tilespmem:s3+$0x7070]  }
0x22f: {  	v16 =	vld [tilespmem:s3+$0x7080]  }
0x230: {  	v17 =	vld [tilespmem:s3+$0x7090]  }
0x231: {  	v18 =	vld [tilespmem:s3+$0x70A0]  }
0x232: {  	v19 =	vld [tilespmem:s3+$0x70B0]  }
0x233: {  	v20 =	vld [tilespmem:s3+$0x70C0]  }
0x234: {  	v21 =	vld [tilespmem:s3+$0x70D0]  }
0x235: {  	v22 =	vld [tilespmem:s3+$0x70E0]  }
0x236: {  	v23 =	vld [tilespmem:s3+$0x70F0]  }
0x237: {  	v24 =	vld [tilespmem:s3+$0x7100]  }
0x238: {  	v25 =	vld [tilespmem:s3+$0x7110]  }
0x239: {  	v26 =	vld [tilespmem:s3+$0x7120]  }
0x23a: {  	v27 =	vld [tilespmem:s3+$0x7130]  }
0x23b: {  	v28 =	vld [tilespmem:s3+$0x7140]  }
0x23c: {  	v29 =	vld [tilespmem:s3+$0x7150]  }
0x23d: {  	v30 =	vld [tilespmem:s3+$0x7160]  }
0x23e: {  	v31 =	vld [tilespmem:s3+$0x7170]  }
0x23f: {  	v32 =	vld [tilespmem:s3+$0x7180]  }
0x240: {  	v33 =	vld [tilespmem:s3+$0x7190]  }
0x241: {  	v7 =	vld [tilespmem:s3+$0x71A0]  }
0x242: {  	v6 =	vld [tilespmem:s3+$0x71B0]  }
0x243: {  	v5 =	vld [tilespmem:s3+$0x71C0]  }
0x244: {  	v4 =	vld [tilespmem:s3+$0x71D0]  }
0x245: {  	v3 =	vld [tilespmem:s3+$0x71E0]  }
0x246: {  	v2 =	vld [tilespmem:s3+$0x71F0]  }
0x247: {  	v34 =	vld [tilespmem:s3+$0x2000]  }
0x248: {  	v35 =	vld [tilespmem:s3+$0x2010]  }
0x249: {  	v36 =	vld [tilespmem:s3+$0x2020]  }
0x24a: {  	v37 =	vld [tilespmem:s3+$0x2030]  }
0x24b: {  	v38 =	vld [tilespmem:s3+$0x2040]  }
0x24c: {  	v14 =	vmul.f32 v14, v34;
	v34 =	vld [tilespmem:s3+$0x2050]  }
0x24d: {  	v8 =	vmul.f32 v8, v35;
	v35 =	vld [tilespmem:s3+$0x2060]  }
0x24e: {  	[tilespmem:s3+$0x2000] =	vst v14;
	v10 =	vmul.f32 v10, v36;
	v14 =	vld [tilespmem:s3+$0x2070]  }
0x24f: {  	[tilespmem:s3+$0x2010] =	vst v8;
	v8 =	vmul.f32 v11, v37;
	v11 =	vld [tilespmem:s3+$0x2080]  }
0x250: {  	[tilespmem:s3+$0x2020] =	vst v10;
	v10 =	vmul.f32 v12, v38;
	v12 =	vld [tilespmem:s3+$0x2090]  }
0x251: {  	[tilespmem:s3+$0x2030] =	vst v8;
	v8 =	vmul.f32 v9, v34;
	v9 =	vld [tilespmem:s3+$0x20A0]  }
0x252: {  	[tilespmem:s3+$0x2040] =	vst v10;
	v10 =	vmul.f32 v13, v35;
	v13 =	vld [tilespmem:s3+$0x20B0]  }
0x253: {  	[tilespmem:s3+$0x2050] =	vst v8;
	v8 =	vmul.f32 v15, v14;
	v14 =	vld [tilespmem:s3+$0x20C0]  }
0x254: {  	[tilespmem:s3+$0x2060] =	vst v10;
	v10 =	vmul.f32 v16, v11;
	v11 =	vld [tilespmem:s3+$0x20D0]  }
0x255: {  	[tilespmem:s3+$0x2070] =	vst v8;
	v8 =	vmul.f32 v17, v12;
	v12 =	vld [tilespmem:s3+$0x20E0]  }
0x256: {  	[tilespmem:s3+$0x2080] =	vst v10;
	v9 =	vmul.f32 v18, v9;
	v10 =	vld [tilespmem:s3+$0x20F0]  }
0x257: {  	[tilespmem:s3+$0x2090] =	vst v8;
	v8 =	vmul.f32 v19, v13;
	v13 =	vld [tilespmem:s3+$0x2100]  }
0x258: {  	[tilespmem:s3+$0x20A0] =	vst v9;
	v9 =	vmul.f32 v20, v14;
	v14 =	vld [tilespmem:s3+$0x2110]  }
0x259: {  	[tilespmem:s3+$0x20B0] =	vst v8;
	v8 =	vmul.f32 v21, v11;
	v11 =	vld [tilespmem:s3+$0x2120]  }
0x25a: {  	[tilespmem:s3+$0x20C0] =	vst v9;
	v9 =	vmul.f32 v22, v12;
	v12 =	vld [tilespmem:s3+$0x2130]  }
0x25b: {  	[tilespmem:s3+$0x20D0] =	vst v8;
	v8 =	vmul.f32 v23, v10;
	v10 =	vld [tilespmem:s3+$0x2140]  }
0x25c: {  	[tilespmem:s3+$0x20E0] =	vst v9;
	v9 =	vmul.f32 v24, v13;
	v13 =	vld [tilespmem:s3+$0x2150]  }
0x25d: {  	[tilespmem:s3+$0x20F0] =	vst v8;
	v8 =	vmul.f32 v25, v14;
	v14 =	vld [tilespmem:s3+$0x2160]  }
0x25e: {  	[tilespmem:s3+$0x2100] =	vst v9;
	v9 =	vmul.f32 v26, v11;
	v11 =	vld [tilespmem:s3+$0x2170]  }
0x25f: {  	[tilespmem:s3+$0x2110] =	vst v8;
	v8 =	vmul.f32 v27, v12;
	v12 =	vld [tilespmem:s3+$0x2180]  }
0x260: {  	[tilespmem:s3+$0x2120] =	vst v9;
	v10 =	vmul.f32 v28, v10;
	v15 =	vld [tilespmem:s3+$0x2190]  }
.Ltmp4:
0x261: {  	[tilespmem:s3+$0x2130] =	vst v8;
	v13 =	vmul.f32 v29, v13;
	v9 =	vld [tilespmem:s3+$0x21A0];
	(pc) =	sbr.rel @p2 .LBB2_11-.Ltmp4, $4  }
0x262: {  	[tilespmem:s3+$0x2140] =	vst v10;
	v14 =	vmul.f32 v30, v14;
	v8 =	vld [tilespmem:s3+$0x21B0]  }
0x263: {  	[tilespmem:s3+$0x2150] =	vst v13;
	v13 =	vmul.f32 v31, v11;
	v10 =	vld [tilespmem:s3+$0x21C0]  }
0x264: {  	[tilespmem:s3+$0x2160] =	vst v14;
	v14 =	vmul.f32 v32, v12;
	v11 =	vld [tilespmem:s3+$0x21D0]  }
0x265: {  	s2 =	sadd.s32 $0x800, s2;
	[tilespmem:s3+$0x2170] =	vst v13;
	v13 =	vmul.f32 v33, v15;
	v12 =	vld [tilespmem:s3+$0x21E0]  }
0x266: {  	[tilespmem:s3+$0x2180] =	vst v14;
	v7 =	vmul.f32 v7, v9;
	v63 =	vld [tilespmem:s3+$0x21F0]  }
0x267: {  	[tilespmem:s3+$0x2190] =	vst v13;
	v6 =	vmul.f32 v6, v8  }
0x268: {  	[tilespmem:s3+$0x21A0] =	vst v7;
	v5 =	vmul.f32 v5, v10  }
0x269: {  	[tilespmem:s3+$0x21B0] =	vst v6;
	v4 =	vmul.f32 v4, v11  }
0x26a: {  	[tilespmem:s3+$0x21C0] =	vst v5;
	v3 =	vmul.f32 v3, v12  }
0x26b: {  	[tilespmem:s3+$0x21D0] =	vst v4;
	v2 =	vmul.f32 v2, v63  }
0x26c: {  	[tilespmem:s3+$0x21E0] =	vst v3  }
0x26d: {  	[tilespmem:s3+$0x21F0] =	vst v2  }
0x26e: {  	[spmem:s12] =	stream.indirect.scatter.add.f32 [tilespmem:s4], [sflag:$0x5], $0x80, s22, s9, $0xb8;
	[tilespmem:$0x1FEB8] =	vst v63  }
0x26f: {  	_ = 	snop  }
0x270: {  	[spmem:s16] =	stream.indirect.scatter.add.f32 [tilespmem:s6], [sflag:$0x7], $0x1, s22, s9, $0xb8;
	[tilespmem:$0x1FEB8] =	vst v63  }
0x271: {  	_ =	swait.ge [sflag:s5], $0x50  }
0x272: {  	[sflag:s5] =	ssyncset.done $0x0  }
0x273: {  	s26 =	sadd.s32 $0x1, s26;
	[sflag:s5] =	ssyncadd.s32 $0xFFFFFFB0  }
0x274: {  	p2 =	sne.s32 s26, $0x5;
	_ =	swait.ge [sflag:s21], $0x2800  }
.Ltmp5:
0x275: {  	[sflag:s21] =	ssyncset.done $0x0;
	(pc) =	sbr.rel @p2 .LBB2_4-.Ltmp5, $4  }
0x276: {  	[sflag:s21] =	ssyncadd.s32 $0xFFFFD800  }
0x277: {  	_ =	swait.ge [sflag:s23], $0x2800  }
0x278: {  	[sflag:s23] =	ssyncset.done $0x0  }
0x279: {  	[sflag:s23] =	ssyncadd.s32 $0xFFFFD800  }
0x27a: {  	[bflag:$0x0] =	sbarrier.arrive $0xFFFF  }
0x27b: {  	s24 =	rddreg [dreg:$0x11]  }
0x27c: {  	[tilespmem:s4], [sflag:$0x7] =	stream.linear.gather [spmem:s24], $0x2800, $0x38;
	[tilespmem:$0x1FEB8] =	vst v63  }
0x27d: {  	_ =	swait.ge [sflag:s5], $0x2800  }
0x27e: {  	[sflag:s5] =	ssyncset.done $0x0  }
0x27f: {  	s2 =	simm.s32 $0x0;
	s3 =	rddreg [dreg:$0x8];
	[sflag:s5] =	ssyncadd.s32 $0xFFFFD800  }
0x280: {  	[hbm4b:s3+s2] =	stream.linear.scatter [tilespmem:s4], [sflag:$0x7], $0x2800, $0x38;
	[tilespmem:$0x1FEB8] =	vst v63  }
0x281: {  	_ =	swait.ge [sflag:s5], $0x2800  }
0x282: {  	[sflag:s5] =	ssyncset.done $0x0  }
0x283: {  	s25 =	rddreg [dreg:$0x12];
	[sflag:s5] =	ssyncadd.s32 $0xFFFFD800  }
0x284: {  	[tilespmem:s4], [sflag:$0x7] =	stream.linear.gather [spmem:s25], $0x2800, $0x38;
	[tilespmem:$0x1FEB8] =	vst v63  }
0x285: {  	_ =	swait.ge [sflag:s5], $0x2800  }
0x286: {  	[sflag:s5] =	ssyncset.done $0x0  }
0x287: {  	s7 =	rddreg [dreg:$0x9];
	[sflag:s5] =	ssyncadd.s32 $0xFFFFD800  }
0x288: {  	[hbm4b:s7+s2] =	stream.linear.scatter [tilespmem:s4], [sflag:$0x7], $0x2800, $0x38;
	[tilespmem:$0x1FEB8] =	vst v63  }
0x289: {  	_ =	swait.ge [sflag:s5], $0x2800  }
0x28a: {  	[sflag:s5] =	ssyncset.done $0x0  }
0x28b: {  	s26 =	rddreg [dreg:$0x13];
	[sflag:s5] =	ssyncadd.s32 $0xFFFFD800  }
0x28c: {  	[tilespmem:s4], [sflag:$0x7] =	stream.linear.gather [spmem:s26], $0x2800, $0x38;
	[tilespmem:$0x1FEB8] =	vst v63  }
0x28d: {  	_ =	swait.ge [sflag:s5], $0x2800  }
0x28e: {  	[sflag:s5] =	ssyncset.done $0x0  }
0x28f: {  	s11 =	rddreg [dreg:$0xa];
	[sflag:s5] =	ssyncadd.s32 $0xFFFFD800  }
0x290: {  	[hbm4b:s11+s2] =	stream.linear.scatter [tilespmem:s4], [sflag:$0x7], $0x2800, $0x38;
	[tilespmem:$0x1FEB8] =	vst v63  }
0x291: {  	_ =	swait.ge [sflag:s5], $0x2800  }
0x292: {  	[sflag:s5] =	ssyncset.done $0x0  }
0x293: {  	s28 =	rddreg [dreg:$0x14];
	[sflag:s5] =	ssyncadd.s32 $0xFFFFD800  }
0x294: {  	[tilespmem:s4], [sflag:$0x7] =	stream.linear.gather [spmem:s28], $0x2800, $0x38;
	[tilespmem:$0x1FEB8] =	vst v63  }
0x295: {  	_ =	swait.ge [sflag:s5], $0x2800  }
0x296: {  	[sflag:s5] =	ssyncset.done $0x0  }
0x297: {  	s7 =	rddreg [dreg:$0xb];
	[sflag:s5] =	ssyncadd.s32 $0xFFFFD800  }
0x298: {  	[hbm4b:s7+s2] =	stream.linear.scatter [tilespmem:s4], [sflag:$0x7], $0x2800, $0x38;
	[tilespmem:$0x1FEB8] =	vst v63  }
0x299: {  	_ =	swait.ge [sflag:s5], $0x2800  }
0x29a: {  	[sflag:s5] =	ssyncset.done $0x0  }
0x29b: {  	s11 =	rddreg [dreg:$0x15];
	[sflag:s5] =	ssyncadd.s32 $0xFFFFD800  }
0x29c: {  	[tilespmem:s4], [sflag:$0x7] =	stream.linear.gather [spmem:s11], $0x2800, $0x38;
	[tilespmem:$0x1FEB8] =	vst v63  }
0x29d: {  	_ =	swait.ge [sflag:s5], $0x2800  }
0x29e: {  	[sflag:s5] =	ssyncset.done $0x0  }
0x29f: {  	s7 =	rddreg [dreg:$0xc];
	[sflag:s5] =	ssyncadd.s32 $0xFFFFD800  }
0x2a0: {  	[hbm4b:s7+s2] =	stream.linear.scatter [tilespmem:s4], [sflag:$0x7], $0x2800, $0x38;
	[tilespmem:$0x1FEB8] =	vst v63  }
0x2a1: {  	_ =	swait.ge [sflag:s5], $0x2800  }
0x2a2: {  	[sflag:s5] =	ssyncset.done $0x0  }
0x2a3: {  	s11 =	rddreg [dreg:$0x16];
	[sflag:s5] =	ssyncadd.s32 $0xFFFFD800  }
0x2a4: {  	[tilespmem:s4], [sflag:$0x7] =	stream.linear.gather [spmem:s11], $0x2800, $0x38;
	[tilespmem:$0x1FEB8] =	vst v63  }
0x2a5: {  	_ =	swait.ge [sflag:s5], $0x2800  }
0x2a6: {  	[sflag:s5] =	ssyncset.done $0x0  }
0x2a7: {  	s7 =	rddreg [dreg:$0xd];
	[sflag:s5] =	ssyncadd.s32 $0xFFFFD800  }
0x2a8: {  	[hbm4b:s7+s2] =	stream.linear.scatter [tilespmem:s4], [sflag:$0x7], $0x2800, $0x38;
	[tilespmem:$0x1FEB8] =	vst v63  }
0x2a9: {  	_ =	swait.ge [sflag:s5], $0x2800  }
0x2aa: {  	[sflag:s5] =	ssyncset.done $0x0  }
0x2ab: {  	s11 =	rddreg [dreg:$0x17];
	[sflag:s5] =	ssyncadd.s32 $0xFFFFD800  }
0x2ac: {  	[tilespmem:s4], [sflag:$0x7] =	stream.linear.gather [spmem:s11], $0x2800, $0x38;
	[tilespmem:$0x1FEB8] =	vst v63  }
0x2ad: {  	_ =	swait.ge [sflag:s5], $0x2800  }
0x2ae: {  	[sflag:s5] =	ssyncset.done $0x0  }
0x2af: {  	s7 =	rddreg [dreg:$0xe];
	[sflag:s5] =	ssyncadd.s32 $0xFFFFD800  }
0x2b0: {  	[hbm4b:s7+s2] =	stream.linear.scatter [tilespmem:s4], [sflag:$0x7], $0x2800, $0x38;
	[tilespmem:$0x1FEB8] =	vst v63  }
0x2b1: {  	_ =	swait.ge [sflag:s5], $0x2800  }
0x2b2: {  	[sflag:s5] =	ssyncset.done $0x0  }
0x2b3: {  	s11 =	rddreg [dreg:$0x18];
	[sflag:s5] =	ssyncadd.s32 $0xFFFFD800  }
0x2b4: {  	[tilespmem:s4], [sflag:$0x7] =	stream.linear.gather [spmem:s11], $0x2000, $0x38;
	[tilespmem:$0x1FEB8] =	vst v63  }
0x2b5: {  	_ =	swait.ge [sflag:s5], $0x2000  }
0x2b6: {  	[sflag:s5] =	ssyncset.done $0x0  }
0x2b7: {  	s7 =	rddreg [dreg:$0xf];
	[sflag:s5] =	ssyncadd.s32 $0xFFFFE000  }
0x2b8: {  	[hbm4b:s7+s2] =	stream.linear.scatter [tilespmem:s4], [sflag:$0x7], $0x2000, $0x38;
	[tilespmem:$0x1FEB8] =	vst v63  }
0x2b9: {  	_ =	swait.ge [sflag:s5], $0x2000  }
0x2ba: {  	[sflag:s5] =	ssyncset.done $0x0  }
0x2bb: {  	s7 =	simm.s32 $0xC080;
	s11 =	rddreg [dreg:$0x19];
	[sflag:s5] =	ssyncadd.s32 $0xFFFFE000  }
0x2bc: {  	[tilespmem:s7], [sflag:$0x7] =	stream.linear.gather [spmem:s11], $0x270, $0x38;
	[tilespmem:$0x1FEB8] =	vst v63  }
0x2bd: {  	_ =	swait.ge [sflag:s5], $0x270  }
0x2be: {  	[sflag:s5] =	ssyncset.done $0x0  }
0x2bf: {  	s11 =	rddreg [dreg:$0x10];
	[sflag:s5] =	ssyncadd.s32 $0xFFFFFD90  }
0x2c0: {  	[hbm4b:s11+s2] =	stream.linear.scatter [tilespmem:s7], [sflag:$0x7], $0x270, $0x38;
	[tilespmem:$0x1FEB8] =	vst v63  }
0x2c1: {  	_ =	swait.ge [sflag:s5], $0x270  }
0x2c2: {  	[sflag:s5] =	ssyncset.done $0x0  }
0x2c3: {  	s2 =	simm.s32 @!p1 $0x2000;
	s3 =	rddreg [dreg:$0x1d];
	[sflag:s5] =	ssyncadd.s32 $0xFFFFFD90  }
0x2c4: {  	[tilespmem:s2], [sflag:$0x7] =	stream.linear.gather @!p1 [spmem:s3], $0x800, $0x38;
	[tilespmem:$0x1FEB8] =	vst v63  }
0x2c5: {  	s3 =	simm.s32 @!p1 $0x7  }
0x2c6: {  	s11 =	simm.s32 @!p1 $0x0;
	s7 =	smov.u32 s29;
	_ =	swait.ge @!p1 [sflag:s3], $0x800  }
0x2c7: {  	s29 =	smov.u32 s18;
	s18 =	smov.u32 s17;
	[sflag:s3] =	ssyncset.done @!p1 $0x0  }
0x2c8: {  	s17 =	smov.u32 s0;
	s0 =	rddreg [dreg:$0x1a];
	[sflag:s3] =	ssyncadd.s32 @!p1 $0xFFFFF800  }
0x2c9: {  	[hbm4b:s0+s11] =	stream.linear.scatter @!p1 [tilespmem:s2], [sflag:$0x7], $0x800, $0x38;
	[tilespmem:$0x1FEB8] =	vst v63  }
0x2ca: {  	s0 =	smov.u32 s17;
	s17 =	smov.u32 s18;
	_ =	swait.ge @!p1 [sflag:s3], $0x800  }
0x2cb: {  	s18 =	smov.u32 s29;
	s29 =	smov.u32 s7;
	[sflag:s3] =	ssyncset.done @!p1 $0x0  }
0x2cc: {  	s2 =	simm.s32 @!p1 $0xC080;
	s7 =	rddreg [dreg:$0x1e];
	[sflag:s3] =	ssyncadd.s32 @!p1 $0xFFFFF800  }
0x2cd: {  	[tilespmem:s2], [sflag:$0x7] =	stream.linear.gather @!p1 [spmem:s7], $0x10, $0x38;
	[tilespmem:$0x1FEB8] =	vst v63  }
0x2ce: {  	_ =	swait.ge @!p1 [sflag:s3], $0x10  }
0x2cf: {  	[sflag:s3] =	ssyncset.done @!p1 $0x0  }
0x2d0: {  	s7 =	rddreg [dreg:$0x1b];
	[sflag:s3] =	ssyncadd.s32 @!p1 $0xFFFFFFF0  }
0x2d1: {  	[hbm4b:s7+s11] =	stream.linear.scatter @!p1 [tilespmem:s2], [sflag:$0x7], $0x10, $0x38;
	[tilespmem:$0x1FEB8] =	vst v63  }
0x2d2: {  	_ =	swait.ge @!p1 [sflag:s3], $0x10  }
0x2d3: {  	s2 =	rddreg [dreg:$0x1f]  }
0x2d4: {  	s11 =	rddreg [dreg:$0x1c];
	s7 =	sadd.s32 $0x1, s2  }
0x2d5: {  	p2 =	sne.s32 s7, s11  }
.Ltmp6:
0x2d6: {  	_ = 	snop;
	(pc) =	sbr.rel @p2 .LBB2_1-.Ltmp6, $3  }
0x2d7: {  	_ =	sdelay $0x1  }
0x2d8: {  	[sflag:s3] =	ssyncset.done @!p1 $0x0  }
0x2d9: {  	[sflag:s3] =	ssyncadd.s32 @!p1 $0xFFFFFFF0  }
0x2da: {  	_ =	sfence.sel $0x180000  }
0x2db: {  	[bflag:$0x0] =	sbarrier.arrive $0xFFFF  }
0x2dc: {  	_ =	strace $0x90000047  }
0x2dd: {  	[bflag:$0x2] =	sbarrier.arrive $0xFFFF  }
0x2de: {  	s0 =	rddreg [dreg:$0x7]  }
0x2df: {  	s0 =	sadd.s32 @!p0 $0x100000, s0  }
0x2e0: {  	[sflag:s0] =	ssyncadd.tile.s32 @!p0 $0x1;
	_ =	shalt  }
.Lfunc_end2:
_tile_overlayer_lowered:
.L_overlay_start_2:
0x2e1: {  	(tag) =	ssettag $0x2  }
0x2e2: {  	s0 =	rddreg [dreg:$0x0];
	s2 =	stileid.u32  }
0x2e3: {  	s1 =	rddreg [dreg:$0x1];
	p0 =	sne.s32 s2, $0x0  }
0x2e4: {  	s3 =	rddreg [dreg:$0x2];
	[bflag:$0x3] =	sbarrier.arrive $0xFFFF;
	s2 =	simm.s32 @!p0 $0x1C07  }
0x2e5: {  	[timem:s3], [sflag:s2] =	dma.local @!p0 [hbm:s0], s1  }
0x2e6: {  	s0 =	simm.s32 @!p0 $0x7  }
0x2e7: {  	_ =	swait.ge @!p0 [sflag:s0], s1  }
0x2e8: {  	s1 =	ssub.s32 @!p0 $0x0, s1;
	[sflag:s0] =	ssyncset.done @!p0 $0x0  }
0x2e9: {  	[sflag:s0] =	ssyncadd.s32 @!p0 s1  }
0x2ea: {  	[bflag:$0x3] =	sbarrier.arrive $0xFFFF  }
0x2eb: {  	_ =	shalt  }

</sc_bundles>
